<compile_context>
chip_gen: v7x
topology: tpu7x:2x2x1
jax: 0.10.2.dev20260603
libtpu: 0.0.44.dev20260713+nightly
codegen_flags: <defaults>
</compile_context>

<pallas_src>
import jax
import jax.numpy as jnp
from jax import lax
from jax.experimental import pallas as pl
from jax.experimental.pallas import tpu as pltpu
from jax.experimental.pallas import tpu_sc as plsc

N = 10000
E = 320000
C_IN = 128
C_EDGE = 17
H = 4
C_KQ = 64
C_V = 64
C_OUT = 128
R_HID = 32

NC = 2
NS = 16
NW = NC * NS
LP = 16
CHUNK = 80
E_PER_TILE = E // NW
N_CHUNKS = E_PER_TILE // CHUNK
N_PER_TILE = N // NS
ACC_W = 80
CLIP = 60.0
CKV = C_V + C_KQ



def _node_pre_body(x0_ref, wkv_ref, wq_ref, wnx_ref,
                   kv_ref, qs_ref, x0wn_ref):
    x = x0_ref[...]
    kv_ref[...] = jnp.dot(x, wkv_ref[...], preferred_element_type=jnp.float32)
    qs_ref[...] = jnp.dot(x, wq_ref[...], preferred_element_type=jnp.float32) * 0.125
    x0wn_ref[...] = jnp.dot(x, wnx_ref[...], preferred_element_type=jnp.float32)


def _edge_pre_body(eft_ref, wr1_ref, br1_ref, wr2_ref, wee_ref,
                   rad_ref, ebaset_ref):
    eft = eft_ref[...]
    h = jnp.maximum(
        lax.dot_general(eft, wr1_ref[...], (((0,), (0,)), ((), ())),
                        preferred_element_type=jnp.float32)
        + br1_ref[...], 0.0)
    rad_ref[...] = jnp.dot(h, wr2_ref[...], preferred_element_type=jnp.float32)
    ebaset_ref[...] = lax.dot_general(
        wee_ref[...], eft, (((0,), (0,)), ((), ())),
        preferred_element_type=jnp.float32)


def _edge_out_body(ebaset_ref, lg_ref, wel_ref, eoutt_ref):
    lg = lg_ref[...][:, :H]
    eoutt_ref[...] = ebaset_ref[...] + lax.dot_general(
        wel_ref[...], lg, (((0,), (1,)), ((), ())),
        preferred_element_type=jnp.float32)


def _node_out_body(u2_ref, x0wn_ref, wnz_ref, nout_ref):
    u = u2_ref[0] + u2_ref[1]
    w = u[:, :C_V]
    s4 = u[:, C_V:C_V + H]
    hh = lax.broadcasted_iota(jnp.int32, (H, C_V), 0)
    ll = lax.broadcasted_iota(jnp.int32, (H, C_V), 1) // (C_V // H)
    rep = (hh == ll).astype(jnp.float32)
    srep = jnp.dot(s4, rep, preferred_element_type=jnp.float32)
    z = w / jnp.maximum(srep, 1e-30)
    nout_ref[...] = jnp.dot(z, wnz_ref[...], preferred_element_type=jnp.float32) \
        + x0wn_ref[...]



def _sc_fused_body(src_hbm, dst_hbm, kv_hbm, qs_hbm, rad_hbm,
                   lg_hbm, u_hbm,
                   idxs0, idxs1, idxs2, idxs3, idxd0, idxd1, idxd2, idxd3,
                   kv0, kv1, q0, q1, rd0, rd1, lg0, lg1, w0, w1, acc_sh,
                   si0, si1, si2, si3, sg0, sg1, so0, so1, ss0, ss1):
    cid = lax.axis_index("c")
    sid = lax.axis_index("s")
    wid = sid * NC + cid
    tile_base = wid * E_PER_TILE

    idxs = [idxs0, idxs1, idxs2, idxs3]
    idxd = [idxd0, idxd1, idxd2, idxd3]
    kv = [kv0, kv1]
    q = [q0, q1]
    rd = [rd0, rd1]
    lg = [lg0, lg1]
    w = [w0, w1]
    si = [si0, si1, si2, si3]
    sg = [sg0, sg1]
    so = [so0, so1]
    ss = [ss0, ss1]

    lane = lax.iota(jnp.int32, LP)
    bidx = [jnp.full((LP,), h, jnp.int32) for h in range(H)]
    zed = jnp.zeros((LP,), jnp.float32)

    def zb(i, c):
        w0[i // (ACC_W // LP), pl.ds((i % (ACC_W // LP)) * LP, LP)] = zed
        return c

    lax.fori_loop(0, CHUNK * ACC_W // LP, zb, 0)
    nfull = N_PER_TILE // CHUNK
    for k in range(nfull):
        pltpu.sync_copy(
            w0, acc_sh.at[pl.ds(sid * N_PER_TILE + k * CHUNK, CHUNK), :])
    rem = N_PER_TILE - nfull * CHUNK
    if rem:
        pltpu.sync_copy(
            w0.at[pl.ds(0, rem), :],
            acc_sh.at[pl.ds(sid * N_PER_TILE + nfull * CHUNK, rem), :])
    plsc.subcore_barrier()

    def l1(j, p):
        base = tile_base + j * CHUNK
        pltpu.async_copy(src_hbm.at[pl.ds(base, CHUNK)], idxs[p], si[p])
        pltpu.async_copy(dst_hbm.at[pl.ds(base, CHUNK)], idxd[p], si[p])

    def wait_l1(p):
        pltpu.make_async_copy(src_hbm.at[pl.ds(0, CHUNK)], idxs[p], si[p]).wait()
        pltpu.make_async_copy(dst_hbm.at[pl.ds(0, CHUNK)], idxd[p], si[p]).wait()

    def l2(j, b, p):
        base = tile_base + j * CHUNK
        pltpu.async_copy(rad_hbm.at[pl.ds(base * CKV, CHUNK * CKV)], rd[b], sg[b])
        pltpu.async_copy(kv_hbm.at[idxs[p]], kv[b], sg[b])
        pltpu.async_copy(qs_hbm.at[idxd[p]], q[b], sg[b])

    def wait_l2(b, p):
        pltpu.make_async_copy(rad_hbm.at[pl.ds(0, CHUNK * CKV)], rd[b], sg[b]).wait()
        pltpu.make_async_copy(kv_hbm.at[idxs[p]], kv[b], sg[b]).wait()
        pltpu.make_async_copy(qs_hbm.at[idxd[p]], q[b], sg[b]).wait()

    def out(j, b):
        base = tile_base + j * CHUNK
        pltpu.async_copy(lg[b], lg_hbm.at[pl.ds(base, CHUNK), :], so[b])

    def wait_out(b):
        pltpu.make_async_copy(lg[b], lg_hbm.at[pl.ds(0, CHUNK), :], so[b]).wait()

    def scat(j, b, p):
        pltpu.async_copy(w[b], acc_sh.at[idxd[p]], ss[b], add=True)

    def wait_scat(b, p):
        pltpu.make_async_copy(w[b], acc_sh.at[idxd[p]], ss[b]).wait()

    def compute(j, b):
        kvb, rdb, qb, lgb, wb = kv[b], rd[b], q[b], lg[b], w[b]

        def one_edge(e):
            srow = jnp.zeros((LP,), jnp.float32)
            for h in range(H):
                a = kvb[e, pl.ds(C_V + h * LP, LP)]
                r = rdb[pl.ds(e * CKV + C_V + h * LP, LP)]
                c = qb[e, pl.ds(h * LP, LP)]
                s = jnp.sum(a * r * c)
                srow = jnp.where(lane == h, s, srow)
            lgb[e, :] = srow
            ex = jnp.exp(jnp.minimum(jnp.maximum(srow, -CLIP), CLIP))
            ex = jnp.where(lane < H, ex, 0.0)
            wb[e, pl.ds(C_V, LP)] = ex
            for h in range(H):
                ex_b = ex.at[bidx[h]].get(mode="promise_in_bounds")
                xvv = kvb[e, pl.ds(h * LP, LP)]
                rvv = rdb[pl.ds(e * CKV + h * LP, LP)]
                wb[e, pl.ds(h * LP, LP)] = xvv * rvv * ex_b

        def edge_body(e2, c2):
            one_edge(2 * e2)
            one_edge(2 * e2 + 1)
            return c2

        lax.fori_loop(0, CHUNK // 2, edge_body, 0)

    l1(0, 0)
    l1(1, 1)
    wait_l1(0)
    l2(0, 0, 0)

    def quad(t, carry):
        for b4 in range(4):
            j = 4 * t + b4
            b = b4 % 2
            p = b4
            pn = (b4 + 1) % 4
            p2 = (b4 + 2) % 4
            wait_l1(pn)
            l2(j + 1, b ^ 1, pn)
            wait_l2(b, p)

            @pl.when(j >= 2)
            def _():
                wait_scat(b, p2)
                wait_out(b)

            compute(j, b)
            scat(j, b, p)
            out(j, b)

            @pl.when(j + 2 < N_CHUNKS)
            def _():
                l1(j + 2, p2)
        return carry

    lax.fori_loop(0, (N_CHUNKS - 1) // 4, quad, 0)
    wait_l2(0, 0)
    wait_scat(0, 2)
    wait_out(0)
    compute(N_CHUNKS - 1, 0)
    scat(N_CHUNKS - 1, 0, 0)
    out(N_CHUNKS - 1, 0)
    wait_scat(1, 3)
    wait_scat(0, 0)
    wait_out(1)
    wait_out(0)
    plsc.subcore_barrier()
    pltpu.sync_copy(acc_sh.at[pl.ds(sid * N_PER_TILE, N_PER_TILE), :],
                    u_hbm.at[cid, pl.ds(sid * N_PER_TILE, N_PER_TILE), :])



def kernel(x0, edge_feat, edge_index, W_r1, b_r1, W_r2, W_kv, W_q, W_node,
           W_edge):
    f32 = jnp.float32
    x0_2d = x0[:, :, 0]
    ef_t = edge_feat[:, :, 0].T
    src = edge_index[0]
    dst = edge_index[1]
    b_r1_2d = b_r1[None, :]
    W_node_z = W_node[:C_V]
    W_node_x = W_node[C_V:]
    W_edge_e = W_edge[:C_EDGE]
    W_edge_l = W_edge[C_EDGE:]

    NB = 1000
    kvt, qs, x0wn = pl.pallas_call(
        _node_pre_body,
        grid=(N // NB,),
        in_specs=[
            pl.BlockSpec((NB, C_IN), lambda i: (i, 0)),
            pl.BlockSpec((C_IN, C_V + C_KQ), lambda i: (0, 0)),
            pl.BlockSpec((C_IN, C_KQ), lambda i: (0, 0)),
            pl.BlockSpec((C_IN, C_OUT), lambda i: (0, 0)),
        ],
        out_specs=[
            pl.BlockSpec((NB, C_V + C_KQ), lambda i: (i, 0)),
            pl.BlockSpec((NB, C_KQ), lambda i: (i, 0)),
            pl.BlockSpec((NB, C_OUT), lambda i: (i, 0)),
        ],
        out_shape=[
            jax.ShapeDtypeStruct((N, C_V + C_KQ), f32),
            jax.ShapeDtypeStruct((N, C_KQ), f32),
            jax.ShapeDtypeStruct((N, C_OUT), f32),
        ],
    )(x0_2d, W_kv, W_q, W_node_x)

    EB = 3200
    rad, ebase = pl.pallas_call(
        _edge_pre_body,
        grid=(E // EB,),
        in_specs=[
            pl.BlockSpec((C_EDGE, EB), lambda i: (0, i)),
            pl.BlockSpec((C_EDGE, R_HID), lambda i: (0, 0)),
            pl.BlockSpec((1, R_HID), lambda i: (0, 0)),
            pl.BlockSpec((R_HID, C_V + C_KQ), lambda i: (0, 0)),
            pl.BlockSpec((C_EDGE, C_EDGE), lambda i: (0, 0)),
        ],
        out_specs=[
            pl.BlockSpec((EB, C_V + C_KQ), lambda i: (i, 0)),
            pl.BlockSpec((C_EDGE, EB), lambda i: (0, i)),
        ],
        out_shape=[
            jax.ShapeDtypeStruct((E, C_V + C_KQ), f32),
            jax.ShapeDtypeStruct((C_EDGE, E), f32),
        ],
    )(ef_t, W_r1, b_r1_2d, W_r2, W_edge_e)

    mesh = plsc.VectorSubcoreMesh(core_axis_name="c", subcore_axis_name="s")

    rad_flat = rad.reshape(E * CKV)
    sc_f = pl.kernel(
        _sc_fused_body,
        out_type=(
            jax.ShapeDtypeStruct((E, LP), f32),
            jax.ShapeDtypeStruct((NC, N, ACC_W), f32),
        ),
        mesh=mesh,
        scratch_types=(
            [pltpu.VMEM((CHUNK,), jnp.int32)] * 8
            + [pltpu.VMEM((CHUNK, C_V + C_KQ), f32)] * 2
            + [pltpu.VMEM((CHUNK, C_KQ), f32)] * 2
            + [pltpu.VMEM((CHUNK * CKV,), f32)] * 2
            + [pltpu.VMEM((CHUNK, LP), f32)] * 2
            + [pltpu.VMEM((CHUNK, ACC_W), f32)] * 2
            + [pltpu.VMEM_SHARED((N, ACC_W), f32)]
            + [pltpu.SemaphoreType.DMA] * 10
        ),
        compiler_params=pltpu.CompilerParams(needs_layout_passes=False, use_tc_tiling_on_sc=False),
    )
    logits16, u2 = sc_f(src, dst, kvt, qs, rad_flat)

    node_out = pl.pallas_call(
        _node_out_body,
        grid=(N // NB,),
        in_specs=[
            pl.BlockSpec((NC, NB, ACC_W), lambda i: (0, i, 0)),
            pl.BlockSpec((NB, C_OUT), lambda i: (i, 0)),
            pl.BlockSpec((C_V, C_OUT), lambda i: (0, 0)),
        ],
        out_specs=pl.BlockSpec((NB, C_OUT), lambda i: (i, 0)),
        out_shape=jax.ShapeDtypeStruct((N, C_OUT), f32),
    )(u2, x0wn, W_node_z)

    edge_out_t = pl.pallas_call(
        _edge_out_body,
        grid=(E // EB,),
        in_specs=[
            pl.BlockSpec((C_EDGE, EB), lambda i: (0, i)),
            pl.BlockSpec((EB, LP), lambda i: (i, 0)),
            pl.BlockSpec((H, C_EDGE), lambda i: (0, 0)),
        ],
        out_specs=pl.BlockSpec((C_EDGE, EB), lambda i: (0, i)),
        out_shape=jax.ShapeDtypeStruct((C_EDGE, E), f32),
    )(ebase, logits16, W_edge_l)

    return (node_out[:, :, None], edge_out_t.T[:, :, None])

# --- scband reference (transcript-rebuilt; emitter-appended) ---
"""Pipeline reference for scband-attention-block-se3-67405216743684 (READ-ONLY COPY).

The authoritative reference and input builder live on the scoring server;
editing this copy changes nothing except your own understanding.
"""

import jax, jax.numpy as jnp
import numpy as np

N = 10000
E = 320000
C_IN = 128
C_EDGE = 17
H = 4
C_KQ = 64
C_V = 64
C_OUT = 128
R_HID = 32


def setup_inputs(seed: int = 0) -> dict:
    key = jax.random.key(seed)
    ks = jax.random.split(key, 10)
    x0 = jax.random.normal(ks[0], (N, C_IN, 1), dtype=jnp.float32)
    edge_feat = jax.random.normal(ks[1], (E, C_EDGE, 1), dtype=jnp.float32)
    edge_index = jax.random.randint(ks[2], (2, E), 0, N, dtype=jnp.int32)
    W_r1 = jax.random.normal(ks[3], (C_EDGE, R_HID), dtype=jnp.float32) / np.sqrt(C_EDGE)
    b_r1 = jnp.zeros((R_HID,), dtype=jnp.float32)
    W_r2 = jax.random.normal(ks[4], (R_HID, C_V + C_KQ), dtype=jnp.float32) / np.sqrt(R_HID)
    W_kv = jax.random.normal(ks[5], (C_IN, C_V + C_KQ), dtype=jnp.float32) / np.sqrt(C_IN)
    W_q = jax.random.normal(ks[6], (C_IN, C_KQ), dtype=jnp.float32) / np.sqrt(C_IN)
    W_node = jax.random.normal(ks[7], (C_V + C_IN, C_OUT), dtype=jnp.float32) / np.sqrt(C_V + C_IN)
    W_edge = jax.random.normal(ks[8], (C_EDGE + H, C_EDGE), dtype=jnp.float32) / np.sqrt(C_EDGE + H)
    return {"x0": x0, "edge_feat": edge_feat, "edge_index": edge_index,
            "W_r1": W_r1, "b_r1": b_r1, "W_r2": W_r2, "W_kv": W_kv,
            "W_q": W_q, "W_node": W_node, "W_edge": W_edge}


def reference(x0, edge_feat, edge_index, W_r1, b_r1, W_r2, W_kv, W_q, W_node, W_edge):
    src = edge_index[0]
    dst = edge_index[1]
    # --- to_key_value: ConvSE3 (degree-0 -> degree-0, pool=False): radial-modulated per-edge linear ---
    ef = edge_feat[..., 0]                                    # [E, 17]
    rad = jax.nn.relu(ef @ W_r1 + b_r1) @ W_r2                # [E, 128] radial weights
    x_src = x0[src]                                           # gather: [E, 128, 1]
    kv = jnp.einsum('eci,co->eoi', x_src, W_kv) * rad[:, :, None]   # [E, 128, 1]
    # _get_key_value_from_fused: torch.chunk(dim=-2) -> value first, key second
    value = kv[:, :C_V, :]                                    # [E, 64, 1]
    k = kv[:, C_V:, :]                                        # [E, 64, 1]
    # --- to_query: LinearSE3 ---
    q = jnp.einsum('nci,co->noi', x0, W_q)                    # [N, 64, 1]
    # --- AttentionSE3 ---
    key_h = k.reshape(E, H, -1)                               # [E, 4, 16]
    q_h = q.reshape(N, H, -1)                                 # [N, 4, 16]
    logits = jnp.sum(key_h * q_h[dst], axis=-1) / np.sqrt(C_KQ)    # e_dot_v: [E, 4]
    edge_prelogits = logits
    # edge_softmax over incoming edges of each dst node
    m = jax.ops.segment_max(logits, dst, num_segments=N)      # [N, 4]
    ex = jnp.exp(logits - m[dst])
    denom = jax.ops.segment_sum(ex, dst, num_segments=N)
    alpha = ex / denom[dst]                                   # [E, 4]
    v = value.reshape(E, H, C_V // H, 1)                      # [E, 4, 16, 1]
    weighted = alpha[:, :, None, None] * v
    feat_out = jax.ops.segment_sum(weighted, dst, num_segments=N)  # copy_e_sum: [N, 4, 16, 1]
    z = feat_out.reshape(N, C_V, 1)                           # [N, 64, 1]
    # --- skip connection + projections ---
    z_concat = jnp.concatenate([z, x0], axis=1)               # aggregate_residual 'cat': [N, 192, 1]
    node_out = jnp.einsum('nci,co->noi', z_concat, W_node)    # [N, 128, 1]
    edge_pre = jnp.concatenate([edge_feat, edge_prelogits[:, :, None]], axis=1)  # [E, 21, 1]
    edge_out = jnp.einsum('eci,co->eoi', edge_pre, W_edge)    # [E, 17, 1]
    return (node_out, edge_out)

if __name__ == "__main__":
    import jax
    _d = setup_inputs()
    print(jax.jit(kernel)(*tuple(_d.values())))

</pallas_src>

<mosaic_0001>
#map = affine_map<(d0, d1) -> (0)>
#map1 = affine_map<(d0, d1) -> (0, 0)>
#map2 = affine_map<(d0, d1) -> (0, 0, 0)>
module attributes {stable_mosaic.version = 14 : i64} {
  func.func @_sc_fused_body(%arg0: i32, %arg1: i32, %arg2: memref<320000xi32, #tpu.memory_space<hbm>>, %arg3: memref<320000xi32, #tpu.memory_space<hbm>>, %arg4: memref<10000x128xf32, #tpu.memory_space<hbm>>, %arg5: memref<10000x64xf32, #tpu.memory_space<hbm>>, %arg6: memref<40960000xf32, #tpu.memory_space<hbm>>, %arg7: memref<320000x16xf32, #tpu.memory_space<hbm>>, %arg8: memref<2x10000x80xf32, #tpu.memory_space<hbm>>, %arg9: memref<80xi32, #tpu.memory_space<vmem>>, %arg10: memref<80xi32, #tpu.memory_space<vmem>>, %arg11: memref<80xi32, #tpu.memory_space<vmem>>, %arg12: memref<80xi32, #tpu.memory_space<vmem>>, %arg13: memref<80xi32, #tpu.memory_space<vmem>>, %arg14: memref<80xi32, #tpu.memory_space<vmem>>, %arg15: memref<80xi32, #tpu.memory_space<vmem>>, %arg16: memref<80xi32, #tpu.memory_space<vmem>>, %arg17: memref<80x128xf32, #tpu.memory_space<vmem>>, %arg18: memref<80x128xf32, #tpu.memory_space<vmem>>, %arg19: memref<80x64xf32, #tpu.memory_space<vmem>>, %arg20: memref<80x64xf32, #tpu.memory_space<vmem>>, %arg21: memref<10240xf32, #tpu.memory_space<vmem>>, %arg22: memref<10240xf32, #tpu.memory_space<vmem>>, %arg23: memref<80x16xf32, #tpu.memory_space<vmem>>, %arg24: memref<80x16xf32, #tpu.memory_space<vmem>>, %arg25: memref<80x80xf32, #tpu.memory_space<vmem>>, %arg26: memref<80x80xf32, #tpu.memory_space<vmem>>, %arg27: memref<10000x80xf32, #tpu.memory_space<vmem_shared>>, %arg28: memref<!tpu.dma_semaphore, #tpu.memory_space<semaphore_mem>>, %arg29: memref<!tpu.dma_semaphore, #tpu.memory_space<semaphore_mem>>, %arg30: memref<!tpu.dma_semaphore, #tpu.memory_space<semaphore_mem>>, %arg31: memref<!tpu.dma_semaphore, #tpu.memory_space<semaphore_mem>>, %arg32: memref<!tpu.dma_semaphore, #tpu.memory_space<semaphore_mem>>, %arg33: memref<!tpu.dma_semaphore, #tpu.memory_space<semaphore_mem>>, %arg34: memref<!tpu.dma_semaphore, #tpu.memory_space<semaphore_mem>>, %arg35: memref<!tpu.dma_semaphore, #tpu.memory_space<semaphore_mem>>, %arg36: memref<!tpu.dma_semaphore, #tpu.memory_space<semaphore_mem>>, %arg37: memref<!tpu.dma_semaphore, #tpu.memory_space<semaphore_mem>>) attributes {dimension_semantics = [#tpu.dimension_semantics<core_parallel>, #tpu.dimension_semantics<subcore_parallel>], iteration_bounds = array<i64: 2, 16>, scalar_prefetch = 0 : i64, scratch_operands = 29 : i64, tpu.core_type = #tpu.core_type<sc_vector_subcore>, window_params = [{transform_indices = #map}, {transform_indices = #map}, {transform_indices = #map1}, {transform_indices = #map1}, {transform_indices = #map}, {transform_indices = #map1}, {transform_indices = #map2}]} {
    %mul3A = arith.constant 2 : i32
    %mul3A_0 = arith.muli %arg1, %mul3A : i32
    %add3A = arith.addi %mul3A_0, %arg0 : i32
    %mul3A_1 = arith.constant 10000 : i32
    %mul3A_2 = arith.muli %add3A, %mul3A_1 : i32
    %iota3A = tpu.iota {dimensions = array<i32: 0>} : vector<16xi32>
    %broadcast_in_dim3A = arith.constant 0 : i32
    %broadcast_in_dim3A_3 = vector.broadcast %broadcast_in_dim3A : i32 to vector<16xi32>
    %broadcast_in_dim3A_4 = arith.constant 1 : i32
    %broadcast_in_dim3A_5 = vector.broadcast %broadcast_in_dim3A_4 : i32 to vector<16xi32>
    %broadcast_in_dim3A_6 = arith.constant 2 : i32
    %broadcast_in_dim3A_7 = vector.broadcast %broadcast_in_dim3A_6 : i32 to vector<16xi32>
    %broadcast_in_dim3A_8 = arith.constant 3 : i32
    %broadcast_in_dim3A_9 = vector.broadcast %broadcast_in_dim3A_8 : i32 to vector<16xi32>
    %broadcast_in_dim3A_10 = arith.constant 0.000000e+00 : f32
    %broadcast_in_dim3A_11 = vector.broadcast %broadcast_in_dim3A_10 : f32 to vector<16xf32>
    %scan3A = arith.constant 0 : i32
    %scan3A_12 = arith.constant 0 : i32
    %scan3A_13 = arith.constant 400 : i32
    %scan3A_14 = arith.addi %scan3A_12, %scan3A_13 : i32
    %scan3A_15 = arith.constant 1 : i32
    scf.for %scan3A_142 = %scan3A_12 to %scan3A_14 step %scan3A_15  : i32 {
      %jit3A = arith.constant 5 : i32
      %div3A = arith.divsi %scan3A_142, %jit3A : i32
      %sign3A = arith.constant 0 : i32
      %sign3A_143 = arith.cmpi sgt, %scan3A_142, %sign3A : i32
      %sign3A_144 = arith.extui %sign3A_143 : i1 to i32
      %sign3A_145 = arith.constant 0 : i32
      %sign3A_146 = arith.cmpi slt, %scan3A_142, %sign3A_145 : i32
      %sign3A_147 = arith.extui %sign3A_146 : i1 to i32
      %sign3A_148 = arith.subi %sign3A_144, %sign3A_147 : i32
      %sign3A_149 = arith.constant 0 : i32
      %sign3A_150 = arith.cmpi sgt, %jit3A, %sign3A_149 : i32
      %sign3A_151 = arith.extui %sign3A_150 : i1 to i32
      %sign3A_152 = arith.constant 0 : i32
      %sign3A_153 = arith.cmpi slt, %jit3A, %sign3A_152 : i32
      %sign3A_154 = arith.extui %sign3A_153 : i1 to i32
      %sign3A_155 = arith.subi %sign3A_151, %sign3A_154 : i32
      %ne3A = arith.cmpi ne, %sign3A_148, %sign3A_155 : i32
      %rem3A = arith.remsi %scan3A_142, %jit3A : i32
      %ne3A_156 = arith.constant 0 : i32
      %ne3A_157 = arith.cmpi ne, %rem3A, %ne3A_156 : i32
      %and3A = arith.andi %ne3A, %ne3A_157 : i1
      %sub3A = arith.constant 1 : i32
      %sub3A_158 = arith.subi %div3A, %sub3A : i32
      %select_n3A = arith.select %and3A, %sub3A_158, %div3A : i32
      %jit3A_159 = arith.constant 5 : i32
      %eq3A = arith.constant 0 : i32
      %eq3A_160 = arith.cmpi eq, %jit3A_159, %eq3A : i32
      %jit3A_161 = arith.constant 1 : i32
      %select_n3A_162 = arith.select %eq3A_160, %jit3A_161, %jit3A_159 : i32
      %rem3A_163 = arith.remsi %scan3A_142, %select_n3A_162 : i32
      %ne3A_164 = arith.constant 0 : i32
      %ne3A_165 = arith.cmpi ne, %rem3A_163, %ne3A_164 : i32
      %lt3A = arith.constant 0 : i32
      %lt3A_166 = arith.cmpi slt, %rem3A_163, %lt3A : i32
      %lt3A_167 = arith.constant 0 : i32
      %lt3A_168 = arith.cmpi slt, %select_n3A_162, %lt3A_167 : i32
      %ne3A_169 = arith.xori %lt3A_166, %lt3A_168 : i1
      %and3A_170 = arith.andi %ne3A_169, %ne3A_165 : i1
      %add3A_171 = arith.addi %rem3A_163, %select_n3A_162 : i32
      %select_n3A_172 = arith.select %and3A_170, %add3A_171, %rem3A_163 : i32
      %mul3A_173 = arith.constant 16 : i32
      %mul3A_174 = arith.muli %select_n3A_172, %mul3A_173 : i32
      %swap3A = arith.index_cast %select_n3A : i32 to index
      %swap3A_175 = arith.index_cast %mul3A_174 : i32 to index
      %swap3A_176 = tpu.vector_load %arg25[%swap3A, %swap3A_175] {strides = array<i32>} : memref<80x80xf32, #tpu.memory_space<vmem>>, vector<16xf32>,
      tpu.vector_store %arg25[%swap3A, %swap3A_175], %broadcast_in_dim3A_11 {strides = array<i32>} : memref<80x80xf32, #tpu.memory_space<vmem>>, vector<16xf32>,
    }
    %scan3A_16 = arith.constant 400 : i32
    %mul3A_17 = arith.constant 625 : i32
    %mul3A_18 = arith.muli %arg1, %mul3A_17 : i32
    %add3A_19 = arith.constant 0 : i32
    %add3A_20 = arith.addi %mul3A_18, %add3A_19 : i32
    "tpu.region"() ({
      %run_scoped3A = tpu.sem_alloc : memref<!tpu.dma_semaphore, #tpu.memory_space<semaphore_mem>>
      %dma_start3A_142 = arith.constant 0 : i32
      %dma_start3A_143 = tpu.memref_slice %arg27[%add3A_20, %dma_start3A_142] : memref<10000x80xf32, #tpu.memory_space<vmem_shared>> -> memref<80x80xf32, #tpu.memory_space<vmem_shared>>
      %dma_start3A_144 = arith.constant 0 : i32
      %dma_start3A_145 = tpu.memref_slice %arg27[%add3A_20, %dma_start3A_144] : memref<10000x80xf32, #tpu.memory_space<vmem_shared>> -> memref<80x80xf32, #tpu.memory_space<vmem_shared>>
      tpu.enqueue_dma source(%arg25 : memref<80x80xf32, #tpu.memory_space<vmem>>) target(%dma_start3A_145 : memref<80x80xf32, #tpu.memory_space<vmem_shared>>) target_semaphore(%run_scoped3A : memref<!tpu.dma_semaphore, #tpu.memory_space<semaphore_mem>>)
      %dma_wait3A_146 = arith.constant 0 : i32
      %dma_wait3A_147 = tpu.memref_slice %arg27[%add3A_20, %dma_wait3A_146] : memref<10000x80xf32, #tpu.memory_space<vmem_shared>> -> memref<80x80xf32, #tpu.memory_space<vmem_shared>>
      %dma_wait3A_148 = arith.constant 0 : i32
      %dma_wait3A_149 = tpu.memref_slice %arg27[%add3A_20, %dma_wait3A_148] : memref<10000x80xf32, #tpu.memory_space<vmem_shared>> -> memref<80x80xf32, #tpu.memory_space<vmem_shared>>
      tpu.wait_dma2 semaphore(%run_scoped3A : memref<!tpu.dma_semaphore, #tpu.memory_space<semaphore_mem>>) src(%arg25 : memref<80x80xf32, #tpu.memory_space<vmem>>) dst(%dma_wait3A_149 : memref<80x80xf32, #tpu.memory_space<vmem_shared>>)
      tpu.yield
    }) : () -> ()
    %mul3A_21 = arith.constant 625 : i32
    %mul3A_22 = arith.muli %arg1, %mul3A_21 : i32
    %add3A_23 = arith.constant 80 : i32
    %add3A_24 = arith.addi %mul3A_22, %add3A_23 : i32
    "tpu.region"() ({
      %run_scoped3A = tpu.sem_alloc : memref<!tpu.dma_semaphore, #tpu.memory_space<semaphore_mem>>
      %dma_start3A_142 = arith.constant 0 : i32
      %dma_start3A_143 = tpu.memref_slice %arg27[%add3A_24, %dma_start3A_142] : memref<10000x80xf32, #tpu.memory_space<vmem_shared>> -> memref<80x80xf32, #tpu.memory_space<vmem_shared>>
      %dma_start3A_144 = arith.constant 0 : i32
      %dma_start3A_145 = tpu.memref_slice %arg27[%add3A_24, %dma_start3A_144] : memref<10000x80xf32, #tpu.memory_space<vmem_shared>> -> memref<80x80xf32, #tpu.memory_space<vmem_shared>>
      tpu.enqueue_dma source(%arg25 : memref<80x80xf32, #tpu.memory_space<vmem>>) target(%dma_start3A_145 : memref<80x80xf32, #tpu.memory_space<vmem_shared>>) target_semaphore(%run_scoped3A : memref<!tpu.dma_semaphore, #tpu.memory_space<semaphore_mem>>)
      %dma_wait3A_146 = arith.constant 0 : i32
      %dma_wait3A_147 = tpu.memref_slice %arg27[%add3A_24, %dma_wait3A_146] : memref<10000x80xf32, #tpu.memory_space<vmem_shared>> -> memref<80x80xf32, #tpu.memory_space<vmem_shared>>
      %dma_wait3A_148 = arith.constant 0 : i32
      %dma_wait3A_149 = tpu.memref_slice %arg27[%add3A_24, %dma_wait3A_148] : memref<10000x80xf32, #tpu.memory_space<vmem_shared>> -> memref<80x80xf32, #tpu.memory_space<vmem_shared>>
      tpu.wait_dma2 semaphore(%run_scoped3A : memref<!tpu.dma_semaphore, #tpu.memory_space<semaphore_mem>>) src(%arg25 : memref<80x80xf32, #tpu.memory_space<vmem>>) dst(%dma_wait3A_149 : memref<80x80xf32, #tpu.memory_space<vmem_shared>>)
      tpu.yield
    }) : () -> ()
    %mul3A_25 = arith.constant 625 : i32
    %mul3A_26 = arith.muli %arg1, %mul3A_25 : i32
    %add3A_27 = arith.constant 160 : i32
    %add3A_28 = arith.addi %mul3A_26, %add3A_27 : i32
    "tpu.region"() ({
      %run_scoped3A = tpu.sem_alloc : memref<!tpu.dma_semaphore, #tpu.memory_space<semaphore_mem>>
      %dma_start3A_142 = arith.constant 0 : i32
      %dma_start3A_143 = tpu.memref_slice %arg27[%add3A_28, %dma_start3A_142] : memref<10000x80xf32, #tpu.memory_space<vmem_shared>> -> memref<80x80xf32, #tpu.memory_space<vmem_shared>>
      %dma_start3A_144 = arith.constant 0 : i32
      %dma_start3A_145 = tpu.memref_slice %arg27[%add3A_28, %dma_start3A_144] : memref<10000x80xf32, #tpu.memory_space<vmem_shared>> -> memref<80x80xf32, #tpu.memory_space<vmem_shared>>
      tpu.enqueue_dma source(%arg25 : memref<80x80xf32, #tpu.memory_space<vmem>>) target(%dma_start3A_145 : memref<80x80xf32, #tpu.memory_space<vmem_shared>>) target_semaphore(%run_scoped3A : memref<!tpu.dma_semaphore, #tpu.memory_space<semaphore_mem>>)
      %dma_wait3A_146 = arith.constant 0 : i32
      %dma_wait3A_147 = tpu.memref_slice %arg27[%add3A_28, %dma_wait3A_146] : memref<10000x80xf32, #tpu.memory_space<vmem_shared>> -> memref<80x80xf32, #tpu.memory_space<vmem_shared>>
      %dma_wait3A_148 = arith.constant 0 : i32
      %dma_wait3A_149 = tpu.memref_slice %arg27[%add3A_28, %dma_wait3A_148] : memref<10000x80xf32, #tpu.memory_space<vmem_shared>> -> memref<80x80xf32, #tpu.memory_space<vmem_shared>>
      tpu.wait_dma2 semaphore(%run_scoped3A : memref<!tpu.dma_semaphore, #tpu.memory_space<semaphore_mem>>) src(%arg25 : memref<80x80xf32, #tpu.memory_space<vmem>>) dst(%dma_wait3A_149 : memref<80x80xf32, #tpu.memory_space<vmem_shared>>)
      tpu.yield
    }) : () -> ()
    %mul3A_29 = arith.constant 625 : i32
    %mul3A_30 = arith.muli %arg1, %mul3A_29 : i32
    %add3A_31 = arith.constant 240 : i32
    %add3A_32 = arith.addi %mul3A_30, %add3A_31 : i32
    "tpu.region"() ({
      %run_scoped3A = tpu.sem_alloc : memref<!tpu.dma_semaphore, #tpu.memory_space<semaphore_mem>>
      %dma_start3A_142 = arith.constant 0 : i32
      %dma_start3A_143 = tpu.memref_slice %arg27[%add3A_32, %dma_start3A_142] : memref<10000x80xf32, #tpu.memory_space<vmem_shared>> -> memref<80x80xf32, #tpu.memory_space<vmem_shared>>
      %dma_start3A_144 = arith.constant 0 : i32
      %dma_start3A_145 = tpu.memref_slice %arg27[%add3A_32, %dma_start3A_144] : memref<10000x80xf32, #tpu.memory_space<vmem_shared>> -> memref<80x80xf32, #tpu.memory_space<vmem_shared>>
      tpu.enqueue_dma source(%arg25 : memref<80x80xf32, #tpu.memory_space<vmem>>) target(%dma_start3A_145 : memref<80x80xf32, #tpu.memory_space<vmem_shared>>) target_semaphore(%run_scoped3A : memref<!tpu.dma_semaphore, #tpu.memory_space<semaphore_mem>>)
      %dma_wait3A_146 = arith.constant 0 : i32
      %dma_wait3A_147 = tpu.memref_slice %arg27[%add3A_32, %dma_wait3A_146] : memref<10000x80xf32, #tpu.memory_space<vmem_shared>> -> memref<80x80xf32, #tpu.memory_space<vmem_shared>>
      %dma_wait3A_148 = arith.constant 0 : i32
      %dma_wait3A_149 = tpu.memref_slice %arg27[%add3A_32, %dma_wait3A_148] : memref<10000x80xf32, #tpu.memory_space<vmem_shared>> -> memref<80x80xf32, #tpu.memory_space<vmem_shared>>
      tpu.wait_dma2 semaphore(%run_scoped3A : memref<!tpu.dma_semaphore, #tpu.memory_space<semaphore_mem>>) src(%arg25 : memref<80x80xf32, #tpu.memory_space<vmem>>) dst(%dma_wait3A_149 : memref<80x80xf32, #tpu.memory_space<vmem_shared>>)
      tpu.yield
    }) : () -> ()
    %mul3A_33 = arith.constant 625 : i32
    %mul3A_34 = arith.muli %arg1, %mul3A_33 : i32
    %add3A_35 = arith.constant 320 : i32
    %add3A_36 = arith.addi %mul3A_34, %add3A_35 : i32
    "tpu.region"() ({
      %run_scoped3A = tpu.sem_alloc : memref<!tpu.dma_semaphore, #tpu.memory_space<semaphore_mem>>
      %dma_start3A_142 = arith.constant 0 : i32
      %dma_start3A_143 = tpu.memref_slice %arg27[%add3A_36, %dma_start3A_142] : memref<10000x80xf32, #tpu.memory_space<vmem_shared>> -> memref<80x80xf32, #tpu.memory_space<vmem_shared>>
      %dma_start3A_144 = arith.constant 0 : i32
      %dma_start3A_145 = tpu.memref_slice %arg27[%add3A_36, %dma_start3A_144] : memref<10000x80xf32, #tpu.memory_space<vmem_shared>> -> memref<80x80xf32, #tpu.memory_space<vmem_shared>>
      tpu.enqueue_dma source(%arg25 : memref<80x80xf32, #tpu.memory_space<vmem>>) target(%dma_start3A_145 : memref<80x80xf32, #tpu.memory_space<vmem_shared>>) target_semaphore(%run_scoped3A : memref<!tpu.dma_semaphore, #tpu.memory_space<semaphore_mem>>)
      %dma_wait3A_146 = arith.constant 0 : i32
      %dma_wait3A_147 = tpu.memref_slice %arg27[%add3A_36, %dma_wait3A_146] : memref<10000x80xf32, #tpu.memory_space<vmem_shared>> -> memref<80x80xf32, #tpu.memory_space<vmem_shared>>
      %dma_wait3A_148 = arith.constant 0 : i32
      %dma_wait3A_149 = tpu.memref_slice %arg27[%add3A_36, %dma_wait3A_148] : memref<10000x80xf32, #tpu.memory_space<vmem_shared>> -> memref<80x80xf32, #tpu.memory_space<vmem_shared>>
      tpu.wait_dma2 semaphore(%run_scoped3A : memref<!tpu.dma_semaphore, #tpu.memory_space<semaphore_mem>>) src(%arg25 : memref<80x80xf32, #tpu.memory_space<vmem>>) dst(%dma_wait3A_149 : memref<80x80xf32, #tpu.memory_space<vmem_shared>>)
      tpu.yield
    }) : () -> ()
    %mul3A_37 = arith.constant 625 : i32
    %mul3A_38 = arith.muli %arg1, %mul3A_37 : i32
    %add3A_39 = arith.constant 400 : i32
    %add3A_40 = arith.addi %mul3A_38, %add3A_39 : i32
    "tpu.region"() ({
      %run_scoped3A = tpu.sem_alloc : memref<!tpu.dma_semaphore, #tpu.memory_space<semaphore_mem>>
      %dma_start3A_142 = arith.constant 0 : i32
      %dma_start3A_143 = tpu.memref_slice %arg27[%add3A_40, %dma_start3A_142] : memref<10000x80xf32, #tpu.memory_space<vmem_shared>> -> memref<80x80xf32, #tpu.memory_space<vmem_shared>>
      %dma_start3A_144 = arith.constant 0 : i32
      %dma_start3A_145 = tpu.memref_slice %arg27[%add3A_40, %dma_start3A_144] : memref<10000x80xf32, #tpu.memory_space<vmem_shared>> -> memref<80x80xf32, #tpu.memory_space<vmem_shared>>
      tpu.enqueue_dma source(%arg25 : memref<80x80xf32, #tpu.memory_space<vmem>>) target(%dma_start3A_145 : memref<80x80xf32, #tpu.memory_space<vmem_shared>>) target_semaphore(%run_scoped3A : memref<!tpu.dma_semaphore, #tpu.memory_space<semaphore_mem>>)
      %dma_wait3A_146 = arith.constant 0 : i32
      %dma_wait3A_147 = tpu.memref_slice %arg27[%add3A_40, %dma_wait3A_146] : memref<10000x80xf32, #tpu.memory_space<vmem_shared>> -> memref<80x80xf32, #tpu.memory_space<vmem_shared>>
      %dma_wait3A_148 = arith.constant 0 : i32
      %dma_wait3A_149 = tpu.memref_slice %arg27[%add3A_40, %dma_wait3A_148] : memref<10000x80xf32, #tpu.memory_space<vmem_shared>> -> memref<80x80xf32, #tpu.memory_space<vmem_shared>>
      tpu.wait_dma2 semaphore(%run_scoped3A : memref<!tpu.dma_semaphore, #tpu.memory_space<semaphore_mem>>) src(%arg25 : memref<80x80xf32, #tpu.memory_space<vmem>>) dst(%dma_wait3A_149 : memref<80x80xf32, #tpu.memory_space<vmem_shared>>)
      tpu.yield
    }) : () -> ()
    %mul3A_41 = arith.constant 625 : i32
    %mul3A_42 = arith.muli %arg1, %mul3A_41 : i32
    %add3A_43 = arith.constant 480 : i32
    %add3A_44 = arith.addi %mul3A_42, %add3A_43 : i32
    "tpu.region"() ({
      %run_scoped3A = tpu.sem_alloc : memref<!tpu.dma_semaphore, #tpu.memory_space<semaphore_mem>>
      %dma_start3A_142 = arith.constant 0 : i32
      %dma_start3A_143 = tpu.memref_slice %arg27[%add3A_44, %dma_start3A_142] : memref<10000x80xf32, #tpu.memory_space<vmem_shared>> -> memref<80x80xf32, #tpu.memory_space<vmem_shared>>
      %dma_start3A_144 = arith.constant 0 : i32
      %dma_start3A_145 = tpu.memref_slice %arg27[%add3A_44, %dma_start3A_144] : memref<10000x80xf32, #tpu.memory_space<vmem_shared>> -> memref<80x80xf32, #tpu.memory_space<vmem_shared>>
      tpu.enqueue_dma source(%arg25 : memref<80x80xf32, #tpu.memory_space<vmem>>) target(%dma_start3A_145 : memref<80x80xf32, #tpu.memory_space<vmem_shared>>) target_semaphore(%run_scoped3A : memref<!tpu.dma_semaphore, #tpu.memory_space<semaphore_mem>>)
      %dma_wait3A_146 = arith.constant 0 : i32
      %dma_wait3A_147 = tpu.memref_slice %arg27[%add3A_44, %dma_wait3A_146] : memref<10000x80xf32, #tpu.memory_space<vmem_shared>> -> memref<80x80xf32, #tpu.memory_space<vmem_shared>>
      %dma_wait3A_148 = arith.constant 0 : i32
      %dma_wait3A_149 = tpu.memref_slice %arg27[%add3A_44, %dma_wait3A_148] : memref<10000x80xf32, #tpu.memory_space<vmem_shared>> -> memref<80x80xf32, #tpu.memory_space<vmem_shared>>
      tpu.wait_dma2 semaphore(%run_scoped3A : memref<!tpu.dma_semaphore, #tpu.memory_space<semaphore_mem>>) src(%arg25 : memref<80x80xf32, #tpu.memory_space<vmem>>) dst(%dma_wait3A_149 : memref<80x80xf32, #tpu.memory_space<vmem_shared>>)
      tpu.yield
    }) : () -> ()
    %mul3A_45 = arith.constant 625 : i32
    %mul3A_46 = arith.muli %arg1, %mul3A_45 : i32
    %add3A_47 = arith.constant 560 : i32
    %add3A_48 = arith.addi %mul3A_46, %add3A_47 : i32
    "tpu.region"() ({
      %run_scoped3A = tpu.sem_alloc : memref<!tpu.dma_semaphore, #tpu.memory_space<semaphore_mem>>
      %dma_start3A_142 = arith.constant 0 : i32
      %dma_start3A_143 = arith.constant 0 : i32
      %dma_start3A_144 = tpu.memref_slice %arg25[%dma_start3A_142, %dma_start3A_143] : memref<80x80xf32, #tpu.memory_space<vmem>> -> memref<65x80xf32, #tpu.memory_space<vmem>>
      %dma_start3A_145 = arith.constant 0 : i32
      %dma_start3A_146 = tpu.memref_slice %arg27[%add3A_48, %dma_start3A_145] : memref<10000x80xf32, #tpu.memory_space<vmem_shared>> -> memref<65x80xf32, #tpu.memory_space<vmem_shared>>
      %dma_start3A_147 = arith.constant 0 : i32
      %dma_start3A_148 = tpu.memref_slice %arg27[%add3A_48, %dma_start3A_147] : memref<10000x80xf32, #tpu.memory_space<vmem_shared>> -> memref<65x80xf32, #tpu.memory_space<vmem_shared>>
      %dma_start3A_149 = arith.constant 0 : i32
      %dma_start3A_150 = arith.constant 0 : i32
      %dma_start3A_151 = tpu.memref_slice %arg25[%dma_start3A_149, %dma_start3A_150] : memref<80x80xf32, #tpu.memory_space<vmem>> -> memref<65x80xf32, #tpu.memory_space<vmem>>
      tpu.enqueue_dma source(%dma_start3A_151 : memref<65x80xf32, #tpu.memory_space<vmem>>) target(%dma_start3A_148 : memref<65x80xf32, #tpu.memory_space<vmem_shared>>) target_semaphore(%run_scoped3A : memref<!tpu.dma_semaphore, #tpu.memory_space<semaphore_mem>>)
      %dma_wait3A_152 = arith.constant 0 : i32
      %dma_wait3A_153 = arith.constant 0 : i32
      %dma_wait3A_154 = tpu.memref_slice %arg25[%dma_wait3A_152, %dma_wait3A_153] : memref<80x80xf32, #tpu.memory_space<vmem>> -> memref<65x80xf32, #tpu.memory_space<vmem>>
      %dma_wait3A_155 = arith.constant 0 : i32
      %dma_wait3A_156 = tpu.memref_slice %arg27[%add3A_48, %dma_wait3A_155] : memref<10000x80xf32, #tpu.memory_space<vmem_shared>> -> memref<65x80xf32, #tpu.memory_space<vmem_shared>>
      %dma_wait3A_157 = arith.constant 0 : i32
      %dma_wait3A_158 = tpu.memref_slice %arg27[%add3A_48, %dma_wait3A_157] : memref<10000x80xf32, #tpu.memory_space<vmem_shared>> -> memref<65x80xf32, #tpu.memory_space<vmem_shared>>
      %dma_wait3A_159 = arith.constant 0 : i32
      %dma_wait3A_160 = arith.constant 0 : i32
      %dma_wait3A_161 = tpu.memref_slice %arg25[%dma_wait3A_159, %dma_wait3A_160] : memref<80x80xf32, #tpu.memory_space<vmem>> -> memref<65x80xf32, #tpu.memory_space<vmem>>
      tpu.wait_dma2 semaphore(%run_scoped3A : memref<!tpu.dma_semaphore, #tpu.memory_space<semaphore_mem>>) src(%dma_wait3A_161 : memref<65x80xf32, #tpu.memory_space<vmem>>) dst(%dma_wait3A_158 : memref<65x80xf32, #tpu.memory_space<vmem_shared>>)
      tpu.yield
    }) : () -> ()
    %barrier3A = arith.constant 0 : index
    tpu.barrier barrier_id(%barrier3A)
    %add3A_49 = arith.constant 0 : i32
    %add3A_50 = arith.addi %mul3A_2, %add3A_49 : i32
    %dma_start3A = tpu.memref_slice %arg2[%add3A_50] : memref<320000xi32, #tpu.memory_space<hbm>> -> memref<80xi32, #tpu.memory_space<hbm>>
    %dma_start3A_51 = tpu.memref_slice %arg2[%add3A_50] : memref<320000xi32, #tpu.memory_space<hbm>> -> memref<80xi32, #tpu.memory_space<hbm>>
    tpu.enqueue_dma source(%dma_start3A_51 : memref<80xi32, #tpu.memory_space<hbm>>) target(%arg9 : memref<80xi32, #tpu.memory_space<vmem>>) target_semaphore(%arg28 : memref<!tpu.dma_semaphore, #tpu.memory_space<semaphore_mem>>)
    %dma_start3A_52 = tpu.memref_slice %arg3[%add3A_50] : memref<320000xi32, #tpu.memory_space<hbm>> -> memref<80xi32, #tpu.memory_space<hbm>>
    %dma_start3A_53 = tpu.memref_slice %arg3[%add3A_50] : memref<320000xi32, #tpu.memory_space<hbm>> -> memref<80xi32, #tpu.memory_space<hbm>>
    tpu.enqueue_dma source(%dma_start3A_53 : memref<80xi32, #tpu.memory_space<hbm>>) target(%arg13 : memref<80xi32, #tpu.memory_space<vmem>>) target_semaphore(%arg28 : memref<!tpu.dma_semaphore, #tpu.memory_space<semaphore_mem>>)
    %add3A_54 = arith.constant 80 : i32
    %add3A_55 = arith.addi %mul3A_2, %add3A_54 : i32
    %dma_start3A_56 = tpu.memref_slice %arg2[%add3A_55] : memref<320000xi32, #tpu.memory_space<hbm>> -> memref<80xi32, #tpu.memory_space<hbm>>
    %dma_start3A_57 = tpu.memref_slice %arg2[%add3A_55] : memref<320000xi32, #tpu.memory_space<hbm>> -> memref<80xi32, #tpu.memory_space<hbm>>
    tpu.enqueue_dma source(%dma_start3A_57 : memref<80xi32, #tpu.memory_space<hbm>>) target(%arg10 : memref<80xi32, #tpu.memory_space<vmem>>) target_semaphore(%arg29 : memref<!tpu.dma_semaphore, #tpu.memory_space<semaphore_mem>>)
    %dma_start3A_58 = tpu.memref_slice %arg3[%add3A_55] : memref<320000xi32, #tpu.memory_space<hbm>> -> memref<80xi32, #tpu.memory_space<hbm>>
    %dma_start3A_59 = tpu.memref_slice %arg3[%add3A_55] : memref<320000xi32, #tpu.memory_space<hbm>> -> memref<80xi32, #tpu.memory_space<hbm>>
    tpu.enqueue_dma source(%dma_start3A_59 : memref<80xi32, #tpu.memory_space<hbm>>) target(%arg14 : memref<80xi32, #tpu.memory_space<vmem>>) target_semaphore(%arg29 : memref<!tpu.dma_semaphore, #tpu.memory_space<semaphore_mem>>)
    %dma_wait3A = arith.constant 0 : i32
    %dma_wait3A_60 = tpu.memref_slice %arg2[%dma_wait3A] : memref<320000xi32, #tpu.memory_space<hbm>> -> memref<80xi32, #tpu.memory_space<hbm>>
    %dma_wait3A_61 = arith.constant 0 : i32
    %dma_wait3A_62 = tpu.memref_slice %arg2[%dma_wait3A_61] : memref<320000xi32, #tpu.memory_space<hbm>> -> memref<80xi32, #tpu.memory_space<hbm>>
    tpu.wait_dma2 semaphore(%arg28 : memref<!tpu.dma_semaphore, #tpu.memory_space<semaphore_mem>>) src(%dma_wait3A_62 : memref<80xi32, #tpu.memory_space<hbm>>) dst(%arg9 : memref<80xi32, #tpu.memory_space<vmem>>)
    %dma_wait3A_63 = arith.constant 0 : i32
    %dma_wait3A_64 = tpu.memref_slice %arg3[%dma_wait3A_63] : memref<320000xi32, #tpu.memory_space<hbm>> -> memref<80xi32, #tpu.memory_space<hbm>>
    %dma_wait3A_65 = arith.constant 0 : i32
    %dma_wait3A_66 = tpu.memref_slice %arg3[%dma_wait3A_65] : memref<320000xi32, #tpu.memory_space<hbm>> -> memref<80xi32, #tpu.memory_space<hbm>>
    tpu.wait_dma2 semaphore(%arg28 : memref<!tpu.dma_semaphore, #tpu.memory_space<semaphore_mem>>) src(%dma_wait3A_66 : memref<80xi32, #tpu.memory_space<hbm>>) dst(%arg13 : memref<80xi32, #tpu.memory_space<vmem>>)
    %add3A_67 = arith.constant 0 : i32
    %add3A_68 = arith.addi %mul3A_2, %add3A_67 : i32
    %mul3A_69 = arith.constant 128 : i32
    %mul3A_70 = arith.muli %add3A_68, %mul3A_69 : i32
    %dma_start3A_71 = tpu.memref_slice %arg6[%mul3A_70] : memref<40960000xf32, #tpu.memory_space<hbm>> -> memref<10240xf32, #tpu.memory_space<hbm>>
    %dma_start3A_72 = tpu.memref_slice %arg6[%mul3A_70] : memref<40960000xf32, #tpu.memory_space<hbm>> -> memref<10240xf32, #tpu.memory_space<hbm>>
    tpu.enqueue_dma source(%dma_start3A_72 : memref<10240xf32, #tpu.memory_space<hbm>>) target(%arg21 : memref<10240xf32, #tpu.memory_space<vmem>>) target_semaphore(%arg32 : memref<!tpu.dma_semaphore, #tpu.memory_space<semaphore_mem>>)
    %dma_start3A_73 = arith.constant 0 : i32
    %dma_start3A_74 = arith.constant 0 : i32
    %dma_start3A_75 = tpu.memref_slice %arg4[%dma_start3A_73, %dma_start3A_74] : memref<10000x128xf32, #tpu.memory_space<hbm>> -> memref<10000x128xf32, #tpu.memory_space<hbm>>
    tpu.enqueue_indirect_dma source(%dma_start3A_75 : memref<10000x128xf32, #tpu.memory_space<hbm>>) target(%arg17 : memref<80x128xf32, #tpu.memory_space<vmem>>) offsets(%arg9 : memref<80xi32, #tpu.memory_space<vmem>>) semaphore(%arg32 : memref<!tpu.dma_semaphore, #tpu.memory_space<semaphore_mem>>)
    %dma_start3A_76 = arith.constant 0 : i32
    %dma_start3A_77 = arith.constant 0 : i32
    %dma_start3A_78 = tpu.memref_slice %arg5[%dma_start3A_76, %dma_start3A_77] : memref<10000x64xf32, #tpu.memory_space<hbm>> -> memref<10000x64xf32, #tpu.memory_space<hbm>>
    tpu.enqueue_indirect_dma source(%dma_start3A_78 : memref<10000x64xf32, #tpu.memory_space<hbm>>) target(%arg19 : memref<80x64xf32, #tpu.memory_space<vmem>>) offsets(%arg13 : memref<80xi32, #tpu.memory_space<vmem>>) semaphore(%arg32 : memref<!tpu.dma_semaphore, #tpu.memory_space<semaphore_mem>>)
    %scan3A_79 = arith.constant 0 : i32
    %scan3A_80 = arith.constant 0 : i32
    %scan3A_81 = arith.constant 31 : i32
    %scan3A_82 = arith.addi %scan3A_80, %scan3A_81 : i32
    %scan3A_83 = arith.constant 1 : i32
    scf.for %scan3A_142 = %scan3A_80 to %scan3A_82 step %scan3A_83  : i32 {
      %mul3A_143 = arith.constant 4 : i32
      %mul3A_144 = arith.muli %mul3A_143, %scan3A_142 : i32
      %add3A_145 = arith.constant 0 : i32
      %add3A_146 = arith.addi %mul3A_144, %add3A_145 : i32
      %dma_wait3A_147 = arith.constant 0 : i32
      %dma_wait3A_148 = tpu.memref_slice %arg2[%dma_wait3A_147] : memref<320000xi32, #tpu.memory_space<hbm>> -> memref<80xi32, #tpu.memory_space<hbm>>
      %dma_wait3A_149 = arith.constant 0 : i32
      %dma_wait3A_150 = tpu.memref_slice %arg2[%dma_wait3A_149] : memref<320000xi32, #tpu.memory_space<hbm>> -> memref<80xi32, #tpu.memory_space<hbm>>
      tpu.wait_dma2 semaphore(%arg29 : memref<!tpu.dma_semaphore, #tpu.memory_space<semaphore_mem>>) src(%dma_wait3A_150 : memref<80xi32, #tpu.memory_space<hbm>>) dst(%arg10 : memref<80xi32, #tpu.memory_space<vmem>>)
      %dma_wait3A_151 = arith.constant 0 : i32
      %dma_wait3A_152 = tpu.memref_slice %arg3[%dma_wait3A_151] : memref<320000xi32, #tpu.memory_space<hbm>> -> memref<80xi32, #tpu.memory_space<hbm>>
      %dma_wait3A_153 = arith.constant 0 : i32
      %dma_wait3A_154 = tpu.memref_slice %arg3[%dma_wait3A_153] : memref<320000xi32, #tpu.memory_space<hbm>> -> memref<80xi32, #tpu.memory_space<hbm>>
      tpu.wait_dma2 semaphore(%arg29 : memref<!tpu.dma_semaphore, #tpu.memory_space<semaphore_mem>>) src(%dma_wait3A_154 : memref<80xi32, #tpu.memory_space<hbm>>) dst(%arg14 : memref<80xi32, #tpu.memory_space<vmem>>)
      %add3A_155 = arith.constant 1 : i32
      %add3A_156 = arith.addi %add3A_146, %add3A_155 : i32
      %mul3A_157 = arith.constant 80 : i32
      %mul3A_158 = arith.muli %add3A_156, %mul3A_157 : i32
      %add3A_159 = arith.addi %mul3A_2, %mul3A_158 : i32
      %mul3A_160 = arith.constant 128 : i32
      %mul3A_161 = arith.muli %add3A_159, %mul3A_160 : i32
      %dma_start3A_162 = tpu.memref_slice %arg6[%mul3A_161] : memref<40960000xf32, #tpu.memory_space<hbm>> -> memref<10240xf32, #tpu.memory_space<hbm>>
      %dma_start3A_163 = tpu.memref_slice %arg6[%mul3A_161] : memref<40960000xf32, #tpu.memory_space<hbm>> -> memref<10240xf32, #tpu.memory_space<hbm>>
      tpu.enqueue_dma source(%dma_start3A_163 : memref<10240xf32, #tpu.memory_space<hbm>>) target(%arg22 : memref<10240xf32, #tpu.memory_space<vmem>>) target_semaphore(%arg33 : memref<!tpu.dma_semaphore, #tpu.memory_space<semaphore_mem>>)
      %dma_start3A_164 = arith.constant 0 : i32
      %dma_start3A_165 = arith.constant 0 : i32
      %dma_start3A_166 = tpu.memref_slice %arg4[%dma_start3A_164, %dma_start3A_165] : memref<10000x128xf32, #tpu.memory_space<hbm>> -> memref<10000x128xf32, #tpu.memory_space<hbm>>
      tpu.enqueue_indirect_dma source(%dma_start3A_166 : memref<10000x128xf32, #tpu.memory_space<hbm>>) target(%arg18 : memref<80x128xf32, #tpu.memory_space<vmem>>) offsets(%arg10 : memref<80xi32, #tpu.memory_space<vmem>>) semaphore(%arg33 : memref<!tpu.dma_semaphore, #tpu.memory_space<semaphore_mem>>)
      %dma_start3A_167 = arith.constant 0 : i32
      %dma_start3A_168 = arith.constant 0 : i32
      %dma_start3A_169 = tpu.memref_slice %arg5[%dma_start3A_167, %dma_start3A_168] : memref<10000x64xf32, #tpu.memory_space<hbm>> -> memref<10000x64xf32, #tpu.memory_space<hbm>>
      tpu.enqueue_indirect_dma source(%dma_start3A_169 : memref<10000x64xf32, #tpu.memory_space<hbm>>) target(%arg20 : memref<80x64xf32, #tpu.memory_space<vmem>>) offsets(%arg14 : memref<80xi32, #tpu.memory_space<vmem>>) semaphore(%arg33 : memref<!tpu.dma_semaphore, #tpu.memory_space<semaphore_mem>>)
      %dma_wait3A_170 = arith.constant 0 : i32
      %dma_wait3A_171 = tpu.memref_slice %arg6[%dma_wait3A_170] : memref<40960000xf32, #tpu.memory_space<hbm>> -> memref<10240xf32, #tpu.memory_space<hbm>>
      %dma_wait3A_172 = arith.constant 0 : i32
      %dma_wait3A_173 = tpu.memref_slice %arg6[%dma_wait3A_172] : memref<40960000xf32, #tpu.memory_space<hbm>> -> memref<10240xf32, #tpu.memory_space<hbm>>
      tpu.wait_dma2 semaphore(%arg32 : memref<!tpu.dma_semaphore, #tpu.memory_space<semaphore_mem>>) src(%dma_wait3A_173 : memref<10240xf32, #tpu.memory_space<hbm>>) dst(%arg21 : memref<10240xf32, #tpu.memory_space<vmem>>)
      %dma_wait3A_174 = arith.constant 0 : i32
      %dma_wait3A_175 = arith.constant 0 : i32
      %dma_wait3A_176 = tpu.memref_slice %arg4[%dma_wait3A_174, %dma_wait3A_175] : memref<10000x128xf32, #tpu.memory_space<hbm>> -> memref<10000x128xf32, #tpu.memory_space<hbm>>
      tpu.wait_indirect_dma semaphore(%arg32 : memref<!tpu.dma_semaphore, #tpu.memory_space<semaphore_mem>>) src(%dma_wait3A_176 : memref<10000x128xf32, #tpu.memory_space<hbm>>) dst(%arg17 : memref<80x128xf32, #tpu.memory_space<vmem>>)
      %dma_wait3A_177 = arith.constant 0 : i32
      %dma_wait3A_178 = arith.constant 0 : i32
      %dma_wait3A_179 = tpu.memref_slice %arg5[%dma_wait3A_177, %dma_wait3A_178] : memref<10000x64xf32, #tpu.memory_space<hbm>> -> memref<10000x64xf32, #tpu.memory_space<hbm>>
      tpu.wait_indirect_dma semaphore(%arg32 : memref<!tpu.dma_semaphore, #tpu.memory_space<semaphore_mem>>) src(%dma_wait3A_179 : memref<10000x64xf32, #tpu.memory_space<hbm>>) dst(%arg19 : memref<80x64xf32, #tpu.memory_space<vmem>>)
      %ge3A = arith.constant 2 : i32
      %ge3A_180 = arith.cmpi sge, %add3A_146, %ge3A : i32
      %convert_element_type3A = arith.extui %ge3A_180 : i1 to i32
      %cond3A = arith.constant 0 : i32
      %cond3A_181 = arith.cmpi ne, %convert_element_type3A, %cond3A : i32
      scf.if %cond3A_181 {
        %dma_wait3A_399 = arith.constant 0 : i32
        %dma_wait3A_400 = arith.constant 0 : i32
        %dma_wait3A_401 = tpu.memref_slice %arg27[%dma_wait3A_399, %dma_wait3A_400] : memref<10000x80xf32, #tpu.memory_space<vmem_shared>> -> memref<10000x80xf32, #tpu.memory_space<vmem_shared>>
        tpu.wait_indirect_dma semaphore(%arg36 : memref<!tpu.dma_semaphore, #tpu.memory_space<semaphore_mem>>) src(%arg25 : memref<80x80xf32, #tpu.memory_space<vmem>>) dst(%dma_wait3A_401 : memref<10000x80xf32, #tpu.memory_space<vmem_shared>>)
        %dma_wait3A_402 = arith.constant 0 : i32
        %dma_wait3A_403 = arith.constant 0 : i32
        %dma_wait3A_404 = tpu.memref_slice %arg7[%dma_wait3A_402, %dma_wait3A_403] : memref<320000x16xf32, #tpu.memory_space<hbm>> -> memref<80x16xf32, #tpu.memory_space<hbm>>
        %dma_wait3A_405 = arith.constant 0 : i32
        %dma_wait3A_406 = arith.constant 0 : i32
        %dma_wait3A_407 = tpu.memref_slice %arg7[%dma_wait3A_405, %dma_wait3A_406] : memref<320000x16xf32, #tpu.memory_space<hbm>> -> memref<80x16xf32, #tpu.memory_space<hbm>>
        tpu.wait_dma2 semaphore(%arg34 : memref<!tpu.dma_semaphore, #tpu.memory_space<semaphore_mem>>) src(%arg23 : memref<80x16xf32, #tpu.memory_space<vmem>>) dst(%dma_wait3A_407 : memref<80x16xf32, #tpu.memory_space<hbm>>)
      } else {
      }
      %scan3A_182 = arith.constant 0 : i32
      %scan3A_183 = arith.constant 0 : i32
      %scan3A_184 = arith.constant 40 : i32
      %scan3A_185 = arith.addi %scan3A_183, %scan3A_184 : i32
      %scan3A_186 = arith.constant 1 : i32
      scf.for %scan3A_399 = %scan3A_183 to %scan3A_185 step %scan3A_186  : i32 {
        %mul3A_400 = arith.constant 2 : i32
        %mul3A_401 = arith.muli %mul3A_400, %scan3A_399 : i32
        %broadcast_in_dim3A_402 = arith.constant 0.000000e+00 : f32
        %broadcast_in_dim3A_403 = vector.broadcast %broadcast_in_dim3A_402 : f32 to vector<16xf32>
        %get3A = arith.index_cast %mul3A_401 : i32 to index
        %get3A_404 = arith.constant 64 : index
        %get3A_405 = tpu.vector_load %arg17[%get3A, %get3A_404] {strides = array<i32>} : memref<80x128xf32, #tpu.memory_space<vmem>>, vector<16xf32>,
        %mul3A_406 = arith.constant 128 : i32
        %mul3A_407 = arith.muli %mul3A_401, %mul3A_406 : i32
        %add3A_408 = arith.constant 64 : i32
        %add3A_409 = arith.addi %mul3A_407, %add3A_408 : i32
        %add3A_410 = arith.constant 0 : i32
        %add3A_411 = arith.addi %add3A_409, %add3A_410 : i32
        %get3A_412 = arith.index_cast %add3A_411 : i32 to index
        %get3A_413 = tpu.vector_load %arg21[%get3A_412] {strides = array<i32>} : memref<10240xf32, #tpu.memory_space<vmem>>, vector<16xf32>,
        %get3A_414 = arith.index_cast %mul3A_401 : i32 to index
        %get3A_415 = arith.constant 0 : index
        %get3A_416 = tpu.vector_load %arg19[%get3A_414, %get3A_415] {strides = array<i32>} : memref<80x64xf32, #tpu.memory_space<vmem>>, vector<16xf32>,
        %mul3A_417 = arith.mulf %get3A_405, %get3A_413 : vector<16xf32>
        %mul3A_418 = arith.mulf %mul3A_417, %get3A_416 : vector<16xf32>
        %reduce_sum3A = arith.constant true
        %reduce_sum3A_419 = vector.broadcast %reduce_sum3A : i1 to vector<16xi1>
        %reduce_sum3A_420 = tpu.scan <sum>, %mul3A_418 masked %reduce_sum3A_419 : vector<16xf32>, vector<16xi1> -> vector<16xf32>
        %reduce_sum3A_421 = vector.extract %reduce_sum3A_420[15] : f32 from vector<16xf32>
        %eq3A = arith.constant 0 : i32
        %eq3A_422 = vector.broadcast %eq3A : i32 to vector<16xi32>
        %eq3A_423 = arith.cmpi eq, %iota3A, %eq3A_422 : vector<16xi32>
        %broadcast_in_dim3A_424 = vector.broadcast %reduce_sum3A_421 : f32 to vector<16xf32>
        %select_n3A = arith.select %eq3A_423, %broadcast_in_dim3A_424, %broadcast_in_dim3A_403 : vector<16xi1>, vector<16xf32>
        %get3A_425 = arith.index_cast %mul3A_401 : i32 to index
        %get3A_426 = arith.constant 80 : index
        %get3A_427 = tpu.vector_load %arg17[%get3A_425, %get3A_426] {strides = array<i32>} : memref<80x128xf32, #tpu.memory_space<vmem>>, vector<16xf32>,
        %mul3A_428 = arith.constant 128 : i32
        %mul3A_429 = arith.muli %mul3A_401, %mul3A_428 : i32
        %add3A_430 = arith.constant 64 : i32
        %add3A_431 = arith.addi %mul3A_429, %add3A_430 : i32
        %add3A_432 = arith.constant 16 : i32
        %add3A_433 = arith.addi %add3A_431, %add3A_432 : i32
        %get3A_434 = arith.index_cast %add3A_433 : i32 to index
        %get3A_435 = tpu.vector_load %arg21[%get3A_434] {strides = array<i32>} : memref<10240xf32, #tpu.memory_space<vmem>>, vector<16xf32>,
        %get3A_436 = arith.index_cast %mul3A_401 : i32 to index
        %get3A_437 = arith.constant 16 : index
        %get3A_438 = tpu.vector_load %arg19[%get3A_436, %get3A_437] {strides = array<i32>} : memref<80x64xf32, #tpu.memory_space<vmem>>, vector<16xf32>,
        %mul3A_439 = arith.mulf %get3A_427, %get3A_435 : vector<16xf32>
        %mul3A_440 = arith.mulf %mul3A_439, %get3A_438 : vector<16xf32>
        %reduce_sum3A_441 = arith.constant true
        %reduce_sum3A_442 = vector.broadcast %reduce_sum3A_441 : i1 to vector<16xi1>
        %reduce_sum3A_443 = tpu.scan <sum>, %mul3A_440 masked %reduce_sum3A_442 : vector<16xf32>, vector<16xi1> -> vector<16xf32>
        %reduce_sum3A_444 = vector.extract %reduce_sum3A_443[15] : f32 from vector<16xf32>
        %eq3A_445 = arith.constant 1 : i32
        %eq3A_446 = vector.broadcast %eq3A_445 : i32 to vector<16xi32>
        %eq3A_447 = arith.cmpi eq, %iota3A, %eq3A_446 : vector<16xi32>
        %broadcast_in_dim3A_448 = vector.broadcast %reduce_sum3A_444 : f32 to vector<16xf32>
        %select_n3A_449 = arith.select %eq3A_447, %broadcast_in_dim3A_448, %select_n3A : vector<16xi1>, vector<16xf32>
        %get3A_450 = arith.index_cast %mul3A_401 : i32 to index
        %get3A_451 = arith.constant 96 : index
        %get3A_452 = tpu.vector_load %arg17[%get3A_450, %get3A_451] {strides = array<i32>} : memref<80x128xf32, #tpu.memory_space<vmem>>, vector<16xf32>,
        %mul3A_453 = arith.constant 128 : i32
        %mul3A_454 = arith.muli %mul3A_401, %mul3A_453 : i32
        %add3A_455 = arith.constant 64 : i32
        %add3A_456 = arith.addi %mul3A_454, %add3A_455 : i32
        %add3A_457 = arith.constant 32 : i32
        %add3A_458 = arith.addi %add3A_456, %add3A_457 : i32
        %get3A_459 = arith.index_cast %add3A_458 : i32 to index
        %get3A_460 = tpu.vector_load %arg21[%get3A_459] {strides = array<i32>} : memref<10240xf32, #tpu.memory_space<vmem>>, vector<16xf32>,
        %get3A_461 = arith.index_cast %mul3A_401 : i32 to index
        %get3A_462 = arith.constant 32 : index
        %get3A_463 = tpu.vector_load %arg19[%get3A_461, %get3A_462] {strides = array<i32>} : memref<80x64xf32, #tpu.memory_space<vmem>>, vector<16xf32>,
        %mul3A_464 = arith.mulf %get3A_452, %get3A_460 : vector<16xf32>
        %mul3A_465 = arith.mulf %mul3A_464, %get3A_463 : vector<16xf32>
        %reduce_sum3A_466 = arith.constant true
        %reduce_sum3A_467 = vector.broadcast %reduce_sum3A_466 : i1 to vector<16xi1>
        %reduce_sum3A_468 = tpu.scan <sum>, %mul3A_465 masked %reduce_sum3A_467 : vector<16xf32>, vector<16xi1> -> vector<16xf32>
        %reduce_sum3A_469 = vector.extract %reduce_sum3A_468[15] : f32 from vector<16xf32>
        %eq3A_470 = arith.constant 2 : i32
        %eq3A_471 = vector.broadcast %eq3A_470 : i32 to vector<16xi32>
        %eq3A_472 = arith.cmpi eq, %iota3A, %eq3A_471 : vector<16xi32>
        %broadcast_in_dim3A_473 = vector.broadcast %reduce_sum3A_469 : f32 to vector<16xf32>
        %select_n3A_474 = arith.select %eq3A_472, %broadcast_in_dim3A_473, %select_n3A_449 : vector<16xi1>, vector<16xf32>
        %get3A_475 = arith.index_cast %mul3A_401 : i32 to index
        %get3A_476 = arith.constant 112 : index
        %get3A_477 = tpu.vector_load %arg17[%get3A_475, %get3A_476] {strides = array<i32>} : memref<80x128xf32, #tpu.memory_space<vmem>>, vector<16xf32>,
        %mul3A_478 = arith.constant 128 : i32
        %mul3A_479 = arith.muli %mul3A_401, %mul3A_478 : i32
        %add3A_480 = arith.constant 64 : i32
        %add3A_481 = arith.addi %mul3A_479, %add3A_480 : i32
        %add3A_482 = arith.constant 48 : i32
        %add3A_483 = arith.addi %add3A_481, %add3A_482 : i32
        %get3A_484 = arith.index_cast %add3A_483 : i32 to index
        %get3A_485 = tpu.vector_load %arg21[%get3A_484] {strides = array<i32>} : memref<10240xf32, #tpu.memory_space<vmem>>, vector<16xf32>,
        %get3A_486 = arith.index_cast %mul3A_401 : i32 to index
        %get3A_487 = arith.constant 48 : index
        %get3A_488 = tpu.vector_load %arg19[%get3A_486, %get3A_487] {strides = array<i32>} : memref<80x64xf32, #tpu.memory_space<vmem>>, vector<16xf32>,
        %mul3A_489 = arith.mulf %get3A_477, %get3A_485 : vector<16xf32>
        %mul3A_490 = arith.mulf %mul3A_489, %get3A_488 : vector<16xf32>
        %reduce_sum3A_491 = arith.constant true
        %reduce_sum3A_492 = vector.broadcast %reduce_sum3A_491 : i1 to vector<16xi1>
        %reduce_sum3A_493 = tpu.scan <sum>, %mul3A_490 masked %reduce_sum3A_492 : vector<16xf32>, vector<16xi1> -> vector<16xf32>
        %reduce_sum3A_494 = vector.extract %reduce_sum3A_493[15] : f32 from vector<16xf32>
        %eq3A_495 = arith.constant 3 : i32
        %eq3A_496 = vector.broadcast %eq3A_495 : i32 to vector<16xi32>
        %eq3A_497 = arith.cmpi eq, %iota3A, %eq3A_496 : vector<16xi32>
        %broadcast_in_dim3A_498 = vector.broadcast %reduce_sum3A_494 : f32 to vector<16xf32>
        %select_n3A_499 = arith.select %eq3A_497, %broadcast_in_dim3A_498, %select_n3A_474 : vector<16xi1>, vector<16xf32>
        %swap3A = arith.index_cast %mul3A_401 : i32 to index
        %swap3A_500 = arith.constant 0 : index
        %swap3A_501 = tpu.vector_load %arg23[%swap3A, %swap3A_500] {strides = array<i32>} : memref<80x16xf32, #tpu.memory_space<vmem>>, vector<16xf32>,
        tpu.vector_store %arg23[%swap3A, %swap3A_500], %select_n3A_499 {strides = array<i32>} : memref<80x16xf32, #tpu.memory_space<vmem>>, vector<16xf32>,
        %max3A = arith.constant -6.000000e+01 : f32
        %max3A_502 = vector.broadcast %max3A : f32 to vector<16xf32>
        %max3A_503 = arith.maximumf %select_n3A_499, %max3A_502 : vector<16xf32>
        %min3A = arith.constant 6.000000e+01 : f32
        %min3A_504 = vector.broadcast %min3A : f32 to vector<16xf32>
        %min3A_505 = arith.minimumf %max3A_503, %min3A_504 : vector<16xf32>
        %exp3A = math.exp %min3A_505 : vector<16xf32>
        %lt3A_506 = arith.constant 4 : i32
        %lt3A_507 = vector.broadcast %lt3A_506 : i32 to vector<16xi32>
        %lt3A_508 = arith.cmpi slt, %iota3A, %lt3A_507 : vector<16xi32>
        %jit3A = arith.constant 0.000000e+00 : f32
        %broadcast_in_dim3A_509 = vector.broadcast %jit3A : f32 to vector<16xf32>
        %select_n3A_510 = arith.select %lt3A_508, %exp3A, %broadcast_in_dim3A_509 : vector<16xi1>, vector<16xf32>
        %swap3A_511 = arith.index_cast %mul3A_401 : i32 to index
        %swap3A_512 = arith.constant 64 : index
        %swap3A_513 = tpu.vector_load %arg25[%swap3A_511, %swap3A_512] {strides = array<i32>} : memref<80x80xf32, #tpu.memory_space<vmem>>, vector<16xf32>,
        tpu.vector_store %arg25[%swap3A_511, %swap3A_512], %select_n3A_510 {strides = array<i32>} : memref<80x80xf32, #tpu.memory_space<vmem>>, vector<16xf32>,
        %lt3A_514 = arith.constant 0 : i32
        %lt3A_515 = vector.broadcast %lt3A_514 : i32 to vector<16xi32>
        %lt3A_516 = arith.cmpi slt, %broadcast_in_dim3A_3, %lt3A_515 : vector<16xi32>
        %add3A_517 = arith.constant 16 : i32
        %add3A_518 = vector.broadcast %add3A_517 : i32 to vector<16xi32>
        %add3A_519 = arith.addi %broadcast_in_dim3A_3, %add3A_518 : vector<16xi32>
        %select_n3A_520 = arith.select %lt3A_516, %add3A_519, %broadcast_in_dim3A_3 : vector<16xi1>, vector<16xi32>
        %broadcast_in_dim3A_521 = vector.shape_cast %select_n3A_520 : vector<16xi32> to vector<16x1xi32>
        %gather3A = vector.shape_cast %broadcast_in_dim3A_521 : vector<16x1xi32> to vector<16xi32>
        %gather3A_522 = tpu.dynamic_gather %select_n3A_510[%gather3A] in [0] : vector<16xf32>, vector<16xi32> -> vector<16xf32>
        %get3A_523 = arith.index_cast %mul3A_401 : i32 to index
        %get3A_524 = arith.constant 0 : index
        %get3A_525 = tpu.vector_load %arg17[%get3A_523, %get3A_524] {strides = array<i32>} : memref<80x128xf32, #tpu.memory_space<vmem>>, vector<16xf32>,
        %mul3A_526 = arith.constant 128 : i32
        %mul3A_527 = arith.muli %mul3A_401, %mul3A_526 : i32
        %add3A_528 = arith.constant 0 : i32
        %add3A_529 = arith.addi %mul3A_527, %add3A_528 : i32
        %get3A_530 = arith.index_cast %add3A_529 : i32 to index
        %get3A_531 = tpu.vector_load %arg21[%get3A_530] {strides = array<i32>} : memref<10240xf32, #tpu.memory_space<vmem>>, vector<16xf32>,
        %mul3A_532 = arith.mulf %get3A_525, %get3A_531 : vector<16xf32>
        %mul3A_533 = arith.mulf %mul3A_532, %gather3A_522 : vector<16xf32>
        %swap3A_534 = arith.index_cast %mul3A_401 : i32 to index
        %swap3A_535 = arith.constant 0 : index
        %swap3A_536 = tpu.vector_load %arg25[%swap3A_534, %swap3A_535] {strides = array<i32>} : memref<80x80xf32, #tpu.memory_space<vmem>>, vector<16xf32>,
        tpu.vector_store %arg25[%swap3A_534, %swap3A_535], %mul3A_533 {strides = array<i32>} : memref<80x80xf32, #tpu.memory_space<vmem>>, vector<16xf32>,
        %lt3A_537 = arith.constant 0 : i32
        %lt3A_538 = vector.broadcast %lt3A_537 : i32 to vector<16xi32>
        %lt3A_539 = arith.cmpi slt, %broadcast_in_dim3A_5, %lt3A_538 : vector<16xi32>
        %add3A_540 = arith.constant 16 : i32
        %add3A_541 = vector.broadcast %add3A_540 : i32 to vector<16xi32>
        %add3A_542 = arith.addi %broadcast_in_dim3A_5, %add3A_541 : vector<16xi32>
        %select_n3A_543 = arith.select %lt3A_539, %add3A_542, %broadcast_in_dim3A_5 : vector<16xi1>, vector<16xi32>
        %broadcast_in_dim3A_544 = vector.shape_cast %select_n3A_543 : vector<16xi32> to vector<16x1xi32>
        %gather3A_545 = vector.shape_cast %broadcast_in_dim3A_544 : vector<16x1xi32> to vector<16xi32>
        %gather3A_546 = tpu.dynamic_gather %select_n3A_510[%gather3A_545] in [0] : vector<16xf32>, vector<16xi32> -> vector<16xf32>
        %get3A_547 = arith.index_cast %mul3A_401 : i32 to index
        %get3A_548 = arith.constant 16 : index
        %get3A_549 = tpu.vector_load %arg17[%get3A_547, %get3A_548] {strides = array<i32>} : memref<80x128xf32, #tpu.memory_space<vmem>>, vector<16xf32>,
        %mul3A_550 = arith.constant 128 : i32
        %mul3A_551 = arith.muli %mul3A_401, %mul3A_550 : i32
        %add3A_552 = arith.constant 16 : i32
        %add3A_553 = arith.addi %mul3A_551, %add3A_552 : i32
        %get3A_554 = arith.index_cast %add3A_553 : i32 to index
        %get3A_555 = tpu.vector_load %arg21[%get3A_554] {strides = array<i32>} : memref<10240xf32, #tpu.memory_space<vmem>>, vector<16xf32>,
        %mul3A_556 = arith.mulf %get3A_549, %get3A_555 : vector<16xf32>
        %mul3A_557 = arith.mulf %mul3A_556, %gather3A_546 : vector<16xf32>
        %swap3A_558 = arith.index_cast %mul3A_401 : i32 to index
        %swap3A_559 = arith.constant 16 : index
        %swap3A_560 = tpu.vector_load %arg25[%swap3A_558, %swap3A_559] {strides = array<i32>} : memref<80x80xf32, #tpu.memory_space<vmem>>, vector<16xf32>,
        tpu.vector_store %arg25[%swap3A_558, %swap3A_559], %mul3A_557 {strides = array<i32>} : memref<80x80xf32, #tpu.memory_space<vmem>>, vector<16xf32>,
        %lt3A_561 = arith.constant 0 : i32
        %lt3A_562 = vector.broadcast %lt3A_561 : i32 to vector<16xi32>
        %lt3A_563 = arith.cmpi slt, %broadcast_in_dim3A_7, %lt3A_562 : vector<16xi32>
        %add3A_564 = arith.constant 16 : i32
        %add3A_565 = vector.broadcast %add3A_564 : i32 to vector<16xi32>
        %add3A_566 = arith.addi %broadcast_in_dim3A_7, %add3A_565 : vector<16xi32>
        %select_n3A_567 = arith.select %lt3A_563, %add3A_566, %broadcast_in_dim3A_7 : vector<16xi1>, vector<16xi32>
        %broadcast_in_dim3A_568 = vector.shape_cast %select_n3A_567 : vector<16xi32> to vector<16x1xi32>
        %gather3A_569 = vector.shape_cast %broadcast_in_dim3A_568 : vector<16x1xi32> to vector<16xi32>
        %gather3A_570 = tpu.dynamic_gather %select_n3A_510[%gather3A_569] in [0] : vector<16xf32>, vector<16xi32> -> vector<16xf32>
        %get3A_571 = arith.index_cast %mul3A_401 : i32 to index
        %get3A_572 = arith.constant 32 : index
        %get3A_573 = tpu.vector_load %arg17[%get3A_571, %get3A_572] {strides = array<i32>} : memref<80x128xf32, #tpu.memory_space<vmem>>, vector<16xf32>,
        %mul3A_574 = arith.constant 128 : i32
        %mul3A_575 = arith.muli %mul3A_401, %mul3A_574 : i32
        %add3A_576 = arith.constant 32 : i32
        %add3A_577 = arith.addi %mul3A_575, %add3A_576 : i32
        %get3A_578 = arith.index_cast %add3A_577 : i32 to index
        %get3A_579 = tpu.vector_load %arg21[%get3A_578] {strides = array<i32>} : memref<10240xf32, #tpu.memory_space<vmem>>, vector<16xf32>,
        %mul3A_580 = arith.mulf %get3A_573, %get3A_579 : vector<16xf32>
        %mul3A_581 = arith.mulf %mul3A_580, %gather3A_570 : vector<16xf32>
        %swap3A_582 = arith.index_cast %mul3A_401 : i32 to index
        %swap3A_583 = arith.constant 32 : index
        %swap3A_584 = tpu.vector_load %arg25[%swap3A_582, %swap3A_583] {strides = array<i32>} : memref<80x80xf32, #tpu.memory_space<vmem>>, vector<16xf32>,
        tpu.vector_store %arg25[%swap3A_582, %swap3A_583], %mul3A_581 {strides = array<i32>} : memref<80x80xf32, #tpu.memory_space<vmem>>, vector<16xf32>,
        %lt3A_585 = arith.constant 0 : i32
        %lt3A_586 = vector.broadcast %lt3A_585 : i32 to vector<16xi32>
        %lt3A_587 = arith.cmpi slt, %broadcast_in_dim3A_9, %lt3A_586 : vector<16xi32>
        %add3A_588 = arith.constant 16 : i32
        %add3A_589 = vector.broadcast %add3A_588 : i32 to vector<16xi32>
        %add3A_590 = arith.addi %broadcast_in_dim3A_9, %add3A_589 : vector<16xi32>
        %select_n3A_591 = arith.select %lt3A_587, %add3A_590, %broadcast_in_dim3A_9 : vector<16xi1>, vector<16xi32>
        %broadcast_in_dim3A_592 = vector.shape_cast %select_n3A_591 : vector<16xi32> to vector<16x1xi32>
        %gather3A_593 = vector.shape_cast %broadcast_in_dim3A_592 : vector<16x1xi32> to vector<16xi32>
        %gather3A_594 = tpu.dynamic_gather %select_n3A_510[%gather3A_593] in [0] : vector<16xf32>, vector<16xi32> -> vector<16xf32>
        %get3A_595 = arith.index_cast %mul3A_401 : i32 to index
        %get3A_596 = arith.constant 48 : index
        %get3A_597 = tpu.vector_load %arg17[%get3A_595, %get3A_596] {strides = array<i32>} : memref<80x128xf32, #tpu.memory_space<vmem>>, vector<16xf32>,
        %mul3A_598 = arith.constant 128 : i32
        %mul3A_599 = arith.muli %mul3A_401, %mul3A_598 : i32
        %add3A_600 = arith.constant 48 : i32
        %add3A_601 = arith.addi %mul3A_599, %add3A_600 : i32
        %get3A_602 = arith.index_cast %add3A_601 : i32 to index
        %get3A_603 = tpu.vector_load %arg21[%get3A_602] {strides = array<i32>} : memref<10240xf32, #tpu.memory_space<vmem>>, vector<16xf32>,
        %mul3A_604 = arith.mulf %get3A_597, %get3A_603 : vector<16xf32>
        %mul3A_605 = arith.mulf %mul3A_604, %gather3A_594 : vector<16xf32>
        %swap3A_606 = arith.index_cast %mul3A_401 : i32 to index
        %swap3A_607 = arith.constant 48 : index
        %swap3A_608 = tpu.vector_load %arg25[%swap3A_606, %swap3A_607] {strides = array<i32>} : memref<80x80xf32, #tpu.memory_space<vmem>>, vector<16xf32>,
        tpu.vector_store %arg25[%swap3A_606, %swap3A_607], %mul3A_605 {strides = array<i32>} : memref<80x80xf32, #tpu.memory_space<vmem>>, vector<16xf32>,
        %mul3A_609 = arith.constant 2 : i32
        %mul3A_610 = arith.muli %mul3A_609, %scan3A_399 : i32
        %add3A_611 = arith.constant 1 : i32
        %add3A_612 = arith.addi %mul3A_610, %add3A_611 : i32
        %broadcast_in_dim3A_613 = arith.constant 0.000000e+00 : f32
        %broadcast_in_dim3A_614 = vector.broadcast %broadcast_in_dim3A_613 : f32 to vector<16xf32>
        %get3A_615 = arith.index_cast %add3A_612 : i32 to index
        %get3A_616 = arith.constant 64 : index
        %get3A_617 = tpu.vector_load %arg17[%get3A_615, %get3A_616] {strides = array<i32>} : memref<80x128xf32, #tpu.memory_space<vmem>>, vector<16xf32>,
        %mul3A_618 = arith.constant 128 : i32
        %mul3A_619 = arith.muli %add3A_612, %mul3A_618 : i32
        %add3A_620 = arith.constant 64 : i32
        %add3A_621 = arith.addi %mul3A_619, %add3A_620 : i32
        %add3A_622 = arith.constant 0 : i32
        %add3A_623 = arith.addi %add3A_621, %add3A_622 : i32
        %get3A_624 = arith.index_cast %add3A_623 : i32 to index
        %get3A_625 = tpu.vector_load %arg21[%get3A_624] {strides = array<i32>} : memref<10240xf32, #tpu.memory_space<vmem>>, vector<16xf32>,
        %get3A_626 = arith.index_cast %add3A_612 : i32 to index
        %get3A_627 = arith.constant 0 : index
        %get3A_628 = tpu.vector_load %arg19[%get3A_626, %get3A_627] {strides = array<i32>} : memref<80x64xf32, #tpu.memory_space<vmem>>, vector<16xf32>,
        %mul3A_629 = arith.mulf %get3A_617, %get3A_625 : vector<16xf32>
        %mul3A_630 = arith.mulf %mul3A_629, %get3A_628 : vector<16xf32>
        %reduce_sum3A_631 = arith.constant true
        %reduce_sum3A_632 = vector.broadcast %reduce_sum3A_631 : i1 to vector<16xi1>
        %reduce_sum3A_633 = tpu.scan <sum>, %mul3A_630 masked %reduce_sum3A_632 : vector<16xf32>, vector<16xi1> -> vector<16xf32>
        %reduce_sum3A_634 = vector.extract %reduce_sum3A_633[15] : f32 from vector<16xf32>
        %eq3A_635 = arith.constant 0 : i32
        %eq3A_636 = vector.broadcast %eq3A_635 : i32 to vector<16xi32>
        %eq3A_637 = arith.cmpi eq, %iota3A, %eq3A_636 : vector<16xi32>
        %broadcast_in_dim3A_638 = vector.broadcast %reduce_sum3A_634 : f32 to vector<16xf32>
        %select_n3A_639 = arith.select %eq3A_637, %broadcast_in_dim3A_638, %broadcast_in_dim3A_614 : vector<16xi1>, vector<16xf32>
        %get3A_640 = arith.index_cast %add3A_612 : i32 to index
        %get3A_641 = arith.constant 80 : index
        %get3A_642 = tpu.vector_load %arg17[%get3A_640, %get3A_641] {strides = array<i32>} : memref<80x128xf32, #tpu.memory_space<vmem>>, vector<16xf32>,
        %mul3A_643 = arith.constant 128 : i32
        %mul3A_644 = arith.muli %add3A_612, %mul3A_643 : i32
        %add3A_645 = arith.constant 64 : i32
        %add3A_646 = arith.addi %mul3A_644, %add3A_645 : i32
        %add3A_647 = arith.constant 16 : i32
        %add3A_648 = arith.addi %add3A_646, %add3A_647 : i32
        %get3A_649 = arith.index_cast %add3A_648 : i32 to index
        %get3A_650 = tpu.vector_load %arg21[%get3A_649] {strides = array<i32>} : memref<10240xf32, #tpu.memory_space<vmem>>, vector<16xf32>,
        %get3A_651 = arith.index_cast %add3A_612 : i32 to index
        %get3A_652 = arith.constant 16 : index
        %get3A_653 = tpu.vector_load %arg19[%get3A_651, %get3A_652] {strides = array<i32>} : memref<80x64xf32, #tpu.memory_space<vmem>>, vector<16xf32>,
        %mul3A_654 = arith.mulf %get3A_642, %get3A_650 : vector<16xf32>
        %mul3A_655 = arith.mulf %mul3A_654, %get3A_653 : vector<16xf32>
        %reduce_sum3A_656 = arith.constant true
        %reduce_sum3A_657 = vector.broadcast %reduce_sum3A_656 : i1 to vector<16xi1>
        %reduce_sum3A_658 = tpu.scan <sum>, %mul3A_655 masked %reduce_sum3A_657 : vector<16xf32>, vector<16xi1> -> vector<16xf32>
        %reduce_sum3A_659 = vector.extract %reduce_sum3A_658[15] : f32 from vector<16xf32>
        %eq3A_660 = arith.constant 1 : i32
        %eq3A_661 = vector.broadcast %eq3A_660 : i32 to vector<16xi32>
        %eq3A_662 = arith.cmpi eq, %iota3A, %eq3A_661 : vector<16xi32>
        %broadcast_in_dim3A_663 = vector.broadcast %reduce_sum3A_659 : f32 to vector<16xf32>
        %select_n3A_664 = arith.select %eq3A_662, %broadcast_in_dim3A_663, %select_n3A_639 : vector<16xi1>, vector<16xf32>
        %get3A_665 = arith.index_cast %add3A_612 : i32 to index
        %get3A_666 = arith.constant 96 : index
        %get3A_667 = tpu.vector_load %arg17[%get3A_665, %get3A_666] {strides = array<i32>} : memref<80x128xf32, #tpu.memory_space<vmem>>, vector<16xf32>,
        %mul3A_668 = arith.constant 128 : i32
        %mul3A_669 = arith.muli %add3A_612, %mul3A_668 : i32
        %add3A_670 = arith.constant 64 : i32
        %add3A_671 = arith.addi %mul3A_669, %add3A_670 : i32
        %add3A_672 = arith.constant 32 : i32
        %add3A_673 = arith.addi %add3A_671, %add3A_672 : i32
        %get3A_674 = arith.index_cast %add3A_673 : i32 to index
        %get3A_675 = tpu.vector_load %arg21[%get3A_674] {strides = array<i32>} : memref<10240xf32, #tpu.memory_space<vmem>>, vector<16xf32>,
        %get3A_676 = arith.index_cast %add3A_612 : i32 to index
        %get3A_677 = arith.constant 32 : index
        %get3A_678 = tpu.vector_load %arg19[%get3A_676, %get3A_677] {strides = array<i32>} : memref<80x64xf32, #tpu.memory_space<vmem>>, vector<16xf32>,
        %mul3A_679 = arith.mulf %get3A_667, %get3A_675 : vector<16xf32>
        %mul3A_680 = arith.mulf %mul3A_679, %get3A_678 : vector<16xf32>
        %reduce_sum3A_681 = arith.constant true
        %reduce_sum3A_682 = vector.broadcast %reduce_sum3A_681 : i1 to vector<16xi1>
        %reduce_sum3A_683 = tpu.scan <sum>, %mul3A_680 masked %reduce_sum3A_682 : vector<16xf32>, vector<16xi1> -> vector<16xf32>
        %reduce_sum3A_684 = vector.extract %reduce_sum3A_683[15] : f32 from vector<16xf32>
        %eq3A_685 = arith.constant 2 : i32
        %eq3A_686 = vector.broadcast %eq3A_685 : i32 to vector<16xi32>
        %eq3A_687 = arith.cmpi eq, %iota3A, %eq3A_686 : vector<16xi32>
        %broadcast_in_dim3A_688 = vector.broadcast %reduce_sum3A_684 : f32 to vector<16xf32>
        %select_n3A_689 = arith.select %eq3A_687, %broadcast_in_dim3A_688, %select_n3A_664 : vector<16xi1>, vector<16xf32>
        %get3A_690 = arith.index_cast %add3A_612 : i32 to index
        %get3A_691 = arith.constant 112 : index
        %get3A_692 = tpu.vector_load %arg17[%get3A_690, %get3A_691] {strides = array<i32>} : memref<80x128xf32, #tpu.memory_space<vmem>>, vector<16xf32>,
        %mul3A_693 = arith.constant 128 : i32
        %mul3A_694 = arith.muli %add3A_612, %mul3A_693 : i32
        %add3A_695 = arith.constant 64 : i32
        %add3A_696 = arith.addi %mul3A_694, %add3A_695 : i32
        %add3A_697 = arith.constant 48 : i32
        %add3A_698 = arith.addi %add3A_696, %add3A_697 : i32
        %get3A_699 = arith.index_cast %add3A_698 : i32 to index
        %get3A_700 = tpu.vector_load %arg21[%get3A_699] {strides = array<i32>} : memref<10240xf32, #tpu.memory_space<vmem>>, vector<16xf32>,
        %get3A_701 = arith.index_cast %add3A_612 : i32 to index
        %get3A_702 = arith.constant 48 : index
        %get3A_703 = tpu.vector_load %arg19[%get3A_701, %get3A_702] {strides = array<i32>} : memref<80x64xf32, #tpu.memory_space<vmem>>, vector<16xf32>,
        %mul3A_704 = arith.mulf %get3A_692, %get3A_700 : vector<16xf32>
        %mul3A_705 = arith.mulf %mul3A_704, %get3A_703 : vector<16xf32>
        %reduce_sum3A_706 = arith.constant true
        %reduce_sum3A_707 = vector.broadcast %reduce_sum3A_706 : i1 to vector<16xi1>
        %reduce_sum3A_708 = tpu.scan <sum>, %mul3A_705 masked %reduce_sum3A_707 : vector<16xf32>, vector<16xi1> -> vector<16xf32>
        %reduce_sum3A_709 = vector.extract %reduce_sum3A_708[15] : f32 from vector<16xf32>
        %eq3A_710 = arith.constant 3 : i32
        %eq3A_711 = vector.broadcast %eq3A_710 : i32 to vector<16xi32>
        %eq3A_712 = arith.cmpi eq, %iota3A, %eq3A_711 : vector<16xi32>
        %broadcast_in_dim3A_713 = vector.broadcast %reduce_sum3A_709 : f32 to vector<16xf32>
        %select_n3A_714 = arith.select %eq3A_712, %broadcast_in_dim3A_713, %select_n3A_689 : vector<16xi1>, vector<16xf32>
        %swap3A_715 = arith.index_cast %add3A_612 : i32 to index
        %swap3A_716 = arith.constant 0 : index
        %swap3A_717 = tpu.vector_load %arg23[%swap3A_715, %swap3A_716] {strides = array<i32>} : memref<80x16xf32, #tpu.memory_space<vmem>>, vector<16xf32>,
        tpu.vector_store %arg23[%swap3A_715, %swap3A_716], %select_n3A_714 {strides = array<i32>} : memref<80x16xf32, #tpu.memory_space<vmem>>, vector<16xf32>,
        %max3A_718 = arith.constant -6.000000e+01 : f32
        %max3A_719 = vector.broadcast %max3A_718 : f32 to vector<16xf32>
        %max3A_720 = arith.maximumf %select_n3A_714, %max3A_719 : vector<16xf32>
        %min3A_721 = arith.constant 6.000000e+01 : f32
        %min3A_722 = vector.broadcast %min3A_721 : f32 to vector<16xf32>
        %min3A_723 = arith.minimumf %max3A_720, %min3A_722 : vector<16xf32>
        %exp3A_724 = math.exp %min3A_723 : vector<16xf32>
        %lt3A_725 = arith.constant 4 : i32
        %lt3A_726 = vector.broadcast %lt3A_725 : i32 to vector<16xi32>
        %lt3A_727 = arith.cmpi slt, %iota3A, %lt3A_726 : vector<16xi32>
        %jit3A_728 = arith.constant 0.000000e+00 : f32
        %broadcast_in_dim3A_729 = vector.broadcast %jit3A_728 : f32 to vector<16xf32>
        %select_n3A_730 = arith.select %lt3A_727, %exp3A_724, %broadcast_in_dim3A_729 : vector<16xi1>, vector<16xf32>
        %swap3A_731 = arith.index_cast %add3A_612 : i32 to index
        %swap3A_732 = arith.constant 64 : index
        %swap3A_733 = tpu.vector_load %arg25[%swap3A_731, %swap3A_732] {strides = array<i32>} : memref<80x80xf32, #tpu.memory_space<vmem>>, vector<16xf32>,
        tpu.vector_store %arg25[%swap3A_731, %swap3A_732], %select_n3A_730 {strides = array<i32>} : memref<80x80xf32, #tpu.memory_space<vmem>>, vector<16xf32>,
        %lt3A_734 = arith.constant 0 : i32
        %lt3A_735 = vector.broadcast %lt3A_734 : i32 to vector<16xi32>
        %lt3A_736 = arith.cmpi slt, %broadcast_in_dim3A_3, %lt3A_735 : vector<16xi32>
        %add3A_737 = arith.constant 16 : i32
        %add3A_738 = vector.broadcast %add3A_737 : i32 to vector<16xi32>
        %add3A_739 = arith.addi %broadcast_in_dim3A_3, %add3A_738 : vector<16xi32>
        %select_n3A_740 = arith.select %lt3A_736, %add3A_739, %broadcast_in_dim3A_3 : vector<16xi1>, vector<16xi32>
        %broadcast_in_dim3A_741 = vector.shape_cast %select_n3A_740 : vector<16xi32> to vector<16x1xi32>
        %gather3A_742 = vector.shape_cast %broadcast_in_dim3A_741 : vector<16x1xi32> to vector<16xi32>
        %gather3A_743 = tpu.dynamic_gather %select_n3A_730[%gather3A_742] in [0] : vector<16xf32>, vector<16xi32> -> vector<16xf32>
        %get3A_744 = arith.index_cast %add3A_612 : i32 to index
        %get3A_745 = arith.constant 0 : index
        %get3A_746 = tpu.vector_load %arg17[%get3A_744, %get3A_745] {strides = array<i32>} : memref<80x128xf32, #tpu.memory_space<vmem>>, vector<16xf32>,
        %mul3A_747 = arith.constant 128 : i32
        %mul3A_748 = arith.muli %add3A_612, %mul3A_747 : i32
        %add3A_749 = arith.constant 0 : i32
        %add3A_750 = arith.addi %mul3A_748, %add3A_749 : i32
        %get3A_751 = arith.index_cast %add3A_750 : i32 to index
        %get3A_752 = tpu.vector_load %arg21[%get3A_751] {strides = array<i32>} : memref<10240xf32, #tpu.memory_space<vmem>>, vector<16xf32>,
        %mul3A_753 = arith.mulf %get3A_746, %get3A_752 : vector<16xf32>
        %mul3A_754 = arith.mulf %mul3A_753, %gather3A_743 : vector<16xf32>
        %swap3A_755 = arith.index_cast %add3A_612 : i32 to index
        %swap3A_756 = arith.constant 0 : index
        %swap3A_757 = tpu.vector_load %arg25[%swap3A_755, %swap3A_756] {strides = array<i32>} : memref<80x80xf32, #tpu.memory_space<vmem>>, vector<16xf32>,
        tpu.vector_store %arg25[%swap3A_755, %swap3A_756], %mul3A_754 {strides = array<i32>} : memref<80x80xf32, #tpu.memory_space<vmem>>, vector<16xf32>,
        %lt3A_758 = arith.constant 0 : i32
        %lt3A_759 = vector.broadcast %lt3A_758 : i32 to vector<16xi32>
        %lt3A_760 = arith.cmpi slt, %broadcast_in_dim3A_5, %lt3A_759 : vector<16xi32>
        %add3A_761 = arith.constant 16 : i32
        %add3A_762 = vector.broadcast %add3A_761 : i32 to vector<16xi32>
        %add3A_763 = arith.addi %broadcast_in_dim3A_5, %add3A_762 : vector<16xi32>
        %select_n3A_764 = arith.select %lt3A_760, %add3A_763, %broadcast_in_dim3A_5 : vector<16xi1>, vector<16xi32>
        %broadcast_in_dim3A_765 = vector.shape_cast %select_n3A_764 : vector<16xi32> to vector<16x1xi32>
        %gather3A_766 = vector.shape_cast %broadcast_in_dim3A_765 : vector<16x1xi32> to vector<16xi32>
        %gather3A_767 = tpu.dynamic_gather %select_n3A_730[%gather3A_766] in [0] : vector<16xf32>, vector<16xi32> -> vector<16xf32>
        %get3A_768 = arith.index_cast %add3A_612 : i32 to index
        %get3A_769 = arith.constant 16 : index
        %get3A_770 = tpu.vector_load %arg17[%get3A_768, %get3A_769] {strides = array<i32>} : memref<80x128xf32, #tpu.memory_space<vmem>>, vector<16xf32>,
        %mul3A_771 = arith.constant 128 : i32
        %mul3A_772 = arith.muli %add3A_612, %mul3A_771 : i32
        %add3A_773 = arith.constant 16 : i32
        %add3A_774 = arith.addi %mul3A_772, %add3A_773 : i32
        %get3A_775 = arith.index_cast %add3A_774 : i32 to index
        %get3A_776 = tpu.vector_load %arg21[%get3A_775] {strides = array<i32>} : memref<10240xf32, #tpu.memory_space<vmem>>, vector<16xf32>,
        %mul3A_777 = arith.mulf %get3A_770, %get3A_776 : vector<16xf32>
        %mul3A_778 = arith.mulf %mul3A_777, %gather3A_767 : vector<16xf32>
        %swap3A_779 = arith.index_cast %add3A_612 : i32 to index
        %swap3A_780 = arith.constant 16 : index
        %swap3A_781 = tpu.vector_load %arg25[%swap3A_779, %swap3A_780] {strides = array<i32>} : memref<80x80xf32, #tpu.memory_space<vmem>>, vector<16xf32>,
        tpu.vector_store %arg25[%swap3A_779, %swap3A_780], %mul3A_778 {strides = array<i32>} : memref<80x80xf32, #tpu.memory_space<vmem>>, vector<16xf32>,
        %lt3A_782 = arith.constant 0 : i32
        %lt3A_783 = vector.broadcast %lt3A_782 : i32 to vector<16xi32>
        %lt3A_784 = arith.cmpi slt, %broadcast_in_dim3A_7, %lt3A_783 : vector<16xi32>
        %add3A_785 = arith.constant 16 : i32
        %add3A_786 = vector.broadcast %add3A_785 : i32 to vector<16xi32>
        %add3A_787 = arith.addi %broadcast_in_dim3A_7, %add3A_786 : vector<16xi32>
        %select_n3A_788 = arith.select %lt3A_784, %add3A_787, %broadcast_in_dim3A_7 : vector<16xi1>, vector<16xi32>
        %broadcast_in_dim3A_789 = vector.shape_cast %select_n3A_788 : vector<16xi32> to vector<16x1xi32>
        %gather3A_790 = vector.shape_cast %broadcast_in_dim3A_789 : vector<16x1xi32> to vector<16xi32>
        %gather3A_791 = tpu.dynamic_gather %select_n3A_730[%gather3A_790] in [0] : vector<16xf32>, vector<16xi32> -> vector<16xf32>
        %get3A_792 = arith.index_cast %add3A_612 : i32 to index
        %get3A_793 = arith.constant 32 : index
        %get3A_794 = tpu.vector_load %arg17[%get3A_792, %get3A_793] {strides = array<i32>} : memref<80x128xf32, #tpu.memory_space<vmem>>, vector<16xf32>,
        %mul3A_795 = arith.constant 128 : i32
        %mul3A_796 = arith.muli %add3A_612, %mul3A_795 : i32
        %add3A_797 = arith.constant 32 : i32
        %add3A_798 = arith.addi %mul3A_796, %add3A_797 : i32
        %get3A_799 = arith.index_cast %add3A_798 : i32 to index
        %get3A_800 = tpu.vector_load %arg21[%get3A_799] {strides = array<i32>} : memref<10240xf32, #tpu.memory_space<vmem>>, vector<16xf32>,
        %mul3A_801 = arith.mulf %get3A_794, %get3A_800 : vector<16xf32>
        %mul3A_802 = arith.mulf %mul3A_801, %gather3A_791 : vector<16xf32>
        %swap3A_803 = arith.index_cast %add3A_612 : i32 to index
        %swap3A_804 = arith.constant 32 : index
        %swap3A_805 = tpu.vector_load %arg25[%swap3A_803, %swap3A_804] {strides = array<i32>} : memref<80x80xf32, #tpu.memory_space<vmem>>, vector<16xf32>,
        tpu.vector_store %arg25[%swap3A_803, %swap3A_804], %mul3A_802 {strides = array<i32>} : memref<80x80xf32, #tpu.memory_space<vmem>>, vector<16xf32>,
        %lt3A_806 = arith.constant 0 : i32
        %lt3A_807 = vector.broadcast %lt3A_806 : i32 to vector<16xi32>
        %lt3A_808 = arith.cmpi slt, %broadcast_in_dim3A_9, %lt3A_807 : vector<16xi32>
        %add3A_809 = arith.constant 16 : i32
        %add3A_810 = vector.broadcast %add3A_809 : i32 to vector<16xi32>
        %add3A_811 = arith.addi %broadcast_in_dim3A_9, %add3A_810 : vector<16xi32>
        %select_n3A_812 = arith.select %lt3A_808, %add3A_811, %broadcast_in_dim3A_9 : vector<16xi1>, vector<16xi32>
        %broadcast_in_dim3A_813 = vector.shape_cast %select_n3A_812 : vector<16xi32> to vector<16x1xi32>
        %gather3A_814 = vector.shape_cast %broadcast_in_dim3A_813 : vector<16x1xi32> to vector<16xi32>
        %gather3A_815 = tpu.dynamic_gather %select_n3A_730[%gather3A_814] in [0] : vector<16xf32>, vector<16xi32> -> vector<16xf32>
        %get3A_816 = arith.index_cast %add3A_612 : i32 to index
        %get3A_817 = arith.constant 48 : index
        %get3A_818 = tpu.vector_load %arg17[%get3A_816, %get3A_817] {strides = array<i32>} : memref<80x128xf32, #tpu.memory_space<vmem>>, vector<16xf32>,
        %mul3A_819 = arith.constant 128 : i32
        %mul3A_820 = arith.muli %add3A_612, %mul3A_819 : i32
        %add3A_821 = arith.constant 48 : i32
        %add3A_822 = arith.addi %mul3A_820, %add3A_821 : i32
        %get3A_823 = arith.index_cast %add3A_822 : i32 to index
        %get3A_824 = tpu.vector_load %arg21[%get3A_823] {strides = array<i32>} : memref<10240xf32, #tpu.memory_space<vmem>>, vector<16xf32>,
        %mul3A_825 = arith.mulf %get3A_818, %get3A_824 : vector<16xf32>
        %mul3A_826 = arith.mulf %mul3A_825, %gather3A_815 : vector<16xf32>
        %swap3A_827 = arith.index_cast %add3A_612 : i32 to index
        %swap3A_828 = arith.constant 48 : index
        %swap3A_829 = tpu.vector_load %arg25[%swap3A_827, %swap3A_828] {strides = array<i32>} : memref<80x80xf32, #tpu.memory_space<vmem>>, vector<16xf32>,
        tpu.vector_store %arg25[%swap3A_827, %swap3A_828], %mul3A_826 {strides = array<i32>} : memref<80x80xf32, #tpu.memory_space<vmem>>, vector<16xf32>,
      }
      %scan3A_187 = arith.constant 40 : i32
      %dma_start3A_188 = arith.constant 0 : i32
      %dma_start3A_189 = arith.constant 0 : i32
      %dma_start3A_190 = tpu.memref_slice %arg27[%dma_start3A_188, %dma_start3A_189] : memref<10000x80xf32, #tpu.memory_space<vmem_shared>> -> memref<10000x80xf32, #tpu.memory_space<vmem_shared>>
      tpu.enqueue_indirect_dma source(%arg25 : memref<80x80xf32, #tpu.memory_space<vmem>>) target(%dma_start3A_190 : memref<10000x80xf32, #tpu.memory_space<vmem_shared>>) offsets(%arg13 : memref<80xi32, #tpu.memory_space<vmem>>) semaphore(%arg36 : memref<!tpu.dma_semaphore, #tpu.memory_space<semaphore_mem>>) {add = true}
      %mul3A_191 = arith.constant 80 : i32
      %mul3A_192 = arith.muli %add3A_146, %mul3A_191 : i32
      %add3A_193 = arith.addi %mul3A_2, %mul3A_192 : i32
      %dma_start3A_194 = arith.constant 0 : i32
      %dma_start3A_195 = tpu.memref_slice %arg7[%add3A_193, %dma_start3A_194] : memref<320000x16xf32, #tpu.memory_space<hbm>> -> memref<80x16xf32, #tpu.memory_space<hbm>>
      %dma_start3A_196 = arith.constant 0 : i32
      %dma_start3A_197 = tpu.memref_slice %arg7[%add3A_193, %dma_start3A_196] : memref<320000x16xf32, #tpu.memory_space<hbm>> -> memref<80x16xf32, #tpu.memory_space<hbm>>
      tpu.enqueue_dma source(%arg23 : memref<80x16xf32, #tpu.memory_space<vmem>>) target(%dma_start3A_197 : memref<80x16xf32, #tpu.memory_space<hbm>>) target_semaphore(%arg34 : memref<!tpu.dma_semaphore, #tpu.memory_space<semaphore_mem>>)
      %add3A_198 = arith.constant 2 : i32
      %add3A_199 = arith.addi %add3A_146, %add3A_198 : i32
      %lt3A = arith.constant 125 : i32
      %lt3A_200 = arith.cmpi slt, %add3A_199, %lt3A : i32
      %convert_element_type3A_201 = arith.extui %lt3A_200 : i1 to i32
      %cond3A_202 = arith.constant 0 : i32
      %cond3A_203 = arith.cmpi ne, %convert_element_type3A_201, %cond3A_202 : i32
      scf.if %cond3A_203 {
        %add3A_399 = arith.constant 2 : i32
        %add3A_400 = arith.addi %add3A_146, %add3A_399 : i32
        %mul3A_401 = arith.constant 80 : i32
        %mul3A_402 = arith.muli %add3A_400, %mul3A_401 : i32
        %add3A_403 = arith.addi %mul3A_2, %mul3A_402 : i32
        %dma_start3A_404 = tpu.memref_slice %arg2[%add3A_403] : memref<320000xi32, #tpu.memory_space<hbm>> -> memref<80xi32, #tpu.memory_space<hbm>>
        %dma_start3A_405 = tpu.memref_slice %arg2[%add3A_403] : memref<320000xi32, #tpu.memory_space<hbm>> -> memref<80xi32, #tpu.memory_space<hbm>>
        tpu.enqueue_dma source(%dma_start3A_405 : memref<80xi32, #tpu.memory_space<hbm>>) target(%arg11 : memref<80xi32, #tpu.memory_space<vmem>>) target_semaphore(%arg30 : memref<!tpu.dma_semaphore, #tpu.memory_space<semaphore_mem>>)
        %dma_start3A_406 = tpu.memref_slice %arg3[%add3A_403] : memref<320000xi32, #tpu.memory_space<hbm>> -> memref<80xi32, #tpu.memory_space<hbm>>
        %dma_start3A_407 = tpu.memref_slice %arg3[%add3A_403] : memref<320000xi32, #tpu.memory_space<hbm>> -> memref<80xi32, #tpu.memory_space<hbm>>
        tpu.enqueue_dma source(%dma_start3A_407 : memref<80xi32, #tpu.memory_space<hbm>>) target(%arg15 : memref<80xi32, #tpu.memory_space<vmem>>) target_semaphore(%arg30 : memref<!tpu.dma_semaphore, #tpu.memory_space<semaphore_mem>>)
      } else {
      }
      %mul3A_204 = arith.constant 4 : i32
      %mul3A_205 = arith.muli %mul3A_204, %scan3A_142 : i32
      %add3A_206 = arith.constant 1 : i32
      %add3A_207 = arith.addi %mul3A_205, %add3A_206 : i32
      %dma_wait3A_208 = arith.constant 0 : i32
      %dma_wait3A_209 = tpu.memref_slice %arg2[%dma_wait3A_208] : memref<320000xi32, #tpu.memory_space<hbm>> -> memref<80xi32, #tpu.memory_space<hbm>>
      %dma_wait3A_210 = arith.constant 0 : i32
      %dma_wait3A_211 = tpu.memref_slice %arg2[%dma_wait3A_210] : memref<320000xi32, #tpu.memory_space<hbm>> -> memref<80xi32, #tpu.memory_space<hbm>>
      tpu.wait_dma2 semaphore(%arg30 : memref<!tpu.dma_semaphore, #tpu.memory_space<semaphore_mem>>) src(%dma_wait3A_211 : memref<80xi32, #tpu.memory_space<hbm>>) dst(%arg11 : memref<80xi32, #tpu.memory_space<vmem>>)
      %dma_wait3A_212 = arith.constant 0 : i32
      %dma_wait3A_213 = tpu.memref_slice %arg3[%dma_wait3A_212] : memref<320000xi32, #tpu.memory_space<hbm>> -> memref<80xi32, #tpu.memory_space<hbm>>
      %dma_wait3A_214 = arith.constant 0 : i32
      %dma_wait3A_215 = tpu.memref_slice %arg3[%dma_wait3A_214] : memref<320000xi32, #tpu.memory_space<hbm>> -> memref<80xi32, #tpu.memory_space<hbm>>
      tpu.wait_dma2 semaphore(%arg30 : memref<!tpu.dma_semaphore, #tpu.memory_space<semaphore_mem>>) src(%dma_wait3A_215 : memref<80xi32, #tpu.memory_space<hbm>>) dst(%arg15 : memref<80xi32, #tpu.memory_space<vmem>>)
      %add3A_216 = arith.constant 1 : i32
      %add3A_217 = arith.addi %add3A_207, %add3A_216 : i32
      %mul3A_218 = arith.constant 80 : i32
      %mul3A_219 = arith.muli %add3A_217, %mul3A_218 : i32
      %add3A_220 = arith.addi %mul3A_2, %mul3A_219 : i32
      %mul3A_221 = arith.constant 128 : i32
      %mul3A_222 = arith.muli %add3A_220, %mul3A_221 : i32
      %dma_start3A_223 = tpu.memref_slice %arg6[%mul3A_222] : memref<40960000xf32, #tpu.memory_space<hbm>> -> memref<10240xf32, #tpu.memory_space<hbm>>
      %dma_start3A_224 = tpu.memref_slice %arg6[%mul3A_222] : memref<40960000xf32, #tpu.memory_space<hbm>> -> memref<10240xf32, #tpu.memory_space<hbm>>
      tpu.enqueue_dma source(%dma_start3A_224 : memref<10240xf32, #tpu.memory_space<hbm>>) target(%arg21 : memref<10240xf32, #tpu.memory_space<vmem>>) target_semaphore(%arg32 : memref<!tpu.dma_semaphore, #tpu.memory_space<semaphore_mem>>)
      %dma_start3A_225 = arith.constant 0 : i32
      %dma_start3A_226 = arith.constant 0 : i32
      %dma_start3A_227 = tpu.memref_slice %arg4[%dma_start3A_225, %dma_start3A_226] : memref<10000x128xf32, #tpu.memory_space<hbm>> -> memref<10000x128xf32, #tpu.memory_space<hbm>>
      tpu.enqueue_indirect_dma source(%dma_start3A_227 : memref<10000x128xf32, #tpu.memory_space<hbm>>) target(%arg17 : memref<80x128xf32, #tpu.memory_space<vmem>>) offsets(%arg11 : memref<80xi32, #tpu.memory_space<vmem>>) semaphore(%arg32 : memref<!tpu.dma_semaphore, #tpu.memory_space<semaphore_mem>>)
      %dma_start3A_228 = arith.constant 0 : i32
      %dma_start3A_229 = arith.constant 0 : i32
      %dma_start3A_230 = tpu.memref_slice %arg5[%dma_start3A_228, %dma_start3A_229] : memref<10000x64xf32, #tpu.memory_space<hbm>> -> memref<10000x64xf32, #tpu.memory_space<hbm>>
      tpu.enqueue_indirect_dma source(%dma_start3A_230 : memref<10000x64xf32, #tpu.memory_space<hbm>>) target(%arg19 : memref<80x64xf32, #tpu.memory_space<vmem>>) offsets(%arg15 : memref<80xi32, #tpu.memory_space<vmem>>) semaphore(%arg32 : memref<!tpu.dma_semaphore, #tpu.memory_space<semaphore_mem>>)
      %dma_wait3A_231 = arith.constant 0 : i32
      %dma_wait3A_232 = tpu.memref_slice %arg6[%dma_wait3A_231] : memref<40960000xf32, #tpu.memory_space<hbm>> -> memref<10240xf32, #tpu.memory_space<hbm>>
      %dma_wait3A_233 = arith.constant 0 : i32
      %dma_wait3A_234 = tpu.memref_slice %arg6[%dma_wait3A_233] : memref<40960000xf32, #tpu.memory_space<hbm>> -> memref<10240xf32, #tpu.memory_space<hbm>>
      tpu.wait_dma2 semaphore(%arg33 : memref<!tpu.dma_semaphore, #tpu.memory_space<semaphore_mem>>) src(%dma_wait3A_234 : memref<10240xf32, #tpu.memory_space<hbm>>) dst(%arg22 : memref<10240xf32, #tpu.memory_space<vmem>>)
      %dma_wait3A_235 = arith.constant 0 : i32
      %dma_wait3A_236 = arith.constant 0 : i32
      %dma_wait3A_237 = tpu.memref_slice %arg4[%dma_wait3A_235, %dma_wait3A_236] : memref<10000x128xf32, #tpu.memory_space<hbm>> -> memref<10000x128xf32, #tpu.memory_space<hbm>>
      tpu.wait_indirect_dma semaphore(%arg33 : memref<!tpu.dma_semaphore, #tpu.memory_space<semaphore_mem>>) src(%dma_wait3A_237 : memref<10000x128xf32, #tpu.memory_space<hbm>>) dst(%arg18 : memref<80x128xf32, #tpu.memory_space<vmem>>)
      %dma_wait3A_238 = arith.constant 0 : i32
      %dma_wait3A_239 = arith.constant 0 : i32
      %dma_wait3A_240 = tpu.memref_slice %arg5[%dma_wait3A_238, %dma_wait3A_239] : memref<10000x64xf32, #tpu.memory_space<hbm>> -> memref<10000x64xf32, #tpu.memory_space<hbm>>
      tpu.wait_indirect_dma semaphore(%arg33 : memref<!tpu.dma_semaphore, #tpu.memory_space<semaphore_mem>>) src(%dma_wait3A_240 : memref<10000x64xf32, #tpu.memory_space<hbm>>) dst(%arg20 : memref<80x64xf32, #tpu.memory_space<vmem>>)
      %ge3A_241 = arith.constant 2 : i32
      %ge3A_242 = arith.cmpi sge, %add3A_207, %ge3A_241 : i32
      %convert_element_type3A_243 = arith.extui %ge3A_242 : i1 to i32
      %cond3A_244 = arith.constant 0 : i32
      %cond3A_245 = arith.cmpi ne, %convert_element_type3A_243, %cond3A_244 : i32
      scf.if %cond3A_245 {
        %dma_wait3A_399 = arith.constant 0 : i32
        %dma_wait3A_400 = arith.constant 0 : i32
        %dma_wait3A_401 = tpu.memref_slice %arg27[%dma_wait3A_399, %dma_wait3A_400] : memref<10000x80xf32, #tpu.memory_space<vmem_shared>> -> memref<10000x80xf32, #tpu.memory_space<vmem_shared>>
        tpu.wait_indirect_dma semaphore(%arg37 : memref<!tpu.dma_semaphore, #tpu.memory_space<semaphore_mem>>) src(%arg26 : memref<80x80xf32, #tpu.memory_space<vmem>>) dst(%dma_wait3A_401 : memref<10000x80xf32, #tpu.memory_space<vmem_shared>>)
        %dma_wait3A_402 = arith.constant 0 : i32
        %dma_wait3A_403 = arith.constant 0 : i32
        %dma_wait3A_404 = tpu.memref_slice %arg7[%dma_wait3A_402, %dma_wait3A_403] : memref<320000x16xf32, #tpu.memory_space<hbm>> -> memref<80x16xf32, #tpu.memory_space<hbm>>
        %dma_wait3A_405 = arith.constant 0 : i32
        %dma_wait3A_406 = arith.constant 0 : i32
        %dma_wait3A_407 = tpu.memref_slice %arg7[%dma_wait3A_405, %dma_wait3A_406] : memref<320000x16xf32, #tpu.memory_space<hbm>> -> memref<80x16xf32, #tpu.memory_space<hbm>>
        tpu.wait_dma2 semaphore(%arg35 : memref<!tpu.dma_semaphore, #tpu.memory_space<semaphore_mem>>) src(%arg24 : memref<80x16xf32, #tpu.memory_space<vmem>>) dst(%dma_wait3A_407 : memref<80x16xf32, #tpu.memory_space<hbm>>)
      } else {
      }
      %scan3A_246 = arith.constant 0 : i32
      %scan3A_247 = arith.constant 0 : i32
      %scan3A_248 = arith.constant 40 : i32
      %scan3A_249 = arith.addi %scan3A_247, %scan3A_248 : i32
      %scan3A_250 = arith.constant 1 : i32
      scf.for %scan3A_399 = %scan3A_247 to %scan3A_249 step %scan3A_250  : i32 {
        %mul3A_400 = arith.constant 2 : i32
        %mul3A_401 = arith.muli %mul3A_400, %scan3A_399 : i32
        %broadcast_in_dim3A_402 = arith.constant 0.000000e+00 : f32
        %broadcast_in_dim3A_403 = vector.broadcast %broadcast_in_dim3A_402 : f32 to vector<16xf32>
        %get3A = arith.index_cast %mul3A_401 : i32 to index
        %get3A_404 = arith.constant 64 : index
        %get3A_405 = tpu.vector_load %arg18[%get3A, %get3A_404] {strides = array<i32>} : memref<80x128xf32, #tpu.memory_space<vmem>>, vector<16xf32>,
        %mul3A_406 = arith.constant 128 : i32
        %mul3A_407 = arith.muli %mul3A_401, %mul3A_406 : i32
        %add3A_408 = arith.constant 64 : i32
        %add3A_409 = arith.addi %mul3A_407, %add3A_408 : i32
        %add3A_410 = arith.constant 0 : i32
        %add3A_411 = arith.addi %add3A_409, %add3A_410 : i32
        %get3A_412 = arith.index_cast %add3A_411 : i32 to index
        %get3A_413 = tpu.vector_load %arg22[%get3A_412] {strides = array<i32>} : memref<10240xf32, #tpu.memory_space<vmem>>, vector<16xf32>,
        %get3A_414 = arith.index_cast %mul3A_401 : i32 to index
        %get3A_415 = arith.constant 0 : index
        %get3A_416 = tpu.vector_load %arg20[%get3A_414, %get3A_415] {strides = array<i32>} : memref<80x64xf32, #tpu.memory_space<vmem>>, vector<16xf32>,
        %mul3A_417 = arith.mulf %get3A_405, %get3A_413 : vector<16xf32>
        %mul3A_418 = arith.mulf %mul3A_417, %get3A_416 : vector<16xf32>
        %reduce_sum3A = arith.constant true
        %reduce_sum3A_419 = vector.broadcast %reduce_sum3A : i1 to vector<16xi1>
        %reduce_sum3A_420 = tpu.scan <sum>, %mul3A_418 masked %reduce_sum3A_419 : vector<16xf32>, vector<16xi1> -> vector<16xf32>
        %reduce_sum3A_421 = vector.extract %reduce_sum3A_420[15] : f32 from vector<16xf32>
        %eq3A = arith.constant 0 : i32
        %eq3A_422 = vector.broadcast %eq3A : i32 to vector<16xi32>
        %eq3A_423 = arith.cmpi eq, %iota3A, %eq3A_422 : vector<16xi32>
        %broadcast_in_dim3A_424 = vector.broadcast %reduce_sum3A_421 : f32 to vector<16xf32>
        %select_n3A = arith.select %eq3A_423, %broadcast_in_dim3A_424, %broadcast_in_dim3A_403 : vector<16xi1>, vector<16xf32>
        %get3A_425 = arith.index_cast %mul3A_401 : i32 to index
        %get3A_426 = arith.constant 80 : index
        %get3A_427 = tpu.vector_load %arg18[%get3A_425, %get3A_426] {strides = array<i32>} : memref<80x128xf32, #tpu.memory_space<vmem>>, vector<16xf32>,
        %mul3A_428 = arith.constant 128 : i32
        %mul3A_429 = arith.muli %mul3A_401, %mul3A_428 : i32
        %add3A_430 = arith.constant 64 : i32
        %add3A_431 = arith.addi %mul3A_429, %add3A_430 : i32
        %add3A_432 = arith.constant 16 : i32
        %add3A_433 = arith.addi %add3A_431, %add3A_432 : i32
        %get3A_434 = arith.index_cast %add3A_433 : i32 to index
        %get3A_435 = tpu.vector_load %arg22[%get3A_434] {strides = array<i32>} : memref<10240xf32, #tpu.memory_space<vmem>>, vector<16xf32>,
        %get3A_436 = arith.index_cast %mul3A_401 : i32 to index
        %get3A_437 = arith.constant 16 : index
        %get3A_438 = tpu.vector_load %arg20[%get3A_436, %get3A_437] {strides = array<i32>} : memref<80x64xf32, #tpu.memory_space<vmem>>, vector<16xf32>,
        %mul3A_439 = arith.mulf %get3A_427, %get3A_435 : vector<16xf32>
        %mul3A_440 = arith.mulf %mul3A_439, %get3A_438 : vector<16xf32>
        %reduce_sum3A_441 = arith.constant true
        %reduce_sum3A_442 = vector.broadcast %reduce_sum3A_441 : i1 to vector<16xi1>
        %reduce_sum3A_443 = tpu.scan <sum>, %mul3A_440 masked %reduce_sum3A_442 : vector<16xf32>, vector<16xi1> -> vector<16xf32>
        %reduce_sum3A_444 = vector.extract %reduce_sum3A_443[15] : f32 from vector<16xf32>
        %eq3A_445 = arith.constant 1 : i32
        %eq3A_446 = vector.broadcast %eq3A_445 : i32 to vector<16xi32>
        %eq3A_447 = arith.cmpi eq, %iota3A, %eq3A_446 : vector<16xi32>
        %broadcast_in_dim3A_448 = vector.broadcast %reduce_sum3A_444 : f32 to vector<16xf32>
        %select_n3A_449 = arith.select %eq3A_447, %broadcast_in_dim3A_448, %select_n3A : vector<16xi1>, vector<16xf32>
        %get3A_450 = arith.index_cast %mul3A_401 : i32 to index
        %get3A_451 = arith.constant 96 : index
        %get3A_452 = tpu.vector_load %arg18[%get3A_450, %get3A_451] {strides = array<i32>} : memref<80x128xf32, #tpu.memory_space<vmem>>, vector<16xf32>,
        %mul3A_453 = arith.constant 128 : i32
        %mul3A_454 = arith.muli %mul3A_401, %mul3A_453 : i32
        %add3A_455 = arith.constant 64 : i32
        %add3A_456 = arith.addi %mul3A_454, %add3A_455 : i32
        %add3A_457 = arith.constant 32 : i32
        %add3A_458 = arith.addi %add3A_456, %add3A_457 : i32
        %get3A_459 = arith.index_cast %add3A_458 : i32 to index
        %get3A_460 = tpu.vector_load %arg22[%get3A_459] {strides = array<i32>} : memref<10240xf32, #tpu.memory_space<vmem>>, vector<16xf32>,
        %get3A_461 = arith.index_cast %mul3A_401 : i32 to index
        %get3A_462 = arith.constant 32 : index
        %get3A_463 = tpu.vector_load %arg20[%get3A_461, %get3A_462] {strides = array<i32>} : memref<80x64xf32, #tpu.memory_space<vmem>>, vector<16xf32>,
        %mul3A_464 = arith.mulf %get3A_452, %get3A_460 : vector<16xf32>
        %mul3A_465 = arith.mulf %mul3A_464, %get3A_463 : vector<16xf32>
        %reduce_sum3A_466 = arith.constant true
        %reduce_sum3A_467 = vector.broadcast %reduce_sum3A_466 : i1 to vector<16xi1>
        %reduce_sum3A_468 = tpu.scan <sum>, %mul3A_465 masked %reduce_sum3A_467 : vector<16xf32>, vector<16xi1> -> vector<16xf32>
        %reduce_sum3A_469 = vector.extract %reduce_sum3A_468[15] : f32 from vector<16xf32>
        %eq3A_470 = arith.constant 2 : i32
        %eq3A_471 = vector.broadcast %eq3A_470 : i32 to vector<16xi32>
        %eq3A_472 = arith.cmpi eq, %iota3A, %eq3A_471 : vector<16xi32>
        %broadcast_in_dim3A_473 = vector.broadcast %reduce_sum3A_469 : f32 to vector<16xf32>
        %select_n3A_474 = arith.select %eq3A_472, %broadcast_in_dim3A_473, %select_n3A_449 : vector<16xi1>, vector<16xf32>
        %get3A_475 = arith.index_cast %mul3A_401 : i32 to index
        %get3A_476 = arith.constant 112 : index
        %get3A_477 = tpu.vector_load %arg18[%get3A_475, %get3A_476] {strides = array<i32>} : memref<80x128xf32, #tpu.memory_space<vmem>>, vector<16xf32>,
        %mul3A_478 = arith.constant 128 : i32
        %mul3A_479 = arith.muli %mul3A_401, %mul3A_478 : i32
        %add3A_480 = arith.constant 64 : i32
        %add3A_481 = arith.addi %mul3A_479, %add3A_480 : i32
        %add3A_482 = arith.constant 48 : i32
        %add3A_483 = arith.addi %add3A_481, %add3A_482 : i32
        %get3A_484 = arith.index_cast %add3A_483 : i32 to index
        %get3A_485 = tpu.vector_load %arg22[%get3A_484] {strides = array<i32>} : memref<10240xf32, #tpu.memory_space<vmem>>, vector<16xf32>,
        %get3A_486 = arith.index_cast %mul3A_401 : i32 to index
        %get3A_487 = arith.constant 48 : index
        %get3A_488 = tpu.vector_load %arg20[%get3A_486, %get3A_487] {strides = array<i32>} : memref<80x64xf32, #tpu.memory_space<vmem>>, vector<16xf32>,
        %mul3A_489 = arith.mulf %get3A_477, %get3A_485 : vector<16xf32>
        %mul3A_490 = arith.mulf %mul3A_489, %get3A_488 : vector<16xf32>
        %reduce_sum3A_491 = arith.constant true
        %reduce_sum3A_492 = vector.broadcast %reduce_sum3A_491 : i1 to vector<16xi1>
        %reduce_sum3A_493 = tpu.scan <sum>, %mul3A_490 masked %reduce_sum3A_492 : vector<16xf32>, vector<16xi1> -> vector<16xf32>
        %reduce_sum3A_494 = vector.extract %reduce_sum3A_493[15] : f32 from vector<16xf32>
        %eq3A_495 = arith.constant 3 : i32
        %eq3A_496 = vector.broadcast %eq3A_495 : i32 to vector<16xi32>
        %eq3A_497 = arith.cmpi eq, %iota3A, %eq3A_496 : vector<16xi32>
        %broadcast_in_dim3A_498 = vector.broadcast %reduce_sum3A_494 : f32 to vector<16xf32>
        %select_n3A_499 = arith.select %eq3A_497, %broadcast_in_dim3A_498, %select_n3A_474 : vector<16xi1>, vector<16xf32>
        %swap3A = arith.index_cast %mul3A_401 : i32 to index
        %swap3A_500 = arith.constant 0 : index
        %swap3A_501 = tpu.vector_load %arg24[%swap3A, %swap3A_500] {strides = array<i32>} : memref<80x16xf32, #tpu.memory_space<vmem>>, vector<16xf32>,
        tpu.vector_store %arg24[%swap3A, %swap3A_500], %select_n3A_499 {strides = array<i32>} : memref<80x16xf32, #tpu.memory_space<vmem>>, vector<16xf32>,
        %max3A = arith.constant -6.000000e+01 : f32
        %max3A_502 = vector.broadcast %max3A : f32 to vector<16xf32>
        %max3A_503 = arith.maximumf %select_n3A_499, %max3A_502 : vector<16xf32>
        %min3A = arith.constant 6.000000e+01 : f32
        %min3A_504 = vector.broadcast %min3A : f32 to vector<16xf32>
        %min3A_505 = arith.minimumf %max3A_503, %min3A_504 : vector<16xf32>
        %exp3A = math.exp %min3A_505 : vector<16xf32>
        %lt3A_506 = arith.constant 4 : i32
        %lt3A_507 = vector.broadcast %lt3A_506 : i32 to vector<16xi32>
        %lt3A_508 = arith.cmpi slt, %iota3A, %lt3A_507 : vector<16xi32>
        %jit3A = arith.constant 0.000000e+00 : f32
        %broadcast_in_dim3A_509 = vector.broadcast %jit3A : f32 to vector<16xf32>
        %select_n3A_510 = arith.select %lt3A_508, %exp3A, %broadcast_in_dim3A_509 : vector<16xi1>, vector<16xf32>
        %swap3A_511 = arith.index_cast %mul3A_401 : i32 to index
        %swap3A_512 = arith.constant 64 : index
        %swap3A_513 = tpu.vector_load %arg26[%swap3A_511, %swap3A_512] {strides = array<i32>} : memref<80x80xf32, #tpu.memory_space<vmem>>, vector<16xf32>,
        tpu.vector_store %arg26[%swap3A_511, %swap3A_512], %select_n3A_510 {strides = array<i32>} : memref<80x80xf32, #tpu.memory_space<vmem>>, vector<16xf32>,
        %lt3A_514 = arith.constant 0 : i32
        %lt3A_515 = vector.broadcast %lt3A_514 : i32 to vector<16xi32>
        %lt3A_516 = arith.cmpi slt, %broadcast_in_dim3A_3, %lt3A_515 : vector<16xi32>
        %add3A_517 = arith.constant 16 : i32
        %add3A_518 = vector.broadcast %add3A_517 : i32 to vector<16xi32>
        %add3A_519 = arith.addi %broadcast_in_dim3A_3, %add3A_518 : vector<16xi32>
        %select_n3A_520 = arith.select %lt3A_516, %add3A_519, %broadcast_in_dim3A_3 : vector<16xi1>, vector<16xi32>
        %broadcast_in_dim3A_521 = vector.shape_cast %select_n3A_520 : vector<16xi32> to vector<16x1xi32>
        %gather3A = vector.shape_cast %broadcast_in_dim3A_521 : vector<16x1xi32> to vector<16xi32>
        %gather3A_522 = tpu.dynamic_gather %select_n3A_510[%gather3A] in [0] : vector<16xf32>, vector<16xi32> -> vector<16xf32>
        %get3A_523 = arith.index_cast %mul3A_401 : i32 to index
        %get3A_524 = arith.constant 0 : index
        %get3A_525 = tpu.vector_load %arg18[%get3A_523, %get3A_524] {strides = array<i32>} : memref<80x128xf32, #tpu.memory_space<vmem>>, vector<16xf32>,
        %mul3A_526 = arith.constant 128 : i32
        %mul3A_527 = arith.muli %mul3A_401, %mul3A_526 : i32
        %add3A_528 = arith.constant 0 : i32
        %add3A_529 = arith.addi %mul3A_527, %add3A_528 : i32
        %get3A_530 = arith.index_cast %add3A_529 : i32 to index
        %get3A_531 = tpu.vector_load %arg22[%get3A_530] {strides = array<i32>} : memref<10240xf32, #tpu.memory_space<vmem>>, vector<16xf32>,
        %mul3A_532 = arith.mulf %get3A_525, %get3A_531 : vector<16xf32>
        %mul3A_533 = arith.mulf %mul3A_532, %gather3A_522 : vector<16xf32>
        %swap3A_534 = arith.index_cast %mul3A_401 : i32 to index
        %swap3A_535 = arith.constant 0 : index
        %swap3A_536 = tpu.vector_load %arg26[%swap3A_534, %swap3A_535] {strides = array<i32>} : memref<80x80xf32, #tpu.memory_space<vmem>>, vector<16xf32>,
        tpu.vector_store %arg26[%swap3A_534, %swap3A_535], %mul3A_533 {strides = array<i32>} : memref<80x80xf32, #tpu.memory_space<vmem>>, vector<16xf32>,
        %lt3A_537 = arith.constant 0 : i32
        %lt3A_538 = vector.broadcast %lt3A_537 : i32 to vector<16xi32>
        %lt3A_539 = arith.cmpi slt, %broadcast_in_dim3A_5, %lt3A_538 : vector<16xi32>
        %add3A_540 = arith.constant 16 : i32
        %add3A_541 = vector.broadcast %add3A_540 : i32 to vector<16xi32>
        %add3A_542 = arith.addi %broadcast_in_dim3A_5, %add3A_541 : vector<16xi32>
        %select_n3A_543 = arith.select %lt3A_539, %add3A_542, %broadcast_in_dim3A_5 : vector<16xi1>, vector<16xi32>
        %broadcast_in_dim3A_544 = vector.shape_cast %select_n3A_543 : vector<16xi32> to vector<16x1xi32>
        %gather3A_545 = vector.shape_cast %broadcast_in_dim3A_544 : vector<16x1xi32> to vector<16xi32>
        %gather3A_546 = tpu.dynamic_gather %select_n3A_510[%gather3A_545] in [0] : vector<16xf32>, vector<16xi32> -> vector<16xf32>
        %get3A_547 = arith.index_cast %mul3A_401 : i32 to index
        %get3A_548 = arith.constant 16 : index
        %get3A_549 = tpu.vector_load %arg18[%get3A_547, %get3A_548] {strides = array<i32>} : memref<80x128xf32, #tpu.memory_space<vmem>>, vector<16xf32>,
        %mul3A_550 = arith.constant 128 : i32
        %mul3A_551 = arith.muli %mul3A_401, %mul3A_550 : i32
        %add3A_552 = arith.constant 16 : i32
        %add3A_553 = arith.addi %mul3A_551, %add3A_552 : i32
        %get3A_554 = arith.index_cast %add3A_553 : i32 to index
        %get3A_555 = tpu.vector_load %arg22[%get3A_554] {strides = array<i32>} : memref<10240xf32, #tpu.memory_space<vmem>>, vector<16xf32>,
        %mul3A_556 = arith.mulf %get3A_549, %get3A_555 : vector<16xf32>
        %mul3A_557 = arith.mulf %mul3A_556, %gather3A_546 : vector<16xf32>
        %swap3A_558 = arith.index_cast %mul3A_401 : i32 to index
        %swap3A_559 = arith.constant 16 : index
        %swap3A_560 = tpu.vector_load %arg26[%swap3A_558, %swap3A_559] {strides = array<i32>} : memref<80x80xf32, #tpu.memory_space<vmem>>, vector<16xf32>,
        tpu.vector_store %arg26[%swap3A_558, %swap3A_559], %mul3A_557 {strides = array<i32>} : memref<80x80xf32, #tpu.memory_space<vmem>>, vector<16xf32>,
        %lt3A_561 = arith.constant 0 : i32
        %lt3A_562 = vector.broadcast %lt3A_561 : i32 to vector<16xi32>
        %lt3A_563 = arith.cmpi slt, %broadcast_in_dim3A_7, %lt3A_562 : vector<16xi32>
        %add3A_564 = arith.constant 16 : i32
        %add3A_565 = vector.broadcast %add3A_564 : i32 to vector<16xi32>
        %add3A_566 = arith.addi %broadcast_in_dim3A_7, %add3A_565 : vector<16xi32>
        %select_n3A_567 = arith.select %lt3A_563, %add3A_566, %broadcast_in_dim3A_7 : vector<16xi1>, vector<16xi32>
        %broadcast_in_dim3A_568 = vector.shape_cast %select_n3A_567 : vector<16xi32> to vector<16x1xi32>
        %gather3A_569 = vector.shape_cast %broadcast_in_dim3A_568 : vector<16x1xi32> to vector<16xi32>
        %gather3A_570 = tpu.dynamic_gather %select_n3A_510[%gather3A_569] in [0] : vector<16xf32>, vector<16xi32> -> vector<16xf32>
        %get3A_571 = arith.index_cast %mul3A_401 : i32 to index
        %get3A_572 = arith.constant 32 : index
        %get3A_573 = tpu.vector_load %arg18[%get3A_571, %get3A_572] {strides = array<i32>} : memref<80x128xf32, #tpu.memory_space<vmem>>, vector<16xf32>,
        %mul3A_574 = arith.constant 128 : i32
        %mul3A_575 = arith.muli %mul3A_401, %mul3A_574 : i32
        %add3A_576 = arith.constant 32 : i32
        %add3A_577 = arith.addi %mul3A_575, %add3A_576 : i32
        %get3A_578 = arith.index_cast %add3A_577 : i32 to index
        %get3A_579 = tpu.vector_load %arg22[%get3A_578] {strides = array<i32>} : memref<10240xf32, #tpu.memory_space<vmem>>, vector<16xf32>,
        %mul3A_580 = arith.mulf %get3A_573, %get3A_579 : vector<16xf32>
        %mul3A_581 = arith.mulf %mul3A_580, %gather3A_570 : vector<16xf32>
        %swap3A_582 = arith.index_cast %mul3A_401 : i32 to index
        %swap3A_583 = arith.constant 32 : index
        %swap3A_584 = tpu.vector_load %arg26[%swap3A_582, %swap3A_583] {strides = array<i32>} : memref<80x80xf32, #tpu.memory_space<vmem>>, vector<16xf32>,
        tpu.vector_store %arg26[%swap3A_582, %swap3A_583], %mul3A_581 {strides = array<i32>} : memref<80x80xf32, #tpu.memory_space<vmem>>, vector<16xf32>,
        %lt3A_585 = arith.constant 0 : i32
        %lt3A_586 = vector.broadcast %lt3A_585 : i32 to vector<16xi32>
        %lt3A_587 = arith.cmpi slt, %broadcast_in_dim3A_9, %lt3A_586 : vector<16xi32>
        %add3A_588 = arith.constant 16 : i32
        %add3A_589 = vector.broadcast %add3A_588 : i32 to vector<16xi32>
        %add3A_590 = arith.addi %broadcast_in_dim3A_9, %add3A_589 : vector<16xi32>
        %select_n3A_591 = arith.select %lt3A_587, %add3A_590, %broadcast_in_dim3A_9 : vector<16xi1>, vector<16xi32>
        %broadcast_in_dim3A_592 = vector.shape_cast %select_n3A_591 : vector<16xi32> to vector<16x1xi32>
        %gather3A_593 = vector.shape_cast %broadcast_in_dim3A_592 : vector<16x1xi32> to vector<16xi32>
        %gather3A_594 = tpu.dynamic_gather %select_n3A_510[%gather3A_593] in [0] : vector<16xf32>, vector<16xi32> -> vector<16xf32>
        %get3A_595 = arith.index_cast %mul3A_401 : i32 to index
        %get3A_596 = arith.constant 48 : index
        %get3A_597 = tpu.vector_load %arg18[%get3A_595, %get3A_596] {strides = array<i32>} : memref<80x128xf32, #tpu.memory_space<vmem>>, vector<16xf32>,
        %mul3A_598 = arith.constant 128 : i32
        %mul3A_599 = arith.muli %mul3A_401, %mul3A_598 : i32
        %add3A_600 = arith.constant 48 : i32
        %add3A_601 = arith.addi %mul3A_599, %add3A_600 : i32
        %get3A_602 = arith.index_cast %add3A_601 : i32 to index
        %get3A_603 = tpu.vector_load %arg22[%get3A_602] {strides = array<i32>} : memref<10240xf32, #tpu.memory_space<vmem>>, vector<16xf32>,
        %mul3A_604 = arith.mulf %get3A_597, %get3A_603 : vector<16xf32>
        %mul3A_605 = arith.mulf %mul3A_604, %gather3A_594 : vector<16xf32>
        %swap3A_606 = arith.index_cast %mul3A_401 : i32 to index
        %swap3A_607 = arith.constant 48 : index
        %swap3A_608 = tpu.vector_load %arg26[%swap3A_606, %swap3A_607] {strides = array<i32>} : memref<80x80xf32, #tpu.memory_space<vmem>>, vector<16xf32>,
        tpu.vector_store %arg26[%swap3A_606, %swap3A_607], %mul3A_605 {strides = array<i32>} : memref<80x80xf32, #tpu.memory_space<vmem>>, vector<16xf32>,
        %mul3A_609 = arith.constant 2 : i32
        %mul3A_610 = arith.muli %mul3A_609, %scan3A_399 : i32
        %add3A_611 = arith.constant 1 : i32
        %add3A_612 = arith.addi %mul3A_610, %add3A_611 : i32
        %broadcast_in_dim3A_613 = arith.constant 0.000000e+00 : f32
        %broadcast_in_dim3A_614 = vector.broadcast %broadcast_in_dim3A_613 : f32 to vector<16xf32>
        %get3A_615 = arith.index_cast %add3A_612 : i32 to index
        %get3A_616 = arith.constant 64 : index
        %get3A_617 = tpu.vector_load %arg18[%get3A_615, %get3A_616] {strides = array<i32>} : memref<80x128xf32, #tpu.memory_space<vmem>>, vector<16xf32>,
        %mul3A_618 = arith.constant 128 : i32
        %mul3A_619 = arith.muli %add3A_612, %mul3A_618 : i32
        %add3A_620 = arith.constant 64 : i32
        %add3A_621 = arith.addi %mul3A_619, %add3A_620 : i32
        %add3A_622 = arith.constant 0 : i32
        %add3A_623 = arith.addi %add3A_621, %add3A_622 : i32
        %get3A_624 = arith.index_cast %add3A_623 : i32 to index
        %get3A_625 = tpu.vector_load %arg22[%get3A_624] {strides = array<i32>} : memref<10240xf32, #tpu.memory_space<vmem>>, vector<16xf32>,
        %get3A_626 = arith.index_cast %add3A_612 : i32 to index
        %get3A_627 = arith.constant 0 : index
        %get3A_628 = tpu.vector_load %arg20[%get3A_626, %get3A_627] {strides = array<i32>} : memref<80x64xf32, #tpu.memory_space<vmem>>, vector<16xf32>,
        %mul3A_629 = arith.mulf %get3A_617, %get3A_625 : vector<16xf32>
        %mul3A_630 = arith.mulf %mul3A_629, %get3A_628 : vector<16xf32>
        %reduce_sum3A_631 = arith.constant true
        %reduce_sum3A_632 = vector.broadcast %reduce_sum3A_631 : i1 to vector<16xi1>
        %reduce_sum3A_633 = tpu.scan <sum>, %mul3A_630 masked %reduce_sum3A_632 : vector<16xf32>, vector<16xi1> -> vector<16xf32>
        %reduce_sum3A_634 = vector.extract %reduce_sum3A_633[15] : f32 from vector<16xf32>
        %eq3A_635 = arith.constant 0 : i32
        %eq3A_636 = vector.broadcast %eq3A_635 : i32 to vector<16xi32>
        %eq3A_637 = arith.cmpi eq, %iota3A, %eq3A_636 : vector<16xi32>
        %broadcast_in_dim3A_638 = vector.broadcast %reduce_sum3A_634 : f32 to vector<16xf32>
        %select_n3A_639 = arith.select %eq3A_637, %broadcast_in_dim3A_638, %broadcast_in_dim3A_614 : vector<16xi1>, vector<16xf32>
        %get3A_640 = arith.index_cast %add3A_612 : i32 to index
        %get3A_641 = arith.constant 80 : index
        %get3A_642 = tpu.vector_load %arg18[%get3A_640, %get3A_641] {strides = array<i32>} : memref<80x128xf32, #tpu.memory_space<vmem>>, vector<16xf32>,
        %mul3A_643 = arith.constant 128 : i32
        %mul3A_644 = arith.muli %add3A_612, %mul3A_643 : i32
        %add3A_645 = arith.constant 64 : i32
        %add3A_646 = arith.addi %mul3A_644, %add3A_645 : i32
        %add3A_647 = arith.constant 16 : i32
        %add3A_648 = arith.addi %add3A_646, %add3A_647 : i32
        %get3A_649 = arith.index_cast %add3A_648 : i32 to index
        %get3A_650 = tpu.vector_load %arg22[%get3A_649] {strides = array<i32>} : memref<10240xf32, #tpu.memory_space<vmem>>, vector<16xf32>,
        %get3A_651 = arith.index_cast %add3A_612 : i32 to index
        %get3A_652 = arith.constant 16 : index
        %get3A_653 = tpu.vector_load %arg20[%get3A_651, %get3A_652] {strides = array<i32>} : memref<80x64xf32, #tpu.memory_space<vmem>>, vector<16xf32>,
        %mul3A_654 = arith.mulf %get3A_642, %get3A_650 : vector<16xf32>
        %mul3A_655 = arith.mulf %mul3A_654, %get3A_653 : vector<16xf32>
        %reduce_sum3A_656 = arith.constant true
        %reduce_sum3A_657 = vector.broadcast %reduce_sum3A_656 : i1 to vector<16xi1>
        %reduce_sum3A_658 = tpu.scan <sum>, %mul3A_655 masked %reduce_sum3A_657 : vector<16xf32>, vector<16xi1> -> vector<16xf32>
        %reduce_sum3A_659 = vector.extract %reduce_sum3A_658[15] : f32 from vector<16xf32>
        %eq3A_660 = arith.constant 1 : i32
        %eq3A_661 = vector.broadcast %eq3A_660 : i32 to vector<16xi32>
        %eq3A_662 = arith.cmpi eq, %iota3A, %eq3A_661 : vector<16xi32>
        %broadcast_in_dim3A_663 = vector.broadcast %reduce_sum3A_659 : f32 to vector<16xf32>
        %select_n3A_664 = arith.select %eq3A_662, %broadcast_in_dim3A_663, %select_n3A_639 : vector<16xi1>, vector<16xf32>
        %get3A_665 = arith.index_cast %add3A_612 : i32 to index
        %get3A_666 = arith.constant 96 : index
        %get3A_667 = tpu.vector_load %arg18[%get3A_665, %get3A_666] {strides = array<i32>} : memref<80x128xf32, #tpu.memory_space<vmem>>, vector<16xf32>,
        %mul3A_668 = arith.constant 128 : i32
        %mul3A_669 = arith.muli %add3A_612, %mul3A_668 : i32
        %add3A_670 = arith.constant 64 : i32
        %add3A_671 = arith.addi %mul3A_669, %add3A_670 : i32
        %add3A_672 = arith.constant 32 : i32
        %add3A_673 = arith.addi %add3A_671, %add3A_672 : i32
        %get3A_674 = arith.index_cast %add3A_673 : i32 to index
        %get3A_675 = tpu.vector_load %arg22[%get3A_674] {strides = array<i32>} : memref<10240xf32, #tpu.memory_space<vmem>>, vector<16xf32>,
        %get3A_676 = arith.index_cast %add3A_612 : i32 to index
        %get3A_677 = arith.constant 32 : index
        %get3A_678 = tpu.vector_load %arg20[%get3A_676, %get3A_677] {strides = array<i32>} : memref<80x64xf32, #tpu.memory_space<vmem>>, vector<16xf32>,
        %mul3A_679 = arith.mulf %get3A_667, %get3A_675 : vector<16xf32>
        %mul3A_680 = arith.mulf %mul3A_679, %get3A_678 : vector<16xf32>
        %reduce_sum3A_681 = arith.constant true
        %reduce_sum3A_682 = vector.broadcast %reduce_sum3A_681 : i1 to vector<16xi1>
        %reduce_sum3A_683 = tpu.scan <sum>, %mul3A_680 masked %reduce_sum3A_682 : vector<16xf32>, vector<16xi1> -> vector<16xf32>
        %reduce_sum3A_684 = vector.extract %reduce_sum3A_683[15] : f32 from vector<16xf32>
        %eq3A_685 = arith.constant 2 : i32
        %eq3A_686 = vector.broadcast %eq3A_685 : i32 to vector<16xi32>
        %eq3A_687 = arith.cmpi eq, %iota3A, %eq3A_686 : vector<16xi32>
        %broadcast_in_dim3A_688 = vector.broadcast %reduce_sum3A_684 : f32 to vector<16xf32>
        %select_n3A_689 = arith.select %eq3A_687, %broadcast_in_dim3A_688, %select_n3A_664 : vector<16xi1>, vector<16xf32>
        %get3A_690 = arith.index_cast %add3A_612 : i32 to index
        %get3A_691 = arith.constant 112 : index
        %get3A_692 = tpu.vector_load %arg18[%get3A_690, %get3A_691] {strides = array<i32>} : memref<80x128xf32, #tpu.memory_space<vmem>>, vector<16xf32>,
        %mul3A_693 = arith.constant 128 : i32
        %mul3A_694 = arith.muli %add3A_612, %mul3A_693 : i32
        %add3A_695 = arith.constant 64 : i32
        %add3A_696 = arith.addi %mul3A_694, %add3A_695 : i32
        %add3A_697 = arith.constant 48 : i32
        %add3A_698 = arith.addi %add3A_696, %add3A_697 : i32
        %get3A_699 = arith.index_cast %add3A_698 : i32 to index
        %get3A_700 = tpu.vector_load %arg22[%get3A_699] {strides = array<i32>} : memref<10240xf32, #tpu.memory_space<vmem>>, vector<16xf32>,
        %get3A_701 = arith.index_cast %add3A_612 : i32 to index
        %get3A_702 = arith.constant 48 : index
        %get3A_703 = tpu.vector_load %arg20[%get3A_701, %get3A_702] {strides = array<i32>} : memref<80x64xf32, #tpu.memory_space<vmem>>, vector<16xf32>,
        %mul3A_704 = arith.mulf %get3A_692, %get3A_700 : vector<16xf32>
        %mul3A_705 = arith.mulf %mul3A_704, %get3A_703 : vector<16xf32>
        %reduce_sum3A_706 = arith.constant true
        %reduce_sum3A_707 = vector.broadcast %reduce_sum3A_706 : i1 to vector<16xi1>
        %reduce_sum3A_708 = tpu.scan <sum>, %mul3A_705 masked %reduce_sum3A_707 : vector<16xf32>, vector<16xi1> -> vector<16xf32>
        %reduce_sum3A_709 = vector.extract %reduce_sum3A_708[15] : f32 from vector<16xf32>
        %eq3A_710 = arith.constant 3 : i32
        %eq3A_711 = vector.broadcast %eq3A_710 : i32 to vector<16xi32>
        %eq3A_712 = arith.cmpi eq, %iota3A, %eq3A_711 : vector<16xi32>
        %broadcast_in_dim3A_713 = vector.broadcast %reduce_sum3A_709 : f32 to vector<16xf32>
        %select_n3A_714 = arith.select %eq3A_712, %broadcast_in_dim3A_713, %select_n3A_689 : vector<16xi1>, vector<16xf32>
        %swap3A_715 = arith.index_cast %add3A_612 : i32 to index
        %swap3A_716 = arith.constant 0 : index
        %swap3A_717 = tpu.vector_load %arg24[%swap3A_715, %swap3A_716] {strides = array<i32>} : memref<80x16xf32, #tpu.memory_space<vmem>>, vector<16xf32>,
        tpu.vector_store %arg24[%swap3A_715, %swap3A_716], %select_n3A_714 {strides = array<i32>} : memref<80x16xf32, #tpu.memory_space<vmem>>, vector<16xf32>,
        %max3A_718 = arith.constant -6.000000e+01 : f32
        %max3A_719 = vector.broadcast %max3A_718 : f32 to vector<16xf32>
        %max3A_720 = arith.maximumf %select_n3A_714, %max3A_719 : vector<16xf32>
        %min3A_721 = arith.constant 6.000000e+01 : f32
        %min3A_722 = vector.broadcast %min3A_721 : f32 to vector<16xf32>
        %min3A_723 = arith.minimumf %max3A_720, %min3A_722 : vector<16xf32>
        %exp3A_724 = math.exp %min3A_723 : vector<16xf32>
        %lt3A_725 = arith.constant 4 : i32
        %lt3A_726 = vector.broadcast %lt3A_725 : i32 to vector<16xi32>
        %lt3A_727 = arith.cmpi slt, %iota3A, %lt3A_726 : vector<16xi32>
        %jit3A_728 = arith.constant 0.000000e+00 : f32
        %broadcast_in_dim3A_729 = vector.broadcast %jit3A_728 : f32 to vector<16xf32>
        %select_n3A_730 = arith.select %lt3A_727, %exp3A_724, %broadcast_in_dim3A_729 : vector<16xi1>, vector<16xf32>
        %swap3A_731 = arith.index_cast %add3A_612 : i32 to index
        %swap3A_732 = arith.constant 64 : index
        %swap3A_733 = tpu.vector_load %arg26[%swap3A_731, %swap3A_732] {strides = array<i32>} : memref<80x80xf32, #tpu.memory_space<vmem>>, vector<16xf32>,
        tpu.vector_store %arg26[%swap3A_731, %swap3A_732], %select_n3A_730 {strides = array<i32>} : memref<80x80xf32, #tpu.memory_space<vmem>>, vector<16xf32>,
        %lt3A_734 = arith.constant 0 : i32
        %lt3A_735 = vector.broadcast %lt3A_734 : i32 to vector<16xi32>
        %lt3A_736 = arith.cmpi slt, %broadcast_in_dim3A_3, %lt3A_735 : vector<16xi32>
        %add3A_737 = arith.constant 16 : i32
        %add3A_738 = vector.broadcast %add3A_737 : i32 to vector<16xi32>
        %add3A_739 = arith.addi %broadcast_in_dim3A_3, %add3A_738 : vector<16xi32>
        %select_n3A_740 = arith.select %lt3A_736, %add3A_739, %broadcast_in_dim3A_3 : vector<16xi1>, vector<16xi32>
        %broadcast_in_dim3A_741 = vector.shape_cast %select_n3A_740 : vector<16xi32> to vector<16x1xi32>
        %gather3A_742 = vector.shape_cast %broadcast_in_dim3A_741 : vector<16x1xi32> to vector<16xi32>
        %gather3A_743 = tpu.dynamic_gather %select_n3A_730[%gather3A_742] in [0] : vector<16xf32>, vector<16xi32> -> vector<16xf32>
        %get3A_744 = arith.index_cast %add3A_612 : i32 to index
        %get3A_745 = arith.constant 0 : index
        %get3A_746 = tpu.vector_load %arg18[%get3A_744, %get3A_745] {strides = array<i32>} : memref<80x128xf32, #tpu.memory_space<vmem>>, vector<16xf32>,
        %mul3A_747 = arith.constant 128 : i32
        %mul3A_748 = arith.muli %add3A_612, %mul3A_747 : i32
        %add3A_749 = arith.constant 0 : i32
        %add3A_750 = arith.addi %mul3A_748, %add3A_749 : i32
        %get3A_751 = arith.index_cast %add3A_750 : i32 to index
        %get3A_752 = tpu.vector_load %arg22[%get3A_751] {strides = array<i32>} : memref<10240xf32, #tpu.memory_space<vmem>>, vector<16xf32>,
        %mul3A_753 = arith.mulf %get3A_746, %get3A_752 : vector<16xf32>
        %mul3A_754 = arith.mulf %mul3A_753, %gather3A_743 : vector<16xf32>
        %swap3A_755 = arith.index_cast %add3A_612 : i32 to index
        %swap3A_756 = arith.constant 0 : index
        %swap3A_757 = tpu.vector_load %arg26[%swap3A_755, %swap3A_756] {strides = array<i32>} : memref<80x80xf32, #tpu.memory_space<vmem>>, vector<16xf32>,
        tpu.vector_store %arg26[%swap3A_755, %swap3A_756], %mul3A_754 {strides = array<i32>} : memref<80x80xf32, #tpu.memory_space<vmem>>, vector<16xf32>,
        %lt3A_758 = arith.constant 0 : i32
        %lt3A_759 = vector.broadcast %lt3A_758 : i32 to vector<16xi32>
        %lt3A_760 = arith.cmpi slt, %broadcast_in_dim3A_5, %lt3A_759 : vector<16xi32>
        %add3A_761 = arith.constant 16 : i32
        %add3A_762 = vector.broadcast %add3A_761 : i32 to vector<16xi32>
        %add3A_763 = arith.addi %broadcast_in_dim3A_5, %add3A_762 : vector<16xi32>
        %select_n3A_764 = arith.select %lt3A_760, %add3A_763, %broadcast_in_dim3A_5 : vector<16xi1>, vector<16xi32>
        %broadcast_in_dim3A_765 = vector.shape_cast %select_n3A_764 : vector<16xi32> to vector<16x1xi32>
        %gather3A_766 = vector.shape_cast %broadcast_in_dim3A_765 : vector<16x1xi32> to vector<16xi32>
        %gather3A_767 = tpu.dynamic_gather %select_n3A_730[%gather3A_766] in [0] : vector<16xf32>, vector<16xi32> -> vector<16xf32>
        %get3A_768 = arith.index_cast %add3A_612 : i32 to index
        %get3A_769 = arith.constant 16 : index
        %get3A_770 = tpu.vector_load %arg18[%get3A_768, %get3A_769] {strides = array<i32>} : memref<80x128xf32, #tpu.memory_space<vmem>>, vector<16xf32>,
        %mul3A_771 = arith.constant 128 : i32
        %mul3A_772 = arith.muli %add3A_612, %mul3A_771 : i32
        %add3A_773 = arith.constant 16 : i32
        %add3A_774 = arith.addi %mul3A_772, %add3A_773 : i32
        %get3A_775 = arith.index_cast %add3A_774 : i32 to index
        %get3A_776 = tpu.vector_load %arg22[%get3A_775] {strides = array<i32>} : memref<10240xf32, #tpu.memory_space<vmem>>, vector<16xf32>,
        %mul3A_777 = arith.mulf %get3A_770, %get3A_776 : vector<16xf32>
        %mul3A_778 = arith.mulf %mul3A_777, %gather3A_767 : vector<16xf32>
        %swap3A_779 = arith.index_cast %add3A_612 : i32 to index
        %swap3A_780 = arith.constant 16 : index
        %swap3A_781 = tpu.vector_load %arg26[%swap3A_779, %swap3A_780] {strides = array<i32>} : memref<80x80xf32, #tpu.memory_space<vmem>>, vector<16xf32>,
        tpu.vector_store %arg26[%swap3A_779, %swap3A_780], %mul3A_778 {strides = array<i32>} : memref<80x80xf32, #tpu.memory_space<vmem>>, vector<16xf32>,
        %lt3A_782 = arith.constant 0 : i32
        %lt3A_783 = vector.broadcast %lt3A_782 : i32 to vector<16xi32>
        %lt3A_784 = arith.cmpi slt, %broadcast_in_dim3A_7, %lt3A_783 : vector<16xi32>
        %add3A_785 = arith.constant 16 : i32
        %add3A_786 = vector.broadcast %add3A_785 : i32 to vector<16xi32>
        %add3A_787 = arith.addi %broadcast_in_dim3A_7, %add3A_786 : vector<16xi32>
        %select_n3A_788 = arith.select %lt3A_784, %add3A_787, %broadcast_in_dim3A_7 : vector<16xi1>, vector<16xi32>
        %broadcast_in_dim3A_789 = vector.shape_cast %select_n3A_788 : vector<16xi32> to vector<16x1xi32>
        %gather3A_790 = vector.shape_cast %broadcast_in_dim3A_789 : vector<16x1xi32> to vector<16xi32>
        %gather3A_791 = tpu.dynamic_gather %select_n3A_730[%gather3A_790] in [0] : vector<16xf32>, vector<16xi32> -> vector<16xf32>
        %get3A_792 = arith.index_cast %add3A_612 : i32 to index
        %get3A_793 = arith.constant 32 : index
        %get3A_794 = tpu.vector_load %arg18[%get3A_792, %get3A_793] {strides = array<i32>} : memref<80x128xf32, #tpu.memory_space<vmem>>, vector<16xf32>,
        %mul3A_795 = arith.constant 128 : i32
        %mul3A_796 = arith.muli %add3A_612, %mul3A_795 : i32
        %add3A_797 = arith.constant 32 : i32
        %add3A_798 = arith.addi %mul3A_796, %add3A_797 : i32
        %get3A_799 = arith.index_cast %add3A_798 : i32 to index
        %get3A_800 = tpu.vector_load %arg22[%get3A_799] {strides = array<i32>} : memref<10240xf32, #tpu.memory_space<vmem>>, vector<16xf32>,
        %mul3A_801 = arith.mulf %get3A_794, %get3A_800 : vector<16xf32>
        %mul3A_802 = arith.mulf %mul3A_801, %gather3A_791 : vector<16xf32>
        %swap3A_803 = arith.index_cast %add3A_612 : i32 to index
        %swap3A_804 = arith.constant 32 : index
        %swap3A_805 = tpu.vector_load %arg26[%swap3A_803, %swap3A_804] {strides = array<i32>} : memref<80x80xf32, #tpu.memory_space<vmem>>, vector<16xf32>,
        tpu.vector_store %arg26[%swap3A_803, %swap3A_804], %mul3A_802 {strides = array<i32>} : memref<80x80xf32, #tpu.memory_space<vmem>>, vector<16xf32>,
        %lt3A_806 = arith.constant 0 : i32
        %lt3A_807 = vector.broadcast %lt3A_806 : i32 to vector<16xi32>
        %lt3A_808 = arith.cmpi slt, %broadcast_in_dim3A_9, %lt3A_807 : vector<16xi32>
        %add3A_809 = arith.constant 16 : i32
        %add3A_810 = vector.broadcast %add3A_809 : i32 to vector<16xi32>
        %add3A_811 = arith.addi %broadcast_in_dim3A_9, %add3A_810 : vector<16xi32>
        %select_n3A_812 = arith.select %lt3A_808, %add3A_811, %broadcast_in_dim3A_9 : vector<16xi1>, vector<16xi32>
        %broadcast_in_dim3A_813 = vector.shape_cast %select_n3A_812 : vector<16xi32> to vector<16x1xi32>
        %gather3A_814 = vector.shape_cast %broadcast_in_dim3A_813 : vector<16x1xi32> to vector<16xi32>
        %gather3A_815 = tpu.dynamic_gather %select_n3A_730[%gather3A_814] in [0] : vector<16xf32>, vector<16xi32> -> vector<16xf32>
        %get3A_816 = arith.index_cast %add3A_612 : i32 to index
        %get3A_817 = arith.constant 48 : index
        %get3A_818 = tpu.vector_load %arg18[%get3A_816, %get3A_817] {strides = array<i32>} : memref<80x128xf32, #tpu.memory_space<vmem>>, vector<16xf32>,
        %mul3A_819 = arith.constant 128 : i32
        %mul3A_820 = arith.muli %add3A_612, %mul3A_819 : i32
        %add3A_821 = arith.constant 48 : i32
        %add3A_822 = arith.addi %mul3A_820, %add3A_821 : i32
        %get3A_823 = arith.index_cast %add3A_822 : i32 to index
        %get3A_824 = tpu.vector_load %arg22[%get3A_823] {strides = array<i32>} : memref<10240xf32, #tpu.memory_space<vmem>>, vector<16xf32>,
        %mul3A_825 = arith.mulf %get3A_818, %get3A_824 : vector<16xf32>
        %mul3A_826 = arith.mulf %mul3A_825, %gather3A_815 : vector<16xf32>
        %swap3A_827 = arith.index_cast %add3A_612 : i32 to index
        %swap3A_828 = arith.constant 48 : index
        %swap3A_829 = tpu.vector_load %arg26[%swap3A_827, %swap3A_828] {strides = array<i32>} : memref<80x80xf32, #tpu.memory_space<vmem>>, vector<16xf32>,
        tpu.vector_store %arg26[%swap3A_827, %swap3A_828], %mul3A_826 {strides = array<i32>} : memref<80x80xf32, #tpu.memory_space<vmem>>, vector<16xf32>,
      }
      %scan3A_251 = arith.constant 40 : i32
      %dma_start3A_252 = arith.constant 0 : i32
      %dma_start3A_253 = arith.constant 0 : i32
      %dma_start3A_254 = tpu.memref_slice %arg27[%dma_start3A_252, %dma_start3A_253] : memref<10000x80xf32, #tpu.memory_space<vmem_shared>> -> memref<10000x80xf32, #tpu.memory_space<vmem_shared>>
      tpu.enqueue_indirect_dma source(%arg26 : memref<80x80xf32, #tpu.memory_space<vmem>>) target(%dma_start3A_254 : memref<10000x80xf32, #tpu.memory_space<vmem_shared>>) offsets(%arg14 : memref<80xi32, #tpu.memory_space<vmem>>) semaphore(%arg37 : memref<!tpu.dma_semaphore, #tpu.memory_space<semaphore_mem>>) {add = true}
      %mul3A_255 = arith.constant 80 : i32
      %mul3A_256 = arith.muli %add3A_207, %mul3A_255 : i32
      %add3A_257 = arith.addi %mul3A_2, %mul3A_256 : i32
      %dma_start3A_258 = arith.constant 0 : i32
      %dma_start3A_259 = tpu.memref_slice %arg7[%add3A_257, %dma_start3A_258] : memref<320000x16xf32, #tpu.memory_space<hbm>> -> memref<80x16xf32, #tpu.memory_space<hbm>>
      %dma_start3A_260 = arith.constant 0 : i32
      %dma_start3A_261 = tpu.memref_slice %arg7[%add3A_257, %dma_start3A_260] : memref<320000x16xf32, #tpu.memory_space<hbm>> -> memref<80x16xf32, #tpu.memory_space<hbm>>
      tpu.enqueue_dma source(%arg24 : memref<80x16xf32, #tpu.memory_space<vmem>>) target(%dma_start3A_261 : memref<80x16xf32, #tpu.memory_space<hbm>>) target_semaphore(%arg35 : memref<!tpu.dma_semaphore, #tpu.memory_space<semaphore_mem>>)
      %add3A_262 = arith.constant 2 : i32
      %add3A_263 = arith.addi %add3A_207, %add3A_262 : i32
      %lt3A_264 = arith.constant 125 : i32
      %lt3A_265 = arith.cmpi slt, %add3A_263, %lt3A_264 : i32
      %convert_element_type3A_266 = arith.extui %lt3A_265 : i1 to i32
      %cond3A_267 = arith.constant 0 : i32
      %cond3A_268 = arith.cmpi ne, %convert_element_type3A_266, %cond3A_267 : i32
      scf.if %cond3A_268 {
        %add3A_399 = arith.constant 2 : i32
        %add3A_400 = arith.addi %add3A_207, %add3A_399 : i32
        %mul3A_401 = arith.constant 80 : i32
        %mul3A_402 = arith.muli %add3A_400, %mul3A_401 : i32
        %add3A_403 = arith.addi %mul3A_2, %mul3A_402 : i32
        %dma_start3A_404 = tpu.memref_slice %arg2[%add3A_403] : memref<320000xi32, #tpu.memory_space<hbm>> -> memref<80xi32, #tpu.memory_space<hbm>>
        %dma_start3A_405 = tpu.memref_slice %arg2[%add3A_403] : memref<320000xi32, #tpu.memory_space<hbm>> -> memref<80xi32, #tpu.memory_space<hbm>>
        tpu.enqueue_dma source(%dma_start3A_405 : memref<80xi32, #tpu.memory_space<hbm>>) target(%arg12 : memref<80xi32, #tpu.memory_space<vmem>>) target_semaphore(%arg31 : memref<!tpu.dma_semaphore, #tpu.memory_space<semaphore_mem>>)
        %dma_start3A_406 = tpu.memref_slice %arg3[%add3A_403] : memref<320000xi32, #tpu.memory_space<hbm>> -> memref<80xi32, #tpu.memory_space<hbm>>
        %dma_start3A_407 = tpu.memref_slice %arg3[%add3A_403] : memref<320000xi32, #tpu.memory_space<hbm>> -> memref<80xi32, #tpu.memory_space<hbm>>
        tpu.enqueue_dma source(%dma_start3A_407 : memref<80xi32, #tpu.memory_space<hbm>>) target(%arg16 : memref<80xi32, #tpu.memory_space<vmem>>) target_semaphore(%arg31 : memref<!tpu.dma_semaphore, #tpu.memory_space<semaphore_mem>>)
      } else {
      }
      %mul3A_269 = arith.constant 4 : i32
      %mul3A_270 = arith.muli %mul3A_269, %scan3A_142 : i32
      %add3A_271 = arith.constant 2 : i32
      %add3A_272 = arith.addi %mul3A_270, %add3A_271 : i32
      %dma_wait3A_273 = arith.constant 0 : i32
      %dma_wait3A_274 = tpu.memref_slice %arg2[%dma_wait3A_273] : memref<320000xi32, #tpu.memory_space<hbm>> -> memref<80xi32, #tpu.memory_space<hbm>>
      %dma_wait3A_275 = arith.constant 0 : i32
      %dma_wait3A_276 = tpu.memref_slice %arg2[%dma_wait3A_275] : memref<320000xi32, #tpu.memory_space<hbm>> -> memref<80xi32, #tpu.memory_space<hbm>>
      tpu.wait_dma2 semaphore(%arg31 : memref<!tpu.dma_semaphore, #tpu.memory_space<semaphore_mem>>) src(%dma_wait3A_276 : memref<80xi32, #tpu.memory_space<hbm>>) dst(%arg12 : memref<80xi32, #tpu.memory_space<vmem>>)
      %dma_wait3A_277 = arith.constant 0 : i32
      %dma_wait3A_278 = tpu.memref_slice %arg3[%dma_wait3A_277] : memref<320000xi32, #tpu.memory_space<hbm>> -> memref<80xi32, #tpu.memory_space<hbm>>
      %dma_wait3A_279 = arith.constant 0 : i32
      %dma_wait3A_280 = tpu.memref_slice %arg3[%dma_wait3A_279] : memref<320000xi32, #tpu.memory_space<hbm>> -> memref<80xi32, #tpu.memory_space<hbm>>
      tpu.wait_dma2 semaphore(%arg31 : memref<!tpu.dma_semaphore, #tpu.memory_space<semaphore_mem>>) src(%dma_wait3A_280 : memref<80xi32, #tpu.memory_space<hbm>>) dst(%arg16 : memref<80xi32, #tpu.memory_space<vmem>>)
      %add3A_281 = arith.constant 1 : i32
      %add3A_282 = arith.addi %add3A_272, %add3A_281 : i32
      %mul3A_283 = arith.constant 80 : i32
      %mul3A_284 = arith.muli %add3A_282, %mul3A_283 : i32
      %add3A_285 = arith.addi %mul3A_2, %mul3A_284 : i32
      %mul3A_286 = arith.constant 128 : i32
      %mul3A_287 = arith.muli %add3A_285, %mul3A_286 : i32
      %dma_start3A_288 = tpu.memref_slice %arg6[%mul3A_287] : memref<40960000xf32, #tpu.memory_space<hbm>> -> memref<10240xf32, #tpu.memory_space<hbm>>
      %dma_start3A_289 = tpu.memref_slice %arg6[%mul3A_287] : memref<40960000xf32, #tpu.memory_space<hbm>> -> memref<10240xf32, #tpu.memory_space<hbm>>
      tpu.enqueue_dma source(%dma_start3A_289 : memref<10240xf32, #tpu.memory_space<hbm>>) target(%arg22 : memref<10240xf32, #tpu.memory_space<vmem>>) target_semaphore(%arg33 : memref<!tpu.dma_semaphore, #tpu.memory_space<semaphore_mem>>)
      %dma_start3A_290 = arith.constant 0 : i32
      %dma_start3A_291 = arith.constant 0 : i32
      %dma_start3A_292 = tpu.memref_slice %arg4[%dma_start3A_290, %dma_start3A_291] : memref<10000x128xf32, #tpu.memory_space<hbm>> -> memref<10000x128xf32, #tpu.memory_space<hbm>>
      tpu.enqueue_indirect_dma source(%dma_start3A_292 : memref<10000x128xf32, #tpu.memory_space<hbm>>) target(%arg18 : memref<80x128xf32, #tpu.memory_space<vmem>>) offsets(%arg12 : memref<80xi32, #tpu.memory_space<vmem>>) semaphore(%arg33 : memref<!tpu.dma_semaphore, #tpu.memory_space<semaphore_mem>>)
      %dma_start3A_293 = arith.constant 0 : i32
      %dma_start3A_294 = arith.constant 0 : i32
      %dma_start3A_295 = tpu.memref_slice %arg5[%dma_start3A_293, %dma_start3A_294] : memref<10000x64xf32, #tpu.memory_space<hbm>> -> memref<10000x64xf32, #tpu.memory_space<hbm>>
      tpu.enqueue_indirect_dma source(%dma_start3A_295 : memref<10000x64xf32, #tpu.memory_space<hbm>>) target(%arg20 : memref<80x64xf32, #tpu.memory_space<vmem>>) offsets(%arg16 : memref<80xi32, #tpu.memory_space<vmem>>) semaphore(%arg33 : memref<!tpu.dma_semaphore, #tpu.memory_space<semaphore_mem>>)
      %dma_wait3A_296 = arith.constant 0 : i32
      %dma_wait3A_297 = tpu.memref_slice %arg6[%dma_wait3A_296] : memref<40960000xf32, #tpu.memory_space<hbm>> -> memref<10240xf32, #tpu.memory_space<hbm>>
      %dma_wait3A_298 = arith.constant 0 : i32
      %dma_wait3A_299 = tpu.memref_slice %arg6[%dma_wait3A_298] : memref<40960000xf32, #tpu.memory_space<hbm>> -> memref<10240xf32, #tpu.memory_space<hbm>>
      tpu.wait_dma2 semaphore(%arg32 : memref<!tpu.dma_semaphore, #tpu.memory_space<semaphore_mem>>) src(%dma_wait3A_299 : memref<10240xf32, #tpu.memory_space<hbm>>) dst(%arg21 : memref<10240xf32, #tpu.memory_space<vmem>>)
      %dma_wait3A_300 = arith.constant 0 : i32
      %dma_wait3A_301 = arith.constant 0 : i32
      %dma_wait3A_302 = tpu.memref_slice %arg4[%dma_wait3A_300, %dma_wait3A_301] : memref<10000x128xf32, #tpu.memory_space<hbm>> -> memref<10000x128xf32, #tpu.memory_space<hbm>>
      tpu.wait_indirect_dma semaphore(%arg32 : memref<!tpu.dma_semaphore, #tpu.memory_space<semaphore_mem>>) src(%dma_wait3A_302 : memref<10000x128xf32, #tpu.memory_space<hbm>>) dst(%arg17 : memref<80x128xf32, #tpu.memory_space<vmem>>)
      %dma_wait3A_303 = arith.constant 0 : i32
      %dma_wait3A_304 = arith.constant 0 : i32
      %dma_wait3A_305 = tpu.memref_slice %arg5[%dma_wait3A_303, %dma_wait3A_304] : memref<10000x64xf32, #tpu.memory_space<hbm>> -> memref<10000x64xf32, #tpu.memory_space<hbm>>
      tpu.wait_indirect_dma semaphore(%arg32 : memref<!tpu.dma_semaphore, #tpu.memory_space<semaphore_mem>>) src(%dma_wait3A_305 : memref<10000x64xf32, #tpu.memory_space<hbm>>) dst(%arg19 : memref<80x64xf32, #tpu.memory_space<vmem>>)
      %ge3A_306 = arith.constant 2 : i32
      %ge3A_307 = arith.cmpi sge, %add3A_272, %ge3A_306 : i32
      %convert_element_type3A_308 = arith.extui %ge3A_307 : i1 to i32
      %cond3A_309 = arith.constant 0 : i32
      %cond3A_310 = arith.cmpi ne, %convert_element_type3A_308, %cond3A_309 : i32
      scf.if %cond3A_310 {
        %dma_wait3A_399 = arith.constant 0 : i32
        %dma_wait3A_400 = arith.constant 0 : i32
        %dma_wait3A_401 = tpu.memref_slice %arg27[%dma_wait3A_399, %dma_wait3A_400] : memref<10000x80xf32, #tpu.memory_space<vmem_shared>> -> memref<10000x80xf32, #tpu.memory_space<vmem_shared>>
        tpu.wait_indirect_dma semaphore(%arg36 : memref<!tpu.dma_semaphore, #tpu.memory_space<semaphore_mem>>) src(%arg25 : memref<80x80xf32, #tpu.memory_space<vmem>>) dst(%dma_wait3A_401 : memref<10000x80xf32, #tpu.memory_space<vmem_shared>>)
        %dma_wait3A_402 = arith.constant 0 : i32
        %dma_wait3A_403 = arith.constant 0 : i32
        %dma_wait3A_404 = tpu.memref_slice %arg7[%dma_wait3A_402, %dma_wait3A_403] : memref<320000x16xf32, #tpu.memory_space<hbm>> -> memref<80x16xf32, #tpu.memory_space<hbm>>
        %dma_wait3A_405 = arith.constant 0 : i32
        %dma_wait3A_406 = arith.constant 0 : i32
        %dma_wait3A_407 = tpu.memref_slice %arg7[%dma_wait3A_405, %dma_wait3A_406] : memref<320000x16xf32, #tpu.memory_space<hbm>> -> memref<80x16xf32, #tpu.memory_space<hbm>>
        tpu.wait_dma2 semaphore(%arg34 : memref<!tpu.dma_semaphore, #tpu.memory_space<semaphore_mem>>) src(%arg23 : memref<80x16xf32, #tpu.memory_space<vmem>>) dst(%dma_wait3A_407 : memref<80x16xf32, #tpu.memory_space<hbm>>)
      } else {
      }
      %scan3A_311 = arith.constant 0 : i32
      %scan3A_312 = arith.constant 0 : i32
      %scan3A_313 = arith.constant 40 : i32
      %scan3A_314 = arith.addi %scan3A_312, %scan3A_313 : i32
      %scan3A_315 = arith.constant 1 : i32
      scf.for %scan3A_399 = %scan3A_312 to %scan3A_314 step %scan3A_315  : i32 {
        %mul3A_400 = arith.constant 2 : i32
        %mul3A_401 = arith.muli %mul3A_400, %scan3A_399 : i32
        %broadcast_in_dim3A_402 = arith.constant 0.000000e+00 : f32
        %broadcast_in_dim3A_403 = vector.broadcast %broadcast_in_dim3A_402 : f32 to vector<16xf32>
        %get3A = arith.index_cast %mul3A_401 : i32 to index
        %get3A_404 = arith.constant 64 : index
        %get3A_405 = tpu.vector_load %arg17[%get3A, %get3A_404] {strides = array<i32>} : memref<80x128xf32, #tpu.memory_space<vmem>>, vector<16xf32>,
        %mul3A_406 = arith.constant 128 : i32
        %mul3A_407 = arith.muli %mul3A_401, %mul3A_406 : i32
        %add3A_408 = arith.constant 64 : i32
        %add3A_409 = arith.addi %mul3A_407, %add3A_408 : i32
        %add3A_410 = arith.constant 0 : i32
        %add3A_411 = arith.addi %add3A_409, %add3A_410 : i32
        %get3A_412 = arith.index_cast %add3A_411 : i32 to index
        %get3A_413 = tpu.vector_load %arg21[%get3A_412] {strides = array<i32>} : memref<10240xf32, #tpu.memory_space<vmem>>, vector<16xf32>,
        %get3A_414 = arith.index_cast %mul3A_401 : i32 to index
        %get3A_415 = arith.constant 0 : index
        %get3A_416 = tpu.vector_load %arg19[%get3A_414, %get3A_415] {strides = array<i32>} : memref<80x64xf32, #tpu.memory_space<vmem>>, vector<16xf32>,
        %mul3A_417 = arith.mulf %get3A_405, %get3A_413 : vector<16xf32>
        %mul3A_418 = arith.mulf %mul3A_417, %get3A_416 : vector<16xf32>
        %reduce_sum3A = arith.constant true
        %reduce_sum3A_419 = vector.broadcast %reduce_sum3A : i1 to vector<16xi1>
        %reduce_sum3A_420 = tpu.scan <sum>, %mul3A_418 masked %reduce_sum3A_419 : vector<16xf32>, vector<16xi1> -> vector<16xf32>
        %reduce_sum3A_421 = vector.extract %reduce_sum3A_420[15] : f32 from vector<16xf32>
        %eq3A = arith.constant 0 : i32
        %eq3A_422 = vector.broadcast %eq3A : i32 to vector<16xi32>
        %eq3A_423 = arith.cmpi eq, %iota3A, %eq3A_422 : vector<16xi32>
        %broadcast_in_dim3A_424 = vector.broadcast %reduce_sum3A_421 : f32 to vector<16xf32>
        %select_n3A = arith.select %eq3A_423, %broadcast_in_dim3A_424, %broadcast_in_dim3A_403 : vector<16xi1>, vector<16xf32>
        %get3A_425 = arith.index_cast %mul3A_401 : i32 to index
        %get3A_426 = arith.constant 80 : index
        %get3A_427 = tpu.vector_load %arg17[%get3A_425, %get3A_426] {strides = array<i32>} : memref<80x128xf32, #tpu.memory_space<vmem>>, vector<16xf32>,
        %mul3A_428 = arith.constant 128 : i32
        %mul3A_429 = arith.muli %mul3A_401, %mul3A_428 : i32
        %add3A_430 = arith.constant 64 : i32
        %add3A_431 = arith.addi %mul3A_429, %add3A_430 : i32
        %add3A_432 = arith.constant 16 : i32
        %add3A_433 = arith.addi %add3A_431, %add3A_432 : i32
        %get3A_434 = arith.index_cast %add3A_433 : i32 to index
        %get3A_435 = tpu.vector_load %arg21[%get3A_434] {strides = array<i32>} : memref<10240xf32, #tpu.memory_space<vmem>>, vector<16xf32>,
        %get3A_436 = arith.index_cast %mul3A_401 : i32 to index
        %get3A_437 = arith.constant 16 : index
        %get3A_438 = tpu.vector_load %arg19[%get3A_436, %get3A_437] {strides = array<i32>} : memref<80x64xf32, #tpu.memory_space<vmem>>, vector<16xf32>,
        %mul3A_439 = arith.mulf %get3A_427, %get3A_435 : vector<16xf32>
        %mul3A_440 = arith.mulf %mul3A_439, %get3A_438 : vector<16xf32>
        %reduce_sum3A_441 = arith.constant true
        %reduce_sum3A_442 = vector.broadcast %reduce_sum3A_441 : i1 to vector<16xi1>
        %reduce_sum3A_443 = tpu.scan <sum>, %mul3A_440 masked %reduce_sum3A_442 : vector<16xf32>, vector<16xi1> -> vector<16xf32>
        %reduce_sum3A_444 = vector.extract %reduce_sum3A_443[15] : f32 from vector<16xf32>
        %eq3A_445 = arith.constant 1 : i32
        %eq3A_446 = vector.broadcast %eq3A_445 : i32 to vector<16xi32>
        %eq3A_447 = arith.cmpi eq, %iota3A, %eq3A_446 : vector<16xi32>
        %broadcast_in_dim3A_448 = vector.broadcast %reduce_sum3A_444 : f32 to vector<16xf32>
        %select_n3A_449 = arith.select %eq3A_447, %broadcast_in_dim3A_448, %select_n3A : vector<16xi1>, vector<16xf32>
        %get3A_450 = arith.index_cast %mul3A_401 : i32 to index
        %get3A_451 = arith.constant 96 : index
        %get3A_452 = tpu.vector_load %arg17[%get3A_450, %get3A_451] {strides = array<i32>} : memref<80x128xf32, #tpu.memory_space<vmem>>, vector<16xf32>,
        %mul3A_453 = arith.constant 128 : i32
        %mul3A_454 = arith.muli %mul3A_401, %mul3A_453 : i32
        %add3A_455 = arith.constant 64 : i32
        %add3A_456 = arith.addi %mul3A_454, %add3A_455 : i32
        %add3A_457 = arith.constant 32 : i32
        %add3A_458 = arith.addi %add3A_456, %add3A_457 : i32
        %get3A_459 = arith.index_cast %add3A_458 : i32 to index
        %get3A_460 = tpu.vector_load %arg21[%get3A_459] {strides = array<i32>} : memref<10240xf32, #tpu.memory_space<vmem>>, vector<16xf32>,
        %get3A_461 = arith.index_cast %mul3A_401 : i32 to index
        %get3A_462 = arith.constant 32 : index
        %get3A_463 = tpu.vector_load %arg19[%get3A_461, %get3A_462] {strides = array<i32>} : memref<80x64xf32, #tpu.memory_space<vmem>>, vector<16xf32>,
        %mul3A_464 = arith.mulf %get3A_452, %get3A_460 : vector<16xf32>
        %mul3A_465 = arith.mulf %mul3A_464, %get3A_463 : vector<16xf32>
        %reduce_sum3A_466 = arith.constant true
        %reduce_sum3A_467 = vector.broadcast %reduce_sum3A_466 : i1 to vector<16xi1>
        %reduce_sum3A_468 = tpu.scan <sum>, %mul3A_465 masked %reduce_sum3A_467 : vector<16xf32>, vector<16xi1> -> vector<16xf32>
        %reduce_sum3A_469 = vector.extract %reduce_sum3A_468[15] : f32 from vector<16xf32>
        %eq3A_470 = arith.constant 2 : i32
        %eq3A_471 = vector.broadcast %eq3A_470 : i32 to vector<16xi32>
        %eq3A_472 = arith.cmpi eq, %iota3A, %eq3A_471 : vector<16xi32>
        %broadcast_in_dim3A_473 = vector.broadcast %reduce_sum3A_469 : f32 to vector<16xf32>
        %select_n3A_474 = arith.select %eq3A_472, %broadcast_in_dim3A_473, %select_n3A_449 : vector<16xi1>, vector<16xf32>
        %get3A_475 = arith.index_cast %mul3A_401 : i32 to index
        %get3A_476 = arith.constant 112 : index
        %get3A_477 = tpu.vector_load %arg17[%get3A_475, %get3A_476] {strides = array<i32>} : memref<80x128xf32, #tpu.memory_space<vmem>>, vector<16xf32>,
        %mul3A_478 = arith.constant 128 : i32
        %mul3A_479 = arith.muli %mul3A_401, %mul3A_478 : i32
        %add3A_480 = arith.constant 64 : i32
        %add3A_481 = arith.addi %mul3A_479, %add3A_480 : i32
        %add3A_482 = arith.constant 48 : i32
        %add3A_483 = arith.addi %add3A_481, %add3A_482 : i32
        %get3A_484 = arith.index_cast %add3A_483 : i32 to index
        %get3A_485 = tpu.vector_load %arg21[%get3A_484] {strides = array<i32>} : memref<10240xf32, #tpu.memory_space<vmem>>, vector<16xf32>,
        %get3A_486 = arith.index_cast %mul3A_401 : i32 to index
        %get3A_487 = arith.constant 48 : index
        %get3A_488 = tpu.vector_load %arg19[%get3A_486, %get3A_487] {strides = array<i32>} : memref<80x64xf32, #tpu.memory_space<vmem>>, vector<16xf32>,
        %mul3A_489 = arith.mulf %get3A_477, %get3A_485 : vector<16xf32>
        %mul3A_490 = arith.mulf %mul3A_489, %get3A_488 : vector<16xf32>
        %reduce_sum3A_491 = arith.constant true
        %reduce_sum3A_492 = vector.broadcast %reduce_sum3A_491 : i1 to vector<16xi1>
        %reduce_sum3A_493 = tpu.scan <sum>, %mul3A_490 masked %reduce_sum3A_492 : vector<16xf32>, vector<16xi1> -> vector<16xf32>
        %reduce_sum3A_494 = vector.extract %reduce_sum3A_493[15] : f32 from vector<16xf32>
        %eq3A_495 = arith.constant 3 : i32
        %eq3A_496 = vector.broadcast %eq3A_495 : i32 to vector<16xi32>
        %eq3A_497 = arith.cmpi eq, %iota3A, %eq3A_496 : vector<16xi32>
        %broadcast_in_dim3A_498 = vector.broadcast %reduce_sum3A_494 : f32 to vector<16xf32>
        %select_n3A_499 = arith.select %eq3A_497, %broadcast_in_dim3A_498, %select_n3A_474 : vector<16xi1>, vector<16xf32>
        %swap3A = arith.index_cast %mul3A_401 : i32 to index
        %swap3A_500 = arith.constant 0 : index
        %swap3A_501 = tpu.vector_load %arg23[%swap3A, %swap3A_500] {strides = array<i32>} : memref<80x16xf32, #tpu.memory_space<vmem>>, vector<16xf32>,
        tpu.vector_store %arg23[%swap3A, %swap3A_500], %select_n3A_499 {strides = array<i32>} : memref<80x16xf32, #tpu.memory_space<vmem>>, vector<16xf32>,
        %max3A = arith.constant -6.000000e+01 : f32
        %max3A_502 = vector.broadcast %max3A : f32 to vector<16xf32>
        %max3A_503 = arith.maximumf %select_n3A_499, %max3A_502 : vector<16xf32>
        %min3A = arith.constant 6.000000e+01 : f32
        %min3A_504 = vector.broadcast %min3A : f32 to vector<16xf32>
        %min3A_505 = arith.minimumf %max3A_503, %min3A_504 : vector<16xf32>
        %exp3A = math.exp %min3A_505 : vector<16xf32>
        %lt3A_506 = arith.constant 4 : i32
        %lt3A_507 = vector.broadcast %lt3A_506 : i32 to vector<16xi32>
        %lt3A_508 = arith.cmpi slt, %iota3A, %lt3A_507 : vector<16xi32>
        %jit3A = arith.constant 0.000000e+00 : f32
        %broadcast_in_dim3A_509 = vector.broadcast %jit3A : f32 to vector<16xf32>
        %select_n3A_510 = arith.select %lt3A_508, %exp3A, %broadcast_in_dim3A_509 : vector<16xi1>, vector<16xf32>
        %swap3A_511 = arith.index_cast %mul3A_401 : i32 to index
        %swap3A_512 = arith.constant 64 : index
        %swap3A_513 = tpu.vector_load %arg25[%swap3A_511, %swap3A_512] {strides = array<i32>} : memref<80x80xf32, #tpu.memory_space<vmem>>, vector<16xf32>,
        tpu.vector_store %arg25[%swap3A_511, %swap3A_512], %select_n3A_510 {strides = array<i32>} : memref<80x80xf32, #tpu.memory_space<vmem>>, vector<16xf32>,
        %lt3A_514 = arith.constant 0 : i32
        %lt3A_515 = vector.broadcast %lt3A_514 : i32 to vector<16xi32>
        %lt3A_516 = arith.cmpi slt, %broadcast_in_dim3A_3, %lt3A_515 : vector<16xi32>
        %add3A_517 = arith.constant 16 : i32
        %add3A_518 = vector.broadcast %add3A_517 : i32 to vector<16xi32>
        %add3A_519 = arith.addi %broadcast_in_dim3A_3, %add3A_518 : vector<16xi32>
        %select_n3A_520 = arith.select %lt3A_516, %add3A_519, %broadcast_in_dim3A_3 : vector<16xi1>, vector<16xi32>
        %broadcast_in_dim3A_521 = vector.shape_cast %select_n3A_520 : vector<16xi32> to vector<16x1xi32>
        %gather3A = vector.shape_cast %broadcast_in_dim3A_521 : vector<16x1xi32> to vector<16xi32>
        %gather3A_522 = tpu.dynamic_gather %select_n3A_510[%gather3A] in [0] : vector<16xf32>, vector<16xi32> -> vector<16xf32>
        %get3A_523 = arith.index_cast %mul3A_401 : i32 to index
        %get3A_524 = arith.constant 0 : index
        %get3A_525 = tpu.vector_load %arg17[%get3A_523, %get3A_524] {strides = array<i32>} : memref<80x128xf32, #tpu.memory_space<vmem>>, vector<16xf32>,
        %mul3A_526 = arith.constant 128 : i32
        %mul3A_527 = arith.muli %mul3A_401, %mul3A_526 : i32
        %add3A_528 = arith.constant 0 : i32
        %add3A_529 = arith.addi %mul3A_527, %add3A_528 : i32
        %get3A_530 = arith.index_cast %add3A_529 : i32 to index
        %get3A_531 = tpu.vector_load %arg21[%get3A_530] {strides = array<i32>} : memref<10240xf32, #tpu.memory_space<vmem>>, vector<16xf32>,
        %mul3A_532 = arith.mulf %get3A_525, %get3A_531 : vector<16xf32>
        %mul3A_533 = arith.mulf %mul3A_532, %gather3A_522 : vector<16xf32>
        %swap3A_534 = arith.index_cast %mul3A_401 : i32 to index
        %swap3A_535 = arith.constant 0 : index
        %swap3A_536 = tpu.vector_load %arg25[%swap3A_534, %swap3A_535] {strides = array<i32>} : memref<80x80xf32, #tpu.memory_space<vmem>>, vector<16xf32>,
        tpu.vector_store %arg25[%swap3A_534, %swap3A_535], %mul3A_533 {strides = array<i32>} : memref<80x80xf32, #tpu.memory_space<vmem>>, vector<16xf32>,
        %lt3A_537 = arith.constant 0 : i32
        %lt3A_538 = vector.broadcast %lt3A_537 : i32 to vector<16xi32>
        %lt3A_539 = arith.cmpi slt, %broadcast_in_dim3A_5, %lt3A_538 : vector<16xi32>
        %add3A_540 = arith.constant 16 : i32
        %add3A_541 = vector.broadcast %add3A_540 : i32 to vector<16xi32>
        %add3A_542 = arith.addi %broadcast_in_dim3A_5, %add3A_541 : vector<16xi32>
        %select_n3A_543 = arith.select %lt3A_539, %add3A_542, %broadcast_in_dim3A_5 : vector<16xi1>, vector<16xi32>
        %broadcast_in_dim3A_544 = vector.shape_cast %select_n3A_543 : vector<16xi32> to vector<16x1xi32>
        %gather3A_545 = vector.shape_cast %broadcast_in_dim3A_544 : vector<16x1xi32> to vector<16xi32>
        %gather3A_546 = tpu.dynamic_gather %select_n3A_510[%gather3A_545] in [0] : vector<16xf32>, vector<16xi32> -> vector<16xf32>
        %get3A_547 = arith.index_cast %mul3A_401 : i32 to index
        %get3A_548 = arith.constant 16 : index
        %get3A_549 = tpu.vector_load %arg17[%get3A_547, %get3A_548] {strides = array<i32>} : memref<80x128xf32, #tpu.memory_space<vmem>>, vector<16xf32>,
        %mul3A_550 = arith.constant 128 : i32
        %mul3A_551 = arith.muli %mul3A_401, %mul3A_550 : i32
        %add3A_552 = arith.constant 16 : i32
        %add3A_553 = arith.addi %mul3A_551, %add3A_552 : i32
        %get3A_554 = arith.index_cast %add3A_553 : i32 to index
        %get3A_555 = tpu.vector_load %arg21[%get3A_554] {strides = array<i32>} : memref<10240xf32, #tpu.memory_space<vmem>>, vector<16xf32>,
        %mul3A_556 = arith.mulf %get3A_549, %get3A_555 : vector<16xf32>
        %mul3A_557 = arith.mulf %mul3A_556, %gather3A_546 : vector<16xf32>
        %swap3A_558 = arith.index_cast %mul3A_401 : i32 to index
        %swap3A_559 = arith.constant 16 : index
        %swap3A_560 = tpu.vector_load %arg25[%swap3A_558, %swap3A_559] {strides = array<i32>} : memref<80x80xf32, #tpu.memory_space<vmem>>, vector<16xf32>,
        tpu.vector_store %arg25[%swap3A_558, %swap3A_559], %mul3A_557 {strides = array<i32>} : memref<80x80xf32, #tpu.memory_space<vmem>>, vector<16xf32>,
        %lt3A_561 = arith.constant 0 : i32
        %lt3A_562 = vector.broadcast %lt3A_561 : i32 to vector<16xi32>
        %lt3A_563 = arith.cmpi slt, %broadcast_in_dim3A_7, %lt3A_562 : vector<16xi32>
        %add3A_564 = arith.constant 16 : i32
        %add3A_565 = vector.broadcast %add3A_564 : i32 to vector<16xi32>
        %add3A_566 = arith.addi %broadcast_in_dim3A_7, %add3A_565 : vector<16xi32>
        %select_n3A_567 = arith.select %lt3A_563, %add3A_566, %broadcast_in_dim3A_7 : vector<16xi1>, vector<16xi32>
        %broadcast_in_dim3A_568 = vector.shape_cast %select_n3A_567 : vector<16xi32> to vector<16x1xi32>
        %gather3A_569 = vector.shape_cast %broadcast_in_dim3A_568 : vector<16x1xi32> to vector<16xi32>
        %gather3A_570 = tpu.dynamic_gather %select_n3A_510[%gather3A_569] in [0] : vector<16xf32>, vector<16xi32> -> vector<16xf32>
        %get3A_571 = arith.index_cast %mul3A_401 : i32 to index
        %get3A_572 = arith.constant 32 : index
        %get3A_573 = tpu.vector_load %arg17[%get3A_571, %get3A_572] {strides = array<i32>} : memref<80x128xf32, #tpu.memory_space<vmem>>, vector<16xf32>,
        %mul3A_574 = arith.constant 128 : i32
        %mul3A_575 = arith.muli %mul3A_401, %mul3A_574 : i32
        %add3A_576 = arith.constant 32 : i32
        %add3A_577 = arith.addi %mul3A_575, %add3A_576 : i32
        %get3A_578 = arith.index_cast %add3A_577 : i32 to index
        %get3A_579 = tpu.vector_load %arg21[%get3A_578] {strides = array<i32>} : memref<10240xf32, #tpu.memory_space<vmem>>, vector<16xf32>,
        %mul3A_580 = arith.mulf %get3A_573, %get3A_579 : vector<16xf32>
        %mul3A_581 = arith.mulf %mul3A_580, %gather3A_570 : vector<16xf32>
        %swap3A_582 = arith.index_cast %mul3A_401 : i32 to index
        %swap3A_583 = arith.constant 32 : index
        %swap3A_584 = tpu.vector_load %arg25[%swap3A_582, %swap3A_583] {strides = array<i32>} : memref<80x80xf32, #tpu.memory_space<vmem>>, vector<16xf32>,
        tpu.vector_store %arg25[%swap3A_582, %swap3A_583], %mul3A_581 {strides = array<i32>} : memref<80x80xf32, #tpu.memory_space<vmem>>, vector<16xf32>,
        %lt3A_585 = arith.constant 0 : i32
        %lt3A_586 = vector.broadcast %lt3A_585 : i32 to vector<16xi32>
        %lt3A_587 = arith.cmpi slt, %broadcast_in_dim3A_9, %lt3A_586 : vector<16xi32>
        %add3A_588 = arith.constant 16 : i32
        %add3A_589 = vector.broadcast %add3A_588 : i32 to vector<16xi32>
        %add3A_590 = arith.addi %broadcast_in_dim3A_9, %add3A_589 : vector<16xi32>
        %select_n3A_591 = arith.select %lt3A_587, %add3A_590, %broadcast_in_dim3A_9 : vector<16xi1>, vector<16xi32>
        %broadcast_in_dim3A_592 = vector.shape_cast %select_n3A_591 : vector<16xi32> to vector<16x1xi32>
        %gather3A_593 = vector.shape_cast %broadcast_in_dim3A_592 : vector<16x1xi32> to vector<16xi32>
        %gather3A_594 = tpu.dynamic_gather %select_n3A_510[%gather3A_593] in [0] : vector<16xf32>, vector<16xi32> -> vector<16xf32>
        %get3A_595 = arith.index_cast %mul3A_401 : i32 to index
        %get3A_596 = arith.constant 48 : index
        %get3A_597 = tpu.vector_load %arg17[%get3A_595, %get3A_596] {strides = array<i32>} : memref<80x128xf32, #tpu.memory_space<vmem>>, vector<16xf32>,
        %mul3A_598 = arith.constant 128 : i32
        %mul3A_599 = arith.muli %mul3A_401, %mul3A_598 : i32
        %add3A_600 = arith.constant 48 : i32
        %add3A_601 = arith.addi %mul3A_599, %add3A_600 : i32
        %get3A_602 = arith.index_cast %add3A_601 : i32 to index
        %get3A_603 = tpu.vector_load %arg21[%get3A_602] {strides = array<i32>} : memref<10240xf32, #tpu.memory_space<vmem>>, vector<16xf32>,
        %mul3A_604 = arith.mulf %get3A_597, %get3A_603 : vector<16xf32>
        %mul3A_605 = arith.mulf %mul3A_604, %gather3A_594 : vector<16xf32>
        %swap3A_606 = arith.index_cast %mul3A_401 : i32 to index
        %swap3A_607 = arith.constant 48 : index
        %swap3A_608 = tpu.vector_load %arg25[%swap3A_606, %swap3A_607] {strides = array<i32>} : memref<80x80xf32, #tpu.memory_space<vmem>>, vector<16xf32>,
        tpu.vector_store %arg25[%swap3A_606, %swap3A_607], %mul3A_605 {strides = array<i32>} : memref<80x80xf32, #tpu.memory_space<vmem>>, vector<16xf32>,
        %mul3A_609 = arith.constant 2 : i32
        %mul3A_610 = arith.muli %mul3A_609, %scan3A_399 : i32
        %add3A_611 = arith.constant 1 : i32
        %add3A_612 = arith.addi %mul3A_610, %add3A_611 : i32
        %broadcast_in_dim3A_613 = arith.constant 0.000000e+00 : f32
        %broadcast_in_dim3A_614 = vector.broadcast %broadcast_in_dim3A_613 : f32 to vector<16xf32>
        %get3A_615 = arith.index_cast %add3A_612 : i32 to index
        %get3A_616 = arith.constant 64 : index
        %get3A_617 = tpu.vector_load %arg17[%get3A_615, %get3A_616] {strides = array<i32>} : memref<80x128xf32, #tpu.memory_space<vmem>>, vector<16xf32>,
        %mul3A_618 = arith.constant 128 : i32
        %mul3A_619 = arith.muli %add3A_612, %mul3A_618 : i32
        %add3A_620 = arith.constant 64 : i32
        %add3A_621 = arith.addi %mul3A_619, %add3A_620 : i32
        %add3A_622 = arith.constant 0 : i32
        %add3A_623 = arith.addi %add3A_621, %add3A_622 : i32
        %get3A_624 = arith.index_cast %add3A_623 : i32 to index
        %get3A_625 = tpu.vector_load %arg21[%get3A_624] {strides = array<i32>} : memref<10240xf32, #tpu.memory_space<vmem>>, vector<16xf32>,
        %get3A_626 = arith.index_cast %add3A_612 : i32 to index
        %get3A_627 = arith.constant 0 : index
        %get3A_628 = tpu.vector_load %arg19[%get3A_626, %get3A_627] {strides = array<i32>} : memref<80x64xf32, #tpu.memory_space<vmem>>, vector<16xf32>,
        %mul3A_629 = arith.mulf %get3A_617, %get3A_625 : vector<16xf32>
        %mul3A_630 = arith.mulf %mul3A_629, %get3A_628 : vector<16xf32>
        %reduce_sum3A_631 = arith.constant true
        %reduce_sum3A_632 = vector.broadcast %reduce_sum3A_631 : i1 to vector<16xi1>
        %reduce_sum3A_633 = tpu.scan <sum>, %mul3A_630 masked %reduce_sum3A_632 : vector<16xf32>, vector<16xi1> -> vector<16xf32>
        %reduce_sum3A_634 = vector.extract %reduce_sum3A_633[15] : f32 from vector<16xf32>
        %eq3A_635 = arith.constant 0 : i32
        %eq3A_636 = vector.broadcast %eq3A_635 : i32 to vector<16xi32>
        %eq3A_637 = arith.cmpi eq, %iota3A, %eq3A_636 : vector<16xi32>
        %broadcast_in_dim3A_638 = vector.broadcast %reduce_sum3A_634 : f32 to vector<16xf32>
        %select_n3A_639 = arith.select %eq3A_637, %broadcast_in_dim3A_638, %broadcast_in_dim3A_614 : vector<16xi1>, vector<16xf32>
        %get3A_640 = arith.index_cast %add3A_612 : i32 to index
        %get3A_641 = arith.constant 80 : index
        %get3A_642 = tpu.vector_load %arg17[%get3A_640, %get3A_641] {strides = array<i32>} : memref<80x128xf32, #tpu.memory_space<vmem>>, vector<16xf32>,
        %mul3A_643 = arith.constant 128 : i32
        %mul3A_644 = arith.muli %add3A_612, %mul3A_643 : i32
        %add3A_645 = arith.constant 64 : i32
        %add3A_646 = arith.addi %mul3A_644, %add3A_645 : i32
        %add3A_647 = arith.constant 16 : i32
        %add3A_648 = arith.addi %add3A_646, %add3A_647 : i32
        %get3A_649 = arith.index_cast %add3A_648 : i32 to index
        %get3A_650 = tpu.vector_load %arg21[%get3A_649] {strides = array<i32>} : memref<10240xf32, #tpu.memory_space<vmem>>, vector<16xf32>,
        %get3A_651 = arith.index_cast %add3A_612 : i32 to index
        %get3A_652 = arith.constant 16 : index
        %get3A_653 = tpu.vector_load %arg19[%get3A_651, %get3A_652] {strides = array<i32>} : memref<80x64xf32, #tpu.memory_space<vmem>>, vector<16xf32>,
        %mul3A_654 = arith.mulf %get3A_642, %get3A_650 : vector<16xf32>
        %mul3A_655 = arith.mulf %mul3A_654, %get3A_653 : vector<16xf32>
        %reduce_sum3A_656 = arith.constant true
        %reduce_sum3A_657 = vector.broadcast %reduce_sum3A_656 : i1 to vector<16xi1>
        %reduce_sum3A_658 = tpu.scan <sum>, %mul3A_655 masked %reduce_sum3A_657 : vector<16xf32>, vector<16xi1> -> vector<16xf32>
        %reduce_sum3A_659 = vector.extract %reduce_sum3A_658[15] : f32 from vector<16xf32>
        %eq3A_660 = arith.constant 1 : i32
        %eq3A_661 = vector.broadcast %eq3A_660 : i32 to vector<16xi32>
        %eq3A_662 = arith.cmpi eq, %iota3A, %eq3A_661 : vector<16xi32>
        %broadcast_in_dim3A_663 = vector.broadcast %reduce_sum3A_659 : f32 to vector<16xf32>
        %select_n3A_664 = arith.select %eq3A_662, %broadcast_in_dim3A_663, %select_n3A_639 : vector<16xi1>, vector<16xf32>
        %get3A_665 = arith.index_cast %add3A_612 : i32 to index
        %get3A_666 = arith.constant 96 : index
        %get3A_667 = tpu.vector_load %arg17[%get3A_665, %get3A_666] {strides = array<i32>} : memref<80x128xf32, #tpu.memory_space<vmem>>, vector<16xf32>,
        %mul3A_668 = arith.constant 128 : i32
        %mul3A_669 = arith.muli %add3A_612, %mul3A_668 : i32
        %add3A_670 = arith.constant 64 : i32
        %add3A_671 = arith.addi %mul3A_669, %add3A_670 : i32
        %add3A_672 = arith.constant 32 : i32
        %add3A_673 = arith.addi %add3A_671, %add3A_672 : i32
        %get3A_674 = arith.index_cast %add3A_673 : i32 to index
        %get3A_675 = tpu.vector_load %arg21[%get3A_674] {strides = array<i32>} : memref<10240xf32, #tpu.memory_space<vmem>>, vector<16xf32>,
        %get3A_676 = arith.index_cast %add3A_612 : i32 to index
        %get3A_677 = arith.constant 32 : index
        %get3A_678 = tpu.vector_load %arg19[%get3A_676, %get3A_677] {strides = array<i32>} : memref<80x64xf32, #tpu.memory_space<vmem>>, vector<16xf32>,
        %mul3A_679 = arith.mulf %get3A_667, %get3A_675 : vector<16xf32>
        %mul3A_680 = arith.mulf %mul3A_679, %get3A_678 : vector<16xf32>
        %reduce_sum3A_681 = arith.constant true
        %reduce_sum3A_682 = vector.broadcast %reduce_sum3A_681 : i1 to vector<16xi1>
        %reduce_sum3A_683 = tpu.scan <sum>, %mul3A_680 masked %reduce_sum3A_682 : vector<16xf32>, vector<16xi1> -> vector<16xf32>
        %reduce_sum3A_684 = vector.extract %reduce_sum3A_683[15] : f32 from vector<16xf32>
        %eq3A_685 = arith.constant 2 : i32
        %eq3A_686 = vector.broadcast %eq3A_685 : i32 to vector<16xi32>
        %eq3A_687 = arith.cmpi eq, %iota3A, %eq3A_686 : vector<16xi32>
        %broadcast_in_dim3A_688 = vector.broadcast %reduce_sum3A_684 : f32 to vector<16xf32>
        %select_n3A_689 = arith.select %eq3A_687, %broadcast_in_dim3A_688, %select_n3A_664 : vector<16xi1>, vector<16xf32>
        %get3A_690 = arith.index_cast %add3A_612 : i32 to index
        %get3A_691 = arith.constant 112 : index
        %get3A_692 = tpu.vector_load %arg17[%get3A_690, %get3A_691] {strides = array<i32>} : memref<80x128xf32, #tpu.memory_space<vmem>>, vector<16xf32>,
        %mul3A_693 = arith.constant 128 : i32
        %mul3A_694 = arith.muli %add3A_612, %mul3A_693 : i32
        %add3A_695 = arith.constant 64 : i32
        %add3A_696 = arith.addi %mul3A_694, %add3A_695 : i32
        %add3A_697 = arith.constant 48 : i32
        %add3A_698 = arith.addi %add3A_696, %add3A_697 : i32
        %get3A_699 = arith.index_cast %add3A_698 : i32 to index
        %get3A_700 = tpu.vector_load %arg21[%get3A_699] {strides = array<i32>} : memref<10240xf32, #tpu.memory_space<vmem>>, vector<16xf32>,
        %get3A_701 = arith.index_cast %add3A_612 : i32 to index
        %get3A_702 = arith.constant 48 : index
        %get3A_703 = tpu.vector_load %arg19[%get3A_701, %get3A_702] {strides = array<i32>} : memref<80x64xf32, #tpu.memory_space<vmem>>, vector<16xf32>,
        %mul3A_704 = arith.mulf %get3A_692, %get3A_700 : vector<16xf32>
        %mul3A_705 = arith.mulf %mul3A_704, %get3A_703 : vector<16xf32>
        %reduce_sum3A_706 = arith.constant true
        %reduce_sum3A_707 = vector.broadcast %reduce_sum3A_706 : i1 to vector<16xi1>
        %reduce_sum3A_708 = tpu.scan <sum>, %mul3A_705 masked %reduce_sum3A_707 : vector<16xf32>, vector<16xi1> -> vector<16xf32>
        %reduce_sum3A_709 = vector.extract %reduce_sum3A_708[15] : f32 from vector<16xf32>
        %eq3A_710 = arith.constant 3 : i32
        %eq3A_711 = vector.broadcast %eq3A_710 : i32 to vector<16xi32>
        %eq3A_712 = arith.cmpi eq, %iota3A, %eq3A_711 : vector<16xi32>
        %broadcast_in_dim3A_713 = vector.broadcast %reduce_sum3A_709 : f32 to vector<16xf32>
        %select_n3A_714 = arith.select %eq3A_712, %broadcast_in_dim3A_713, %select_n3A_689 : vector<16xi1>, vector<16xf32>
        %swap3A_715 = arith.index_cast %add3A_612 : i32 to index
        %swap3A_716 = arith.constant 0 : index
        %swap3A_717 = tpu.vector_load %arg23[%swap3A_715, %swap3A_716] {strides = array<i32>} : memref<80x16xf32, #tpu.memory_space<vmem>>, vector<16xf32>,
        tpu.vector_store %arg23[%swap3A_715, %swap3A_716], %select_n3A_714 {strides = array<i32>} : memref<80x16xf32, #tpu.memory_space<vmem>>, vector<16xf32>,
        %max3A_718 = arith.constant -6.000000e+01 : f32
        %max3A_719 = vector.broadcast %max3A_718 : f32 to vector<16xf32>
        %max3A_720 = arith.maximumf %select_n3A_714, %max3A_719 : vector<16xf32>
        %min3A_721 = arith.constant 6.000000e+01 : f32
        %min3A_722 = vector.broadcast %min3A_721 : f32 to vector<16xf32>
        %min3A_723 = arith.minimumf %max3A_720, %min3A_722 : vector<16xf32>
        %exp3A_724 = math.exp %min3A_723 : vector<16xf32>
        %lt3A_725 = arith.constant 4 : i32
        %lt3A_726 = vector.broadcast %lt3A_725 : i32 to vector<16xi32>
        %lt3A_727 = arith.cmpi slt, %iota3A, %lt3A_726 : vector<16xi32>
        %jit3A_728 = arith.constant 0.000000e+00 : f32
        %broadcast_in_dim3A_729 = vector.broadcast %jit3A_728 : f32 to vector<16xf32>
        %select_n3A_730 = arith.select %lt3A_727, %exp3A_724, %broadcast_in_dim3A_729 : vector<16xi1>, vector<16xf32>
        %swap3A_731 = arith.index_cast %add3A_612 : i32 to index
        %swap3A_732 = arith.constant 64 : index
        %swap3A_733 = tpu.vector_load %arg25[%swap3A_731, %swap3A_732] {strides = array<i32>} : memref<80x80xf32, #tpu.memory_space<vmem>>, vector<16xf32>,
        tpu.vector_store %arg25[%swap3A_731, %swap3A_732], %select_n3A_730 {strides = array<i32>} : memref<80x80xf32, #tpu.memory_space<vmem>>, vector<16xf32>,
        %lt3A_734 = arith.constant 0 : i32
        %lt3A_735 = vector.broadcast %lt3A_734 : i32 to vector<16xi32>
        %lt3A_736 = arith.cmpi slt, %broadcast_in_dim3A_3, %lt3A_735 : vector<16xi32>
        %add3A_737 = arith.constant 16 : i32
        %add3A_738 = vector.broadcast %add3A_737 : i32 to vector<16xi32>
        %add3A_739 = arith.addi %broadcast_in_dim3A_3, %add3A_738 : vector<16xi32>
        %select_n3A_740 = arith.select %lt3A_736, %add3A_739, %broadcast_in_dim3A_3 : vector<16xi1>, vector<16xi32>
        %broadcast_in_dim3A_741 = vector.shape_cast %select_n3A_740 : vector<16xi32> to vector<16x1xi32>
        %gather3A_742 = vector.shape_cast %broadcast_in_dim3A_741 : vector<16x1xi32> to vector<16xi32>
        %gather3A_743 = tpu.dynamic_gather %select_n3A_730[%gather3A_742] in [0] : vector<16xf32>, vector<16xi32> -> vector<16xf32>
        %get3A_744 = arith.index_cast %add3A_612 : i32 to index
        %get3A_745 = arith.constant 0 : index
        %get3A_746 = tpu.vector_load %arg17[%get3A_744, %get3A_745] {strides = array<i32>} : memref<80x128xf32, #tpu.memory_space<vmem>>, vector<16xf32>,
        %mul3A_747 = arith.constant 128 : i32
        %mul3A_748 = arith.muli %add3A_612, %mul3A_747 : i32
        %add3A_749 = arith.constant 0 : i32
        %add3A_750 = arith.addi %mul3A_748, %add3A_749 : i32
        %get3A_751 = arith.index_cast %add3A_750 : i32 to index
        %get3A_752 = tpu.vector_load %arg21[%get3A_751] {strides = array<i32>} : memref<10240xf32, #tpu.memory_space<vmem>>, vector<16xf32>,
        %mul3A_753 = arith.mulf %get3A_746, %get3A_752 : vector<16xf32>
        %mul3A_754 = arith.mulf %mul3A_753, %gather3A_743 : vector<16xf32>
        %swap3A_755 = arith.index_cast %add3A_612 : i32 to index
        %swap3A_756 = arith.constant 0 : index
        %swap3A_757 = tpu.vector_load %arg25[%swap3A_755, %swap3A_756] {strides = array<i32>} : memref<80x80xf32, #tpu.memory_space<vmem>>, vector<16xf32>,
        tpu.vector_store %arg25[%swap3A_755, %swap3A_756], %mul3A_754 {strides = array<i32>} : memref<80x80xf32, #tpu.memory_space<vmem>>, vector<16xf32>,
        %lt3A_758 = arith.constant 0 : i32
        %lt3A_759 = vector.broadcast %lt3A_758 : i32 to vector<16xi32>
        %lt3A_760 = arith.cmpi slt, %broadcast_in_dim3A_5, %lt3A_759 : vector<16xi32>
        %add3A_761 = arith.constant 16 : i32
        %add3A_762 = vector.broadcast %add3A_761 : i32 to vector<16xi32>
        %add3A_763 = arith.addi %broadcast_in_dim3A_5, %add3A_762 : vector<16xi32>
        %select_n3A_764 = arith.select %lt3A_760, %add3A_763, %broadcast_in_dim3A_5 : vector<16xi1>, vector<16xi32>
        %broadcast_in_dim3A_765 = vector.shape_cast %select_n3A_764 : vector<16xi32> to vector<16x1xi32>
        %gather3A_766 = vector.shape_cast %broadcast_in_dim3A_765 : vector<16x1xi32> to vector<16xi32>
        %gather3A_767 = tpu.dynamic_gather %select_n3A_730[%gather3A_766] in [0] : vector<16xf32>, vector<16xi32> -> vector<16xf32>
        %get3A_768 = arith.index_cast %add3A_612 : i32 to index
        %get3A_769 = arith.constant 16 : index
        %get3A_770 = tpu.vector_load %arg17[%get3A_768, %get3A_769] {strides = array<i32>} : memref<80x128xf32, #tpu.memory_space<vmem>>, vector<16xf32>,
        %mul3A_771 = arith.constant 128 : i32
        %mul3A_772 = arith.muli %add3A_612, %mul3A_771 : i32
        %add3A_773 = arith.constant 16 : i32
        %add3A_774 = arith.addi %mul3A_772, %add3A_773 : i32
        %get3A_775 = arith.index_cast %add3A_774 : i32 to index
        %get3A_776 = tpu.vector_load %arg21[%get3A_775] {strides = array<i32>} : memref<10240xf32, #tpu.memory_space<vmem>>, vector<16xf32>,
        %mul3A_777 = arith.mulf %get3A_770, %get3A_776 : vector<16xf32>
        %mul3A_778 = arith.mulf %mul3A_777, %gather3A_767 : vector<16xf32>
        %swap3A_779 = arith.index_cast %add3A_612 : i32 to index
        %swap3A_780 = arith.constant 16 : index
        %swap3A_781 = tpu.vector_load %arg25[%swap3A_779, %swap3A_780] {strides = array<i32>} : memref<80x80xf32, #tpu.memory_space<vmem>>, vector<16xf32>,
        tpu.vector_store %arg25[%swap3A_779, %swap3A_780], %mul3A_778 {strides = array<i32>} : memref<80x80xf32, #tpu.memory_space<vmem>>, vector<16xf32>,
        %lt3A_782 = arith.constant 0 : i32
        %lt3A_783 = vector.broadcast %lt3A_782 : i32 to vector<16xi32>
        %lt3A_784 = arith.cmpi slt, %broadcast_in_dim3A_7, %lt3A_783 : vector<16xi32>
        %add3A_785 = arith.constant 16 : i32
        %add3A_786 = vector.broadcast %add3A_785 : i32 to vector<16xi32>
        %add3A_787 = arith.addi %broadcast_in_dim3A_7, %add3A_786 : vector<16xi32>
        %select_n3A_788 = arith.select %lt3A_784, %add3A_787, %broadcast_in_dim3A_7 : vector<16xi1>, vector<16xi32>
        %broadcast_in_dim3A_789 = vector.shape_cast %select_n3A_788 : vector<16xi32> to vector<16x1xi32>
        %gather3A_790 = vector.shape_cast %broadcast_in_dim3A_789 : vector<16x1xi32> to vector<16xi32>
        %gather3A_791 = tpu.dynamic_gather %select_n3A_730[%gather3A_790] in [0] : vector<16xf32>, vector<16xi32> -> vector<16xf32>
        %get3A_792 = arith.index_cast %add3A_612 : i32 to index
        %get3A_793 = arith.constant 32 : index
        %get3A_794 = tpu.vector_load %arg17[%get3A_792, %get3A_793] {strides = array<i32>} : memref<80x128xf32, #tpu.memory_space<vmem>>, vector<16xf32>,
        %mul3A_795 = arith.constant 128 : i32
        %mul3A_796 = arith.muli %add3A_612, %mul3A_795 : i32
        %add3A_797 = arith.constant 32 : i32
        %add3A_798 = arith.addi %mul3A_796, %add3A_797 : i32
        %get3A_799 = arith.index_cast %add3A_798 : i32 to index
        %get3A_800 = tpu.vector_load %arg21[%get3A_799] {strides = array<i32>} : memref<10240xf32, #tpu.memory_space<vmem>>, vector<16xf32>,
        %mul3A_801 = arith.mulf %get3A_794, %get3A_800 : vector<16xf32>
        %mul3A_802 = arith.mulf %mul3A_801, %gather3A_791 : vector<16xf32>
        %swap3A_803 = arith.index_cast %add3A_612 : i32 to index
        %swap3A_804 = arith.constant 32 : index
        %swap3A_805 = tpu.vector_load %arg25[%swap3A_803, %swap3A_804] {strides = array<i32>} : memref<80x80xf32, #tpu.memory_space<vmem>>, vector<16xf32>,
        tpu.vector_store %arg25[%swap3A_803, %swap3A_804], %mul3A_802 {strides = array<i32>} : memref<80x80xf32, #tpu.memory_space<vmem>>, vector<16xf32>,
        %lt3A_806 = arith.constant 0 : i32
        %lt3A_807 = vector.broadcast %lt3A_806 : i32 to vector<16xi32>
        %lt3A_808 = arith.cmpi slt, %broadcast_in_dim3A_9, %lt3A_807 : vector<16xi32>
        %add3A_809 = arith.constant 16 : i32
        %add3A_810 = vector.broadcast %add3A_809 : i32 to vector<16xi32>
        %add3A_811 = arith.addi %broadcast_in_dim3A_9, %add3A_810 : vector<16xi32>
        %select_n3A_812 = arith.select %lt3A_808, %add3A_811, %broadcast_in_dim3A_9 : vector<16xi1>, vector<16xi32>
        %broadcast_in_dim3A_813 = vector.shape_cast %select_n3A_812 : vector<16xi32> to vector<16x1xi32>
        %gather3A_814 = vector.shape_cast %broadcast_in_dim3A_813 : vector<16x1xi32> to vector<16xi32>
        %gather3A_815 = tpu.dynamic_gather %select_n3A_730[%gather3A_814] in [0] : vector<16xf32>, vector<16xi32> -> vector<16xf32>
        %get3A_816 = arith.index_cast %add3A_612 : i32 to index
        %get3A_817 = arith.constant 48 : index
        %get3A_818 = tpu.vector_load %arg17[%get3A_816, %get3A_817] {strides = array<i32>} : memref<80x128xf32, #tpu.memory_space<vmem>>, vector<16xf32>,
        %mul3A_819 = arith.constant 128 : i32
        %mul3A_820 = arith.muli %add3A_612, %mul3A_819 : i32
        %add3A_821 = arith.constant 48 : i32
        %add3A_822 = arith.addi %mul3A_820, %add3A_821 : i32
        %get3A_823 = arith.index_cast %add3A_822 : i32 to index
        %get3A_824 = tpu.vector_load %arg21[%get3A_823] {strides = array<i32>} : memref<10240xf32, #tpu.memory_space<vmem>>, vector<16xf32>,
        %mul3A_825 = arith.mulf %get3A_818, %get3A_824 : vector<16xf32>
        %mul3A_826 = arith.mulf %mul3A_825, %gather3A_815 : vector<16xf32>
        %swap3A_827 = arith.index_cast %add3A_612 : i32 to index
        %swap3A_828 = arith.constant 48 : index
        %swap3A_829 = tpu.vector_load %arg25[%swap3A_827, %swap3A_828] {strides = array<i32>} : memref<80x80xf32, #tpu.memory_space<vmem>>, vector<16xf32>,
        tpu.vector_store %arg25[%swap3A_827, %swap3A_828], %mul3A_826 {strides = array<i32>} : memref<80x80xf32, #tpu.memory_space<vmem>>, vector<16xf32>,
      }
      %scan3A_316 = arith.constant 40 : i32
      %dma_start3A_317 = arith.constant 0 : i32
      %dma_start3A_318 = arith.constant 0 : i32
      %dma_start3A_319 = tpu.memref_slice %arg27[%dma_start3A_317, %dma_start3A_318] : memref<10000x80xf32, #tpu.memory_space<vmem_shared>> -> memref<10000x80xf32, #tpu.memory_space<vmem_shared>>
      tpu.enqueue_indirect_dma source(%arg25 : memref<80x80xf32, #tpu.memory_space<vmem>>) target(%dma_start3A_319 : memref<10000x80xf32, #tpu.memory_space<vmem_shared>>) offsets(%arg15 : memref<80xi32, #tpu.memory_space<vmem>>) semaphore(%arg36 : memref<!tpu.dma_semaphore, #tpu.memory_space<semaphore_mem>>) {add = true}
      %mul3A_320 = arith.constant 80 : i32
      %mul3A_321 = arith.muli %add3A_272, %mul3A_320 : i32
      %add3A_322 = arith.addi %mul3A_2, %mul3A_321 : i32
      %dma_start3A_323 = arith.constant 0 : i32
      %dma_start3A_324 = tpu.memref_slice %arg7[%add3A_322, %dma_start3A_323] : memref<320000x16xf32, #tpu.memory_space<hbm>> -> memref<80x16xf32, #tpu.memory_space<hbm>>
      %dma_start3A_325 = arith.constant 0 : i32
      %dma_start3A_326 = tpu.memref_slice %arg7[%add3A_322, %dma_start3A_325] : memref<320000x16xf32, #tpu.memory_space<hbm>> -> memref<80x16xf32, #tpu.memory_space<hbm>>
      tpu.enqueue_dma source(%arg23 : memref<80x16xf32, #tpu.memory_space<vmem>>) target(%dma_start3A_326 : memref<80x16xf32, #tpu.memory_space<hbm>>) target_semaphore(%arg34 : memref<!tpu.dma_semaphore, #tpu.memory_space<semaphore_mem>>)
      %add3A_327 = arith.constant 2 : i32
      %add3A_328 = arith.addi %add3A_272, %add3A_327 : i32
      %lt3A_329 = arith.constant 125 : i32
      %lt3A_330 = arith.cmpi slt, %add3A_328, %lt3A_329 : i32
      %convert_element_type3A_331 = arith.extui %lt3A_330 : i1 to i32
      %cond3A_332 = arith.constant 0 : i32
      %cond3A_333 = arith.cmpi ne, %convert_element_type3A_331, %cond3A_332 : i32
      scf.if %cond3A_333 {
        %add3A_399 = arith.constant 2 : i32
        %add3A_400 = arith.addi %add3A_272, %add3A_399 : i32
        %mul3A_401 = arith.constant 80 : i32
        %mul3A_402 = arith.muli %add3A_400, %mul3A_401 : i32
        %add3A_403 = arith.addi %mul3A_2, %mul3A_402 : i32
        %dma_start3A_404 = tpu.memref_slice %arg2[%add3A_403] : memref<320000xi32, #tpu.memory_space<hbm>> -> memref<80xi32, #tpu.memory_space<hbm>>
        %dma_start3A_405 = tpu.memref_slice %arg2[%add3A_403] : memref<320000xi32, #tpu.memory_space<hbm>> -> memref<80xi32, #tpu.memory_space<hbm>>
        tpu.enqueue_dma source(%dma_start3A_405 : memref<80xi32, #tpu.memory_space<hbm>>) target(%arg9 : memref<80xi32, #tpu.memory_space<vmem>>) target_semaphore(%arg28 : memref<!tpu.dma_semaphore, #tpu.memory_space<semaphore_mem>>)
        %dma_start3A_406 = tpu.memref_slice %arg3[%add3A_403] : memref<320000xi32, #tpu.memory_space<hbm>> -> memref<80xi32, #tpu.memory_space<hbm>>
        %dma_start3A_407 = tpu.memref_slice %arg3[%add3A_403] : memref<320000xi32, #tpu.memory_space<hbm>> -> memref<80xi32, #tpu.memory_space<hbm>>
        tpu.enqueue_dma source(%dma_start3A_407 : memref<80xi32, #tpu.memory_space<hbm>>) target(%arg13 : memref<80xi32, #tpu.memory_space<vmem>>) target_semaphore(%arg28 : memref<!tpu.dma_semaphore, #tpu.memory_space<semaphore_mem>>)
      } else {
      }
      %mul3A_334 = arith.constant 4 : i32
      %mul3A_335 = arith.muli %mul3A_334, %scan3A_142 : i32
      %add3A_336 = arith.constant 3 : i32
      %add3A_337 = arith.addi %mul3A_335, %add3A_336 : i32
      %dma_wait3A_338 = arith.constant 0 : i32
      %dma_wait3A_339 = tpu.memref_slice %arg2[%dma_wait3A_338] : memref<320000xi32, #tpu.memory_space<hbm>> -> memref<80xi32, #tpu.memory_space<hbm>>
      %dma_wait3A_340 = arith.constant 0 : i32
      %dma_wait3A_341 = tpu.memref_slice %arg2[%dma_wait3A_340] : memref<320000xi32, #tpu.memory_space<hbm>> -> memref<80xi32, #tpu.memory_space<hbm>>
      tpu.wait_dma2 semaphore(%arg28 : memref<!tpu.dma_semaphore, #tpu.memory_space<semaphore_mem>>) src(%dma_wait3A_341 : memref<80xi32, #tpu.memory_space<hbm>>) dst(%arg9 : memref<80xi32, #tpu.memory_space<vmem>>)
      %dma_wait3A_342 = arith.constant 0 : i32
      %dma_wait3A_343 = tpu.memref_slice %arg3[%dma_wait3A_342] : memref<320000xi32, #tpu.memory_space<hbm>> -> memref<80xi32, #tpu.memory_space<hbm>>
      %dma_wait3A_344 = arith.constant 0 : i32
      %dma_wait3A_345 = tpu.memref_slice %arg3[%dma_wait3A_344] : memref<320000xi32, #tpu.memory_space<hbm>> -> memref<80xi32, #tpu.memory_space<hbm>>
      tpu.wait_dma2 semaphore(%arg28 : memref<!tpu.dma_semaphore, #tpu.memory_space<semaphore_mem>>) src(%dma_wait3A_345 : memref<80xi32, #tpu.memory_space<hbm>>) dst(%arg13 : memref<80xi32, #tpu.memory_space<vmem>>)
      %add3A_346 = arith.constant 1 : i32
      %add3A_347 = arith.addi %add3A_337, %add3A_346 : i32
      %mul3A_348 = arith.constant 80 : i32
      %mul3A_349 = arith.muli %add3A_347, %mul3A_348 : i32
      %add3A_350 = arith.addi %mul3A_2, %mul3A_349 : i32
      %mul3A_351 = arith.constant 128 : i32
      %mul3A_352 = arith.muli %add3A_350, %mul3A_351 : i32
      %dma_start3A_353 = tpu.memref_slice %arg6[%mul3A_352] : memref<40960000xf32, #tpu.memory_space<hbm>> -> memref<10240xf32, #tpu.memory_space<hbm>>
      %dma_start3A_354 = tpu.memref_slice %arg6[%mul3A_352] : memref<40960000xf32, #tpu.memory_space<hbm>> -> memref<10240xf32, #tpu.memory_space<hbm>>
      tpu.enqueue_dma source(%dma_start3A_354 : memref<10240xf32, #tpu.memory_space<hbm>>) target(%arg21 : memref<10240xf32, #tpu.memory_space<vmem>>) target_semaphore(%arg32 : memref<!tpu.dma_semaphore, #tpu.memory_space<semaphore_mem>>)
      %dma_start3A_355 = arith.constant 0 : i32
      %dma_start3A_356 = arith.constant 0 : i32
      %dma_start3A_357 = tpu.memref_slice %arg4[%dma_start3A_355, %dma_start3A_356] : memref<10000x128xf32, #tpu.memory_space<hbm>> -> memref<10000x128xf32, #tpu.memory_space<hbm>>
      tpu.enqueue_indirect_dma source(%dma_start3A_357 : memref<10000x128xf32, #tpu.memory_space<hbm>>) target(%arg17 : memref<80x128xf32, #tpu.memory_space<vmem>>) offsets(%arg9 : memref<80xi32, #tpu.memory_space<vmem>>) semaphore(%arg32 : memref<!tpu.dma_semaphore, #tpu.memory_space<semaphore_mem>>)
      %dma_start3A_358 = arith.constant 0 : i32
      %dma_start3A_359 = arith.constant 0 : i32
      %dma_start3A_360 = tpu.memref_slice %arg5[%dma_start3A_358, %dma_start3A_359] : memref<10000x64xf32, #tpu.memory_space<hbm>> -> memref<10000x64xf32, #tpu.memory_space<hbm>>
      tpu.enqueue_indirect_dma source(%dma_start3A_360 : memref<10000x64xf32, #tpu.memory_space<hbm>>) target(%arg19 : memref<80x64xf32, #tpu.memory_space<vmem>>) offsets(%arg13 : memref<80xi32, #tpu.memory_space<vmem>>) semaphore(%arg32 : memref<!tpu.dma_semaphore, #tpu.memory_space<semaphore_mem>>)
      %dma_wait3A_361 = arith.constant 0 : i32
      %dma_wait3A_362 = tpu.memref_slice %arg6[%dma_wait3A_361] : memref<40960000xf32, #tpu.memory_space<hbm>> -> memref<10240xf32, #tpu.memory_space<hbm>>
      %dma_wait3A_363 = arith.constant 0 : i32
      %dma_wait3A_364 = tpu.memref_slice %arg6[%dma_wait3A_363] : memref<40960000xf32, #tpu.memory_space<hbm>> -> memref<10240xf32, #tpu.memory_space<hbm>>
      tpu.wait_dma2 semaphore(%arg33 : memref<!tpu.dma_semaphore, #tpu.memory_space<semaphore_mem>>) src(%dma_wait3A_364 : memref<10240xf32, #tpu.memory_space<hbm>>) dst(%arg22 : memref<10240xf32, #tpu.memory_space<vmem>>)
      %dma_wait3A_365 = arith.constant 0 : i32
      %dma_wait3A_366 = arith.constant 0 : i32
      %dma_wait3A_367 = tpu.memref_slice %arg4[%dma_wait3A_365, %dma_wait3A_366] : memref<10000x128xf32, #tpu.memory_space<hbm>> -> memref<10000x128xf32, #tpu.memory_space<hbm>>
      tpu.wait_indirect_dma semaphore(%arg33 : memref<!tpu.dma_semaphore, #tpu.memory_space<semaphore_mem>>) src(%dma_wait3A_367 : memref<10000x128xf32, #tpu.memory_space<hbm>>) dst(%arg18 : memref<80x128xf32, #tpu.memory_space<vmem>>)
      %dma_wait3A_368 = arith.constant 0 : i32
      %dma_wait3A_369 = arith.constant 0 : i32
      %dma_wait3A_370 = tpu.memref_slice %arg5[%dma_wait3A_368, %dma_wait3A_369] : memref<10000x64xf32, #tpu.memory_space<hbm>> -> memref<10000x64xf32, #tpu.memory_space<hbm>>
      tpu.wait_indirect_dma semaphore(%arg33 : memref<!tpu.dma_semaphore, #tpu.memory_space<semaphore_mem>>) src(%dma_wait3A_370 : memref<10000x64xf32, #tpu.memory_space<hbm>>) dst(%arg20 : memref<80x64xf32, #tpu.memory_space<vmem>>)
      %ge3A_371 = arith.constant 2 : i32
      %ge3A_372 = arith.cmpi sge, %add3A_337, %ge3A_371 : i32
      %convert_element_type3A_373 = arith.extui %ge3A_372 : i1 to i32
      %cond3A_374 = arith.constant 0 : i32
      %cond3A_375 = arith.cmpi ne, %convert_element_type3A_373, %cond3A_374 : i32
      scf.if %cond3A_375 {
        %dma_wait3A_399 = arith.constant 0 : i32
        %dma_wait3A_400 = arith.constant 0 : i32
        %dma_wait3A_401 = tpu.memref_slice %arg27[%dma_wait3A_399, %dma_wait3A_400] : memref<10000x80xf32, #tpu.memory_space<vmem_shared>> -> memref<10000x80xf32, #tpu.memory_space<vmem_shared>>
        tpu.wait_indirect_dma semaphore(%arg37 : memref<!tpu.dma_semaphore, #tpu.memory_space<semaphore_mem>>) src(%arg26 : memref<80x80xf32, #tpu.memory_space<vmem>>) dst(%dma_wait3A_401 : memref<10000x80xf32, #tpu.memory_space<vmem_shared>>)
        %dma_wait3A_402 = arith.constant 0 : i32
        %dma_wait3A_403 = arith.constant 0 : i32
        %dma_wait3A_404 = tpu.memref_slice %arg7[%dma_wait3A_402, %dma_wait3A_403] : memref<320000x16xf32, #tpu.memory_space<hbm>> -> memref<80x16xf32, #tpu.memory_space<hbm>>
        %dma_wait3A_405 = arith.constant 0 : i32
        %dma_wait3A_406 = arith.constant 0 : i32
        %dma_wait3A_407 = tpu.memref_slice %arg7[%dma_wait3A_405, %dma_wait3A_406] : memref<320000x16xf32, #tpu.memory_space<hbm>> -> memref<80x16xf32, #tpu.memory_space<hbm>>
        tpu.wait_dma2 semaphore(%arg35 : memref<!tpu.dma_semaphore, #tpu.memory_space<semaphore_mem>>) src(%arg24 : memref<80x16xf32, #tpu.memory_space<vmem>>) dst(%dma_wait3A_407 : memref<80x16xf32, #tpu.memory_space<hbm>>)
      } else {
      }
      %scan3A_376 = arith.constant 0 : i32
      %scan3A_377 = arith.constant 0 : i32
      %scan3A_378 = arith.constant 40 : i32
      %scan3A_379 = arith.addi %scan3A_377, %scan3A_378 : i32
      %scan3A_380 = arith.constant 1 : i32
      scf.for %scan3A_399 = %scan3A_377 to %scan3A_379 step %scan3A_380  : i32 {
        %mul3A_400 = arith.constant 2 : i32
        %mul3A_401 = arith.muli %mul3A_400, %scan3A_399 : i32
        %broadcast_in_dim3A_402 = arith.constant 0.000000e+00 : f32
        %broadcast_in_dim3A_403 = vector.broadcast %broadcast_in_dim3A_402 : f32 to vector<16xf32>
        %get3A = arith.index_cast %mul3A_401 : i32 to index
        %get3A_404 = arith.constant 64 : index
        %get3A_405 = tpu.vector_load %arg18[%get3A, %get3A_404] {strides = array<i32>} : memref<80x128xf32, #tpu.memory_space<vmem>>, vector<16xf32>,
        %mul3A_406 = arith.constant 128 : i32
        %mul3A_407 = arith.muli %mul3A_401, %mul3A_406 : i32
        %add3A_408 = arith.constant 64 : i32
        %add3A_409 = arith.addi %mul3A_407, %add3A_408 : i32
        %add3A_410 = arith.constant 0 : i32
        %add3A_411 = arith.addi %add3A_409, %add3A_410 : i32
        %get3A_412 = arith.index_cast %add3A_411 : i32 to index
        %get3A_413 = tpu.vector_load %arg22[%get3A_412] {strides = array<i32>} : memref<10240xf32, #tpu.memory_space<vmem>>, vector<16xf32>,
        %get3A_414 = arith.index_cast %mul3A_401 : i32 to index
        %get3A_415 = arith.constant 0 : index
        %get3A_416 = tpu.vector_load %arg20[%get3A_414, %get3A_415] {strides = array<i32>} : memref<80x64xf32, #tpu.memory_space<vmem>>, vector<16xf32>,
        %mul3A_417 = arith.mulf %get3A_405, %get3A_413 : vector<16xf32>
        %mul3A_418 = arith.mulf %mul3A_417, %get3A_416 : vector<16xf32>
        %reduce_sum3A = arith.constant true
        %reduce_sum3A_419 = vector.broadcast %reduce_sum3A : i1 to vector<16xi1>
        %reduce_sum3A_420 = tpu.scan <sum>, %mul3A_418 masked %reduce_sum3A_419 : vector<16xf32>, vector<16xi1> -> vector<16xf32>
        %reduce_sum3A_421 = vector.extract %reduce_sum3A_420[15] : f32 from vector<16xf32>
        %eq3A = arith.constant 0 : i32
        %eq3A_422 = vector.broadcast %eq3A : i32 to vector<16xi32>
        %eq3A_423 = arith.cmpi eq, %iota3A, %eq3A_422 : vector<16xi32>
        %broadcast_in_dim3A_424 = vector.broadcast %reduce_sum3A_421 : f32 to vector<16xf32>
        %select_n3A = arith.select %eq3A_423, %broadcast_in_dim3A_424, %broadcast_in_dim3A_403 : vector<16xi1>, vector<16xf32>
        %get3A_425 = arith.index_cast %mul3A_401 : i32 to index
        %get3A_426 = arith.constant 80 : index
        %get3A_427 = tpu.vector_load %arg18[%get3A_425, %get3A_426] {strides = array<i32>} : memref<80x128xf32, #tpu.memory_space<vmem>>, vector<16xf32>,
        %mul3A_428 = arith.constant 128 : i32
        %mul3A_429 = arith.muli %mul3A_401, %mul3A_428 : i32
        %add3A_430 = arith.constant 64 : i32
        %add3A_431 = arith.addi %mul3A_429, %add3A_430 : i32
        %add3A_432 = arith.constant 16 : i32
        %add3A_433 = arith.addi %add3A_431, %add3A_432 : i32
        %get3A_434 = arith.index_cast %add3A_433 : i32 to index
        %get3A_435 = tpu.vector_load %arg22[%get3A_434] {strides = array<i32>} : memref<10240xf32, #tpu.memory_space<vmem>>, vector<16xf32>,
        %get3A_436 = arith.index_cast %mul3A_401 : i32 to index
        %get3A_437 = arith.constant 16 : index
        %get3A_438 = tpu.vector_load %arg20[%get3A_436, %get3A_437] {strides = array<i32>} : memref<80x64xf32, #tpu.memory_space<vmem>>, vector<16xf32>,
        %mul3A_439 = arith.mulf %get3A_427, %get3A_435 : vector<16xf32>
        %mul3A_440 = arith.mulf %mul3A_439, %get3A_438 : vector<16xf32>
        %reduce_sum3A_441 = arith.constant true
        %reduce_sum3A_442 = vector.broadcast %reduce_sum3A_441 : i1 to vector<16xi1>
        %reduce_sum3A_443 = tpu.scan <sum>, %mul3A_440 masked %reduce_sum3A_442 : vector<16xf32>, vector<16xi1> -> vector<16xf32>
        %reduce_sum3A_444 = vector.extract %reduce_sum3A_443[15] : f32 from vector<16xf32>
        %eq3A_445 = arith.constant 1 : i32
        %eq3A_446 = vector.broadcast %eq3A_445 : i32 to vector<16xi32>
        %eq3A_447 = arith.cmpi eq, %iota3A, %eq3A_446 : vector<16xi32>
        %broadcast_in_dim3A_448 = vector.broadcast %reduce_sum3A_444 : f32 to vector<16xf32>
        %select_n3A_449 = arith.select %eq3A_447, %broadcast_in_dim3A_448, %select_n3A : vector<16xi1>, vector<16xf32>
        %get3A_450 = arith.index_cast %mul3A_401 : i32 to index
        %get3A_451 = arith.constant 96 : index
        %get3A_452 = tpu.vector_load %arg18[%get3A_450, %get3A_451] {strides = array<i32>} : memref<80x128xf32, #tpu.memory_space<vmem>>, vector<16xf32>,
        %mul3A_453 = arith.constant 128 : i32
        %mul3A_454 = arith.muli %mul3A_401, %mul3A_453 : i32
        %add3A_455 = arith.constant 64 : i32
        %add3A_456 = arith.addi %mul3A_454, %add3A_455 : i32
        %add3A_457 = arith.constant 32 : i32
        %add3A_458 = arith.addi %add3A_456, %add3A_457 : i32
        %get3A_459 = arith.index_cast %add3A_458 : i32 to index
        %get3A_460 = tpu.vector_load %arg22[%get3A_459] {strides = array<i32>} : memref<10240xf32, #tpu.memory_space<vmem>>, vector<16xf32>,
        %get3A_461 = arith.index_cast %mul3A_401 : i32 to index
        %get3A_462 = arith.constant 32 : index
        %get3A_463 = tpu.vector_load %arg20[%get3A_461, %get3A_462] {strides = array<i32>} : memref<80x64xf32, #tpu.memory_space<vmem>>, vector<16xf32>,
        %mul3A_464 = arith.mulf %get3A_452, %get3A_460 : vector<16xf32>
        %mul3A_465 = arith.mulf %mul3A_464, %get3A_463 : vector<16xf32>
        %reduce_sum3A_466 = arith.constant true
        %reduce_sum3A_467 = vector.broadcast %reduce_sum3A_466 : i1 to vector<16xi1>
        %reduce_sum3A_468 = tpu.scan <sum>, %mul3A_465 masked %reduce_sum3A_467 : vector<16xf32>, vector<16xi1> -> vector<16xf32>
        %reduce_sum3A_469 = vector.extract %reduce_sum3A_468[15] : f32 from vector<16xf32>
        %eq3A_470 = arith.constant 2 : i32
        %eq3A_471 = vector.broadcast %eq3A_470 : i32 to vector<16xi32>
        %eq3A_472 = arith.cmpi eq, %iota3A, %eq3A_471 : vector<16xi32>
        %broadcast_in_dim3A_473 = vector.broadcast %reduce_sum3A_469 : f32 to vector<16xf32>
        %select_n3A_474 = arith.select %eq3A_472, %broadcast_in_dim3A_473, %select_n3A_449 : vector<16xi1>, vector<16xf32>
        %get3A_475 = arith.index_cast %mul3A_401 : i32 to index
        %get3A_476 = arith.constant 112 : index
        %get3A_477 = tpu.vector_load %arg18[%get3A_475, %get3A_476] {strides = array<i32>} : memref<80x128xf32, #tpu.memory_space<vmem>>, vector<16xf32>,
        %mul3A_478 = arith.constant 128 : i32
        %mul3A_479 = arith.muli %mul3A_401, %mul3A_478 : i32
        %add3A_480 = arith.constant 64 : i32
        %add3A_481 = arith.addi %mul3A_479, %add3A_480 : i32
        %add3A_482 = arith.constant 48 : i32
        %add3A_483 = arith.addi %add3A_481, %add3A_482 : i32
        %get3A_484 = arith.index_cast %add3A_483 : i32 to index
        %get3A_485 = tpu.vector_load %arg22[%get3A_484] {strides = array<i32>} : memref<10240xf32, #tpu.memory_space<vmem>>, vector<16xf32>,
        %get3A_486 = arith.index_cast %mul3A_401 : i32 to index
        %get3A_487 = arith.constant 48 : index
        %get3A_488 = tpu.vector_load %arg20[%get3A_486, %get3A_487] {strides = array<i32>} : memref<80x64xf32, #tpu.memory_space<vmem>>, vector<16xf32>,
        %mul3A_489 = arith.mulf %get3A_477, %get3A_485 : vector<16xf32>
        %mul3A_490 = arith.mulf %mul3A_489, %get3A_488 : vector<16xf32>
        %reduce_sum3A_491 = arith.constant true
        %reduce_sum3A_492 = vector.broadcast %reduce_sum3A_491 : i1 to vector<16xi1>
        %reduce_sum3A_493 = tpu.scan <sum>, %mul3A_490 masked %reduce_sum3A_492 : vector<16xf32>, vector<16xi1> -> vector<16xf32>
        %reduce_sum3A_494 = vector.extract %reduce_sum3A_493[15] : f32 from vector<16xf32>
        %eq3A_495 = arith.constant 3 : i32
        %eq3A_496 = vector.broadcast %eq3A_495 : i32 to vector<16xi32>
        %eq3A_497 = arith.cmpi eq, %iota3A, %eq3A_496 : vector<16xi32>
        %broadcast_in_dim3A_498 = vector.broadcast %reduce_sum3A_494 : f32 to vector<16xf32>
        %select_n3A_499 = arith.select %eq3A_497, %broadcast_in_dim3A_498, %select_n3A_474 : vector<16xi1>, vector<16xf32>
        %swap3A = arith.index_cast %mul3A_401 : i32 to index
        %swap3A_500 = arith.constant 0 : index
        %swap3A_501 = tpu.vector_load %arg24[%swap3A, %swap3A_500] {strides = array<i32>} : memref<80x16xf32, #tpu.memory_space<vmem>>, vector<16xf32>,
        tpu.vector_store %arg24[%swap3A, %swap3A_500], %select_n3A_499 {strides = array<i32>} : memref<80x16xf32, #tpu.memory_space<vmem>>, vector<16xf32>,
        %max3A = arith.constant -6.000000e+01 : f32
        %max3A_502 = vector.broadcast %max3A : f32 to vector<16xf32>
        %max3A_503 = arith.maximumf %select_n3A_499, %max3A_502 : vector<16xf32>
        %min3A = arith.constant 6.000000e+01 : f32
        %min3A_504 = vector.broadcast %min3A : f32 to vector<16xf32>
        %min3A_505 = arith.minimumf %max3A_503, %min3A_504 : vector<16xf32>
        %exp3A = math.exp %min3A_505 : vector<16xf32>
        %lt3A_506 = arith.constant 4 : i32
        %lt3A_507 = vector.broadcast %lt3A_506 : i32 to vector<16xi32>
        %lt3A_508 = arith.cmpi slt, %iota3A, %lt3A_507 : vector<16xi32>
        %jit3A = arith.constant 0.000000e+00 : f32
        %broadcast_in_dim3A_509 = vector.broadcast %jit3A : f32 to vector<16xf32>
        %select_n3A_510 = arith.select %lt3A_508, %exp3A, %broadcast_in_dim3A_509 : vector<16xi1>, vector<16xf32>
        %swap3A_511 = arith.index_cast %mul3A_401 : i32 to index
        %swap3A_512 = arith.constant 64 : index
        %swap3A_513 = tpu.vector_load %arg26[%swap3A_511, %swap3A_512] {strides = array<i32>} : memref<80x80xf32, #tpu.memory_space<vmem>>, vector<16xf32>,
        tpu.vector_store %arg26[%swap3A_511, %swap3A_512], %select_n3A_510 {strides = array<i32>} : memref<80x80xf32, #tpu.memory_space<vmem>>, vector<16xf32>,
        %lt3A_514 = arith.constant 0 : i32
        %lt3A_515 = vector.broadcast %lt3A_514 : i32 to vector<16xi32>
        %lt3A_516 = arith.cmpi slt, %broadcast_in_dim3A_3, %lt3A_515 : vector<16xi32>
        %add3A_517 = arith.constant 16 : i32
        %add3A_518 = vector.broadcast %add3A_517 : i32 to vector<16xi32>
        %add3A_519 = arith.addi %broadcast_in_dim3A_3, %add3A_518 : vector<16xi32>
        %select_n3A_520 = arith.select %lt3A_516, %add3A_519, %broadcast_in_dim3A_3 : vector<16xi1>, vector<16xi32>
        %broadcast_in_dim3A_521 = vector.shape_cast %select_n3A_520 : vector<16xi32> to vector<16x1xi32>
        %gather3A = vector.shape_cast %broadcast_in_dim3A_521 : vector<16x1xi32> to vector<16xi32>
        %gather3A_522 = tpu.dynamic_gather %select_n3A_510[%gather3A] in [0] : vector<16xf32>, vector<16xi32> -> vector<16xf32>
        %get3A_523 = arith.index_cast %mul3A_401 : i32 to index
        %get3A_524 = arith.constant 0 : index
        %get3A_525 = tpu.vector_load %arg18[%get3A_523, %get3A_524] {strides = array<i32>} : memref<80x128xf32, #tpu.memory_space<vmem>>, vector<16xf32>,
        %mul3A_526 = arith.constant 128 : i32
        %mul3A_527 = arith.muli %mul3A_401, %mul3A_526 : i32
        %add3A_528 = arith.constant 0 : i32
        %add3A_529 = arith.addi %mul3A_527, %add3A_528 : i32
        %get3A_530 = arith.index_cast %add3A_529 : i32 to index
        %get3A_531 = tpu.vector_load %arg22[%get3A_530] {strides = array<i32>} : memref<10240xf32, #tpu.memory_space<vmem>>, vector<16xf32>,
        %mul3A_532 = arith.mulf %get3A_525, %get3A_531 : vector<16xf32>
        %mul3A_533 = arith.mulf %mul3A_532, %gather3A_522 : vector<16xf32>
        %swap3A_534 = arith.index_cast %mul3A_401 : i32 to index
        %swap3A_535 = arith.constant 0 : index
        %swap3A_536 = tpu.vector_load %arg26[%swap3A_534, %swap3A_535] {strides = array<i32>} : memref<80x80xf32, #tpu.memory_space<vmem>>, vector<16xf32>,
        tpu.vector_store %arg26[%swap3A_534, %swap3A_535], %mul3A_533 {strides = array<i32>} : memref<80x80xf32, #tpu.memory_space<vmem>>, vector<16xf32>,
        %lt3A_537 = arith.constant 0 : i32
        %lt3A_538 = vector.broadcast %lt3A_537 : i32 to vector<16xi32>
        %lt3A_539 = arith.cmpi slt, %broadcast_in_dim3A_5, %lt3A_538 : vector<16xi32>
        %add3A_540 = arith.constant 16 : i32
        %add3A_541 = vector.broadcast %add3A_540 : i32 to vector<16xi32>
        %add3A_542 = arith.addi %broadcast_in_dim3A_5, %add3A_541 : vector<16xi32>
        %select_n3A_543 = arith.select %lt3A_539, %add3A_542, %broadcast_in_dim3A_5 : vector<16xi1>, vector<16xi32>
        %broadcast_in_dim3A_544 = vector.shape_cast %select_n3A_543 : vector<16xi32> to vector<16x1xi32>
        %gather3A_545 = vector.shape_cast %broadcast_in_dim3A_544 : vector<16x1xi32> to vector<16xi32>
        %gather3A_546 = tpu.dynamic_gather %select_n3A_510[%gather3A_545] in [0] : vector<16xf32>, vector<16xi32> -> vector<16xf32>
        %get3A_547 = arith.index_cast %mul3A_401 : i32 to index
        %get3A_548 = arith.constant 16 : index
        %get3A_549 = tpu.vector_load %arg18[%get3A_547, %get3A_548] {strides = array<i32>} : memref<80x128xf32, #tpu.memory_space<vmem>>, vector<16xf32>,
        %mul3A_550 = arith.constant 128 : i32
        %mul3A_551 = arith.muli %mul3A_401, %mul3A_550 : i32
        %add3A_552 = arith.constant 16 : i32
        %add3A_553 = arith.addi %mul3A_551, %add3A_552 : i32
        %get3A_554 = arith.index_cast %add3A_553 : i32 to index
        %get3A_555 = tpu.vector_load %arg22[%get3A_554] {strides = array<i32>} : memref<10240xf32, #tpu.memory_space<vmem>>, vector<16xf32>,
        %mul3A_556 = arith.mulf %get3A_549, %get3A_555 : vector<16xf32>
        %mul3A_557 = arith.mulf %mul3A_556, %gather3A_546 : vector<16xf32>
        %swap3A_558 = arith.index_cast %mul3A_401 : i32 to index
        %swap3A_559 = arith.constant 16 : index
        %swap3A_560 = tpu.vector_load %arg26[%swap3A_558, %swap3A_559] {strides = array<i32>} : memref<80x80xf32, #tpu.memory_space<vmem>>, vector<16xf32>,
        tpu.vector_store %arg26[%swap3A_558, %swap3A_559], %mul3A_557 {strides = array<i32>} : memref<80x80xf32, #tpu.memory_space<vmem>>, vector<16xf32>,
        %lt3A_561 = arith.constant 0 : i32
        %lt3A_562 = vector.broadcast %lt3A_561 : i32 to vector<16xi32>
        %lt3A_563 = arith.cmpi slt, %broadcast_in_dim3A_7, %lt3A_562 : vector<16xi32>
        %add3A_564 = arith.constant 16 : i32
        %add3A_565 = vector.broadcast %add3A_564 : i32 to vector<16xi32>
        %add3A_566 = arith.addi %broadcast_in_dim3A_7, %add3A_565 : vector<16xi32>
        %select_n3A_567 = arith.select %lt3A_563, %add3A_566, %broadcast_in_dim3A_7 : vector<16xi1>, vector<16xi32>
        %broadcast_in_dim3A_568 = vector.shape_cast %select_n3A_567 : vector<16xi32> to vector<16x1xi32>
        %gather3A_569 = vector.shape_cast %broadcast_in_dim3A_568 : vector<16x1xi32> to vector<16xi32>
        %gather3A_570 = tpu.dynamic_gather %select_n3A_510[%gather3A_569] in [0] : vector<16xf32>, vector<16xi32> -> vector<16xf32>
        %get3A_571 = arith.index_cast %mul3A_401 : i32 to index
        %get3A_572 = arith.constant 32 : index
        %get3A_573 = tpu.vector_load %arg18[%get3A_571, %get3A_572] {strides = array<i32>} : memref<80x128xf32, #tpu.memory_space<vmem>>, vector<16xf32>,
        %mul3A_574 = arith.constant 128 : i32
        %mul3A_575 = arith.muli %mul3A_401, %mul3A_574 : i32
        %add3A_576 = arith.constant 32 : i32
        %add3A_577 = arith.addi %mul3A_575, %add3A_576 : i32
        %get3A_578 = arith.index_cast %add3A_577 : i32 to index
        %get3A_579 = tpu.vector_load %arg22[%get3A_578] {strides = array<i32>} : memref<10240xf32, #tpu.memory_space<vmem>>, vector<16xf32>,
        %mul3A_580 = arith.mulf %get3A_573, %get3A_579 : vector<16xf32>
        %mul3A_581 = arith.mulf %mul3A_580, %gather3A_570 : vector<16xf32>
        %swap3A_582 = arith.index_cast %mul3A_401 : i32 to index
        %swap3A_583 = arith.constant 32 : index
        %swap3A_584 = tpu.vector_load %arg26[%swap3A_582, %swap3A_583] {strides = array<i32>} : memref<80x80xf32, #tpu.memory_space<vmem>>, vector<16xf32>,
        tpu.vector_store %arg26[%swap3A_582, %swap3A_583], %mul3A_581 {strides = array<i32>} : memref<80x80xf32, #tpu.memory_space<vmem>>, vector<16xf32>,
        %lt3A_585 = arith.constant 0 : i32
        %lt3A_586 = vector.broadcast %lt3A_585 : i32 to vector<16xi32>
        %lt3A_587 = arith.cmpi slt, %broadcast_in_dim3A_9, %lt3A_586 : vector<16xi32>
        %add3A_588 = arith.constant 16 : i32
        %add3A_589 = vector.broadcast %add3A_588 : i32 to vector<16xi32>
        %add3A_590 = arith.addi %broadcast_in_dim3A_9, %add3A_589 : vector<16xi32>
        %select_n3A_591 = arith.select %lt3A_587, %add3A_590, %broadcast_in_dim3A_9 : vector<16xi1>, vector<16xi32>
        %broadcast_in_dim3A_592 = vector.shape_cast %select_n3A_591 : vector<16xi32> to vector<16x1xi32>
        %gather3A_593 = vector.shape_cast %broadcast_in_dim3A_592 : vector<16x1xi32> to vector<16xi32>
        %gather3A_594 = tpu.dynamic_gather %select_n3A_510[%gather3A_593] in [0] : vector<16xf32>, vector<16xi32> -> vector<16xf32>
        %get3A_595 = arith.index_cast %mul3A_401 : i32 to index
        %get3A_596 = arith.constant 48 : index
        %get3A_597 = tpu.vector_load %arg18[%get3A_595, %get3A_596] {strides = array<i32>} : memref<80x128xf32, #tpu.memory_space<vmem>>, vector<16xf32>,
        %mul3A_598 = arith.constant 128 : i32
        %mul3A_599 = arith.muli %mul3A_401, %mul3A_598 : i32
        %add3A_600 = arith.constant 48 : i32
        %add3A_601 = arith.addi %mul3A_599, %add3A_600 : i32
        %get3A_602 = arith.index_cast %add3A_601 : i32 to index
        %get3A_603 = tpu.vector_load %arg22[%get3A_602] {strides = array<i32>} : memref<10240xf32, #tpu.memory_space<vmem>>, vector<16xf32>,
        %mul3A_604 = arith.mulf %get3A_597, %get3A_603 : vector<16xf32>
        %mul3A_605 = arith.mulf %mul3A_604, %gather3A_594 : vector<16xf32>
        %swap3A_606 = arith.index_cast %mul3A_401 : i32 to index
        %swap3A_607 = arith.constant 48 : index
        %swap3A_608 = tpu.vector_load %arg26[%swap3A_606, %swap3A_607] {strides = array<i32>} : memref<80x80xf32, #tpu.memory_space<vmem>>, vector<16xf32>,
        tpu.vector_store %arg26[%swap3A_606, %swap3A_607], %mul3A_605 {strides = array<i32>} : memref<80x80xf32, #tpu.memory_space<vmem>>, vector<16xf32>,
        %mul3A_609 = arith.constant 2 : i32
        %mul3A_610 = arith.muli %mul3A_609, %scan3A_399 : i32
        %add3A_611 = arith.constant 1 : i32
        %add3A_612 = arith.addi %mul3A_610, %add3A_611 : i32
        %broadcast_in_dim3A_613 = arith.constant 0.000000e+00 : f32
        %broadcast_in_dim3A_614 = vector.broadcast %broadcast_in_dim3A_613 : f32 to vector<16xf32>
        %get3A_615 = arith.index_cast %add3A_612 : i32 to index
        %get3A_616 = arith.constant 64 : index
        %get3A_617 = tpu.vector_load %arg18[%get3A_615, %get3A_616] {strides = array<i32>} : memref<80x128xf32, #tpu.memory_space<vmem>>, vector<16xf32>,
        %mul3A_618 = arith.constant 128 : i32
        %mul3A_619 = arith.muli %add3A_612, %mul3A_618 : i32
        %add3A_620 = arith.constant 64 : i32
        %add3A_621 = arith.addi %mul3A_619, %add3A_620 : i32
        %add3A_622 = arith.constant 0 : i32
        %add3A_623 = arith.addi %add3A_621, %add3A_622 : i32
        %get3A_624 = arith.index_cast %add3A_623 : i32 to index
        %get3A_625 = tpu.vector_load %arg22[%get3A_624] {strides = array<i32>} : memref<10240xf32, #tpu.memory_space<vmem>>, vector<16xf32>,
        %get3A_626 = arith.index_cast %add3A_612 : i32 to index
        %get3A_627 = arith.constant 0 : index
        %get3A_628 = tpu.vector_load %arg20[%get3A_626, %get3A_627] {strides = array<i32>} : memref<80x64xf32, #tpu.memory_space<vmem>>, vector<16xf32>,
        %mul3A_629 = arith.mulf %get3A_617, %get3A_625 : vector<16xf32>
        %mul3A_630 = arith.mulf %mul3A_629, %get3A_628 : vector<16xf32>
        %reduce_sum3A_631 = arith.constant true
        %reduce_sum3A_632 = vector.broadcast %reduce_sum3A_631 : i1 to vector<16xi1>
        %reduce_sum3A_633 = tpu.scan <sum>, %mul3A_630 masked %reduce_sum3A_632 : vector<16xf32>, vector<16xi1> -> vector<16xf32>
        %reduce_sum3A_634 = vector.extract %reduce_sum3A_633[15] : f32 from vector<16xf32>
        %eq3A_635 = arith.constant 0 : i32
        %eq3A_636 = vector.broadcast %eq3A_635 : i32 to vector<16xi32>
        %eq3A_637 = arith.cmpi eq, %iota3A, %eq3A_636 : vector<16xi32>
        %broadcast_in_dim3A_638 = vector.broadcast %reduce_sum3A_634 : f32 to vector<16xf32>
        %select_n3A_639 = arith.select %eq3A_637, %broadcast_in_dim3A_638, %broadcast_in_dim3A_614 : vector<16xi1>, vector<16xf32>
        %get3A_640 = arith.index_cast %add3A_612 : i32 to index
        %get3A_641 = arith.constant 80 : index
        %get3A_642 = tpu.vector_load %arg18[%get3A_640, %get3A_641] {strides = array<i32>} : memref<80x128xf32, #tpu.memory_space<vmem>>, vector<16xf32>,
        %mul3A_643 = arith.constant 128 : i32
        %mul3A_644 = arith.muli %add3A_612, %mul3A_643 : i32
        %add3A_645 = arith.constant 64 : i32
        %add3A_646 = arith.addi %mul3A_644, %add3A_645 : i32
        %add3A_647 = arith.constant 16 : i32
        %add3A_648 = arith.addi %add3A_646, %add3A_647 : i32
        %get3A_649 = arith.index_cast %add3A_648 : i32 to index
        %get3A_650 = tpu.vector_load %arg22[%get3A_649] {strides = array<i32>} : memref<10240xf32, #tpu.memory_space<vmem>>, vector<16xf32>,
        %get3A_651 = arith.index_cast %add3A_612 : i32 to index
        %get3A_652 = arith.constant 16 : index
        %get3A_653 = tpu.vector_load %arg20[%get3A_651, %get3A_652] {strides = array<i32>} : memref<80x64xf32, #tpu.memory_space<vmem>>, vector<16xf32>,
        %mul3A_654 = arith.mulf %get3A_642, %get3A_650 : vector<16xf32>
        %mul3A_655 = arith.mulf %mul3A_654, %get3A_653 : vector<16xf32>
        %reduce_sum3A_656 = arith.constant true
        %reduce_sum3A_657 = vector.broadcast %reduce_sum3A_656 : i1 to vector<16xi1>
        %reduce_sum3A_658 = tpu.scan <sum>, %mul3A_655 masked %reduce_sum3A_657 : vector<16xf32>, vector<16xi1> -> vector<16xf32>
        %reduce_sum3A_659 = vector.extract %reduce_sum3A_658[15] : f32 from vector<16xf32>
        %eq3A_660 = arith.constant 1 : i32
        %eq3A_661 = vector.broadcast %eq3A_660 : i32 to vector<16xi32>
        %eq3A_662 = arith.cmpi eq, %iota3A, %eq3A_661 : vector<16xi32>
        %broadcast_in_dim3A_663 = vector.broadcast %reduce_sum3A_659 : f32 to vector<16xf32>
        %select_n3A_664 = arith.select %eq3A_662, %broadcast_in_dim3A_663, %select_n3A_639 : vector<16xi1>, vector<16xf32>
        %get3A_665 = arith.index_cast %add3A_612 : i32 to index
        %get3A_666 = arith.constant 96 : index
        %get3A_667 = tpu.vector_load %arg18[%get3A_665, %get3A_666] {strides = array<i32>} : memref<80x128xf32, #tpu.memory_space<vmem>>, vector<16xf32>,
        %mul3A_668 = arith.constant 128 : i32
        %mul3A_669 = arith.muli %add3A_612, %mul3A_668 : i32
        %add3A_670 = arith.constant 64 : i32
        %add3A_671 = arith.addi %mul3A_669, %add3A_670 : i32
        %add3A_672 = arith.constant 32 : i32
        %add3A_673 = arith.addi %add3A_671, %add3A_672 : i32
        %get3A_674 = arith.index_cast %add3A_673 : i32 to index
        %get3A_675 = tpu.vector_load %arg22[%get3A_674] {strides = array<i32>} : memref<10240xf32, #tpu.memory_space<vmem>>, vector<16xf32>,
        %get3A_676 = arith.index_cast %add3A_612 : i32 to index
        %get3A_677 = arith.constant 32 : index
        %get3A_678 = tpu.vector_load %arg20[%get3A_676, %get3A_677] {strides = array<i32>} : memref<80x64xf32, #tpu.memory_space<vmem>>, vector<16xf32>,
        %mul3A_679 = arith.mulf %get3A_667, %get3A_675 : vector<16xf32>
        %mul3A_680 = arith.mulf %mul3A_679, %get3A_678 : vector<16xf32>
        %reduce_sum3A_681 = arith.constant true
        %reduce_sum3A_682 = vector.broadcast %reduce_sum3A_681 : i1 to vector<16xi1>
        %reduce_sum3A_683 = tpu.scan <sum>, %mul3A_680 masked %reduce_sum3A_682 : vector<16xf32>, vector<16xi1> -> vector<16xf32>
        %reduce_sum3A_684 = vector.extract %reduce_sum3A_683[15] : f32 from vector<16xf32>
        %eq3A_685 = arith.constant 2 : i32
        %eq3A_686 = vector.broadcast %eq3A_685 : i32 to vector<16xi32>
        %eq3A_687 = arith.cmpi eq, %iota3A, %eq3A_686 : vector<16xi32>
        %broadcast_in_dim3A_688 = vector.broadcast %reduce_sum3A_684 : f32 to vector<16xf32>
        %select_n3A_689 = arith.select %eq3A_687, %broadcast_in_dim3A_688, %select_n3A_664 : vector<16xi1>, vector<16xf32>
        %get3A_690 = arith.index_cast %add3A_612 : i32 to index
        %get3A_691 = arith.constant 112 : index
        %get3A_692 = tpu.vector_load %arg18[%get3A_690, %get3A_691] {strides = array<i32>} : memref<80x128xf32, #tpu.memory_space<vmem>>, vector<16xf32>,
        %mul3A_693 = arith.constant 128 : i32
        %mul3A_694 = arith.muli %add3A_612, %mul3A_693 : i32
        %add3A_695 = arith.constant 64 : i32
        %add3A_696 = arith.addi %mul3A_694, %add3A_695 : i32
        %add3A_697 = arith.constant 48 : i32
        %add3A_698 = arith.addi %add3A_696, %add3A_697 : i32
        %get3A_699 = arith.index_cast %add3A_698 : i32 to index
        %get3A_700 = tpu.vector_load %arg22[%get3A_699] {strides = array<i32>} : memref<10240xf32, #tpu.memory_space<vmem>>, vector<16xf32>,
        %get3A_701 = arith.index_cast %add3A_612 : i32 to index
        %get3A_702 = arith.constant 48 : index
        %get3A_703 = tpu.vector_load %arg20[%get3A_701, %get3A_702] {strides = array<i32>} : memref<80x64xf32, #tpu.memory_space<vmem>>, vector<16xf32>,
        %mul3A_704 = arith.mulf %get3A_692, %get3A_700 : vector<16xf32>
        %mul3A_705 = arith.mulf %mul3A_704, %get3A_703 : vector<16xf32>
        %reduce_sum3A_706 = arith.constant true
        %reduce_sum3A_707 = vector.broadcast %reduce_sum3A_706 : i1 to vector<16xi1>
        %reduce_sum3A_708 = tpu.scan <sum>, %mul3A_705 masked %reduce_sum3A_707 : vector<16xf32>, vector<16xi1> -> vector<16xf32>
        %reduce_sum3A_709 = vector.extract %reduce_sum3A_708[15] : f32 from vector<16xf32>
        %eq3A_710 = arith.constant 3 : i32
        %eq3A_711 = vector.broadcast %eq3A_710 : i32 to vector<16xi32>
        %eq3A_712 = arith.cmpi eq, %iota3A, %eq3A_711 : vector<16xi32>
        %broadcast_in_dim3A_713 = vector.broadcast %reduce_sum3A_709 : f32 to vector<16xf32>
        %select_n3A_714 = arith.select %eq3A_712, %broadcast_in_dim3A_713, %select_n3A_689 : vector<16xi1>, vector<16xf32>
        %swap3A_715 = arith.index_cast %add3A_612 : i32 to index
        %swap3A_716 = arith.constant 0 : index
        %swap3A_717 = tpu.vector_load %arg24[%swap3A_715, %swap3A_716] {strides = array<i32>} : memref<80x16xf32, #tpu.memory_space<vmem>>, vector<16xf32>,
        tpu.vector_store %arg24[%swap3A_715, %swap3A_716], %select_n3A_714 {strides = array<i32>} : memref<80x16xf32, #tpu.memory_space<vmem>>, vector<16xf32>,
        %max3A_718 = arith.constant -6.000000e+01 : f32
        %max3A_719 = vector.broadcast %max3A_718 : f32 to vector<16xf32>
        %max3A_720 = arith.maximumf %select_n3A_714, %max3A_719 : vector<16xf32>
        %min3A_721 = arith.constant 6.000000e+01 : f32
        %min3A_722 = vector.broadcast %min3A_721 : f32 to vector<16xf32>
        %min3A_723 = arith.minimumf %max3A_720, %min3A_722 : vector<16xf32>
        %exp3A_724 = math.exp %min3A_723 : vector<16xf32>
        %lt3A_725 = arith.constant 4 : i32
        %lt3A_726 = vector.broadcast %lt3A_725 : i32 to vector<16xi32>
        %lt3A_727 = arith.cmpi slt, %iota3A, %lt3A_726 : vector<16xi32>
        %jit3A_728 = arith.constant 0.000000e+00 : f32
        %broadcast_in_dim3A_729 = vector.broadcast %jit3A_728 : f32 to vector<16xf32>
        %select_n3A_730 = arith.select %lt3A_727, %exp3A_724, %broadcast_in_dim3A_729 : vector<16xi1>, vector<16xf32>
        %swap3A_731 = arith.index_cast %add3A_612 : i32 to index
        %swap3A_732 = arith.constant 64 : index
        %swap3A_733 = tpu.vector_load %arg26[%swap3A_731, %swap3A_732] {strides = array<i32>} : memref<80x80xf32, #tpu.memory_space<vmem>>, vector<16xf32>,
        tpu.vector_store %arg26[%swap3A_731, %swap3A_732], %select_n3A_730 {strides = array<i32>} : memref<80x80xf32, #tpu.memory_space<vmem>>, vector<16xf32>,
        %lt3A_734 = arith.constant 0 : i32
        %lt3A_735 = vector.broadcast %lt3A_734 : i32 to vector<16xi32>
        %lt3A_736 = arith.cmpi slt, %broadcast_in_dim3A_3, %lt3A_735 : vector<16xi32>
        %add3A_737 = arith.constant 16 : i32
        %add3A_738 = vector.broadcast %add3A_737 : i32 to vector<16xi32>
        %add3A_739 = arith.addi %broadcast_in_dim3A_3, %add3A_738 : vector<16xi32>
        %select_n3A_740 = arith.select %lt3A_736, %add3A_739, %broadcast_in_dim3A_3 : vector<16xi1>, vector<16xi32>
        %broadcast_in_dim3A_741 = vector.shape_cast %select_n3A_740 : vector<16xi32> to vector<16x1xi32>
        %gather3A_742 = vector.shape_cast %broadcast_in_dim3A_741 : vector<16x1xi32> to vector<16xi32>
        %gather3A_743 = tpu.dynamic_gather %select_n3A_730[%gather3A_742] in [0] : vector<16xf32>, vector<16xi32> -> vector<16xf32>
        %get3A_744 = arith.index_cast %add3A_612 : i32 to index
        %get3A_745 = arith.constant 0 : index
        %get3A_746 = tpu.vector_load %arg18[%get3A_744, %get3A_745] {strides = array<i32>} : memref<80x128xf32, #tpu.memory_space<vmem>>, vector<16xf32>,
        %mul3A_747 = arith.constant 128 : i32
        %mul3A_748 = arith.muli %add3A_612, %mul3A_747 : i32
        %add3A_749 = arith.constant 0 : i32
        %add3A_750 = arith.addi %mul3A_748, %add3A_749 : i32
        %get3A_751 = arith.index_cast %add3A_750 : i32 to index
        %get3A_752 = tpu.vector_load %arg22[%get3A_751] {strides = array<i32>} : memref<10240xf32, #tpu.memory_space<vmem>>, vector<16xf32>,
        %mul3A_753 = arith.mulf %get3A_746, %get3A_752 : vector<16xf32>
        %mul3A_754 = arith.mulf %mul3A_753, %gather3A_743 : vector<16xf32>
        %swap3A_755 = arith.index_cast %add3A_612 : i32 to index
        %swap3A_756 = arith.constant 0 : index
        %swap3A_757 = tpu.vector_load %arg26[%swap3A_755, %swap3A_756] {strides = array<i32>} : memref<80x80xf32, #tpu.memory_space<vmem>>, vector<16xf32>,
        tpu.vector_store %arg26[%swap3A_755, %swap3A_756], %mul3A_754 {strides = array<i32>} : memref<80x80xf32, #tpu.memory_space<vmem>>, vector<16xf32>,
        %lt3A_758 = arith.constant 0 : i32
        %lt3A_759 = vector.broadcast %lt3A_758 : i32 to vector<16xi32>
        %lt3A_760 = arith.cmpi slt, %broadcast_in_dim3A_5, %lt3A_759 : vector<16xi32>
        %add3A_761 = arith.constant 16 : i32
        %add3A_762 = vector.broadcast %add3A_761 : i32 to vector<16xi32>
        %add3A_763 = arith.addi %broadcast_in_dim3A_5, %add3A_762 : vector<16xi32>
        %select_n3A_764 = arith.select %lt3A_760, %add3A_763, %broadcast_in_dim3A_5 : vector<16xi1>, vector<16xi32>
        %broadcast_in_dim3A_765 = vector.shape_cast %select_n3A_764 : vector<16xi32> to vector<16x1xi32>
        %gather3A_766 = vector.shape_cast %broadcast_in_dim3A_765 : vector<16x1xi32> to vector<16xi32>
        %gather3A_767 = tpu.dynamic_gather %select_n3A_730[%gather3A_766] in [0] : vector<16xf32>, vector<16xi32> -> vector<16xf32>
        %get3A_768 = arith.index_cast %add3A_612 : i32 to index
        %get3A_769 = arith.constant 16 : index
        %get3A_770 = tpu.vector_load %arg18[%get3A_768, %get3A_769] {strides = array<i32>} : memref<80x128xf32, #tpu.memory_space<vmem>>, vector<16xf32>,
        %mul3A_771 = arith.constant 128 : i32
        %mul3A_772 = arith.muli %add3A_612, %mul3A_771 : i32
        %add3A_773 = arith.constant 16 : i32
        %add3A_774 = arith.addi %mul3A_772, %add3A_773 : i32
        %get3A_775 = arith.index_cast %add3A_774 : i32 to index
        %get3A_776 = tpu.vector_load %arg22[%get3A_775] {strides = array<i32>} : memref<10240xf32, #tpu.memory_space<vmem>>, vector<16xf32>,
        %mul3A_777 = arith.mulf %get3A_770, %get3A_776 : vector<16xf32>
        %mul3A_778 = arith.mulf %mul3A_777, %gather3A_767 : vector<16xf32>
        %swap3A_779 = arith.index_cast %add3A_612 : i32 to index
        %swap3A_780 = arith.constant 16 : index
        %swap3A_781 = tpu.vector_load %arg26[%swap3A_779, %swap3A_780] {strides = array<i32>} : memref<80x80xf32, #tpu.memory_space<vmem>>, vector<16xf32>,
        tpu.vector_store %arg26[%swap3A_779, %swap3A_780], %mul3A_778 {strides = array<i32>} : memref<80x80xf32, #tpu.memory_space<vmem>>, vector<16xf32>,
        %lt3A_782 = arith.constant 0 : i32
        %lt3A_783 = vector.broadcast %lt3A_782 : i32 to vector<16xi32>
        %lt3A_784 = arith.cmpi slt, %broadcast_in_dim3A_7, %lt3A_783 : vector<16xi32>
        %add3A_785 = arith.constant 16 : i32
        %add3A_786 = vector.broadcast %add3A_785 : i32 to vector<16xi32>
        %add3A_787 = arith.addi %broadcast_in_dim3A_7, %add3A_786 : vector<16xi32>
        %select_n3A_788 = arith.select %lt3A_784, %add3A_787, %broadcast_in_dim3A_7 : vector<16xi1>, vector<16xi32>
        %broadcast_in_dim3A_789 = vector.shape_cast %select_n3A_788 : vector<16xi32> to vector<16x1xi32>
        %gather3A_790 = vector.shape_cast %broadcast_in_dim3A_789 : vector<16x1xi32> to vector<16xi32>
        %gather3A_791 = tpu.dynamic_gather %select_n3A_730[%gather3A_790] in [0] : vector<16xf32>, vector<16xi32> -> vector<16xf32>
        %get3A_792 = arith.index_cast %add3A_612 : i32 to index
        %get3A_793 = arith.constant 32 : index
        %get3A_794 = tpu.vector_load %arg18[%get3A_792, %get3A_793] {strides = array<i32>} : memref<80x128xf32, #tpu.memory_space<vmem>>, vector<16xf32>,
        %mul3A_795 = arith.constant 128 : i32
        %mul3A_796 = arith.muli %add3A_612, %mul3A_795 : i32
        %add3A_797 = arith.constant 32 : i32
        %add3A_798 = arith.addi %mul3A_796, %add3A_797 : i32
        %get3A_799 = arith.index_cast %add3A_798 : i32 to index
        %get3A_800 = tpu.vector_load %arg22[%get3A_799] {strides = array<i32>} : memref<10240xf32, #tpu.memory_space<vmem>>, vector<16xf32>,
        %mul3A_801 = arith.mulf %get3A_794, %get3A_800 : vector<16xf32>
        %mul3A_802 = arith.mulf %mul3A_801, %gather3A_791 : vector<16xf32>
        %swap3A_803 = arith.index_cast %add3A_612 : i32 to index
        %swap3A_804 = arith.constant 32 : index
        %swap3A_805 = tpu.vector_load %arg26[%swap3A_803, %swap3A_804] {strides = array<i32>} : memref<80x80xf32, #tpu.memory_space<vmem>>, vector<16xf32>,
        tpu.vector_store %arg26[%swap3A_803, %swap3A_804], %mul3A_802 {strides = array<i32>} : memref<80x80xf32, #tpu.memory_space<vmem>>, vector<16xf32>,
        %lt3A_806 = arith.constant 0 : i32
        %lt3A_807 = vector.broadcast %lt3A_806 : i32 to vector<16xi32>
        %lt3A_808 = arith.cmpi slt, %broadcast_in_dim3A_9, %lt3A_807 : vector<16xi32>
        %add3A_809 = arith.constant 16 : i32
        %add3A_810 = vector.broadcast %add3A_809 : i32 to vector<16xi32>
        %add3A_811 = arith.addi %broadcast_in_dim3A_9, %add3A_810 : vector<16xi32>
        %select_n3A_812 = arith.select %lt3A_808, %add3A_811, %broadcast_in_dim3A_9 : vector<16xi1>, vector<16xi32>
        %broadcast_in_dim3A_813 = vector.shape_cast %select_n3A_812 : vector<16xi32> to vector<16x1xi32>
        %gather3A_814 = vector.shape_cast %broadcast_in_dim3A_813 : vector<16x1xi32> to vector<16xi32>
        %gather3A_815 = tpu.dynamic_gather %select_n3A_730[%gather3A_814] in [0] : vector<16xf32>, vector<16xi32> -> vector<16xf32>
        %get3A_816 = arith.index_cast %add3A_612 : i32 to index
        %get3A_817 = arith.constant 48 : index
        %get3A_818 = tpu.vector_load %arg18[%get3A_816, %get3A_817] {strides = array<i32>} : memref<80x128xf32, #tpu.memory_space<vmem>>, vector<16xf32>,
        %mul3A_819 = arith.constant 128 : i32
        %mul3A_820 = arith.muli %add3A_612, %mul3A_819 : i32
        %add3A_821 = arith.constant 48 : i32
        %add3A_822 = arith.addi %mul3A_820, %add3A_821 : i32
        %get3A_823 = arith.index_cast %add3A_822 : i32 to index
        %get3A_824 = tpu.vector_load %arg22[%get3A_823] {strides = array<i32>} : memref<10240xf32, #tpu.memory_space<vmem>>, vector<16xf32>,
        %mul3A_825 = arith.mulf %get3A_818, %get3A_824 : vector<16xf32>
        %mul3A_826 = arith.mulf %mul3A_825, %gather3A_815 : vector<16xf32>
        %swap3A_827 = arith.index_cast %add3A_612 : i32 to index
        %swap3A_828 = arith.constant 48 : index
        %swap3A_829 = tpu.vector_load %arg26[%swap3A_827, %swap3A_828] {strides = array<i32>} : memref<80x80xf32, #tpu.memory_space<vmem>>, vector<16xf32>,
        tpu.vector_store %arg26[%swap3A_827, %swap3A_828], %mul3A_826 {strides = array<i32>} : memref<80x80xf32, #tpu.memory_space<vmem>>, vector<16xf32>,
      }
      %scan3A_381 = arith.constant 40 : i32
      %dma_start3A_382 = arith.constant 0 : i32
      %dma_start3A_383 = arith.constant 0 : i32
      %dma_start3A_384 = tpu.memref_slice %arg27[%dma_start3A_382, %dma_start3A_383] : memref<10000x80xf32, #tpu.memory_space<vmem_shared>> -> memref<10000x80xf32, #tpu.memory_space<vmem_shared>>
      tpu.enqueue_indirect_dma source(%arg26 : memref<80x80xf32, #tpu.memory_space<vmem>>) target(%dma_start3A_384 : memref<10000x80xf32, #tpu.memory_space<vmem_shared>>) offsets(%arg16 : memref<80xi32, #tpu.memory_space<vmem>>) semaphore(%arg37 : memref<!tpu.dma_semaphore, #tpu.memory_space<semaphore_mem>>) {add = true}
      %mul3A_385 = arith.constant 80 : i32
      %mul3A_386 = arith.muli %add3A_337, %mul3A_385 : i32
      %add3A_387 = arith.addi %mul3A_2, %mul3A_386 : i32
      %dma_start3A_388 = arith.constant 0 : i32
      %dma_start3A_389 = tpu.memref_slice %arg7[%add3A_387, %dma_start3A_388] : memref<320000x16xf32, #tpu.memory_space<hbm>> -> memref<80x16xf32, #tpu.memory_space<hbm>>
      %dma_start3A_390 = arith.constant 0 : i32
      %dma_start3A_391 = tpu.memref_slice %arg7[%add3A_387, %dma_start3A_390] : memref<320000x16xf32, #tpu.memory_space<hbm>> -> memref<80x16xf32, #tpu.memory_space<hbm>>
      tpu.enqueue_dma source(%arg24 : memref<80x16xf32, #tpu.memory_space<vmem>>) target(%dma_start3A_391 : memref<80x16xf32, #tpu.memory_space<hbm>>) target_semaphore(%arg35 : memref<!tpu.dma_semaphore, #tpu.memory_space<semaphore_mem>>)
      %add3A_392 = arith.constant 2 : i32
      %add3A_393 = arith.addi %add3A_337, %add3A_392 : i32
      %lt3A_394 = arith.constant 125 : i32
      %lt3A_395 = arith.cmpi slt, %add3A_393, %lt3A_394 : i32
      %convert_element_type3A_396 = arith.extui %lt3A_395 : i1 to i32
      %cond3A_397 = arith.constant 0 : i32
      %cond3A_398 = arith.cmpi ne, %convert_element_type3A_396, %cond3A_397 : i32
      scf.if %cond3A_398 {
        %add3A_399 = arith.constant 2 : i32
        %add3A_400 = arith.addi %add3A_337, %add3A_399 : i32
        %mul3A_401 = arith.constant 80 : i32
        %mul3A_402 = arith.muli %add3A_400, %mul3A_401 : i32
        %add3A_403 = arith.addi %mul3A_2, %mul3A_402 : i32
        %dma_start3A_404 = tpu.memref_slice %arg2[%add3A_403] : memref<320000xi32, #tpu.memory_space<hbm>> -> memref<80xi32, #tpu.memory_space<hbm>>
        %dma_start3A_405 = tpu.memref_slice %arg2[%add3A_403] : memref<320000xi32, #tpu.memory_space<hbm>> -> memref<80xi32, #tpu.memory_space<hbm>>
        tpu.enqueue_dma source(%dma_start3A_405 : memref<80xi32, #tpu.memory_space<hbm>>) target(%arg10 : memref<80xi32, #tpu.memory_space<vmem>>) target_semaphore(%arg29 : memref<!tpu.dma_semaphore, #tpu.memory_space<semaphore_mem>>)
        %dma_start3A_406 = tpu.memref_slice %arg3[%add3A_403] : memref<320000xi32, #tpu.memory_space<hbm>> -> memref<80xi32, #tpu.memory_space<hbm>>
        %dma_start3A_407 = tpu.memref_slice %arg3[%add3A_403] : memref<320000xi32, #tpu.memory_space<hbm>> -> memref<80xi32, #tpu.memory_space<hbm>>
        tpu.enqueue_dma source(%dma_start3A_407 : memref<80xi32, #tpu.memory_space<hbm>>) target(%arg14 : memref<80xi32, #tpu.memory_space<vmem>>) target_semaphore(%arg29 : memref<!tpu.dma_semaphore, #tpu.memory_space<semaphore_mem>>)
      } else {
      }
    }
    %scan3A_84 = arith.constant 31 : i32
    %dma_wait3A_85 = arith.constant 0 : i32
    %dma_wait3A_86 = tpu.memref_slice %arg6[%dma_wait3A_85] : memref<40960000xf32, #tpu.memory_space<hbm>> -> memref<10240xf32, #tpu.memory_space<hbm>>
    %dma_wait3A_87 = arith.constant 0 : i32
    %dma_wait3A_88 = tpu.memref_slice %arg6[%dma_wait3A_87] : memref<40960000xf32, #tpu.memory_space<hbm>> -> memref<10240xf32, #tpu.memory_space<hbm>>
    tpu.wait_dma2 semaphore(%arg32 : memref<!tpu.dma_semaphore, #tpu.memory_space<semaphore_mem>>) src(%dma_wait3A_88 : memref<10240xf32, #tpu.memory_space<hbm>>) dst(%arg21 : memref<10240xf32, #tpu.memory_space<vmem>>)
    %dma_wait3A_89 = arith.constant 0 : i32
    %dma_wait3A_90 = arith.constant 0 : i32
    %dma_wait3A_91 = tpu.memref_slice %arg4[%dma_wait3A_89, %dma_wait3A_90] : memref<10000x128xf32, #tpu.memory_space<hbm>> -> memref<10000x128xf32, #tpu.memory_space<hbm>>
    tpu.wait_indirect_dma semaphore(%arg32 : memref<!tpu.dma_semaphore, #tpu.memory_space<semaphore_mem>>) src(%dma_wait3A_91 : memref<10000x128xf32, #tpu.memory_space<hbm>>) dst(%arg17 : memref<80x128xf32, #tpu.memory_space<vmem>>)
    %dma_wait3A_92 = arith.constant 0 : i32
    %dma_wait3A_93 = arith.constant 0 : i32
    %dma_wait3A_94 = tpu.memref_slice %arg5[%dma_wait3A_92, %dma_wait3A_93] : memref<10000x64xf32, #tpu.memory_space<hbm>> -> memref<10000x64xf32, #tpu.memory_space<hbm>>
    tpu.wait_indirect_dma semaphore(%arg32 : memref<!tpu.dma_semaphore, #tpu.memory_space<semaphore_mem>>) src(%dma_wait3A_94 : memref<10000x64xf32, #tpu.memory_space<hbm>>) dst(%arg19 : memref<80x64xf32, #tpu.memory_space<vmem>>)
    %dma_wait3A_95 = arith.constant 0 : i32
    %dma_wait3A_96 = arith.constant 0 : i32
    %dma_wait3A_97 = tpu.memref_slice %arg27[%dma_wait3A_95, %dma_wait3A_96] : memref<10000x80xf32, #tpu.memory_space<vmem_shared>> -> memref<10000x80xf32, #tpu.memory_space<vmem_shared>>
    tpu.wait_indirect_dma semaphore(%arg36 : memref<!tpu.dma_semaphore, #tpu.memory_space<semaphore_mem>>) src(%arg25 : memref<80x80xf32, #tpu.memory_space<vmem>>) dst(%dma_wait3A_97 : memref<10000x80xf32, #tpu.memory_space<vmem_shared>>)
    %dma_wait3A_98 = arith.constant 0 : i32
    %dma_wait3A_99 = arith.constant 0 : i32
    %dma_wait3A_100 = tpu.memref_slice %arg7[%dma_wait3A_98, %dma_wait3A_99] : memref<320000x16xf32, #tpu.memory_space<hbm>> -> memref<80x16xf32, #tpu.memory_space<hbm>>
    %dma_wait3A_101 = arith.constant 0 : i32
    %dma_wait3A_102 = arith.constant 0 : i32
    %dma_wait3A_103 = tpu.memref_slice %arg7[%dma_wait3A_101, %dma_wait3A_102] : memref<320000x16xf32, #tpu.memory_space<hbm>> -> memref<80x16xf32, #tpu.memory_space<hbm>>
    tpu.wait_dma2 semaphore(%arg34 : memref<!tpu.dma_semaphore, #tpu.memory_space<semaphore_mem>>) src(%arg23 : memref<80x16xf32, #tpu.memory_space<vmem>>) dst(%dma_wait3A_103 : memref<80x16xf32, #tpu.memory_space<hbm>>)
    %scan3A_104 = arith.constant 0 : i32
    %scan3A_105 = arith.constant 0 : i32
    %scan3A_106 = arith.constant 40 : i32
    %scan3A_107 = arith.addi %scan3A_105, %scan3A_106 : i32
    %scan3A_108 = arith.constant 1 : i32
    scf.for %scan3A_142 = %scan3A_105 to %scan3A_107 step %scan3A_108  : i32 {
      %mul3A_143 = arith.constant 2 : i32
      %mul3A_144 = arith.muli %mul3A_143, %scan3A_142 : i32
      %broadcast_in_dim3A_145 = arith.constant 0.000000e+00 : f32
      %broadcast_in_dim3A_146 = vector.broadcast %broadcast_in_dim3A_145 : f32 to vector<16xf32>
      %get3A = arith.index_cast %mul3A_144 : i32 to index
      %get3A_147 = arith.constant 64 : index
      %get3A_148 = tpu.vector_load %arg17[%get3A, %get3A_147] {strides = array<i32>} : memref<80x128xf32, #tpu.memory_space<vmem>>, vector<16xf32>,
      %mul3A_149 = arith.constant 128 : i32
      %mul3A_150 = arith.muli %mul3A_144, %mul3A_149 : i32
      %add3A_151 = arith.constant 64 : i32
      %add3A_152 = arith.addi %mul3A_150, %add3A_151 : i32
      %add3A_153 = arith.constant 0 : i32
      %add3A_154 = arith.addi %add3A_152, %add3A_153 : i32
      %get3A_155 = arith.index_cast %add3A_154 : i32 to index
      %get3A_156 = tpu.vector_load %arg21[%get3A_155] {strides = array<i32>} : memref<10240xf32, #tpu.memory_space<vmem>>, vector<16xf32>,
      %get3A_157 = arith.index_cast %mul3A_144 : i32 to index
      %get3A_158 = arith.constant 0 : index
      %get3A_159 = tpu.vector_load %arg19[%get3A_157, %get3A_158] {strides = array<i32>} : memref<80x64xf32, #tpu.memory_space<vmem>>, vector<16xf32>,
      %mul3A_160 = arith.mulf %get3A_148, %get3A_156 : vector<16xf32>
      %mul3A_161 = arith.mulf %mul3A_160, %get3A_159 : vector<16xf32>
      %reduce_sum3A = arith.constant true
      %reduce_sum3A_162 = vector.broadcast %reduce_sum3A : i1 to vector<16xi1>
      %reduce_sum3A_163 = tpu.scan <sum>, %mul3A_161 masked %reduce_sum3A_162 : vector<16xf32>, vector<16xi1> -> vector<16xf32>
      %reduce_sum3A_164 = vector.extract %reduce_sum3A_163[15] : f32 from vector<16xf32>
      %eq3A = arith.constant 0 : i32
      %eq3A_165 = vector.broadcast %eq3A : i32 to vector<16xi32>
      %eq3A_166 = arith.cmpi eq, %iota3A, %eq3A_165 : vector<16xi32>
      %broadcast_in_dim3A_167 = vector.broadcast %reduce_sum3A_164 : f32 to vector<16xf32>
      %select_n3A = arith.select %eq3A_166, %broadcast_in_dim3A_167, %broadcast_in_dim3A_146 : vector<16xi1>, vector<16xf32>
      %get3A_168 = arith.index_cast %mul3A_144 : i32 to index
      %get3A_169 = arith.constant 80 : index
      %get3A_170 = tpu.vector_load %arg17[%get3A_168, %get3A_169] {strides = array<i32>} : memref<80x128xf32, #tpu.memory_space<vmem>>, vector<16xf32>,
      %mul3A_171 = arith.constant 128 : i32
      %mul3A_172 = arith.muli %mul3A_144, %mul3A_171 : i32
      %add3A_173 = arith.constant 64 : i32
      %add3A_174 = arith.addi %mul3A_172, %add3A_173 : i32
      %add3A_175 = arith.constant 16 : i32
      %add3A_176 = arith.addi %add3A_174, %add3A_175 : i32
      %get3A_177 = arith.index_cast %add3A_176 : i32 to index
      %get3A_178 = tpu.vector_load %arg21[%get3A_177] {strides = array<i32>} : memref<10240xf32, #tpu.memory_space<vmem>>, vector<16xf32>,
      %get3A_179 = arith.index_cast %mul3A_144 : i32 to index
      %get3A_180 = arith.constant 16 : index
      %get3A_181 = tpu.vector_load %arg19[%get3A_179, %get3A_180] {strides = array<i32>} : memref<80x64xf32, #tpu.memory_space<vmem>>, vector<16xf32>,
      %mul3A_182 = arith.mulf %get3A_170, %get3A_178 : vector<16xf32>
      %mul3A_183 = arith.mulf %mul3A_182, %get3A_181 : vector<16xf32>
      %reduce_sum3A_184 = arith.constant true
      %reduce_sum3A_185 = vector.broadcast %reduce_sum3A_184 : i1 to vector<16xi1>
      %reduce_sum3A_186 = tpu.scan <sum>, %mul3A_183 masked %reduce_sum3A_185 : vector<16xf32>, vector<16xi1> -> vector<16xf32>
      %reduce_sum3A_187 = vector.extract %reduce_sum3A_186[15] : f32 from vector<16xf32>
      %eq3A_188 = arith.constant 1 : i32
      %eq3A_189 = vector.broadcast %eq3A_188 : i32 to vector<16xi32>
      %eq3A_190 = arith.cmpi eq, %iota3A, %eq3A_189 : vector<16xi32>
      %broadcast_in_dim3A_191 = vector.broadcast %reduce_sum3A_187 : f32 to vector<16xf32>
      %select_n3A_192 = arith.select %eq3A_190, %broadcast_in_dim3A_191, %select_n3A : vector<16xi1>, vector<16xf32>
      %get3A_193 = arith.index_cast %mul3A_144 : i32 to index
      %get3A_194 = arith.constant 96 : index
      %get3A_195 = tpu.vector_load %arg17[%get3A_193, %get3A_194] {strides = array<i32>} : memref<80x128xf32, #tpu.memory_space<vmem>>, vector<16xf32>,
      %mul3A_196 = arith.constant 128 : i32
      %mul3A_197 = arith.muli %mul3A_144, %mul3A_196 : i32
      %add3A_198 = arith.constant 64 : i32
      %add3A_199 = arith.addi %mul3A_197, %add3A_198 : i32
      %add3A_200 = arith.constant 32 : i32
      %add3A_201 = arith.addi %add3A_199, %add3A_200 : i32
      %get3A_202 = arith.index_cast %add3A_201 : i32 to index
      %get3A_203 = tpu.vector_load %arg21[%get3A_202] {strides = array<i32>} : memref<10240xf32, #tpu.memory_space<vmem>>, vector<16xf32>,
      %get3A_204 = arith.index_cast %mul3A_144 : i32 to index
      %get3A_205 = arith.constant 32 : index
      %get3A_206 = tpu.vector_load %arg19[%get3A_204, %get3A_205] {strides = array<i32>} : memref<80x64xf32, #tpu.memory_space<vmem>>, vector<16xf32>,
      %mul3A_207 = arith.mulf %get3A_195, %get3A_203 : vector<16xf32>
      %mul3A_208 = arith.mulf %mul3A_207, %get3A_206 : vector<16xf32>
      %reduce_sum3A_209 = arith.constant true
      %reduce_sum3A_210 = vector.broadcast %reduce_sum3A_209 : i1 to vector<16xi1>
      %reduce_sum3A_211 = tpu.scan <sum>, %mul3A_208 masked %reduce_sum3A_210 : vector<16xf32>, vector<16xi1> -> vector<16xf32>
      %reduce_sum3A_212 = vector.extract %reduce_sum3A_211[15] : f32 from vector<16xf32>
      %eq3A_213 = arith.constant 2 : i32
      %eq3A_214 = vector.broadcast %eq3A_213 : i32 to vector<16xi32>
      %eq3A_215 = arith.cmpi eq, %iota3A, %eq3A_214 : vector<16xi32>
      %broadcast_in_dim3A_216 = vector.broadcast %reduce_sum3A_212 : f32 to vector<16xf32>
      %select_n3A_217 = arith.select %eq3A_215, %broadcast_in_dim3A_216, %select_n3A_192 : vector<16xi1>, vector<16xf32>
      %get3A_218 = arith.index_cast %mul3A_144 : i32 to index
      %get3A_219 = arith.constant 112 : index
      %get3A_220 = tpu.vector_load %arg17[%get3A_218, %get3A_219] {strides = array<i32>} : memref<80x128xf32, #tpu.memory_space<vmem>>, vector<16xf32>,
      %mul3A_221 = arith.constant 128 : i32
      %mul3A_222 = arith.muli %mul3A_144, %mul3A_221 : i32
      %add3A_223 = arith.constant 64 : i32
      %add3A_224 = arith.addi %mul3A_222, %add3A_223 : i32
      %add3A_225 = arith.constant 48 : i32
      %add3A_226 = arith.addi %add3A_224, %add3A_225 : i32
      %get3A_227 = arith.index_cast %add3A_226 : i32 to index
      %get3A_228 = tpu.vector_load %arg21[%get3A_227] {strides = array<i32>} : memref<10240xf32, #tpu.memory_space<vmem>>, vector<16xf32>,
      %get3A_229 = arith.index_cast %mul3A_144 : i32 to index
      %get3A_230 = arith.constant 48 : index
      %get3A_231 = tpu.vector_load %arg19[%get3A_229, %get3A_230] {strides = array<i32>} : memref<80x64xf32, #tpu.memory_space<vmem>>, vector<16xf32>,
      %mul3A_232 = arith.mulf %get3A_220, %get3A_228 : vector<16xf32>
      %mul3A_233 = arith.mulf %mul3A_232, %get3A_231 : vector<16xf32>
      %reduce_sum3A_234 = arith.constant true
      %reduce_sum3A_235 = vector.broadcast %reduce_sum3A_234 : i1 to vector<16xi1>
      %reduce_sum3A_236 = tpu.scan <sum>, %mul3A_233 masked %reduce_sum3A_235 : vector<16xf32>, vector<16xi1> -> vector<16xf32>
      %reduce_sum3A_237 = vector.extract %reduce_sum3A_236[15] : f32 from vector<16xf32>
      %eq3A_238 = arith.constant 3 : i32
      %eq3A_239 = vector.broadcast %eq3A_238 : i32 to vector<16xi32>
      %eq3A_240 = arith.cmpi eq, %iota3A, %eq3A_239 : vector<16xi32>
      %broadcast_in_dim3A_241 = vector.broadcast %reduce_sum3A_237 : f32 to vector<16xf32>
      %select_n3A_242 = arith.select %eq3A_240, %broadcast_in_dim3A_241, %select_n3A_217 : vector<16xi1>, vector<16xf32>
      %swap3A = arith.index_cast %mul3A_144 : i32 to index
      %swap3A_243 = arith.constant 0 : index
      %swap3A_244 = tpu.vector_load %arg23[%swap3A, %swap3A_243] {strides = array<i32>} : memref<80x16xf32, #tpu.memory_space<vmem>>, vector<16xf32>,
      tpu.vector_store %arg23[%swap3A, %swap3A_243], %select_n3A_242 {strides = array<i32>} : memref<80x16xf32, #tpu.memory_space<vmem>>, vector<16xf32>,
      %max3A = arith.constant -6.000000e+01 : f32
      %max3A_245 = vector.broadcast %max3A : f32 to vector<16xf32>
      %max3A_246 = arith.maximumf %select_n3A_242, %max3A_245 : vector<16xf32>
      %min3A = arith.constant 6.000000e+01 : f32
      %min3A_247 = vector.broadcast %min3A : f32 to vector<16xf32>
      %min3A_248 = arith.minimumf %max3A_246, %min3A_247 : vector<16xf32>
      %exp3A = math.exp %min3A_248 : vector<16xf32>
      %lt3A = arith.constant 4 : i32
      %lt3A_249 = vector.broadcast %lt3A : i32 to vector<16xi32>
      %lt3A_250 = arith.cmpi slt, %iota3A, %lt3A_249 : vector<16xi32>
      %jit3A = arith.constant 0.000000e+00 : f32
      %broadcast_in_dim3A_251 = vector.broadcast %jit3A : f32 to vector<16xf32>
      %select_n3A_252 = arith.select %lt3A_250, %exp3A, %broadcast_in_dim3A_251 : vector<16xi1>, vector<16xf32>
      %swap3A_253 = arith.index_cast %mul3A_144 : i32 to index
      %swap3A_254 = arith.constant 64 : index
      %swap3A_255 = tpu.vector_load %arg25[%swap3A_253, %swap3A_254] {strides = array<i32>} : memref<80x80xf32, #tpu.memory_space<vmem>>, vector<16xf32>,
      tpu.vector_store %arg25[%swap3A_253, %swap3A_254], %select_n3A_252 {strides = array<i32>} : memref<80x80xf32, #tpu.memory_space<vmem>>, vector<16xf32>,
      %lt3A_256 = arith.constant 0 : i32
      %lt3A_257 = vector.broadcast %lt3A_256 : i32 to vector<16xi32>
      %lt3A_258 = arith.cmpi slt, %broadcast_in_dim3A_3, %lt3A_257 : vector<16xi32>
      %add3A_259 = arith.constant 16 : i32
      %add3A_260 = vector.broadcast %add3A_259 : i32 to vector<16xi32>
      %add3A_261 = arith.addi %broadcast_in_dim3A_3, %add3A_260 : vector<16xi32>
      %select_n3A_262 = arith.select %lt3A_258, %add3A_261, %broadcast_in_dim3A_3 : vector<16xi1>, vector<16xi32>
      %broadcast_in_dim3A_263 = vector.shape_cast %select_n3A_262 : vector<16xi32> to vector<16x1xi32>
      %gather3A = vector.shape_cast %broadcast_in_dim3A_263 : vector<16x1xi32> to vector<16xi32>
      %gather3A_264 = tpu.dynamic_gather %select_n3A_252[%gather3A] in [0] : vector<16xf32>, vector<16xi32> -> vector<16xf32>
      %get3A_265 = arith.index_cast %mul3A_144 : i32 to index
      %get3A_266 = arith.constant 0 : index
      %get3A_267 = tpu.vector_load %arg17[%get3A_265, %get3A_266] {strides = array<i32>} : memref<80x128xf32, #tpu.memory_space<vmem>>, vector<16xf32>,
      %mul3A_268 = arith.constant 128 : i32
      %mul3A_269 = arith.muli %mul3A_144, %mul3A_268 : i32
      %add3A_270 = arith.constant 0 : i32
      %add3A_271 = arith.addi %mul3A_269, %add3A_270 : i32
      %get3A_272 = arith.index_cast %add3A_271 : i32 to index
      %get3A_273 = tpu.vector_load %arg21[%get3A_272] {strides = array<i32>} : memref<10240xf32, #tpu.memory_space<vmem>>, vector<16xf32>,
      %mul3A_274 = arith.mulf %get3A_267, %get3A_273 : vector<16xf32>
      %mul3A_275 = arith.mulf %mul3A_274, %gather3A_264 : vector<16xf32>
      %swap3A_276 = arith.index_cast %mul3A_144 : i32 to index
      %swap3A_277 = arith.constant 0 : index
      %swap3A_278 = tpu.vector_load %arg25[%swap3A_276, %swap3A_277] {strides = array<i32>} : memref<80x80xf32, #tpu.memory_space<vmem>>, vector<16xf32>,
      tpu.vector_store %arg25[%swap3A_276, %swap3A_277], %mul3A_275 {strides = array<i32>} : memref<80x80xf32, #tpu.memory_space<vmem>>, vector<16xf32>,
      %lt3A_279 = arith.constant 0 : i32
      %lt3A_280 = vector.broadcast %lt3A_279 : i32 to vector<16xi32>
      %lt3A_281 = arith.cmpi slt, %broadcast_in_dim3A_5, %lt3A_280 : vector<16xi32>
      %add3A_282 = arith.constant 16 : i32
      %add3A_283 = vector.broadcast %add3A_282 : i32 to vector<16xi32>
      %add3A_284 = arith.addi %broadcast_in_dim3A_5, %add3A_283 : vector<16xi32>
      %select_n3A_285 = arith.select %lt3A_281, %add3A_284, %broadcast_in_dim3A_5 : vector<16xi1>, vector<16xi32>
      %broadcast_in_dim3A_286 = vector.shape_cast %select_n3A_285 : vector<16xi32> to vector<16x1xi32>
      %gather3A_287 = vector.shape_cast %broadcast_in_dim3A_286 : vector<16x1xi32> to vector<16xi32>
      %gather3A_288 = tpu.dynamic_gather %select_n3A_252[%gather3A_287] in [0] : vector<16xf32>, vector<16xi32> -> vector<16xf32>
      %get3A_289 = arith.index_cast %mul3A_144 : i32 to index
      %get3A_290 = arith.constant 16 : index
      %get3A_291 = tpu.vector_load %arg17[%get3A_289, %get3A_290] {strides = array<i32>} : memref<80x128xf32, #tpu.memory_space<vmem>>, vector<16xf32>,
      %mul3A_292 = arith.constant 128 : i32
      %mul3A_293 = arith.muli %mul3A_144, %mul3A_292 : i32
      %add3A_294 = arith.constant 16 : i32
      %add3A_295 = arith.addi %mul3A_293, %add3A_294 : i32
      %get3A_296 = arith.index_cast %add3A_295 : i32 to index
      %get3A_297 = tpu.vector_load %arg21[%get3A_296] {strides = array<i32>} : memref<10240xf32, #tpu.memory_space<vmem>>, vector<16xf32>,
      %mul3A_298 = arith.mulf %get3A_291, %get3A_297 : vector<16xf32>
      %mul3A_299 = arith.mulf %mul3A_298, %gather3A_288 : vector<16xf32>
      %swap3A_300 = arith.index_cast %mul3A_144 : i32 to index
      %swap3A_301 = arith.constant 16 : index
      %swap3A_302 = tpu.vector_load %arg25[%swap3A_300, %swap3A_301] {strides = array<i32>} : memref<80x80xf32, #tpu.memory_space<vmem>>, vector<16xf32>,
      tpu.vector_store %arg25[%swap3A_300, %swap3A_301], %mul3A_299 {strides = array<i32>} : memref<80x80xf32, #tpu.memory_space<vmem>>, vector<16xf32>,
      %lt3A_303 = arith.constant 0 : i32
      %lt3A_304 = vector.broadcast %lt3A_303 : i32 to vector<16xi32>
      %lt3A_305 = arith.cmpi slt, %broadcast_in_dim3A_7, %lt3A_304 : vector<16xi32>
      %add3A_306 = arith.constant 16 : i32
      %add3A_307 = vector.broadcast %add3A_306 : i32 to vector<16xi32>
      %add3A_308 = arith.addi %broadcast_in_dim3A_7, %add3A_307 : vector<16xi32>
      %select_n3A_309 = arith.select %lt3A_305, %add3A_308, %broadcast_in_dim3A_7 : vector<16xi1>, vector<16xi32>
      %broadcast_in_dim3A_310 = vector.shape_cast %select_n3A_309 : vector<16xi32> to vector<16x1xi32>
      %gather3A_311 = vector.shape_cast %broadcast_in_dim3A_310 : vector<16x1xi32> to vector<16xi32>
      %gather3A_312 = tpu.dynamic_gather %select_n3A_252[%gather3A_311] in [0] : vector<16xf32>, vector<16xi32> -> vector<16xf32>
      %get3A_313 = arith.index_cast %mul3A_144 : i32 to index
      %get3A_314 = arith.constant 32 : index
      %get3A_315 = tpu.vector_load %arg17[%get3A_313, %get3A_314] {strides = array<i32>} : memref<80x128xf32, #tpu.memory_space<vmem>>, vector<16xf32>,
      %mul3A_316 = arith.constant 128 : i32
      %mul3A_317 = arith.muli %mul3A_144, %mul3A_316 : i32
      %add3A_318 = arith.constant 32 : i32
      %add3A_319 = arith.addi %mul3A_317, %add3A_318 : i32
      %get3A_320 = arith.index_cast %add3A_319 : i32 to index
      %get3A_321 = tpu.vector_load %arg21[%get3A_320] {strides = array<i32>} : memref<10240xf32, #tpu.memory_space<vmem>>, vector<16xf32>,
      %mul3A_322 = arith.mulf %get3A_315, %get3A_321 : vector<16xf32>
      %mul3A_323 = arith.mulf %mul3A_322, %gather3A_312 : vector<16xf32>
      %swap3A_324 = arith.index_cast %mul3A_144 : i32 to index
      %swap3A_325 = arith.constant 32 : index
      %swap3A_326 = tpu.vector_load %arg25[%swap3A_324, %swap3A_325] {strides = array<i32>} : memref<80x80xf32, #tpu.memory_space<vmem>>, vector<16xf32>,
      tpu.vector_store %arg25[%swap3A_324, %swap3A_325], %mul3A_323 {strides = array<i32>} : memref<80x80xf32, #tpu.memory_space<vmem>>, vector<16xf32>,
      %lt3A_327 = arith.constant 0 : i32
      %lt3A_328 = vector.broadcast %lt3A_327 : i32 to vector<16xi32>
      %lt3A_329 = arith.cmpi slt, %broadcast_in_dim3A_9, %lt3A_328 : vector<16xi32>
      %add3A_330 = arith.constant 16 : i32
      %add3A_331 = vector.broadcast %add3A_330 : i32 to vector<16xi32>
      %add3A_332 = arith.addi %broadcast_in_dim3A_9, %add3A_331 : vector<16xi32>
      %select_n3A_333 = arith.select %lt3A_329, %add3A_332, %broadcast_in_dim3A_9 : vector<16xi1>, vector<16xi32>
      %broadcast_in_dim3A_334 = vector.shape_cast %select_n3A_333 : vector<16xi32> to vector<16x1xi32>
      %gather3A_335 = vector.shape_cast %broadcast_in_dim3A_334 : vector<16x1xi32> to vector<16xi32>
      %gather3A_336 = tpu.dynamic_gather %select_n3A_252[%gather3A_335] in [0] : vector<16xf32>, vector<16xi32> -> vector<16xf32>
      %get3A_337 = arith.index_cast %mul3A_144 : i32 to index
      %get3A_338 = arith.constant 48 : index
      %get3A_339 = tpu.vector_load %arg17[%get3A_337, %get3A_338] {strides = array<i32>} : memref<80x128xf32, #tpu.memory_space<vmem>>, vector<16xf32>,
      %mul3A_340 = arith.constant 128 : i32
      %mul3A_341 = arith.muli %mul3A_144, %mul3A_340 : i32
      %add3A_342 = arith.constant 48 : i32
      %add3A_343 = arith.addi %mul3A_341, %add3A_342 : i32
      %get3A_344 = arith.index_cast %add3A_343 : i32 to index
      %get3A_345 = tpu.vector_load %arg21[%get3A_344] {strides = array<i32>} : memref<10240xf32, #tpu.memory_space<vmem>>, vector<16xf32>,
      %mul3A_346 = arith.mulf %get3A_339, %get3A_345 : vector<16xf32>
      %mul3A_347 = arith.mulf %mul3A_346, %gather3A_336 : vector<16xf32>
      %swap3A_348 = arith.index_cast %mul3A_144 : i32 to index
      %swap3A_349 = arith.constant 48 : index
      %swap3A_350 = tpu.vector_load %arg25[%swap3A_348, %swap3A_349] {strides = array<i32>} : memref<80x80xf32, #tpu.memory_space<vmem>>, vector<16xf32>,
      tpu.vector_store %arg25[%swap3A_348, %swap3A_349], %mul3A_347 {strides = array<i32>} : memref<80x80xf32, #tpu.memory_space<vmem>>, vector<16xf32>,
      %mul3A_351 = arith.constant 2 : i32
      %mul3A_352 = arith.muli %mul3A_351, %scan3A_142 : i32
      %add3A_353 = arith.constant 1 : i32
      %add3A_354 = arith.addi %mul3A_352, %add3A_353 : i32
      %broadcast_in_dim3A_355 = arith.constant 0.000000e+00 : f32
      %broadcast_in_dim3A_356 = vector.broadcast %broadcast_in_dim3A_355 : f32 to vector<16xf32>
      %get3A_357 = arith.index_cast %add3A_354 : i32 to index
      %get3A_358 = arith.constant 64 : index
      %get3A_359 = tpu.vector_load %arg17[%get3A_357, %get3A_358] {strides = array<i32>} : memref<80x128xf32, #tpu.memory_space<vmem>>, vector<16xf32>,
      %mul3A_360 = arith.constant 128 : i32
      %mul3A_361 = arith.muli %add3A_354, %mul3A_360 : i32
      %add3A_362 = arith.constant 64 : i32
      %add3A_363 = arith.addi %mul3A_361, %add3A_362 : i32
      %add3A_364 = arith.constant 0 : i32
      %add3A_365 = arith.addi %add3A_363, %add3A_364 : i32
      %get3A_366 = arith.index_cast %add3A_365 : i32 to index
      %get3A_367 = tpu.vector_load %arg21[%get3A_366] {strides = array<i32>} : memref<10240xf32, #tpu.memory_space<vmem>>, vector<16xf32>,
      %get3A_368 = arith.index_cast %add3A_354 : i32 to index
      %get3A_369 = arith.constant 0 : index
      %get3A_370 = tpu.vector_load %arg19[%get3A_368, %get3A_369] {strides = array<i32>} : memref<80x64xf32, #tpu.memory_space<vmem>>, vector<16xf32>,
      %mul3A_371 = arith.mulf %get3A_359, %get3A_367 : vector<16xf32>
      %mul3A_372 = arith.mulf %mul3A_371, %get3A_370 : vector<16xf32>
      %reduce_sum3A_373 = arith.constant true
      %reduce_sum3A_374 = vector.broadcast %reduce_sum3A_373 : i1 to vector<16xi1>
      %reduce_sum3A_375 = tpu.scan <sum>, %mul3A_372 masked %reduce_sum3A_374 : vector<16xf32>, vector<16xi1> -> vector<16xf32>
      %reduce_sum3A_376 = vector.extract %reduce_sum3A_375[15] : f32 from vector<16xf32>
      %eq3A_377 = arith.constant 0 : i32
      %eq3A_378 = vector.broadcast %eq3A_377 : i32 to vector<16xi32>
      %eq3A_379 = arith.cmpi eq, %iota3A, %eq3A_378 : vector<16xi32>
      %broadcast_in_dim3A_380 = vector.broadcast %reduce_sum3A_376 : f32 to vector<16xf32>
      %select_n3A_381 = arith.select %eq3A_379, %broadcast_in_dim3A_380, %broadcast_in_dim3A_356 : vector<16xi1>, vector<16xf32>
      %get3A_382 = arith.index_cast %add3A_354 : i32 to index
      %get3A_383 = arith.constant 80 : index
      %get3A_384 = tpu.vector_load %arg17[%get3A_382, %get3A_383] {strides = array<i32>} : memref<80x128xf32, #tpu.memory_space<vmem>>, vector<16xf32>,
      %mul3A_385 = arith.constant 128 : i32
      %mul3A_386 = arith.muli %add3A_354, %mul3A_385 : i32
      %add3A_387 = arith.constant 64 : i32
      %add3A_388 = arith.addi %mul3A_386, %add3A_387 : i32
      %add3A_389 = arith.constant 16 : i32
      %add3A_390 = arith.addi %add3A_388, %add3A_389 : i32
      %get3A_391 = arith.index_cast %add3A_390 : i32 to index
      %get3A_392 = tpu.vector_load %arg21[%get3A_391] {strides = array<i32>} : memref<10240xf32, #tpu.memory_space<vmem>>, vector<16xf32>,
      %get3A_393 = arith.index_cast %add3A_354 : i32 to index
      %get3A_394 = arith.constant 16 : index
      %get3A_395 = tpu.vector_load %arg19[%get3A_393, %get3A_394] {strides = array<i32>} : memref<80x64xf32, #tpu.memory_space<vmem>>, vector<16xf32>,
      %mul3A_396 = arith.mulf %get3A_384, %get3A_392 : vector<16xf32>
      %mul3A_397 = arith.mulf %mul3A_396, %get3A_395 : vector<16xf32>
      %reduce_sum3A_398 = arith.constant true
      %reduce_sum3A_399 = vector.broadcast %reduce_sum3A_398 : i1 to vector<16xi1>
      %reduce_sum3A_400 = tpu.scan <sum>, %mul3A_397 masked %reduce_sum3A_399 : vector<16xf32>, vector<16xi1> -> vector<16xf32>
      %reduce_sum3A_401 = vector.extract %reduce_sum3A_400[15] : f32 from vector<16xf32>
      %eq3A_402 = arith.constant 1 : i32
      %eq3A_403 = vector.broadcast %eq3A_402 : i32 to vector<16xi32>
      %eq3A_404 = arith.cmpi eq, %iota3A, %eq3A_403 : vector<16xi32>
      %broadcast_in_dim3A_405 = vector.broadcast %reduce_sum3A_401 : f32 to vector<16xf32>
      %select_n3A_406 = arith.select %eq3A_404, %broadcast_in_dim3A_405, %select_n3A_381 : vector<16xi1>, vector<16xf32>
      %get3A_407 = arith.index_cast %add3A_354 : i32 to index
      %get3A_408 = arith.constant 96 : index
      %get3A_409 = tpu.vector_load %arg17[%get3A_407, %get3A_408] {strides = array<i32>} : memref<80x128xf32, #tpu.memory_space<vmem>>, vector<16xf32>,
      %mul3A_410 = arith.constant 128 : i32
      %mul3A_411 = arith.muli %add3A_354, %mul3A_410 : i32
      %add3A_412 = arith.constant 64 : i32
      %add3A_413 = arith.addi %mul3A_411, %add3A_412 : i32
      %add3A_414 = arith.constant 32 : i32
      %add3A_415 = arith.addi %add3A_413, %add3A_414 : i32
      %get3A_416 = arith.index_cast %add3A_415 : i32 to index
      %get3A_417 = tpu.vector_load %arg21[%get3A_416] {strides = array<i32>} : memref<10240xf32, #tpu.memory_space<vmem>>, vector<16xf32>,
      %get3A_418 = arith.index_cast %add3A_354 : i32 to index
      %get3A_419 = arith.constant 32 : index
      %get3A_420 = tpu.vector_load %arg19[%get3A_418, %get3A_419] {strides = array<i32>} : memref<80x64xf32, #tpu.memory_space<vmem>>, vector<16xf32>,
      %mul3A_421 = arith.mulf %get3A_409, %get3A_417 : vector<16xf32>
      %mul3A_422 = arith.mulf %mul3A_421, %get3A_420 : vector<16xf32>
      %reduce_sum3A_423 = arith.constant true
      %reduce_sum3A_424 = vector.broadcast %reduce_sum3A_423 : i1 to vector<16xi1>
      %reduce_sum3A_425 = tpu.scan <sum>, %mul3A_422 masked %reduce_sum3A_424 : vector<16xf32>, vector<16xi1> -> vector<16xf32>
      %reduce_sum3A_426 = vector.extract %reduce_sum3A_425[15] : f32 from vector<16xf32>
      %eq3A_427 = arith.constant 2 : i32
      %eq3A_428 = vector.broadcast %eq3A_427 : i32 to vector<16xi32>
      %eq3A_429 = arith.cmpi eq, %iota3A, %eq3A_428 : vector<16xi32>
      %broadcast_in_dim3A_430 = vector.broadcast %reduce_sum3A_426 : f32 to vector<16xf32>
      %select_n3A_431 = arith.select %eq3A_429, %broadcast_in_dim3A_430, %select_n3A_406 : vector<16xi1>, vector<16xf32>
      %get3A_432 = arith.index_cast %add3A_354 : i32 to index
      %get3A_433 = arith.constant 112 : index
      %get3A_434 = tpu.vector_load %arg17[%get3A_432, %get3A_433] {strides = array<i32>} : memref<80x128xf32, #tpu.memory_space<vmem>>, vector<16xf32>,
      %mul3A_435 = arith.constant 128 : i32
      %mul3A_436 = arith.muli %add3A_354, %mul3A_435 : i32
      %add3A_437 = arith.constant 64 : i32
      %add3A_438 = arith.addi %mul3A_436, %add3A_437 : i32
      %add3A_439 = arith.constant 48 : i32
      %add3A_440 = arith.addi %add3A_438, %add3A_439 : i32
      %get3A_441 = arith.index_cast %add3A_440 : i32 to index
      %get3A_442 = tpu.vector_load %arg21[%get3A_441] {strides = array<i32>} : memref<10240xf32, #tpu.memory_space<vmem>>, vector<16xf32>,
      %get3A_443 = arith.index_cast %add3A_354 : i32 to index
      %get3A_444 = arith.constant 48 : index
      %get3A_445 = tpu.vector_load %arg19[%get3A_443, %get3A_444] {strides = array<i32>} : memref<80x64xf32, #tpu.memory_space<vmem>>, vector<16xf32>,
      %mul3A_446 = arith.mulf %get3A_434, %get3A_442 : vector<16xf32>
      %mul3A_447 = arith.mulf %mul3A_446, %get3A_445 : vector<16xf32>
      %reduce_sum3A_448 = arith.constant true
      %reduce_sum3A_449 = vector.broadcast %reduce_sum3A_448 : i1 to vector<16xi1>
      %reduce_sum3A_450 = tpu.scan <sum>, %mul3A_447 masked %reduce_sum3A_449 : vector<16xf32>, vector<16xi1> -> vector<16xf32>
      %reduce_sum3A_451 = vector.extract %reduce_sum3A_450[15] : f32 from vector<16xf32>
      %eq3A_452 = arith.constant 3 : i32
      %eq3A_453 = vector.broadcast %eq3A_452 : i32 to vector<16xi32>
      %eq3A_454 = arith.cmpi eq, %iota3A, %eq3A_453 : vector<16xi32>
      %broadcast_in_dim3A_455 = vector.broadcast %reduce_sum3A_451 : f32 to vector<16xf32>
      %select_n3A_456 = arith.select %eq3A_454, %broadcast_in_dim3A_455, %select_n3A_431 : vector<16xi1>, vector<16xf32>
      %swap3A_457 = arith.index_cast %add3A_354 : i32 to index
      %swap3A_458 = arith.constant 0 : index
      %swap3A_459 = tpu.vector_load %arg23[%swap3A_457, %swap3A_458] {strides = array<i32>} : memref<80x16xf32, #tpu.memory_space<vmem>>, vector<16xf32>,
      tpu.vector_store %arg23[%swap3A_457, %swap3A_458], %select_n3A_456 {strides = array<i32>} : memref<80x16xf32, #tpu.memory_space<vmem>>, vector<16xf32>,
      %max3A_460 = arith.constant -6.000000e+01 : f32
      %max3A_461 = vector.broadcast %max3A_460 : f32 to vector<16xf32>
      %max3A_462 = arith.maximumf %select_n3A_456, %max3A_461 : vector<16xf32>
      %min3A_463 = arith.constant 6.000000e+01 : f32
      %min3A_464 = vector.broadcast %min3A_463 : f32 to vector<16xf32>
      %min3A_465 = arith.minimumf %max3A_462, %min3A_464 : vector<16xf32>
      %exp3A_466 = math.exp %min3A_465 : vector<16xf32>
      %lt3A_467 = arith.constant 4 : i32
      %lt3A_468 = vector.broadcast %lt3A_467 : i32 to vector<16xi32>
      %lt3A_469 = arith.cmpi slt, %iota3A, %lt3A_468 : vector<16xi32>
      %jit3A_470 = arith.constant 0.000000e+00 : f32
      %broadcast_in_dim3A_471 = vector.broadcast %jit3A_470 : f32 to vector<16xf32>
      %select_n3A_472 = arith.select %lt3A_469, %exp3A_466, %broadcast_in_dim3A_471 : vector<16xi1>, vector<16xf32>
      %swap3A_473 = arith.index_cast %add3A_354 : i32 to index
      %swap3A_474 = arith.constant 64 : index
      %swap3A_475 = tpu.vector_load %arg25[%swap3A_473, %swap3A_474] {strides = array<i32>} : memref<80x80xf32, #tpu.memory_space<vmem>>, vector<16xf32>,
      tpu.vector_store %arg25[%swap3A_473, %swap3A_474], %select_n3A_472 {strides = array<i32>} : memref<80x80xf32, #tpu.memory_space<vmem>>, vector<16xf32>,
      %lt3A_476 = arith.constant 0 : i32
      %lt3A_477 = vector.broadcast %lt3A_476 : i32 to vector<16xi32>
      %lt3A_478 = arith.cmpi slt, %broadcast_in_dim3A_3, %lt3A_477 : vector<16xi32>
      %add3A_479 = arith.constant 16 : i32
      %add3A_480 = vector.broadcast %add3A_479 : i32 to vector<16xi32>
      %add3A_481 = arith.addi %broadcast_in_dim3A_3, %add3A_480 : vector<16xi32>
      %select_n3A_482 = arith.select %lt3A_478, %add3A_481, %broadcast_in_dim3A_3 : vector<16xi1>, vector<16xi32>
      %broadcast_in_dim3A_483 = vector.shape_cast %select_n3A_482 : vector<16xi32> to vector<16x1xi32>
      %gather3A_484 = vector.shape_cast %broadcast_in_dim3A_483 : vector<16x1xi32> to vector<16xi32>
      %gather3A_485 = tpu.dynamic_gather %select_n3A_472[%gather3A_484] in [0] : vector<16xf32>, vector<16xi32> -> vector<16xf32>
      %get3A_486 = arith.index_cast %add3A_354 : i32 to index
      %get3A_487 = arith.constant 0 : index
      %get3A_488 = tpu.vector_load %arg17[%get3A_486, %get3A_487] {strides = array<i32>} : memref<80x128xf32, #tpu.memory_space<vmem>>, vector<16xf32>,
      %mul3A_489 = arith.constant 128 : i32
      %mul3A_490 = arith.muli %add3A_354, %mul3A_489 : i32
      %add3A_491 = arith.constant 0 : i32
      %add3A_492 = arith.addi %mul3A_490, %add3A_491 : i32
      %get3A_493 = arith.index_cast %add3A_492 : i32 to index
      %get3A_494 = tpu.vector_load %arg21[%get3A_493] {strides = array<i32>} : memref<10240xf32, #tpu.memory_space<vmem>>, vector<16xf32>,
      %mul3A_495 = arith.mulf %get3A_488, %get3A_494 : vector<16xf32>
      %mul3A_496 = arith.mulf %mul3A_495, %gather3A_485 : vector<16xf32>
      %swap3A_497 = arith.index_cast %add3A_354 : i32 to index
      %swap3A_498 = arith.constant 0 : index
      %swap3A_499 = tpu.vector_load %arg25[%swap3A_497, %swap3A_498] {strides = array<i32>} : memref<80x80xf32, #tpu.memory_space<vmem>>, vector<16xf32>,
      tpu.vector_store %arg25[%swap3A_497, %swap3A_498], %mul3A_496 {strides = array<i32>} : memref<80x80xf32, #tpu.memory_space<vmem>>, vector<16xf32>,
      %lt3A_500 = arith.constant 0 : i32
      %lt3A_501 = vector.broadcast %lt3A_500 : i32 to vector<16xi32>
      %lt3A_502 = arith.cmpi slt, %broadcast_in_dim3A_5, %lt3A_501 : vector<16xi32>
      %add3A_503 = arith.constant 16 : i32
      %add3A_504 = vector.broadcast %add3A_503 : i32 to vector<16xi32>
      %add3A_505 = arith.addi %broadcast_in_dim3A_5, %add3A_504 : vector<16xi32>
      %select_n3A_506 = arith.select %lt3A_502, %add3A_505, %broadcast_in_dim3A_5 : vector<16xi1>, vector<16xi32>
      %broadcast_in_dim3A_507 = vector.shape_cast %select_n3A_506 : vector<16xi32> to vector<16x1xi32>
      %gather3A_508 = vector.shape_cast %broadcast_in_dim3A_507 : vector<16x1xi32> to vector<16xi32>
      %gather3A_509 = tpu.dynamic_gather %select_n3A_472[%gather3A_508] in [0] : vector<16xf32>, vector<16xi32> -> vector<16xf32>
      %get3A_510 = arith.index_cast %add3A_354 : i32 to index
      %get3A_511 = arith.constant 16 : index
      %get3A_512 = tpu.vector_load %arg17[%get3A_510, %get3A_511] {strides = array<i32>} : memref<80x128xf32, #tpu.memory_space<vmem>>, vector<16xf32>,
      %mul3A_513 = arith.constant 128 : i32
      %mul3A_514 = arith.muli %add3A_354, %mul3A_513 : i32
      %add3A_515 = arith.constant 16 : i32
      %add3A_516 = arith.addi %mul3A_514, %add3A_515 : i32
      %get3A_517 = arith.index_cast %add3A_516 : i32 to index
      %get3A_518 = tpu.vector_load %arg21[%get3A_517] {strides = array<i32>} : memref<10240xf32, #tpu.memory_space<vmem>>, vector<16xf32>,
      %mul3A_519 = arith.mulf %get3A_512, %get3A_518 : vector<16xf32>
      %mul3A_520 = arith.mulf %mul3A_519, %gather3A_509 : vector<16xf32>
      %swap3A_521 = arith.index_cast %add3A_354 : i32 to index
      %swap3A_522 = arith.constant 16 : index
      %swap3A_523 = tpu.vector_load %arg25[%swap3A_521, %swap3A_522] {strides = array<i32>} : memref<80x80xf32, #tpu.memory_space<vmem>>, vector<16xf32>,
      tpu.vector_store %arg25[%swap3A_521, %swap3A_522], %mul3A_520 {strides = array<i32>} : memref<80x80xf32, #tpu.memory_space<vmem>>, vector<16xf32>,
      %lt3A_524 = arith.constant 0 : i32
      %lt3A_525 = vector.broadcast %lt3A_524 : i32 to vector<16xi32>
      %lt3A_526 = arith.cmpi slt, %broadcast_in_dim3A_7, %lt3A_525 : vector<16xi32>
      %add3A_527 = arith.constant 16 : i32
      %add3A_528 = vector.broadcast %add3A_527 : i32 to vector<16xi32>
      %add3A_529 = arith.addi %broadcast_in_dim3A_7, %add3A_528 : vector<16xi32>
      %select_n3A_530 = arith.select %lt3A_526, %add3A_529, %broadcast_in_dim3A_7 : vector<16xi1>, vector<16xi32>
      %broadcast_in_dim3A_531 = vector.shape_cast %select_n3A_530 : vector<16xi32> to vector<16x1xi32>
      %gather3A_532 = vector.shape_cast %broadcast_in_dim3A_531 : vector<16x1xi32> to vector<16xi32>
      %gather3A_533 = tpu.dynamic_gather %select_n3A_472[%gather3A_532] in [0] : vector<16xf32>, vector<16xi32> -> vector<16xf32>
      %get3A_534 = arith.index_cast %add3A_354 : i32 to index
      %get3A_535 = arith.constant 32 : index
      %get3A_536 = tpu.vector_load %arg17[%get3A_534, %get3A_535] {strides = array<i32>} : memref<80x128xf32, #tpu.memory_space<vmem>>, vector<16xf32>,
      %mul3A_537 = arith.constant 128 : i32
      %mul3A_538 = arith.muli %add3A_354, %mul3A_537 : i32
      %add3A_539 = arith.constant 32 : i32
      %add3A_540 = arith.addi %mul3A_538, %add3A_539 : i32
      %get3A_541 = arith.index_cast %add3A_540 : i32 to index
      %get3A_542 = tpu.vector_load %arg21[%get3A_541] {strides = array<i32>} : memref<10240xf32, #tpu.memory_space<vmem>>, vector<16xf32>,
      %mul3A_543 = arith.mulf %get3A_536, %get3A_542 : vector<16xf32>
      %mul3A_544 = arith.mulf %mul3A_543, %gather3A_533 : vector<16xf32>
      %swap3A_545 = arith.index_cast %add3A_354 : i32 to index
      %swap3A_546 = arith.constant 32 : index
      %swap3A_547 = tpu.vector_load %arg25[%swap3A_545, %swap3A_546] {strides = array<i32>} : memref<80x80xf32, #tpu.memory_space<vmem>>, vector<16xf32>,
      tpu.vector_store %arg25[%swap3A_545, %swap3A_546], %mul3A_544 {strides = array<i32>} : memref<80x80xf32, #tpu.memory_space<vmem>>, vector<16xf32>,
      %lt3A_548 = arith.constant 0 : i32
      %lt3A_549 = vector.broadcast %lt3A_548 : i32 to vector<16xi32>
      %lt3A_550 = arith.cmpi slt, %broadcast_in_dim3A_9, %lt3A_549 : vector<16xi32>
      %add3A_551 = arith.constant 16 : i32
      %add3A_552 = vector.broadcast %add3A_551 : i32 to vector<16xi32>
      %add3A_553 = arith.addi %broadcast_in_dim3A_9, %add3A_552 : vector<16xi32>
      %select_n3A_554 = arith.select %lt3A_550, %add3A_553, %broadcast_in_dim3A_9 : vector<16xi1>, vector<16xi32>
      %broadcast_in_dim3A_555 = vector.shape_cast %select_n3A_554 : vector<16xi32> to vector<16x1xi32>
      %gather3A_556 = vector.shape_cast %broadcast_in_dim3A_555 : vector<16x1xi32> to vector<16xi32>
      %gather3A_557 = tpu.dynamic_gather %select_n3A_472[%gather3A_556] in [0] : vector<16xf32>, vector<16xi32> -> vector<16xf32>
      %get3A_558 = arith.index_cast %add3A_354 : i32 to index
      %get3A_559 = arith.constant 48 : index
      %get3A_560 = tpu.vector_load %arg17[%get3A_558, %get3A_559] {strides = array<i32>} : memref<80x128xf32, #tpu.memory_space<vmem>>, vector<16xf32>,
      %mul3A_561 = arith.constant 128 : i32
      %mul3A_562 = arith.muli %add3A_354, %mul3A_561 : i32
      %add3A_563 = arith.constant 48 : i32
      %add3A_564 = arith.addi %mul3A_562, %add3A_563 : i32
      %get3A_565 = arith.index_cast %add3A_564 : i32 to index
      %get3A_566 = tpu.vector_load %arg21[%get3A_565] {strides = array<i32>} : memref<10240xf32, #tpu.memory_space<vmem>>, vector<16xf32>,
      %mul3A_567 = arith.mulf %get3A_560, %get3A_566 : vector<16xf32>
      %mul3A_568 = arith.mulf %mul3A_567, %gather3A_557 : vector<16xf32>
      %swap3A_569 = arith.index_cast %add3A_354 : i32 to index
      %swap3A_570 = arith.constant 48 : index
      %swap3A_571 = tpu.vector_load %arg25[%swap3A_569, %swap3A_570] {strides = array<i32>} : memref<80x80xf32, #tpu.memory_space<vmem>>, vector<16xf32>,
      tpu.vector_store %arg25[%swap3A_569, %swap3A_570], %mul3A_568 {strides = array<i32>} : memref<80x80xf32, #tpu.memory_space<vmem>>, vector<16xf32>,
    }
    %scan3A_109 = arith.constant 40 : i32
    %dma_start3A_110 = arith.constant 0 : i32
    %dma_start3A_111 = arith.constant 0 : i32
    %dma_start3A_112 = tpu.memref_slice %arg27[%dma_start3A_110, %dma_start3A_111] : memref<10000x80xf32, #tpu.memory_space<vmem_shared>> -> memref<10000x80xf32, #tpu.memory_space<vmem_shared>>
    tpu.enqueue_indirect_dma source(%arg25 : memref<80x80xf32, #tpu.memory_space<vmem>>) target(%dma_start3A_112 : memref<10000x80xf32, #tpu.memory_space<vmem_shared>>) offsets(%arg13 : memref<80xi32, #tpu.memory_space<vmem>>) semaphore(%arg36 : memref<!tpu.dma_semaphore, #tpu.memory_space<semaphore_mem>>) {add = true}
    %add3A_113 = arith.constant 9920 : i32
    %add3A_114 = arith.addi %mul3A_2, %add3A_113 : i32
    %dma_start3A_115 = arith.constant 0 : i32
    %dma_start3A_116 = tpu.memref_slice %arg7[%add3A_114, %dma_start3A_115] : memref<320000x16xf32, #tpu.memory_space<hbm>> -> memref<80x16xf32, #tpu.memory_space<hbm>>
    %dma_start3A_117 = arith.constant 0 : i32
    %dma_start3A_118 = tpu.memref_slice %arg7[%add3A_114, %dma_start3A_117] : memref<320000x16xf32, #tpu.memory_space<hbm>> -> memref<80x16xf32, #tpu.memory_space<hbm>>
    tpu.enqueue_dma source(%arg23 : memref<80x16xf32, #tpu.memory_space<vmem>>) target(%dma_start3A_118 : memref<80x16xf32, #tpu.memory_space<hbm>>) target_semaphore(%arg34 : memref<!tpu.dma_semaphore, #tpu.memory_space<semaphore_mem>>)
    %dma_wait3A_119 = arith.constant 0 : i32
    %dma_wait3A_120 = arith.constant 0 : i32
    %dma_wait3A_121 = tpu.memref_slice %arg27[%dma_wait3A_119, %dma_wait3A_120] : memref<10000x80xf32, #tpu.memory_space<vmem_shared>> -> memref<10000x80xf32, #tpu.memory_space<vmem_shared>>
    tpu.wait_indirect_dma semaphore(%arg37 : memref<!tpu.dma_semaphore, #tpu.memory_space<semaphore_mem>>) src(%arg26 : memref<80x80xf32, #tpu.memory_space<vmem>>) dst(%dma_wait3A_121 : memref<10000x80xf32, #tpu.memory_space<vmem_shared>>)
    %dma_wait3A_122 = arith.constant 0 : i32
    %dma_wait3A_123 = arith.constant 0 : i32
    %dma_wait3A_124 = tpu.memref_slice %arg27[%dma_wait3A_122, %dma_wait3A_123] : memref<10000x80xf32, #tpu.memory_space<vmem_shared>> -> memref<10000x80xf32, #tpu.memory_space<vmem_shared>>
    tpu.wait_indirect_dma semaphore(%arg36 : memref<!tpu.dma_semaphore, #tpu.memory_space<semaphore_mem>>) src(%arg25 : memref<80x80xf32, #tpu.memory_space<vmem>>) dst(%dma_wait3A_124 : memref<10000x80xf32, #tpu.memory_space<vmem_shared>>)
    %dma_wait3A_125 = arith.constant 0 : i32
    %dma_wait3A_126 = arith.constant 0 : i32
    %dma_wait3A_127 = tpu.memref_slice %arg7[%dma_wait3A_125, %dma_wait3A_126] : memref<320000x16xf32, #tpu.memory_space<hbm>> -> memref<80x16xf32, #tpu.memory_space<hbm>>
    %dma_wait3A_128 = arith.constant 0 : i32
    %dma_wait3A_129 = arith.constant 0 : i32
    %dma_wait3A_130 = tpu.memref_slice %arg7[%dma_wait3A_128, %dma_wait3A_129] : memref<320000x16xf32, #tpu.memory_space<hbm>> -> memref<80x16xf32, #tpu.memory_space<hbm>>
    tpu.wait_dma2 semaphore(%arg35 : memref<!tpu.dma_semaphore, #tpu.memory_space<semaphore_mem>>) src(%arg24 : memref<80x16xf32, #tpu.memory_space<vmem>>) dst(%dma_wait3A_130 : memref<80x16xf32, #tpu.memory_space<hbm>>)
    %dma_wait3A_131 = arith.constant 0 : i32
    %dma_wait3A_132 = arith.constant 0 : i32
    %dma_wait3A_133 = tpu.memref_slice %arg7[%dma_wait3A_131, %dma_wait3A_132] : memref<320000x16xf32, #tpu.memory_space<hbm>> -> memref<80x16xf32, #tpu.memory_space<hbm>>
    %dma_wait3A_134 = arith.constant 0 : i32
    %dma_wait3A_135 = arith.constant 0 : i32
    %dma_wait3A_136 = tpu.memref_slice %arg7[%dma_wait3A_134, %dma_wait3A_135] : memref<320000x16xf32, #tpu.memory_space<hbm>> -> memref<80x16xf32, #tpu.memory_space<hbm>>
    tpu.wait_dma2 semaphore(%arg34 : memref<!tpu.dma_semaphore, #tpu.memory_space<semaphore_mem>>) src(%arg23 : memref<80x16xf32, #tpu.memory_space<vmem>>) dst(%dma_wait3A_136 : memref<80x16xf32, #tpu.memory_space<hbm>>)
    %barrier3A_137 = arith.constant 0 : index
    tpu.barrier barrier_id(%barrier3A_137)
    %mul3A_138 = arith.constant 625 : i32
    %mul3A_139 = arith.muli %arg1, %mul3A_138 : i32
    %mul3A_140 = arith.constant 625 : i32
    %mul3A_141 = arith.muli %arg1, %mul3A_140 : i32
    "tpu.region"() ({
      %run_scoped3A = tpu.sem_alloc : memref<!tpu.dma_semaphore, #tpu.memory_space<semaphore_mem>>
      %dma_start3A_142 = arith.constant 0 : i32
      %dma_start3A_143 = tpu.memref_slice %arg8[%arg0, %mul3A_141, %dma_start3A_142] : memref<2x10000x80xf32, #tpu.memory_space<hbm>> -> memref<1x625x80xf32, #tpu.memory_space<hbm>>
      %dma_start3A_144 = tpu.memref_squeeze %dma_start3A_143 : memref<1x625x80xf32, #tpu.memory_space<hbm>> -> memref<625x80xf32, #tpu.memory_space<hbm>>
      %dma_start3A_145 = arith.constant 0 : i32
      %dma_start3A_146 = tpu.memref_slice %arg27[%mul3A_139, %dma_start3A_145] : memref<10000x80xf32, #tpu.memory_space<vmem_shared>> -> memref<625x80xf32, #tpu.memory_space<vmem_shared>>
      tpu.enqueue_dma source(%dma_start3A_146 : memref<625x80xf32, #tpu.memory_space<vmem_shared>>) target(%dma_start3A_144 : memref<625x80xf32, #tpu.memory_space<hbm>>) target_semaphore(%run_scoped3A : memref<!tpu.dma_semaphore, #tpu.memory_space<semaphore_mem>>)
      %dma_wait3A_147 = arith.constant 0 : i32
      %dma_wait3A_148 = tpu.memref_slice %arg8[%arg0, %mul3A_141, %dma_wait3A_147] : memref<2x10000x80xf32, #tpu.memory_space<hbm>> -> memref<1x625x80xf32, #tpu.memory_space<hbm>>
      %dma_wait3A_149 = tpu.memref_squeeze %dma_wait3A_148 : memref<1x625x80xf32, #tpu.memory_space<hbm>> -> memref<625x80xf32, #tpu.memory_space<hbm>>
      %dma_wait3A_150 = arith.constant 0 : i32
      %dma_wait3A_151 = tpu.memref_slice %arg27[%mul3A_139, %dma_wait3A_150] : memref<10000x80xf32, #tpu.memory_space<vmem_shared>> -> memref<625x80xf32, #tpu.memory_space<vmem_shared>>
      tpu.wait_dma2 semaphore(%run_scoped3A : memref<!tpu.dma_semaphore, #tpu.memory_space<semaphore_mem>>) src(%dma_wait3A_151 : memref<625x80xf32, #tpu.memory_space<vmem_shared>>) dst(%dma_wait3A_149 : memref<625x80xf32, #tpu.memory_space<hbm>>)
      tpu.yield
    }) : () -> ()
    return
  }
}

module attributes {stable_mosaic.version = 14 : i64} {
  func.func @_node_pre_body(%arg0: i32, %arg1: memref<1000x128xf32, #tpu.memory_space<vmem>>, %arg2: memref<128x128xf32, #tpu.memory_space<vmem>>, %arg3: memref<128x64xf32, #tpu.memory_space<vmem>>, %arg4: memref<128x128xf32, #tpu.memory_space<vmem>>, %arg5: memref<1000x128xf32, #tpu.memory_space<vmem>>, %arg6: memref<1000x64xf32, #tpu.memory_space<vmem>>, %arg7: memref<1000x128xf32, #tpu.memory_space<vmem>>) attributes {dimension_semantics = [#tpu.dimension_semantics<arbitrary>], iteration_bounds = array<i64: 10>, scalar_prefetch = 0 : i64, scratch_operands = 0 : i64, tpu.core_type = #tpu.core_type<tc>, window_params = [{transform_indices = @transform_0, window_bounds = array<i64: 1000, 128>}, {pipeline_mode = #tpu.pipeline_mode<synchronous>, transform_indices = @transform_1, window_bounds = array<i64: 128, 128>}, {pipeline_mode = #tpu.pipeline_mode<synchronous>, transform_indices = @transform_2, window_bounds = array<i64: 128, 64>}, {pipeline_mode = #tpu.pipeline_mode<synchronous>, transform_indices = @transform_3, window_bounds = array<i64: 128, 128>}, {transform_indices = @transform_4, window_bounds = array<i64: 1000, 128>}, {transform_indices = @transform_5, window_bounds = array<i64: 1000, 64>}, {transform_indices = @transform_6, window_bounds = array<i64: 1000, 128>}]} {
    %get3A = arith.constant 0 : index
    %get3A_0 = arith.constant 0 : index
    %get3A_1 = vector.load %arg1[%get3A, %get3A_0] : memref<1000x128xf32, #tpu.memory_space<vmem>>, vector<1000x128xf32>
    %get3A_2 = arith.constant 0 : index
    %get3A_3 = arith.constant 0 : index
    %get3A_4 = vector.load %arg2[%get3A_2, %get3A_3] : memref<128x128xf32, #tpu.memory_space<vmem>>, vector<128x128xf32>
    %dot_general3A = arith.constant dense<0.000000e+00> : vector<1000x128xf32>
    %dot_general3A_5 = tpu.matmul %get3A_1, %get3A_4, %dot_general3A {dimension_numbers = #tpu.dot_dimension_numbers<[1], [0], [0], [1], [0, 0, 1, 1], [], []>, transpose_lhs_hint = false} : vector<1000x128xf32>, vector<128x128xf32>, vector<1000x128xf32> -> vector<1000x128xf32>
    %swap3A = arith.constant 0 : index
    %swap3A_6 = arith.constant 0 : index
    %swap3A_7 = vector.load %arg5[%swap3A, %swap3A_6] : memref<1000x128xf32, #tpu.memory_space<vmem>>, vector<1000x128xf32>
    tpu.vector_store %arg5[%swap3A, %swap3A_6], %dot_general3A_5 {strides = array<i32>} : memref<1000x128xf32, #tpu.memory_space<vmem>>, vector<1000x128xf32>,
    %get3A_8 = arith.constant 0 : index
    %get3A_9 = arith.constant 0 : index
    %get3A_10 = vector.load %arg3[%get3A_8, %get3A_9] : memref<128x64xf32, #tpu.memory_space<vmem>>, vector<128x64xf32>
    %dot_general3A_11 = arith.constant dense<0.000000e+00> : vector<1000x64xf32>
    %dot_general3A_12 = tpu.matmul %get3A_1, %get3A_10, %dot_general3A_11 {dimension_numbers = #tpu.dot_dimension_numbers<[1], [0], [0], [1], [0, 0, 1, 1], [], []>, transpose_lhs_hint = false} : vector<1000x128xf32>, vector<128x64xf32>, vector<1000x64xf32> -> vector<1000x64xf32>
    %mul3A = arith.constant 1.250000e-01 : f32
    %mul3A_13 = vector.broadcast %mul3A : f32 to vector<1000x64xf32>
    %mul3A_14 = arith.mulf %dot_general3A_12, %mul3A_13 : vector<1000x64xf32>
    %swap3A_15 = arith.constant 0 : index
    %swap3A_16 = arith.constant 0 : index
    %swap3A_17 = vector.load %arg6[%swap3A_15, %swap3A_16] : memref<1000x64xf32, #tpu.memory_space<vmem>>, vector<1000x64xf32>
    tpu.vector_store %arg6[%swap3A_15, %swap3A_16], %mul3A_14 {strides = array<i32>} : memref<1000x64xf32, #tpu.memory_space<vmem>>, vector<1000x64xf32>,
    %get3A_18 = arith.constant 0 : index
    %get3A_19 = arith.constant 0 : index
    %get3A_20 = vector.load %arg4[%get3A_18, %get3A_19] : memref<128x128xf32, #tpu.memory_space<vmem>>, vector<128x128xf32>
    %dot_general3A_21 = arith.constant dense<0.000000e+00> : vector<1000x128xf32>
    %dot_general3A_22 = tpu.matmul %get3A_1, %get3A_20, %dot_general3A_21 {dimension_numbers = #tpu.dot_dimension_numbers<[1], [0], [0], [1], [0, 0, 1, 1], [], []>, transpose_lhs_hint = false} : vector<1000x128xf32>, vector<128x128xf32>, vector<1000x128xf32> -> vector<1000x128xf32>
    %swap3A_23 = arith.constant 0 : index
    %swap3A_24 = arith.constant 0 : index
    %swap3A_25 = vector.load %arg7[%swap3A_23, %swap3A_24] : memref<1000x128xf32, #tpu.memory_space<vmem>>, vector<1000x128xf32>
    tpu.vector_store %arg7[%swap3A_23, %swap3A_24], %dot_general3A_22 {strides = array<i32>} : memref<1000x128xf32, #tpu.memory_space<vmem>>, vector<1000x128xf32>,
    return
  }
  func.func @transform_0(%arg0: i32) -> (i32, i32) {
    %c0_i32 = arith.constant 0 : i32
    %c0_i32_0 = arith.constant 0 : i32
    return %arg0, %c0_i32 : i32, i32
  }
  func.func @transform_1(%arg0: i32) -> (i32, i32) {
    %c0_i32 = arith.constant 0 : i32
    %c0_i32_0 = arith.constant 0 : i32
    %c0_i32_1 = arith.constant 0 : i32
    return %c0_i32, %c0_i32_0 : i32, i32
  }
  func.func @transform_2(%arg0: i32) -> (i32, i32) {
    %c0_i32 = arith.constant 0 : i32
    %c0_i32_0 = arith.constant 0 : i32
    %c0_i32_1 = arith.constant 0 : i32
    return %c0_i32, %c0_i32_0 : i32, i32
  }
  func.func @transform_3(%arg0: i32) -> (i32, i32) {
    %c0_i32 = arith.constant 0 : i32
    %c0_i32_0 = arith.constant 0 : i32
    %c0_i32_1 = arith.constant 0 : i32
    return %c0_i32, %c0_i32_0 : i32, i32
  }
  func.func @transform_4(%arg0: i32) -> (i32, i32) {
    %c0_i32 = arith.constant 0 : i32
    %c0_i32_0 = arith.constant 0 : i32
    return %arg0, %c0_i32 : i32, i32
  }
  func.func @transform_5(%arg0: i32) -> (i32, i32) {
    %c0_i32 = arith.constant 0 : i32
    %c0_i32_0 = arith.constant 0 : i32
    return %arg0, %c0_i32 : i32, i32
  }
  func.func @transform_6(%arg0: i32) -> (i32, i32) {
    %c0_i32 = arith.constant 0 : i32
    %c0_i32_0 = arith.constant 0 : i32
    return %arg0, %c0_i32 : i32, i32
  }
}

module attributes {stable_mosaic.version = 14 : i64} {
  func.func @_edge_pre_body(%arg0: i32, %arg1: memref<17x3200xf32, #tpu.memory_space<vmem>>, %arg2: memref<17x32xf32, #tpu.memory_space<vmem>>, %arg3: memref<1x32xf32, #tpu.memory_space<vmem>>, %arg4: memref<32x128xf32, #tpu.memory_space<vmem>>, %arg5: memref<17x17xf32, #tpu.memory_space<vmem>>, %arg6: memref<3200x128xf32, #tpu.memory_space<vmem>>, %arg7: memref<17x3200xf32, #tpu.memory_space<vmem>>) attributes {dimension_semantics = [#tpu.dimension_semantics<arbitrary>], iteration_bounds = array<i64: 100>, scalar_prefetch = 0 : i64, scratch_operands = 0 : i64, tpu.core_type = #tpu.core_type<tc>, window_params = [{transform_indices = @transform_0, window_bounds = array<i64: 17, 3200>}, {pipeline_mode = #tpu.pipeline_mode<synchronous>, transform_indices = @transform_1, window_bounds = array<i64: 17, 32>}, {pipeline_mode = #tpu.pipeline_mode<synchronous>, transform_indices = @transform_2, window_bounds = array<i64: 1, 32>}, {pipeline_mode = #tpu.pipeline_mode<synchronous>, transform_indices = @transform_3, window_bounds = array<i64: 32, 128>}, {pipeline_mode = #tpu.pipeline_mode<synchronous>, transform_indices = @transform_4, window_bounds = array<i64: 17, 17>}, {transform_indices = @transform_5, window_bounds = array<i64: 3200, 128>}, {transform_indices = @transform_6, window_bounds = array<i64: 17, 3200>}]} {
    %get3A = arith.constant 0 : index
    %get3A_0 = arith.constant 0 : index
    %get3A_1 = vector.load %arg1[%get3A, %get3A_0] : memref<17x3200xf32, #tpu.memory_space<vmem>>, vector<17x3200xf32>
    %get3A_2 = arith.constant 0 : index
    %get3A_3 = arith.constant 0 : index
    %get3A_4 = vector.load %arg2[%get3A_2, %get3A_3] : memref<17x32xf32, #tpu.memory_space<vmem>>, vector<17x32xf32>
    %dot_general3A = arith.constant dense<0.000000e+00> : vector<3200x32xf32>
    %dot_general3A_5 = tpu.matmul %get3A_1, %get3A_4, %dot_general3A {dimension_numbers = #tpu.dot_dimension_numbers<[0], [0], [1], [1], [0, 1, 1, 1], [], []>, transpose_lhs_hint = false} : vector<17x3200xf32>, vector<17x32xf32>, vector<3200x32xf32> -> vector<3200x32xf32>
    %get3A_6 = arith.constant 0 : index
    %get3A_7 = arith.constant 0 : index
    %get3A_8 = vector.load %arg3[%get3A_6, %get3A_7] : memref<1x32xf32, #tpu.memory_space<vmem>>, vector<1x32xf32>
    %add3A = vector.broadcast %get3A_8 : vector<1x32xf32> to vector<3200x32xf32>
    %add3A_9 = arith.addf %dot_general3A_5, %add3A : vector<3200x32xf32>
    %max3A = arith.constant 0.000000e+00 : f32
    %max3A_10 = vector.broadcast %max3A : f32 to vector<3200x32xf32>
    %max3A_11 = arith.maximumf %add3A_9, %max3A_10 : vector<3200x32xf32>
    %get3A_12 = arith.constant 0 : index
    %get3A_13 = arith.constant 0 : index
    %get3A_14 = vector.load %arg4[%get3A_12, %get3A_13] : memref<32x128xf32, #tpu.memory_space<vmem>>, vector<32x128xf32>
    %dot_general3A_15 = arith.constant dense<0.000000e+00> : vector<3200x128xf32>
    %dot_general3A_16 = tpu.matmul %max3A_11, %get3A_14, %dot_general3A_15 {dimension_numbers = #tpu.dot_dimension_numbers<[1], [0], [0], [1], [0, 0, 1, 1], [], []>, transpose_lhs_hint = false} : vector<3200x32xf32>, vector<32x128xf32>, vector<3200x128xf32> -> vector<3200x128xf32>
    %swap3A = arith.constant 0 : index
    %swap3A_17 = arith.constant 0 : index
    %swap3A_18 = vector.load %arg6[%swap3A, %swap3A_17] : memref<3200x128xf32, #tpu.memory_space<vmem>>, vector<3200x128xf32>
    tpu.vector_store %arg6[%swap3A, %swap3A_17], %dot_general3A_16 {strides = array<i32>} : memref<3200x128xf32, #tpu.memory_space<vmem>>, vector<3200x128xf32>,
    %get3A_19 = arith.constant 0 : index
    %get3A_20 = arith.constant 0 : index
    %get3A_21 = vector.load %arg5[%get3A_19, %get3A_20] : memref<17x17xf32, #tpu.memory_space<vmem>>, vector<17x17xf32>
    %dot_general3A_22 = arith.constant dense<0.000000e+00> : vector<17x3200xf32>
    %dot_general3A_23 = tpu.matmul %get3A_21, %get3A_1, %dot_general3A_22 {dimension_numbers = #tpu.dot_dimension_numbers<[0], [0], [1], [1], [0, 1, 1, 1], [], []>, transpose_lhs_hint = false} : vector<17x17xf32>, vector<17x3200xf32>, vector<17x3200xf32> -> vector<17x3200xf32>
    %swap3A_24 = arith.constant 0 : index
    %swap3A_25 = arith.constant 0 : index
    %swap3A_26 = vector.load %arg7[%swap3A_24, %swap3A_25] : memref<17x3200xf32, #tpu.memory_space<vmem>>, vector<17x3200xf32>
    tpu.vector_store %arg7[%swap3A_24, %swap3A_25], %dot_general3A_23 {strides = array<i32>} : memref<17x3200xf32, #tpu.memory_space<vmem>>, vector<17x3200xf32>,
    return
  }
  func.func @transform_0(%arg0: i32) -> (i32, i32) {
    %c0_i32 = arith.constant 0 : i32
    %c0_i32_0 = arith.constant 0 : i32
    return %c0_i32, %arg0 : i32, i32
  }
  func.func @transform_1(%arg0: i32) -> (i32, i32) {
    %c0_i32 = arith.constant 0 : i32
    %c0_i32_0 = arith.constant 0 : i32
    %c0_i32_1 = arith.constant 0 : i32
    return %c0_i32, %c0_i32_0 : i32, i32
  }
  func.func @transform_2(%arg0: i32) -> (i32, i32) {
    %c0_i32 = arith.constant 0 : i32
    %c0_i32_0 = arith.constant 0 : i32
    %c0_i32_1 = arith.constant 0 : i32
    return %c0_i32, %c0_i32_0 : i32, i32
  }
  func.func @transform_3(%arg0: i32) -> (i32, i32) {
    %c0_i32 = arith.constant 0 : i32
    %c0_i32_0 = arith.constant 0 : i32
    %c0_i32_1 = arith.constant 0 : i32
    return %c0_i32, %c0_i32_0 : i32, i32
  }
  func.func @transform_4(%arg0: i32) -> (i32, i32) {
    %c0_i32 = arith.constant 0 : i32
    %c0_i32_0 = arith.constant 0 : i32
    %c0_i32_1 = arith.constant 0 : i32
    return %c0_i32, %c0_i32_0 : i32, i32
  }
  func.func @transform_5(%arg0: i32) -> (i32, i32) {
    %c0_i32 = arith.constant 0 : i32
    %c0_i32_0 = arith.constant 0 : i32
    return %arg0, %c0_i32 : i32, i32
  }
  func.func @transform_6(%arg0: i32) -> (i32, i32) {
    %c0_i32 = arith.constant 0 : i32
    %c0_i32_0 = arith.constant 0 : i32
    return %c0_i32, %arg0 : i32, i32
  }
}

module attributes {stable_mosaic.version = 14 : i64} {
  func.func @_edge_out_body(%arg0: i32, %arg1: memref<17x3200xf32, #tpu.memory_space<vmem>>, %arg2: memref<3200x16xf32, #tpu.memory_space<vmem>>, %arg3: memref<4x17xf32, #tpu.memory_space<vmem>>, %arg4: memref<17x3200xf32, #tpu.memory_space<vmem>>) attributes {dimension_semantics = [#tpu.dimension_semantics<arbitrary>], iteration_bounds = array<i64: 100>, scalar_prefetch = 0 : i64, scratch_operands = 0 : i64, tpu.core_type = #tpu.core_type<tc>, window_params = [{transform_indices = @transform_0, window_bounds = array<i64: 17, 3200>}, {transform_indices = @transform_1, window_bounds = array<i64: 3200, 16>}, {pipeline_mode = #tpu.pipeline_mode<synchronous>, transform_indices = @transform_2, window_bounds = array<i64: 4, 17>}, {transform_indices = @transform_3, window_bounds = array<i64: 17, 3200>}]} {
    %get3A = arith.constant 0 : index
    %get3A_0 = arith.constant 0 : index
    %get3A_1 = vector.load %arg2[%get3A, %get3A_0] : memref<3200x16xf32, #tpu.memory_space<vmem>>, vector<3200x16xf32>
    %slice3A = vector.extract_strided_slice %get3A_1 {offsets = [0, 0], sizes = [3200, 4], strides = [1, 1]} : vector<3200x16xf32> to vector<3200x4xf32>
    %get3A_2 = arith.constant 0 : index
    %get3A_3 = arith.constant 0 : index
    %get3A_4 = vector.load %arg1[%get3A_2, %get3A_3] : memref<17x3200xf32, #tpu.memory_space<vmem>>, vector<17x3200xf32>
    %get3A_5 = arith.constant 0 : index
    %get3A_6 = arith.constant 0 : index
    %get3A_7 = vector.load %arg3[%get3A_5, %get3A_6] : memref<4x17xf32, #tpu.memory_space<vmem>>, vector<4x17xf32>
    %dot_general3A = arith.constant dense<0.000000e+00> : vector<17x3200xf32>
    %dot_general3A_8 = tpu.matmul %get3A_7, %slice3A, %dot_general3A {dimension_numbers = #tpu.dot_dimension_numbers<[0], [1], [1], [0], [0, 1, 1, 0], [], []>, transpose_lhs_hint = false} : vector<4x17xf32>, vector<3200x4xf32>, vector<17x3200xf32> -> vector<17x3200xf32>
    %add3A = arith.addf %get3A_4, %dot_general3A_8 : vector<17x3200xf32>
    %swap3A = arith.constant 0 : index
    %swap3A_9 = arith.constant 0 : index
    %swap3A_10 = vector.load %arg4[%swap3A, %swap3A_9] : memref<17x3200xf32, #tpu.memory_space<vmem>>, vector<17x3200xf32>
    tpu.vector_store %arg4[%swap3A, %swap3A_9], %add3A {strides = array<i32>} : memref<17x3200xf32, #tpu.memory_space<vmem>>, vector<17x3200xf32>,
    return
  }
  func.func @transform_0(%arg0: i32) -> (i32, i32) {
    %c0_i32 = arith.constant 0 : i32
    %c0_i32_0 = arith.constant 0 : i32
    return %c0_i32, %arg0 : i32, i32
  }
  func.func @transform_1(%arg0: i32) -> (i32, i32) {
    %c0_i32 = arith.constant 0 : i32
    %c0_i32_0 = arith.constant 0 : i32
    return %arg0, %c0_i32 : i32, i32
  }
  func.func @transform_2(%arg0: i32) -> (i32, i32) {
    %c0_i32 = arith.constant 0 : i32
    %c0_i32_0 = arith.constant 0 : i32
    %c0_i32_1 = arith.constant 0 : i32
    return %c0_i32, %c0_i32_0 : i32, i32
  }
  func.func @transform_3(%arg0: i32) -> (i32, i32) {
    %c0_i32 = arith.constant 0 : i32
    %c0_i32_0 = arith.constant 0 : i32
    return %c0_i32, %arg0 : i32, i32
  }
}

module attributes {stable_mosaic.version = 14 : i64} {
  func.func @_node_out_body(%arg0: i32, %arg1: memref<2x1000x80xf32, #tpu.memory_space<vmem>>, %arg2: memref<1000x128xf32, #tpu.memory_space<vmem>>, %arg3: memref<64x128xf32, #tpu.memory_space<vmem>>, %arg4: memref<1000x128xf32, #tpu.memory_space<vmem>>) attributes {dimension_semantics = [#tpu.dimension_semantics<arbitrary>], iteration_bounds = array<i64: 10>, scalar_prefetch = 0 : i64, scratch_operands = 0 : i64, tpu.core_type = #tpu.core_type<tc>, window_params = [{transform_indices = @transform_0, window_bounds = array<i64: 2, 1000, 80>}, {transform_indices = @transform_1, window_bounds = array<i64: 1000, 128>}, {pipeline_mode = #tpu.pipeline_mode<synchronous>, transform_indices = @transform_2, window_bounds = array<i64: 64, 128>}, {transform_indices = @transform_3, window_bounds = array<i64: 1000, 128>}]} {
    %get3A = arith.constant 0 : index
    %get3A_0 = arith.constant 0 : index
    %get3A_1 = arith.constant 0 : index
    %get3A_2 = vector.load %arg1[%get3A, %get3A_0, %get3A_1] : memref<2x1000x80xf32, #tpu.memory_space<vmem>>, vector<1x1000x80xf32>
    %get3A_3 = vector.shape_cast %get3A_2 : vector<1x1000x80xf32> to vector<1000x80xf32>
    %get3A_4 = arith.constant 1 : index
    %get3A_5 = arith.constant 0 : index
    %get3A_6 = arith.constant 0 : index
    %get3A_7 = vector.load %arg1[%get3A_4, %get3A_5, %get3A_6] : memref<2x1000x80xf32, #tpu.memory_space<vmem>>, vector<1x1000x80xf32>
    %get3A_8 = vector.shape_cast %get3A_7 : vector<1x1000x80xf32> to vector<1000x80xf32>
    %add3A = arith.addf %get3A_3, %get3A_8 : vector<1000x80xf32>
    %slice3A = vector.extract_strided_slice %add3A {offsets = [0, 0], sizes = [1000, 64], strides = [1, 1]} : vector<1000x80xf32> to vector<1000x64xf32>
    %slice3A_9 = vector.extract_strided_slice %add3A {offsets = [0, 64], sizes = [1000, 4], strides = [1, 1]} : vector<1000x80xf32> to vector<1000x4xf32>
    %iota3A = tpu.iota {dimensions = array<i32: 0>} : vector<4x64xi32>
    %iota3A_10 = tpu.iota {dimensions = array<i32: 1>} : vector<4x64xi32>
    %jit3A = arith.constant 16 : i32
    %div3A = vector.broadcast %jit3A : i32 to vector<4x64xi32>
    %div3A_11 = arith.divsi %iota3A_10, %div3A : vector<4x64xi32>
    %sign3A = arith.constant 0 : i32
    %sign3A_12 = vector.broadcast %sign3A : i32 to vector<4x64xi32>
    %sign3A_13 = arith.cmpi sgt, %iota3A_10, %sign3A_12 : vector<4x64xi32>
    %sign3A_14 = arith.extui %sign3A_13 : vector<4x64xi1> to vector<4x64xi32>
    %sign3A_15 = arith.constant 0 : i32
    %sign3A_16 = vector.broadcast %sign3A_15 : i32 to vector<4x64xi32>
    %sign3A_17 = arith.cmpi slt, %iota3A_10, %sign3A_16 : vector<4x64xi32>
    %sign3A_18 = arith.extui %sign3A_17 : vector<4x64xi1> to vector<4x64xi32>
    %sign3A_19 = arith.subi %sign3A_14, %sign3A_18 : vector<4x64xi32>
    %sign3A_20 = arith.constant 0 : i32
    %sign3A_21 = arith.cmpi sgt, %jit3A, %sign3A_20 : i32
    %sign3A_22 = arith.extui %sign3A_21 : i1 to i32
    %sign3A_23 = arith.constant 0 : i32
    %sign3A_24 = arith.cmpi slt, %jit3A, %sign3A_23 : i32
    %sign3A_25 = arith.extui %sign3A_24 : i1 to i32
    %sign3A_26 = arith.subi %sign3A_22, %sign3A_25 : i32
    %ne3A = vector.broadcast %sign3A_26 : i32 to vector<4x64xi32>
    %ne3A_27 = arith.cmpi ne, %sign3A_19, %ne3A : vector<4x64xi32>
    %rem3A = vector.broadcast %jit3A : i32 to vector<4x64xi32>
    %rem3A_28 = arith.remsi %iota3A_10, %rem3A : vector<4x64xi32>
    %ne3A_29 = arith.constant 0 : i32
    %ne3A_30 = vector.broadcast %ne3A_29 : i32 to vector<4x64xi32>
    %ne3A_31 = arith.cmpi ne, %rem3A_28, %ne3A_30 : vector<4x64xi32>
    %and3A = arith.andi %ne3A_27, %ne3A_31 : vector<4x64xi1>
    %sub3A = arith.constant 1 : i32
    %sub3A_32 = vector.broadcast %sub3A : i32 to vector<4x64xi32>
    %sub3A_33 = arith.subi %div3A_11, %sub3A_32 : vector<4x64xi32>
    %select_n3A = arith.select %and3A, %sub3A_33, %div3A_11 : vector<4x64xi1>, vector<4x64xi32>
    %eq3A = arith.cmpi eq, %iota3A, %select_n3A : vector<4x64xi32>
    %convert_element_type3A = arith.extui %eq3A : vector<4x64xi1> to vector<4x64xi32>
    %convert_element_type3A_34 = arith.sitofp %convert_element_type3A : vector<4x64xi32> to vector<4x64xf32>
    %dot_general3A = arith.constant dense<0.000000e+00> : vector<1000x64xf32>
    %dot_general3A_35 = tpu.matmul %slice3A_9, %convert_element_type3A_34, %dot_general3A {dimension_numbers = #tpu.dot_dimension_numbers<[1], [0], [0], [1], [0, 0, 1, 1], [], []>, transpose_lhs_hint = false} : vector<1000x4xf32>, vector<4x64xf32>, vector<1000x64xf32> -> vector<1000x64xf32>
    %max3A = arith.constant 1.000000e-30 : f32
    %max3A_36 = vector.broadcast %max3A : f32 to vector<1000x64xf32>
    %max3A_37 = arith.maximumf %dot_general3A_35, %max3A_36 : vector<1000x64xf32>
    %div3A_38 = arith.divf %slice3A, %max3A_37 : vector<1000x64xf32>
    %get3A_39 = arith.constant 0 : index
    %get3A_40 = arith.constant 0 : index
    %get3A_41 = vector.load %arg3[%get3A_39, %get3A_40] : memref<64x128xf32, #tpu.memory_space<vmem>>, vector<64x128xf32>
    %dot_general3A_42 = arith.constant dense<0.000000e+00> : vector<1000x128xf32>
    %dot_general3A_43 = tpu.matmul %div3A_38, %get3A_41, %dot_general3A_42 {dimension_numbers = #tpu.dot_dimension_numbers<[1], [0], [0], [1], [0, 0, 1, 1], [], []>, transpose_lhs_hint = false} : vector<1000x64xf32>, vector<64x128xf32>, vector<1000x128xf32> -> vector<1000x128xf32>
    %get3A_44 = arith.constant 0 : index
    %get3A_45 = arith.constant 0 : index
    %get3A_46 = vector.load %arg2[%get3A_44, %get3A_45] : memref<1000x128xf32, #tpu.memory_space<vmem>>, vector<1000x128xf32>
    %add3A_47 = arith.addf %dot_general3A_43, %get3A_46 : vector<1000x128xf32>
    %swap3A = arith.constant 0 : index
    %swap3A_48 = arith.constant 0 : index
    %swap3A_49 = vector.load %arg4[%swap3A, %swap3A_48] : memref<1000x128xf32, #tpu.memory_space<vmem>>, vector<1000x128xf32>
    tpu.vector_store %arg4[%swap3A, %swap3A_48], %add3A_47 {strides = array<i32>} : memref<1000x128xf32, #tpu.memory_space<vmem>>, vector<1000x128xf32>,
    return
  }
  func.func @transform_0(%arg0: i32) -> (i32, i32, i32) {
    %c0_i32 = arith.constant 0 : i32
    %c0_i32_0 = arith.constant 0 : i32
    %c0_i32_1 = arith.constant 0 : i32
    return %c0_i32, %arg0, %c0_i32_0 : i32, i32, i32
  }
  func.func @transform_1(%arg0: i32) -> (i32, i32) {
    %c0_i32 = arith.constant 0 : i32
    %c0_i32_0 = arith.constant 0 : i32
    return %arg0, %c0_i32 : i32, i32
  }
  func.func @transform_2(%arg0: i32) -> (i32, i32) {
    %c0_i32 = arith.constant 0 : i32
    %c0_i32_0 = arith.constant 0 : i32
    %c0_i32_1 = arith.constant 0 : i32
    return %c0_i32, %c0_i32_0 : i32, i32
  }
  func.func @transform_3(%arg0: i32) -> (i32, i32) {
    %c0_i32 = arith.constant 0 : i32
    %c0_i32_0 = arith.constant 0 : i32
    return %arg0, %c0_i32 : i32, i32
  }
}

</mosaic_0001>

<sc_bundles>
// kernel: kernel.7.cloned.1.call-start
scs
__scs_entry_jumppad:
0x0: {  	(pc) =	sbr.rel $0x88, $3  }
0x1: {  	(tag) =	ssettag $0x0;
	lr =	simm.s32 $0x1  }
0x2: {  	[smem:$0x3F97] =	sst lr;
	_ =	strace $0xD0000000  }
0x3: {  	_ = 	snop  }
0x4: {  	_ = 	snop  }
0x5: {  	_ = 	snop  }
0x6: {  	_ = 	snop  }
0x7: {  	_ = 	snop  }
__scs_overlays_trampoline_lowered:
0x8: {  	[smem:$0x3FA6] =	sst s0  }
0x9: {  	[smem:$0x3FA7] =	sst s1  }
0xa: {  	[smem:$0x3FA8] =	sst s2  }
0xb: {  	[smem:$0x3FA9] =	sst s3  }
0xc: {  	[smem:$0x3FAA] =	sst s4  }
0xd: {  	[smem:$0x3FAB] =	sst s5  }
0xe: {  	[smem:$0x3FAC] =	sst s6  }
0xf: {  	[smem:$0x3FAD] =	sst s7  }
0x10: {  	[smem:$0x3FAE] =	sst s8  }
0x11: {  	[smem:$0x3FAF] =	sst s9;
	s0 =	simm.s32 @!p0 $0x0  }
0x12: {  	s1 =	sld [smem:$0x3F95];
	s0 =	simm.s32 @p0 $0x1  }
0x13: {  	[smem:$0x3FB0] =	sst s0;
	s0 =	simm.s32 @!p1 $0x0  }
0x14: {  	s2 =	sld [smem:$0x3F94];
	s0 =	simm.s32 @p1 $0x1  }
0x15: {  	[smem:$0x3FB1] =	sst s0;
	s0 =	simm.s32 @!p2 $0x0  }
0x16: {  	s3 =	sld [smem:$0x3FDB];
	s0 =	simm.s32 @p2 $0x1  }
0x17: {  	s4 =	simm.s32 $0x1BF5;
	[smem:$0x3FB3] =	sst s0  }
0x18: {  	s0 =	sld [smem:$0x3F96];
	_ =	swait.ge [sflag:s4], $0x0  }
0x19: {  	s7 =	sld [smem:$0x3F97]  }
0x1a: {  	s8 =	sadd.s32 $0xFFFFE003, lr  }
0x1b: {  	s9 =	sadd.s32 $0xFFFFFEF7, lr;
	s5 =	simm.s32 $0xFFFFFFFF;
	p2 =	slt.u32 s8, $0xFFFFF086  }
0x1c: {  	p1 =	slt.u32 s9, $0xF7A;
	s5 =	simm.s32 @!p2 $0x0  }
0x1d: {  	s5 =	simm.s32 @p1 $0x1;
	p0 =	seq.s32 s7, s2  }
0x1e: {  	s7 =	smul.u32 @!p0 $0xF7A, s2;
	p2 =	seq.s32 @!p0 s5, $0x0  }
0x1f: {  	s9 =	smul.u32 $0xF7A, s1;
	s8 =	simm.s32 @!p0 $0x1BF5;
	p2 =	por !p2, p0  }
0x20: {  	[sflag:s8] =	ssyncset.s32 @!p0 $0xFFFFF086;
	s6 =	sadd.s32 @!p0 s3, s7;
	s7 =	simm.s32 @!p0 $0x108  }
0x21: {  	s3 =	sadd.s32 s3, s9;
	s6 =	sadd.s32 @!p0 $0x88, s6;
	s7 =	simm.s32 @p2 $0x1082  }
0x22: {  	[simem:s7], [sflag:s8] =	dma.local @!p0 [hbm:s6], $0xF7A  }
0x23: {  	s9 =	sor.u32 $0xD0000000, s2;
	s6 =	simm.s32 $0x108;
	_ =	swait.ge @!p0 [sflag:s8], $0x0  }
0x24: {  	s3 =	sadd.s32 $0x88, s3;
	s6 =	simm.s32 @!p1 $0x1082;
	[sflag:s4] =	ssyncset.s32 $0xFFFFF086  }
0x25: {  	[simem:s6], [sflag:s4] =	dma.local [hbm:s3], $0xF7A  }
0x26: {  	[smem:$0x3F97] =	sst s1;
	(tag) =	ssettag s2;
	_ =	strace s9  }
0x27: {  	s1 =	sld [smem:$0x3FA7]  }
0x28: {  	s2 =	sld [smem:$0x3FA8]  }
0x29: {  	s4 =	sld [smem:$0x3FAA]  }
0x2a: {  	p0 =	seq.s32 s5, $0x0;
	s5 =	sld [smem:$0x3FAB]  }
0x2b: {  	s6 =	sld [smem:$0x3FAC]  }
0x2c: {  	s7 =	sld [smem:$0x3FAD]  }
0x2d: {  	s3 =	simm.s32 $0x108;
	s8 =	sld [smem:$0x3FAE]  }
0x2e: {  	s3 =	simm.s32 @!p0 $0x1082;
	s9 =	sld [smem:$0x3FAF]  }
0x2f: {  	lr =	sadd.s32 s0, s3;
	s0 =	sld [smem:$0x3FA6]  }
0x30: {  	s3 =	sld [smem:$0x3FA9]  }
0x31: {  	[smem:$0x3FB2] =	sst s10  }
0x32: {  	s10 =	sld [smem:$0x3FB0];
	_ =	sdelay $0x3  }
0x33: {  	p0 =	seq.s32 s10, $0x1;
	s10 =	sld [smem:$0x3FB2];
	_ =	sdelay $0x3  }
0x34: {  	[smem:$0x3FB2] =	sst s10  }
0x35: {  	s10 =	sld [smem:$0x3FB1];
	_ =	sdelay $0x3  }
0x36: {  	p1 =	seq.s32 s10, $0x1;
	s10 =	sld [smem:$0x3FB2];
	_ =	sdelay $0x3  }
0x37: {  	[smem:$0x3FB2] =	sst s10  }
0x38: {  	s10 =	sld [smem:$0x3FB3]  }
0x39: {  	_ = 	snop;
	(pc) =	sbr.ind lr, $3  }
0x3a: {  	_ = 	snop  }
0x3b: {  	_ = 	snop  }
0x3c: {  	p2 =	seq.s32 s10, $0x1;
	s10 =	sld [smem:$0x3FB2]  }
0x3d: {  	_ =	shalt  }
0x3e: {  	_ =	shalt  }
0x3f: {  	_ =	shalt  }
0x40: {  	_ =	shalt  }
0x41: {  	_ =	shalt  }
0x42: {  	_ =	shalt  }
0x43: {  	_ =	shalt  }
0x44: {  	_ =	shalt  }
0x45: {  	_ =	shalt  }
0x46: {  	_ =	shalt  }
0x47: {  	_ =	shalt  }
0x48: {  	_ =	shalt  }
0x49: {  	_ =	shalt  }
0x4a: {  	_ =	shalt  }
0x4b: {  	_ =	shalt  }
0x4c: {  	_ =	shalt  }
0x4d: {  	_ =	shalt  }
0x4e: {  	_ =	shalt  }
0x4f: {  	_ =	shalt  }
0x50: {  	_ =	shalt  }
0x51: {  	_ =	shalt  }
0x52: {  	_ =	shalt  }
0x53: {  	_ =	shalt  }
0x54: {  	_ =	shalt  }
0x55: {  	_ =	shalt  }
0x56: {  	_ =	shalt  }
0x57: {  	_ =	shalt  }
0x58: {  	_ =	shalt  }
0x59: {  	_ =	shalt  }
0x5a: {  	_ =	shalt  }
0x5b: {  	_ =	shalt  }
0x5c: {  	_ =	shalt  }
0x5d: {  	_ =	shalt  }
0x5e: {  	_ =	shalt  }
0x5f: {  	_ =	shalt  }
0x60: {  	_ =	shalt  }
0x61: {  	_ =	shalt  }
0x62: {  	_ =	shalt  }
0x63: {  	_ =	shalt  }
0x64: {  	_ =	shalt  }
0x65: {  	_ =	shalt  }
0x66: {  	_ =	shalt  }
0x67: {  	_ =	shalt  }
0x68: {  	_ =	shalt  }
0x69: {  	_ =	shalt  }
0x6a: {  	_ =	shalt  }
0x6b: {  	_ =	shalt  }
0x6c: {  	_ =	shalt  }
0x6d: {  	_ =	shalt  }
0x6e: {  	_ =	shalt  }
0x6f: {  	_ =	shalt  }
0x70: {  	_ =	shalt  }
0x71: {  	_ =	shalt  }
0x72: {  	_ =	shalt  }
0x73: {  	_ =	shalt  }
0x74: {  	_ =	shalt  }
0x75: {  	_ =	shalt  }
0x76: {  	_ =	shalt  }
0x77: {  	_ =	shalt  }
0x78: {  	_ =	shalt  }
0x79: {  	_ =	shalt  }
0x7a: {  	_ =	shalt  }
0x7b: {  	_ =	shalt  }
0x7c: {  	_ =	shalt  }
0x7d: {  	_ =	shalt  }
0x7e: {  	_ =	shalt  }
0x7f: {  	_ =	shalt  }
0x80: {  	_ =	shalt  }
0x81: {  	_ =	shalt  }
0x82: {  	_ =	shalt  }
0x83: {  	_ =	shalt  }
0x84: {  	_ =	shalt  }
0x85: {  	_ =	shalt  }
0x86: {  	_ =	shalt  }
0x87: {  	_ =	shalt  }
.Lfunc_end0:
.L_simem_size_0:
called_computation_lowered:
.L_overlay_start_0:
0x88: {  	s2 =	sld [smem:$0x3FD9]  }
0x89: {  	s3 =	sld [smem:$0x3FFE];
	_ =	sdelay $0x1  }
0x8a: {  	s1 =	srdreg.scid  }
0x8b: {  	s0 =	sand.u32 $0x1, s1  }
0x8c: {  	s14 =	sshll.u32 s0, $0xA;
	s2 =	sadd.s32 s3, s2  }
0x8d: {  	s2 =	sadd.s32 s2, s14  }
0x8e: {  	[smem:$0x3FBE] =	sst s2  }
0x8f: {  	_ = 	snop  }
0x90: {  	s2 =	sld [smem:$0x3FD0];
	_ =	sdelay $0x2  }
0x91: {  	s15 =	simm.s32 $0xA;
	s4 =	simm.s32 $0x10  }
0x92: {  	[smem:s4], [sflag:s15] =	dma.local [hbm:s2], $0x1  }
0x93: {  	_ =	swait.eq [sflag:s15], $0x1  }
0x94: {  	[sflag:s15] =	ssyncset.done $0x0  }
0x95: {  	s16 =	sld [smem:$0x10];
	[sflag:s15] =	ssyncadd.s32 $0xFFFFFFFF  }
0x96: {  	s17 =	sld [smem:$0x11];
	(tm) =	ssettm $0x1  }
0x97: {  	s18 =	sld [smem:$0x3FFB];
	_ =	sdelay $0x3  }
0x98: {  	_ =	strace s18  }
0x99: {  	s4 =	sld [smem:$0x3FFC];
	_ =	sdelay $0x3  }
0x9a: {  	_ =	strace s4  }
0x9b: {  	s4 =	sld [smem:$0x3FFD];
	_ =	sdelay $0x3  }
0x9c: {  	_ =	strace s4  }
0x9d: {  	_ =	strace $0x8FFFFFFF  }
0x9e: {  	s19 =	sld [smem:$0x3FDB];
	_ =	sdelay $0x1  }
0x9f: {  	s5 =	simm.s32 $_scs_section_size  }
0xa0: {  	s6 =	simm.s32 $_size__tile_overlayer_lowered;
	s7 =	simm.s32 $_tile_overlayer_lowered  }
0xa1: {  	s22 =	simm.s32 $0x1BFF;
	s21 =	sshll.u32 s7, $0x1;
	s4 =	sadd.s32 s5, s19  }
0xa2: {  	s8 =	simm.s32 $0x0;
	s20 =	sshll.u32 s6, $0x1;
	s6 =	sadd.s32 s21, s4  }
0xa3: {  	[timem:s8], [sflag:s22] =	dma.local [hbm:s6], s20  }
0xa4: {  	_ =	swait.ge [sflag:s22], s20  }
0xa5: {  	s5 =	ssub.s32 $0x0, s20;
	[sflag:s22] =	ssyncset.done $0x0  }
0xa6: {  	[sflag:s22] =	ssyncadd.s32 s5;
	_ =	sdelay $0x1  }
0xa7: {  	s23 =	simm.s32 $0x1B8B  }
0xa8: {  	_ =	swait.ge [sflag:s23], $0x1  }
0xa9: {  	[sflag:s23] =	ssyncset.done $0x0  }
0xaa: {  	s25 =	simm.s32 $0x1B8E;
	s24 =	sld [smem:$0x3FFE];
	[sflag:s23] =	ssyncadd.s32 $0xFFFFFFFF  }
0xab: {  	s26 =	simm.s32 $execute0_lowered;
	[smem:$0x3FD2] =	sst s25  }
0xac: {  	s6 =	sshll.u32 s26, $0x1;
	_ =	strace $0x80000046;
	[dreg:$0x1] =	wrdreg $0xFFFFFFFF  }
0xad: {  	s28 =	simm.s32 $_size_execute0_lowered;
	s4 =	sadd.s32 s4, s6;
	[dreg:$0x0] =	wrdreg $0x0  }
0xae: {  	s6 =	sshll.u32 s28, $0x1;
	[dreg:$0x2] =	wrdreg s4  }
0xaf: {  	[dreg:$0x3] =	wrdreg s6  }
0xb0: {  	[dreg:$0x4] =	wrdreg $0xC0  }
0xb1: {  	_ =	task [dreg:s8], $0x5FFFF  }
0xb2: {  	[dreg:$0x1] =	wrdreg $0xFFFFFFFF  }
0xb3: {  	[dreg:$0x0] =	wrdreg $0x60  }
0xb4: {  	[dreg:$0x2] =	wrdreg s24  }
0xb5: {  	[dreg:$0x3] =	wrdreg s16  }
0xb6: {  	[dreg:$0x4] =	wrdreg s17  }
0xb7: {  	[dreg:$0x5] =	wrdreg $0x106800  }
0xb8: {  	[dreg:$0x6] =	wrdreg $0x9  }
0xb9: {  	_ =	task.clear_ibuf [dreg:s8], $0x7FFFF;
	_ =	strace $0x90000046  }
0xba: {  	s29 =	simm.s32 $0x9;
	_ =	strace $0x80000048  }
0xbb: {  	_ =	swait.ge [sflag:s29], $0x1  }
0xbc: {  	[sflag:s29] =	ssyncadd.s32 $0xFFFFFFFF  }
0xbd: {  	_ =	strace $0x90000048  }
0xbe: {  	_ =	sfence  }
0xbf: {  	s30 =	sld [smem:$0x0];
	_ =	sdelay $0x2  }
0xc0: {  	s31 =	sshll.u32 s1, $0xD;
	s1 =	sshrl.u32 s1, $0x2  }
0xc1: {  	s3 =	sand.u32 $0x4000, s31;
	s1 =	sadd.s32 s1, s30  }
0xc2: {  	s0 =	sor.u32 s3, s0;
	s1 =	sshll.u32 s1, $0x11  }
0xc3: {  	s0 =	sor.u32 s1, s0  }
0xc4: {  	s0 =	sadd.s32 $0x8F2B, s0  }
0xc5: {  	[sflag:s0] =	ssyncadd.remote.s32 $0x1  }
0xc6: {  	_ =	sfence.sel $0xFFFF  }
0xc7: {  	[dreg:$0x0] =	wrdreg $0xFFFFFFFF;
	(pc) =	sbr.abs _section_cstart, $3  }
0xc8: {  	[dreg:$0x1] =	wrdreg $0xFFFFFFFF  }
0xc9: {  	_ =	task.clear_ibuf [dreg:s8], $0x2FFFF;
	_ =	strace $0x9FFFFFFF  }
0xca: {  	(tm) =	ssettm $0x7FFFFFFF  }
0xcb: {  	_ =	shalt  }
tec
execute0_lowered:
.L_overlay_start_1:
0x0: {  	(tag) =	ssettag $0x1  }
0x1: {  	s0 =	rddreg [dreg:$0x0]  }
0x2: {  	s1 =	rddreg [dreg:$0x1]  }
0x3: {  	s2 =	rddreg [dreg:$0x2]  }
0x4: {  	s4 =	rddreg [dreg:$0x3]  }
0x5: {  	s5 =	simm.s32 $0x0;
	s3 =	srdreg.scid;
	s14 =	stileid.u32  }
0x6: {  	s31 =	simm.s32 $0x140;
	s29 =	simm.s32 $0x190;
	s30 =	simm.s32 $0x6  }
0x7: {  	s28 =	simm.s32 $0x8;
	[smem:$0x7FF] =	sst s5;
	s3 =	sand.u32 $0x1, s3  }
0x8: {  	s10 =	smul.u32 $0xC350, s14;
	s6 =	sadd.s32 $0x130E00, s0;
	s7 =	sadd.s32 $0x127000, s0  }
0x9: {  	s8 =	sadd.s32 $0x29000, s0;
	s13 =	smul.u32 $0x30D40, s14;
	s14 =	sshll.u32 s14, $0x1  }
0xa: {  	s11 =	smul.u32 $0xC3500, s3;
	s12 =	ssub.s32 $0x2, s3;
	s3 =	sor.u32 s3, s14  }
0xb: {  	s18 =	sshrl.u32 s13, $0x2;
	s13 =	smul.u32 $0x2710, s3;
	s26 =	sadd.s32 s10, s4  }
0xc: {  	_ =	strace $0x80000047;
	s19 =	sadd.s32 s18, s4;
	[dreg:$0x6] =	wrdreg s26  }
0xd: {  	s9 =	sadd.s32 $0x13AC00, s0;
	s20 =	sadd.s32 $0x3200, s19;
	[dreg:$0x5] =	wrdreg s13  }
0xe: {  	s17 =	sshrl.u32 s12, $0x1;
	s21 =	sadd.s32 $0x4B00, s19;
	[dreg:$0x8] =	wrdreg s20  }
0xf: {  	s3 =	smul.u32 $0x27100, s3;
	s22 =	sadd.s32 $0x6400, s19;
	[dreg:$0x9] =	wrdreg s21  }
0x10: {  	s11 =	sadd.s32 s10, s11;
	s23 =	sadd.s32 $0x7D00, s19;
	[dreg:$0xa] =	wrdreg s22  }
0x11: {  	s11 =	sshrl.u32 s11, $0x3;
	s24 =	sadd.s32 $0x9600, s19;
	[dreg:$0xb] =	wrdreg s23  }
0x12: {  	s25 =	sshrl.u32 s13, $0x3;
	s10 =	sadd.s32 $0xAF00, s19;
	[dreg:$0xc] =	wrdreg s24  }
0x13: {  	s15 =	sadd.s32 $0x50, s13;
	s0 =	sadd.s32 s11, s0;
	[dreg:$0xe] =	wrdreg s10  }
0x14: {  	s11 =	ssub.s32 s12, s17;
	s12 =	sadd.s32 $0x1900, s19;
	[dreg:$0xd] =	wrdreg s15  }
0x15: {  	s14 =	simm.s32 $0x50;
	s16 =	sadd.s32 s6, s25;
	[dreg:$0x7] =	wrdreg s12  }
0x16: {  	s19 =	sshrl.u32 s3, $0x3;
	s3 =	sadd.s32 s9, s3;
	[dreg:$0xf] =	wrdreg s16  }
0x17: {  	s17 =	sshrl.u32 s15, $0x3;
	s22 =	sadd.s32 $0x140, s13;
	[dreg:$0x13] =	wrdreg s3  }
0x18: {  	s23 =	sadd.s32 $0x190, s13;
	s24 =	sadd.s32 $0xA0, s13;
	[dreg:$0x17] =	wrdreg s22  }
0x19: {  	s12 =	sadd.s32 s7, s25;
	s18 =	sadd.s32 s6, s17;
	[dreg:$0x18] =	wrdreg s23  }
0x1a: {  	s10 =	sadd.s32 s7, s17;
	s20 =	sadd.s32 s2, s19;
	[dreg:$0x19] =	wrdreg s24  }
0x1b: {  	s0 =	sadd.s32 $0x3CA00, s0;
	s21 =	smax.u32 s11, $0x1;
	[dreg:$0x10] =	wrdreg s12  }
0x1c: {  	s25 =	sadd.s32 $0xF0, s13;
	s16 =	simm.s32 $0x1;
	[dreg:$0x11] =	wrdreg s18  }
0x1d: {  	s22 =	simm.s32 $0x9;
	s23 =	simm.s32 $0x7;
	[dreg:$0x12] =	wrdreg s10  }
0x1e: {  	v0 =	vimm.f32 $0.0e+00;
	s24 =	simm.s32 $0xA;
	s11 =	simm.s32 $0x0;
	[dreg:$0x15] =	wrdreg s0  }
0x1f: {  	vm0 =	vmmov $0x1;
	vm1 =	vcmask $0x310;
	vm2 =	vcmask $0x710;
	s13 =	simm.s32 $0x230;
	s3 =	sadd.s32 $0x4D80, s20;
	[dreg:$0x16] =	wrdreg s21  }
0x20: {  	vm3 =	vcmask $0xB10;
	vm4 =	vmmov $0xf;
	v1 =	vimm.s32 $0x0;
	[dreg:$0x1a] =	wrdreg s25;
	s21 =	simm.s32 $0x2;
	s25 =	simm.s32 $0x5  }
0x21: {  	v2 =	vimm.s32 $0x1;
	v3 =	vimm.s32 $0x2;
	v4 =	vimm.s32 $0x3;
	s12 =	simm.s32 $0x3;
	s0 =	simm.s32 $0x4;
	[dreg:$0x14] =	wrdreg s3  }
.LBB2_1:
0x22: {  	s3 =	smul.u32 $0xCCCD, s5;
	_ =	sdelay $0x1  }
0x23: {  	[dreg:$0x1b] =	wrdreg s11;
	s10 =	sshrl.u32 s3, $0x12  }
0x24: {  	s15 =	simm.s32 $0x0;
	s3 =	simm.s32 $0x1;
	s17 =	smul.u32 $0x5, s10  }
.LBB2_2:
0x25: {  	s18 =	smul.u32 $0xCCCD, s3  }
0x26: {  	s19 =	smov.u32 s3;
	s10 =	smul.u32 $0x140, s10;
	p0 =	sne.s32 s3, $0x18F  }
.Ltmp0:
0x27: {  	s15 =	ssub.s32 s15, s17;
	(pc) =	sbr.rel @p0 .LBB2_2-.Ltmp0, $4  }
0x28: {  	s3 =	sadd.s32 $0x1, s3;
	s15 =	sand.u32 $0xFFFF, s15  }
0x29: {  	s17 =	sshrl.u32 s10, $0x2;
	s20 =	sshll.u32 s15, $0x4;
	s15 =	smov.u32 s19  }
0x2a: {  	s10 =	sshrl.u32 s18, $0x12;
	s18 =	sadd.s32 s20, s17  }
0x2b: {  	s17 =	smul.u32 $0x5, s10;
	[tilespmem:s18+$0xD480] =	vst v0  }
0x2c: {  	_ = 	snop  }
0x2d: {  	s10 =	smul.u32 $0x140, s10;
	s3 =	ssub.s32 s15, s17  }
0x2e: {  	s3 =	sand.u32 $0xFFFF, s3  }
0x2f: {  	s10 =	sshrl.u32 s10, $0x2;
	s3 =	sshll.u32 s3, $0x4  }
0x30: {  	s3 =	sadd.s32 s3, s10  }
0x31: {  	s15 =	simm.s32 $0xB;
	s10 =	simm.s32 $0xD480;
	[tilespmem:s3+$0xD480] =	vst v0  }
0x32: {  	[spmem:s26] =	stream.linear.scatter [tilespmem:s10], [sflag:$0xB], $0x1900, $0x38;
	[tilespmem:$0x1C9D0] =	vst v63  }
0x33: {  	_ =	swait.ge [sflag:s15], $0x1900  }
0x34: {  	[sflag:s15] =	ssyncset.done $0x0  }
0x35: {  	s26 =	rddreg [dreg:$0x7];
	[sflag:s15] =	ssyncadd.s32 $0xFFFFE700  }
0x36: {  	[spmem:s26] =	stream.linear.scatter [tilespmem:s10], [sflag:$0xB], $0x1900, $0x38;
	[tilespmem:$0x1C9D0] =	vst v63  }
0x37: {  	_ =	swait.ge [sflag:s15], $0x1900  }
0x38: {  	[sflag:s15] =	ssyncset.done $0x0  }
0x39: {  	s11 =	rddreg [dreg:$0x8];
	[sflag:s15] =	ssyncadd.s32 $0xFFFFE700  }
0x3a: {  	[spmem:s11] =	stream.linear.scatter [tilespmem:s10], [sflag:$0xB], $0x1900, $0x38;
	[tilespmem:$0x1C9D0] =	vst v63  }
0x3b: {  	_ =	swait.ge [sflag:s15], $0x1900  }
0x3c: {  	[sflag:s15] =	ssyncset.done $0x0  }
0x3d: {  	s17 =	rddreg [dreg:$0x9];
	[sflag:s15] =	ssyncadd.s32 $0xFFFFE700  }
0x3e: {  	[spmem:s17] =	stream.linear.scatter [tilespmem:s10], [sflag:$0xB], $0x1900, $0x38;
	[tilespmem:$0x1C9D0] =	vst v63  }
0x3f: {  	_ =	swait.ge [sflag:s15], $0x1900  }
0x40: {  	[sflag:s15] =	ssyncset.done $0x0  }
0x41: {  	s18 =	rddreg [dreg:$0xa];
	[sflag:s15] =	ssyncadd.s32 $0xFFFFE700  }
0x42: {  	[spmem:s18] =	stream.linear.scatter [tilespmem:s10], [sflag:$0xB], $0x1900, $0x38;
	[tilespmem:$0x1C9D0] =	vst v63  }
0x43: {  	_ =	swait.ge [sflag:s15], $0x1900  }
0x44: {  	[sflag:s15] =	ssyncset.done $0x0  }
0x45: {  	s19 =	rddreg [dreg:$0xb];
	[sflag:s15] =	ssyncadd.s32 $0xFFFFE700  }
0x46: {  	[spmem:s19] =	stream.linear.scatter [tilespmem:s10], [sflag:$0xB], $0x1900, $0x38;
	[tilespmem:$0x1C9D0] =	vst v63  }
0x47: {  	_ =	swait.ge [sflag:s15], $0x1900  }
0x48: {  	[sflag:s15] =	ssyncset.done $0x0  }
0x49: {  	s20 =	rddreg [dreg:$0xc];
	[sflag:s15] =	ssyncadd.s32 $0xFFFFE700  }
0x4a: {  	[spmem:s20] =	stream.linear.scatter [tilespmem:s10], [sflag:$0xB], $0x1900, $0x38;
	[tilespmem:$0x1C9D0] =	vst v63  }
0x4b: {  	_ =	swait.ge [sflag:s15], $0x1900  }
0x4c: {  	[sflag:s15] =	ssyncset.done $0x0  }
0x4d: {  	s26 =	rddreg [dreg:$0xe];
	[sflag:s15] =	ssyncadd.s32 $0xFFFFE700  }
0x4e: {  	[spmem:s26] =	stream.linear.scatter [tilespmem:s10], [sflag:$0xB], $0x1450, $0x38;
	[tilespmem:$0x1C9D0] =	vst v63  }
0x4f: {  	_ =	swait.ge [sflag:s15], $0x1450  }
0x50: {  	[sflag:s15] =	ssyncset.done $0x0  }
0x51: {  	[sflag:s15] =	ssyncadd.s32 $0xFFFFEBB0  }
0x52: {  	[bflag:$0x0] =	sbarrier.arrive $0xFFFF  }
0x53: {  	s10 =	simm.s32 $0x0;
	s11 =	rddreg [dreg:$0xf]  }
0x54: {  	[tilespmem:s10], [sflag:$0x1] =	stream.linear.gather [hbm4b:s11+s10], $0x50, $0x38;
	[tilespmem:$0x1C9D0] =	vst v63  }
0x55: {  	s15 =	rddreg [dreg:$0x10]  }
0x56: {  	[tilespmem:s31], [sflag:$0x1] =	stream.linear.gather [hbm4b:s15+s10], $0x50, $0x38;
	[tilespmem:$0x1C9D0] =	vst v63  }
0x57: {  	s17 =	rddreg [dreg:$0x11]  }
0x58: {  	[tilespmem:s14], [sflag:$0x2] =	stream.linear.gather [hbm4b:s17+s10], $0x50, $0x38;
	[tilespmem:$0x1C9D0] =	vst v63  }
0x59: {  	s18 =	rddreg [dreg:$0x12]  }
0x5a: {  	[tilespmem:s29], [sflag:$0x2] =	stream.linear.gather [hbm4b:s18+s10], $0x50, $0x38;
	[tilespmem:$0x1C9D0] =	vst v63  }
0x5b: {  	_ =	swait.ge [sflag:s16], $0x50  }
0x5c: {  	[sflag:s16] =	ssyncset.done $0x0  }
0x5d: {  	[sflag:s16] =	ssyncadd.s32 $0xFFFFFFB0  }
0x5e: {  	_ =	swait.ge [sflag:s16], $0x50  }
0x5f: {  	[sflag:s16] =	ssyncset.done $0x0  }
0x60: {  	s11 =	simm.s32 $0x7A80;
	s19 =	rddreg [dreg:$0x13];
	[sflag:s16] =	ssyncadd.s32 $0xFFFFFFB0  }
0x61: {  	[tilespmem:s11], [sflag:$0x5] =	stream.linear.gather [hbm4b:s19+s10], $0x2800, $0x38;
	[tilespmem:$0x1C9D0] =	vst v63  }
0x62: {  	s20 =	simm.s32 $0x280  }
0x63: {  	[tilespmem:s20], [sflag:$0x5] =	stream.indirect.gather [hbm4b:s1+s14], $0x80, s10, s14, $0xb8;
	[tilespmem:$0x1C9D0] =	vst v63  }
0x64: {  	s26 =	simm.s32 $0x5280  }
0x65: {  	[tilespmem:s26], [sflag:$0x5] =	stream.indirect.gather [hbm4b:s8+s14], $0x40, s31, s14, $0xb8;
	[tilespmem:$0x1C9D0] =	vst v63  }
.LBB2_4:
0x66: {  	_ =	swait.ge [sflag:s21], $0x50;
	s17 =	smul.u32 $0x140, s10  }
0x67: {  	[sflag:s21] =	ssyncset.done $0x0;
	s3 =	rddreg [dreg:$0xd]  }
0x68: {  	[sflag:s21] =	ssyncadd.s32 $0xFFFFFFB0;
	s18 =	sadd.s32 s17, s3  }
0x69: {  	_ =	swait.ge [sflag:s21], $0x50;
	s3 =	sshll.u32 s18, $0x4  }
0x6a: {  	[sflag:s21] =	ssyncset.done $0x0;
	s3 =	sand.u32 $0x1FFFFF00, s3  }
0x6b: {  	s11 =	simm.s32 $0xA280;
	[sflag:s21] =	ssyncadd.s32 $0xFFFFFFB0;
	s3 =	sadd.s32 s9, s3  }
0x6c: {  	[tilespmem:s11], [sflag:$0x6] =	stream.linear.gather [hbm4b:s3+s5], $0x2800, $0x38;
	[tilespmem:$0x1C9D0] =	vst v63  }
0x6d: {  	s20 =	simm.s32 $0x2A80  }
0x6e: {  	[tilespmem:s20], [sflag:$0x6] =	stream.indirect.gather [hbm4b:s1+s14], $0x80, s14, s14, $0xb8;
	[tilespmem:$0x1C9D0] =	vst v63  }
0x6f: {  	s26 =	simm.s32 $0x6680  }
0x70: {  	[tilespmem:s26], [sflag:$0x6] =	stream.indirect.gather [hbm4b:s8+s14], $0x40, s29, s14, $0xb8;
	[tilespmem:$0x1C9D0] =	vst v63  }
0x71: {  	_ =	swait.ge [sflag:s25], $0x2800  }
0x72: {  	[sflag:s25] =	ssyncset.done $0x0  }
0x73: {  	[sflag:s25] =	ssyncadd.s32 $0xFFFFD800  }
0x74: {  	_ =	swait.ge [sflag:s25], $0x2800  }
0x75: {  	[sflag:s25] =	ssyncset.done $0x0  }
0x76: {  	[sflag:s25] =	ssyncadd.s32 $0xFFFFD800  }
0x77: {  	_ =	swait.ge [sflag:s25], $0x1400  }
0x78: {  	p0 =	seq.s32 s10, $0x0;
	[sflag:s25] =	ssyncset.done $0x0  }
0x79: {  	s3 =	simm.s32 @!p0 $0x9;
	[sflag:s25] =	ssyncadd.s32 $0xFFFFEC00  }
0x7a: {  	_ =	swait.ge @!p0 [sflag:s3], $0x1900  }
0x7b: {  	[sflag:s3] =	ssyncset.done @!p0 $0x0  }
0x7c: {  	[sflag:s3] =	ssyncadd.s32 @!p0 $0xFFFFE700;
	s3 =	simm.s32 @!p0 $0x7  }
0x7d: {  	s19 =	simm.s32 $0xCA90;
	_ =	swait.ge @!p0 [sflag:s3], $0x500  }
0x7e: {  	s11 =	simm.s32 $0x190;
	s20 =	simm.s32 $0xD4D0;
	[sflag:s3] =	ssyncset.done @!p0 $0x0  }
0x7f: {  	s29 =	simm.s32 $0x52C0;
	s26 =	simm.s32 $0x0;
	[sflag:s3] =	ssyncadd.s32 @!p0 $0xFFFFFB00  }
.LBB2_5:
0x80: {  	v7 =	vld [tilespmem:s29+$0xFFFFFFC0]  }
0x81: {  	s3 =	sshra.s32 s26, $0x2;
	v10 =	vld [tilespmem:s29+$0xFFFFFFD0]  }
0x82: {  	v5 =	vld [tilespmem:s3+$0x2C0]  }
0x83: {  	v6 =	vld [tilespmem:s3+$0x7AC0]  }
0x84: {  	v8 =	vld [tilespmem:s3+$0x2D0]  }
0x85: {  	v9 =	vld [tilespmem:s3+$0x7AD0]  }
0x86: {  	v11 =	vld [tilespmem:s3+$0x2E0]  }
0x87: {  	v12 =	vld [tilespmem:s3+$0x7AE0]  }
0x88: {  	v13 =	vld [tilespmem:s3+$0x2F0]  }
0x89: {  	v14 =	vld [tilespmem:s3+$0x7AF0]  }
0x8a: {  	v15 =	vld [tilespmem:s29+$0xFFFFFFE0]  }
0x8b: {  	v5 =	vmul.f32 v6, v5;
	v6 =	vld [tilespmem:s29+$0xFFFFFFF0]  }
0x8c: {  	v8 =	vmul.f32 v9, v8  }
0x8d: {  	v5 =	vmul.f32 v7, v5;
	v7 =	vmul.f32 v12, v11  }
0x8e: {  	v46 =	vmul.f32 v14, v13;
	v8 =	vmul.f32 v10, v8  }
0x8f: {  	(xrf2) =	vadd.scan.msk.f32 $0xffff, v5;
	v5 =	vmul.f32 v15, v7  }
0x90: {  	(xrf2) =	vadd.scan.msk.f32 $0xffff, v8;
	v6 =	vmul.f32 v6, v46  }
0x91: {  	(xrf2) =	vadd.scan.msk.f32 $0xffff, v5  }
0x92: {  	(xrf2) =	vadd.scan.msk.f32 $0xffff, v6;
	_ =	sdelay $0x6  }
0x93: {  	v5, _, _ =	vpop (xrf2)  }
0x94: {  	v5 =	vbroadcast v5, $0xF;
	v6, _, _ =	vpop (xrf2)  }
0x95: {  	v6 =	vbroadcast v6, $0xF;
	v7, _, _ =	vpop (xrf2)  }
0x96: {  	v5 =	vnsel vm0, $0x0, v5;
	v7 =	vbroadcast v7, $0xF;
	v47, _, _ =	vpop (xrf2)  }
0x97: {  	v5 =	vsel vm1, v5, v6;
	v6 =	vbroadcast v47, $0xF  }
0x98: {  	v5 =	vsel vm2, v5, v7  }
0x99: {  	v5 =	vsel vm3, v5, v6  }
0x9a: {  	v6 =	vmax.f32 v5, $-6.000000000e+01  }
0x9b: {  	v6 =	vmin.f32 v6, $6.000000000e+01  }
0x9c: {  	v6 =	vmul.f32 $1.442695020e+00, v6;
	_ =	sdelay $0x1  }
0x9d: {  	(erf) = vpow2.f32 v6;
	_ =	sdelay $0x8  }
0x9e: {  	v6 =	vpop (erf)  }
0x9f: {  	[tilespmem:s19+$0xFFFFFFF0] =	vst v5;
	v5 =	vnsel vm4, $0x0, v6  }
0xa0: {  	[tilespmem:s20+$0xFFFFFFF0] =	vst v5  }
0xa1: {  	v6 =	vld [tilespmem:s3+$0x280]  }
0xa2: {  	v7 =	vld [tilespmem:s3+$0x7A80];
	_ =	sdelay $0x4  }
0xa3: {  	v48 =	vperm.xlane v5, v1;
	v6 =	vmul.f32 v7, v6;
	_ =	sdelay $0x1  }
0xa4: {  	v6 =	vmul.f32 v6, v48;
	_ =	sdelay $0x1  }
0xa5: {  	[tilespmem:s20+$0xFFFFFFB0] =	vst v6  }
0xa6: {  	v6 =	vld [tilespmem:s3+$0x290]  }
0xa7: {  	v7 =	vld [tilespmem:s3+$0x7A90];
	_ =	sdelay $0x4  }
0xa8: {  	v49 =	vperm.xlane v5, v2;
	v6 =	vmul.f32 v7, v6;
	_ =	sdelay $0x1  }
0xa9: {  	v6 =	vmul.f32 v6, v49;
	_ =	sdelay $0x1  }
0xaa: {  	[tilespmem:s20+$0xFFFFFFC0] =	vst v6  }
0xab: {  	v6 =	vld [tilespmem:s3+$0x2A0]  }
0xac: {  	v7 =	vld [tilespmem:s3+$0x7AA0];
	_ =	sdelay $0x4  }
0xad: {  	v50 =	vperm.xlane v5, v3;
	v6 =	vmul.f32 v7, v6;
	_ =	sdelay $0x1  }
0xae: {  	v6 =	vmul.f32 v6, v50;
	_ =	sdelay $0x1  }
0xaf: {  	[tilespmem:s20+$0xFFFFFFD0] =	vst v6  }
0xb0: {  	v6 =	vld [tilespmem:s3+$0x2B0]  }
0xb1: {  	v7 =	vld [tilespmem:s3+$0x7AB0];
	_ =	sdelay $0x4  }
0xb2: {  	v5 =	vperm.xlane v5, v4;
	v6 =	vmul.f32 v7, v6;
	_ =	sdelay $0x1  }
0xb3: {  	v5 =	vmul.f32 v6, v5;
	_ =	sdelay $0x1  }
0xb4: {  	[tilespmem:s20+$0xFFFFFFE0] =	vst v5  }
0xb5: {  	v5 =	vld [tilespmem:s3+$0x340]  }
0xb6: {  	v6 =	vld [tilespmem:s3+$0x7B40]  }
0xb7: {  	v7 =	vld [tilespmem:s29+$0x0]  }
0xb8: {  	v51 =	vld [tilespmem:s3+$0x350]  }
0xb9: {  	v52 =	vld [tilespmem:s3+$0x7B50]  }
0xba: {  	v53 =	vld [tilespmem:s29+$0x10]  }
0xbb: {  	v54 =	vld [tilespmem:s3+$0x360]  }
0xbc: {  	v55 =	vld [tilespmem:s3+$0x7B60]  }
0xbd: {  	v56 =	vld [tilespmem:s3+$0x370]  }
0xbe: {  	v57 =	vld [tilespmem:s3+$0x7B70]  }
0xbf: {  	v58 =	vld [tilespmem:s29+$0x20]  }
0xc0: {  	v5 =	vmul.f32 v6, v5;
	v6 =	vld [tilespmem:s29+$0x30]  }
0xc1: {  	v8 =	vmul.f32 v52, v51  }
0xc2: {  	v5 =	vmul.f32 v7, v5;
	v7 =	vmul.f32 v55, v54  }
0xc3: {  	v59 =	vmul.f32 v57, v56;
	v8 =	vmul.f32 v53, v8  }
0xc4: {  	(xrf2) =	vadd.scan.msk.f32 $0xffff, v5;
	v5 =	vmul.f32 v58, v7  }
0xc5: {  	(xrf2) =	vadd.scan.msk.f32 $0xffff, v8;
	v6 =	vmul.f32 v6, v59  }
0xc6: {  	(xrf2) =	vadd.scan.msk.f32 $0xffff, v5  }
0xc7: {  	(xrf2) =	vadd.scan.msk.f32 $0xffff, v6;
	_ =	sdelay $0x6  }
0xc8: {  	v5, _, _ =	vpop (xrf2)  }
0xc9: {  	v6, _, _ =	vpop (xrf2);
	v5 =	vbroadcast v5, $0xF  }
0xca: {  	v7, _, _ =	vpop (xrf2);
	v6 =	vbroadcast v6, $0xF  }
0xcb: {  	v5 =	vnsel vm0, $0x0, v5;
	v7 =	vbroadcast v7, $0xF;
	v60, _, _ =	vpop (xrf2)  }
0xcc: {  	v5 =	vsel vm1, v5, v6;
	v6 =	vbroadcast v60, $0xF  }
0xcd: {  	v5 =	vsel vm2, v5, v7  }
0xce: {  	v5 =	vsel vm3, v5, v6  }
0xcf: {  	v6 =	vmax.f32 v5, $-6.000000000e+01  }
0xd0: {  	v6 =	vmin.f32 v6, $6.000000000e+01  }
0xd1: {  	v6 =	vmul.f32 $1.442695020e+00, v6;
	_ =	sdelay $0x1  }
0xd2: {  	(erf) = vpow2.f32 v6;
	_ =	sdelay $0x8  }
0xd3: {  	v6 =	vpop (erf)  }
0xd4: {  	[tilespmem:s19+$0x0] =	vst v5;
	v5 =	vnsel vm4, $0x0, v6  }
0xd5: {  	[tilespmem:s20+$0x40] =	vst v5  }
0xd6: {  	v6 =	vld [tilespmem:s3+$0x300]  }
0xd7: {  	v7 =	vld [tilespmem:s3+$0x7B00];
	_ =	sdelay $0x4  }
0xd8: {  	v61 =	vperm.xlane v5, v1;
	v6 =	vmul.f32 v7, v6;
	_ =	sdelay $0x1  }
0xd9: {  	v6 =	vmul.f32 v6, v61;
	_ =	sdelay $0x1  }
0xda: {  	[tilespmem:s20+$0x0] =	vst v6  }
0xdb: {  	v6 =	vld [tilespmem:s3+$0x310]  }
0xdc: {  	v7 =	vld [tilespmem:s3+$0x7B10];
	_ =	sdelay $0x4  }
0xdd: {  	v62 =	vperm.xlane v5, v2;
	v6 =	vmul.f32 v7, v6;
	_ =	sdelay $0x1  }
0xde: {  	v6 =	vmul.f32 v6, v62;
	_ =	sdelay $0x1  }
0xdf: {  	[tilespmem:s20+$0x10] =	vst v6  }
0xe0: {  	v6 =	vld [tilespmem:s3+$0x320]  }
0xe1: {  	v7 =	vld [tilespmem:s3+$0x7B20];
	_ =	sdelay $0x4  }
0xe2: {  	v63 =	vperm.xlane v5, v3;
	v6 =	vmul.f32 v7, v6;
	_ =	sdelay $0x1  }
0xe3: {  	v6 =	vmul.f32 v6, v63;
	_ =	sdelay $0x1  }
0xe4: {  	[tilespmem:s20+$0x20] =	vst v6  }
0xe5: {  	v6 =	vld [tilespmem:s3+$0x330]  }
0xe6: {  	v7 =	vld [tilespmem:s3+$0x7B30];
	_ =	sdelay $0x3  }
0xe7: {  	p1 =	sne.s32 s26, $0x9C00  }
.Ltmp1:
0xe8: {  	v5 =	vperm.xlane v5, v4;
	v6 =	vmul.f32 v7, v6;
	(pc) =	sbr.rel @p1 .LBB2_5-.Ltmp1, $4  }
0xe9: {  	_ = 	snop  }
0xea: {  	v5 =	vmul.f32 v6, v5  }
0xeb: {  	s26 =	sadd.s32 $0x400, s26  }
0xec: {  	s29 =	sadd.s32 $0x80, s29;
	s19 =	sadd.s32 $0x20, s19;
	[tilespmem:s20+$0x30] =	vst v5;
	s20 =	sadd.s32 $0xA0, s20  }
0xed: {  	s3 =	simm.s32 $0xD480;
	s19 =	rddreg [dreg:$0x5]  }
0xee: {  	[spmem:s4] =	stream.indirect.scatter.add.f32 [tilespmem:s3], [sflag:$0x9], $0x50, s31, s14, $0xb8;
	[tilespmem:$0x1C9D0] =	vst v63  }
0xef: {  	s3 =	sadd.s32 s19, s17  }
0xf0: {  	s20 =	rddreg [dreg:$0x19];
	s3 =	sshll.u32 s3, $0x1  }
0xf1: {  	s15 =	simm.s32 $0xCA80;
	s19 =	sadd.s32 s20, s17;
	s3 =	sadd.s32 s2, s3  }
0xf2: {  	[hbm4b:s3+s5] =	stream.linear.scatter [tilespmem:s15], [sflag:$0x7], $0x500, $0x38;
	[tilespmem:$0x1C9D0] =	vst v63  }
0xf3: {  	s3 =	sshrl.u32 s19, $0x3  }
0xf4: {  	s20 =	simm.s32 $0xA0;
	s26 =	sadd.s32 s6, s3  }
0xf5: {  	[tilespmem:s20], [sflag:$0x3] =	stream.linear.gather [hbm4b:s26+s5], $0x50, $0x38;
	[tilespmem:$0x1C9D0] =	vst v63  }
0xf6: {  	s3 =	sadd.s32 s7, s3;
	s26 =	simm.s32 $0x1E0  }
0xf7: {  	[tilespmem:s26], [sflag:$0x3] =	stream.linear.gather [hbm4b:s3+s5], $0x50, $0x38;
	[tilespmem:$0x1C9D0] =	vst v63  }
0xf8: {  	_ =	swait.ge [sflag:s12], $0x50  }
0xf9: {  	[sflag:s12] =	ssyncset.done $0x0  }
0xfa: {  	[sflag:s12] =	ssyncadd.s32 $0xFFFFFFB0  }
0xfb: {  	s15 =	sshll.u32 s19, $0x4;
	_ =	swait.ge [sflag:s12], $0x50  }
0xfc: {  	s3 =	sand.u32 $0x1FFFFF00, s15;
	[sflag:s12] =	ssyncset.done $0x0  }
0xfd: {  	s15 =	simm.s32 $0x7A80;
	s3 =	sadd.s32 s9, s3;
	[sflag:s12] =	ssyncadd.s32 $0xFFFFFFB0  }
0xfe: {  	[tilespmem:s15], [sflag:$0x5] =	stream.linear.gather [hbm4b:s3+s5], $0x2800, $0x38;
	[tilespmem:$0x1C9D0] =	vst v63  }
0xff: {  	s15 =	simm.s32 $0x280  }
0x100: {  	[tilespmem:s15], [sflag:$0x5] =	stream.indirect.gather [hbm4b:s1+s14], $0x80, s20, s14, $0xb8;
	[tilespmem:$0x1C9D0] =	vst v63  }
0x101: {  	s20 =	simm.s32 $0x5280  }
0x102: {  	[tilespmem:s20], [sflag:$0x5] =	stream.indirect.gather [hbm4b:s8+s14], $0x40, s26, s14, $0xb8;
	[tilespmem:$0x1C9D0] =	vst v63  }
0x103: {  	_ =	swait.ge [sflag:s30], $0x2800  }
0x104: {  	[sflag:s30] =	ssyncset.done $0x0  }
0x105: {  	[sflag:s30] =	ssyncadd.s32 $0xFFFFD800  }
0x106: {  	_ =	swait.ge [sflag:s30], $0x2800  }
0x107: {  	[sflag:s30] =	ssyncset.done $0x0  }
0x108: {  	[sflag:s30] =	ssyncadd.s32 $0xFFFFD800  }
0x109: {  	_ =	swait.ge [sflag:s30], $0x1400  }
0x10a: {  	[sflag:s30] =	ssyncset.done $0x0  }
0x10b: {  	s3 =	simm.s32 @!p0 $0xA;
	[sflag:s30] =	ssyncadd.s32 $0xFFFFEC00  }
0x10c: {  	_ =	swait.ge @!p0 [sflag:s3], $0x1900  }
0x10d: {  	[sflag:s3] =	ssyncset.done @!p0 $0x0  }
0x10e: {  	[sflag:s3] =	ssyncadd.s32 @!p0 $0xFFFFE700;
	s3 =	simm.s32 @!p0 $0x8  }
0x10f: {  	s29 =	simm.s32 $0xCF90;
	_ =	swait.ge @!p0 [sflag:s3], $0x500  }
0x110: {  	s31 =	simm.s32 $0x1E0;
	s20 =	simm.s32 $0x0;
	[sflag:s3] =	ssyncset.done @!p0 $0x0  }
0x111: {  	s26 =	simm.s32 $0xEDD0;
	[sflag:s3] =	ssyncadd.s32 @!p0 $0xFFFFFB00;
	s3 =	simm.s32 $0x66C0  }
.LBB2_7:
0x112: {  	v7 =	vld [tilespmem:s3+$0xFFFFFFC0]  }
0x113: {  	s15 =	sshra.s32 s20, $0x2;
	v10 =	vld [tilespmem:s3+$0xFFFFFFD0]  }
0x114: {  	v5 =	vld [tilespmem:s15+$0x2AC0]  }
0x115: {  	v6 =	vld [tilespmem:s15+$0xA2C0]  }
0x116: {  	v8 =	vld [tilespmem:s15+$0x2AD0]  }
0x117: {  	v9 =	vld [tilespmem:s15+$0xA2D0]  }
0x118: {  	v11 =	vld [tilespmem:s15+$0x2AE0]  }
0x119: {  	v12 =	vld [tilespmem:s15+$0xA2E0]  }
0x11a: {  	v13 =	vld [tilespmem:s15+$0x2AF0]  }
0x11b: {  	v14 =	vld [tilespmem:s15+$0xA2F0]  }
0x11c: {  	v15 =	vld [tilespmem:s3+$0xFFFFFFE0]  }
0x11d: {  	v5 =	vmul.f32 v6, v5;
	v6 =	vld [tilespmem:s3+$0xFFFFFFF0]  }
0x11e: {  	v8 =	vmul.f32 v9, v8  }
0x11f: {  	v5 =	vmul.f32 v7, v5;
	v7 =	vmul.f32 v12, v11  }
0x120: {  	v46 =	vmul.f32 v14, v13;
	v8 =	vmul.f32 v10, v8  }
0x121: {  	(xrf2) =	vadd.scan.msk.f32 $0xffff, v5;
	v5 =	vmul.f32 v15, v7  }
0x122: {  	(xrf2) =	vadd.scan.msk.f32 $0xffff, v8;
	v6 =	vmul.f32 v6, v46  }
0x123: {  	(xrf2) =	vadd.scan.msk.f32 $0xffff, v5  }
0x124: {  	(xrf2) =	vadd.scan.msk.f32 $0xffff, v6;
	_ =	sdelay $0x6  }
0x125: {  	v5, _, _ =	vpop (xrf2)  }
0x126: {  	v5 =	vbroadcast v5, $0xF;
	v6, _, _ =	vpop (xrf2)  }
0x127: {  	v6 =	vbroadcast v6, $0xF;
	v7, _, _ =	vpop (xrf2)  }
0x128: {  	v5 =	vnsel vm0, $0x0, v5;
	v7 =	vbroadcast v7, $0xF;
	v47, _, _ =	vpop (xrf2)  }
0x129: {  	v5 =	vsel vm1, v5, v6;
	v6 =	vbroadcast v47, $0xF  }
0x12a: {  	v5 =	vsel vm2, v5, v7  }
0x12b: {  	v5 =	vsel vm3, v5, v6  }
0x12c: {  	v6 =	vmax.f32 v5, $-6.000000000e+01  }
0x12d: {  	v6 =	vmin.f32 v6, $6.000000000e+01  }
0x12e: {  	v6 =	vmul.f32 $1.442695020e+00, v6;
	_ =	sdelay $0x1  }
0x12f: {  	(erf) = vpow2.f32 v6;
	_ =	sdelay $0x8  }
0x130: {  	v6 =	vpop (erf)  }
0x131: {  	[tilespmem:s29+$0xFFFFFFF0] =	vst v5;
	v5 =	vnsel vm4, $0x0, v6  }
0x132: {  	[tilespmem:s26+$0xFFFFFFF0] =	vst v5  }
0x133: {  	v6 =	vld [tilespmem:s15+$0x2A80]  }
0x134: {  	v7 =	vld [tilespmem:s15+$0xA280];
	_ =	sdelay $0x4  }
0x135: {  	v48 =	vperm.xlane v5, v1;
	v6 =	vmul.f32 v7, v6;
	_ =	sdelay $0x1  }
0x136: {  	v6 =	vmul.f32 v6, v48;
	_ =	sdelay $0x1  }
0x137: {  	[tilespmem:s26+$0xFFFFFFB0] =	vst v6  }
0x138: {  	v6 =	vld [tilespmem:s15+$0x2A90]  }
0x139: {  	v7 =	vld [tilespmem:s15+$0xA290];
	_ =	sdelay $0x4  }
0x13a: {  	v49 =	vperm.xlane v5, v2;
	v6 =	vmul.f32 v7, v6;
	_ =	sdelay $0x1  }
0x13b: {  	v6 =	vmul.f32 v6, v49;
	_ =	sdelay $0x1  }
0x13c: {  	[tilespmem:s26+$0xFFFFFFC0] =	vst v6  }
0x13d: {  	v6 =	vld [tilespmem:s15+$0x2AA0]  }
0x13e: {  	v7 =	vld [tilespmem:s15+$0xA2A0];
	_ =	sdelay $0x4  }
0x13f: {  	v50 =	vperm.xlane v5, v3;
	v6 =	vmul.f32 v7, v6;
	_ =	sdelay $0x1  }
0x140: {  	v6 =	vmul.f32 v6, v50;
	_ =	sdelay $0x1  }
0x141: {  	[tilespmem:s26+$0xFFFFFFD0] =	vst v6  }
0x142: {  	v6 =	vld [tilespmem:s15+$0x2AB0]  }
0x143: {  	v7 =	vld [tilespmem:s15+$0xA2B0];
	_ =	sdelay $0x4  }
0x144: {  	v5 =	vperm.xlane v5, v4;
	v6 =	vmul.f32 v7, v6;
	_ =	sdelay $0x1  }
0x145: {  	v5 =	vmul.f32 v6, v5;
	_ =	sdelay $0x1  }
0x146: {  	[tilespmem:s26+$0xFFFFFFE0] =	vst v5  }
0x147: {  	v5 =	vld [tilespmem:s15+$0x2B40]  }
0x148: {  	v6 =	vld [tilespmem:s15+$0xA340]  }
0x149: {  	v7 =	vld [tilespmem:s3+$0x0]  }
0x14a: {  	v51 =	vld [tilespmem:s15+$0x2B50]  }
0x14b: {  	v52 =	vld [tilespmem:s15+$0xA350]  }
0x14c: {  	v53 =	vld [tilespmem:s3+$0x10]  }
0x14d: {  	v54 =	vld [tilespmem:s15+$0x2B60]  }
0x14e: {  	v55 =	vld [tilespmem:s15+$0xA360]  }
0x14f: {  	v56 =	vld [tilespmem:s15+$0x2B70]  }
0x150: {  	v57 =	vld [tilespmem:s15+$0xA370]  }
0x151: {  	v58 =	vld [tilespmem:s3+$0x20]  }
0x152: {  	v5 =	vmul.f32 v6, v5;
	v6 =	vld [tilespmem:s3+$0x30]  }
0x153: {  	v8 =	vmul.f32 v52, v51  }
0x154: {  	v5 =	vmul.f32 v7, v5;
	v7 =	vmul.f32 v55, v54  }
0x155: {  	v59 =	vmul.f32 v57, v56;
	v8 =	vmul.f32 v53, v8  }
0x156: {  	(xrf2) =	vadd.scan.msk.f32 $0xffff, v5;
	v5 =	vmul.f32 v58, v7  }
0x157: {  	(xrf2) =	vadd.scan.msk.f32 $0xffff, v8;
	v6 =	vmul.f32 v6, v59  }
0x158: {  	(xrf2) =	vadd.scan.msk.f32 $0xffff, v5  }
0x159: {  	(xrf2) =	vadd.scan.msk.f32 $0xffff, v6;
	_ =	sdelay $0x6  }
0x15a: {  	v5, _, _ =	vpop (xrf2)  }
0x15b: {  	v6, _, _ =	vpop (xrf2);
	v5 =	vbroadcast v5, $0xF  }
0x15c: {  	v7, _, _ =	vpop (xrf2);
	v6 =	vbroadcast v6, $0xF  }
0x15d: {  	v5 =	vnsel vm0, $0x0, v5;
	v7 =	vbroadcast v7, $0xF;
	v60, _, _ =	vpop (xrf2)  }
0x15e: {  	v5 =	vsel vm1, v5, v6;
	v6 =	vbroadcast v60, $0xF  }
0x15f: {  	v5 =	vsel vm2, v5, v7  }
0x160: {  	v5 =	vsel vm3, v5, v6  }
0x161: {  	v6 =	vmax.f32 v5, $-6.000000000e+01  }
0x162: {  	v6 =	vmin.f32 v6, $6.000000000e+01  }
0x163: {  	v6 =	vmul.f32 $1.442695020e+00, v6;
	_ =	sdelay $0x1  }
0x164: {  	(erf) = vpow2.f32 v6;
	_ =	sdelay $0x8  }
0x165: {  	v6 =	vpop (erf)  }
0x166: {  	[tilespmem:s29+$0x0] =	vst v5;
	v5 =	vnsel vm4, $0x0, v6  }
0x167: {  	[tilespmem:s26+$0x40] =	vst v5  }
0x168: {  	v6 =	vld [tilespmem:s15+$0x2B00]  }
0x169: {  	v7 =	vld [tilespmem:s15+$0xA300];
	_ =	sdelay $0x4  }
0x16a: {  	v61 =	vperm.xlane v5, v1;
	v6 =	vmul.f32 v7, v6;
	_ =	sdelay $0x1  }
0x16b: {  	v6 =	vmul.f32 v6, v61;
	_ =	sdelay $0x1  }
0x16c: {  	[tilespmem:s26+$0x0] =	vst v6  }
0x16d: {  	v6 =	vld [tilespmem:s15+$0x2B10]  }
0x16e: {  	v7 =	vld [tilespmem:s15+$0xA310];
	_ =	sdelay $0x4  }
0x16f: {  	v62 =	vperm.xlane v5, v2;
	v6 =	vmul.f32 v7, v6;
	_ =	sdelay $0x1  }
0x170: {  	v6 =	vmul.f32 v6, v62;
	_ =	sdelay $0x1  }
0x171: {  	[tilespmem:s26+$0x10] =	vst v6  }
0x172: {  	v6 =	vld [tilespmem:s15+$0x2B20]  }
0x173: {  	v7 =	vld [tilespmem:s15+$0xA320];
	_ =	sdelay $0x4  }
0x174: {  	v63 =	vperm.xlane v5, v3;
	v6 =	vmul.f32 v7, v6;
	_ =	sdelay $0x1  }
0x175: {  	v6 =	vmul.f32 v6, v63;
	_ =	sdelay $0x1  }
0x176: {  	[tilespmem:s26+$0x20] =	vst v6  }
0x177: {  	v6 =	vld [tilespmem:s15+$0x2B30]  }
0x178: {  	v7 =	vld [tilespmem:s15+$0xA330];
	_ =	sdelay $0x3  }
0x179: {  	p0 =	sne.s32 s20, $0x9C00  }
.Ltmp2:
0x17a: {  	v5 =	vperm.xlane v5, v4;
	v6 =	vmul.f32 v7, v6;
	(pc) =	sbr.rel @p0 .LBB2_7-.Ltmp2, $4  }
0x17b: {  	_ = 	snop  }
0x17c: {  	v5 =	vmul.f32 v6, v5  }
0x17d: {  	s20 =	sadd.s32 $0x400, s20  }
0x17e: {  	s3 =	sadd.s32 $0x80, s3;
	s29 =	sadd.s32 $0x20, s29;
	[tilespmem:s26+$0x30] =	vst v5;
	s26 =	sadd.s32 $0xA0, s26  }
0x17f: {  	s3 =	simm.s32 $0xED80;
	s15 =	sshll.u32 s18, $0x1  }
0x180: {  	[spmem:s4] =	stream.indirect.scatter.add.f32 [tilespmem:s3], [sflag:$0xA], $0x50, s11, s14, $0xb8;
	[tilespmem:$0x1C9D0] =	vst v63  }
0x181: {  	s20 =	simm.s32 $0x0;
	s3 =	sand.u32 $0x1FFFFFE0, s15  }
0x182: {  	s18 =	simm.s32 $0xCF80;
	s26 =	rddreg [dreg:$0x1a];
	s3 =	sadd.s32 s2, s3  }
0x183: {  	[hbm4b:s3+s20] =	stream.linear.scatter [tilespmem:s18], [sflag:$0x8], $0x500, $0x38;
	[tilespmem:$0x1C9D0] =	vst v63  }
0x184: {  	s18 =	sadd.s32 s26, s17  }
0x185: {  	s3 =	sshrl.u32 s18, $0x3  }
0x186: {  	s26 =	simm.s32 $0xF0;
	s15 =	sadd.s32 s6, s3  }
0x187: {  	[tilespmem:s26], [sflag:$0x4] =	stream.linear.gather [hbm4b:s15+s20], $0x50, $0x38;
	[tilespmem:$0x1C9D0] =	vst v63  }
0x188: {  	s3 =	sadd.s32 s7, s3;
	s15 =	simm.s32 $0x230  }
0x189: {  	[tilespmem:s15], [sflag:$0x4] =	stream.linear.gather [hbm4b:s3+s20], $0x50, $0x38;
	[tilespmem:$0x1C9D0] =	vst v63  }
0x18a: {  	_ =	swait.ge [sflag:s0], $0x50  }
0x18b: {  	[sflag:s0] =	ssyncset.done $0x0  }
0x18c: {  	[sflag:s0] =	ssyncadd.s32 $0xFFFFFFB0  }
0x18d: {  	s11 =	sshll.u32 s18, $0x4;
	_ =	swait.ge [sflag:s0], $0x50  }
0x18e: {  	s3 =	sand.u32 $0x1FFFFF00, s11;
	[sflag:s0] =	ssyncset.done $0x0  }
0x18f: {  	s11 =	simm.s32 $0xA280;
	s3 =	sadd.s32 s9, s3;
	[sflag:s0] =	ssyncadd.s32 $0xFFFFFFB0  }
0x190: {  	[tilespmem:s11], [sflag:$0x6] =	stream.linear.gather [hbm4b:s3+s20], $0x2800, $0x38;
	[tilespmem:$0x1C9D0] =	vst v63  }
0x191: {  	s11 =	simm.s32 $0x2A80  }
0x192: {  	[tilespmem:s11], [sflag:$0x6] =	stream.indirect.gather [hbm4b:s1+s14], $0x80, s26, s14, $0xb8;
	[tilespmem:$0x1C9D0] =	vst v63  }
0x193: {  	s26 =	simm.s32 $0x6680  }
0x194: {  	[tilespmem:s26], [sflag:$0x6] =	stream.indirect.gather [hbm4b:s8+s14], $0x40, s15, s14, $0xb8;
	[tilespmem:$0x1C9D0] =	vst v63  }
0x195: {  	_ =	swait.ge [sflag:s25], $0x2800  }
0x196: {  	[sflag:s25] =	ssyncset.done $0x0  }
0x197: {  	[sflag:s25] =	ssyncadd.s32 $0xFFFFD800  }
0x198: {  	_ =	swait.ge [sflag:s25], $0x2800  }
0x199: {  	[sflag:s25] =	ssyncset.done $0x0  }
0x19a: {  	[sflag:s25] =	ssyncadd.s32 $0xFFFFD800  }
0x19b: {  	_ =	swait.ge [sflag:s25], $0x1400  }
0x19c: {  	[sflag:s25] =	ssyncset.done $0x0  }
0x19d: {  	[sflag:s25] =	ssyncadd.s32 $0xFFFFEC00  }
0x19e: {  	_ =	swait.ge [sflag:s22], $0x1900  }
0x19f: {  	[sflag:s22] =	ssyncset.done $0x0  }
0x1a0: {  	[sflag:s22] =	ssyncadd.s32 $0xFFFFE700  }
0x1a1: {  	_ =	swait.ge [sflag:s23], $0x500  }
0x1a2: {  	s29 =	simm.s32 $0xCA90;
	[sflag:s23] =	ssyncset.done $0x0  }
0x1a3: {  	s3 =	simm.s32 $0x52C0;
	s26 =	simm.s32 $0xD4D0;
	[sflag:s23] =	ssyncadd.s32 $0xFFFFFB00  }
.LBB2_9:
0x1a4: {  	v7 =	vld [tilespmem:s3+$0xFFFFFFC0]  }
0x1a5: {  	s15 =	sshra.s32 s20, $0x2;
	v10 =	vld [tilespmem:s3+$0xFFFFFFD0]  }
0x1a6: {  	v5 =	vld [tilespmem:s15+$0x2C0]  }
0x1a7: {  	v6 =	vld [tilespmem:s15+$0x7AC0]  }
0x1a8: {  	v8 =	vld [tilespmem:s15+$0x2D0]  }
0x1a9: {  	v9 =	vld [tilespmem:s15+$0x7AD0]  }
0x1aa: {  	v11 =	vld [tilespmem:s15+$0x2E0]  }
0x1ab: {  	v12 =	vld [tilespmem:s15+$0x7AE0]  }
0x1ac: {  	v13 =	vld [tilespmem:s15+$0x2F0]  }
0x1ad: {  	v14 =	vld [tilespmem:s15+$0x7AF0]  }
0x1ae: {  	v15 =	vld [tilespmem:s3+$0xFFFFFFE0]  }
0x1af: {  	v5 =	vmul.f32 v6, v5;
	v6 =	vld [tilespmem:s3+$0xFFFFFFF0]  }
0x1b0: {  	v8 =	vmul.f32 v9, v8  }
0x1b1: {  	v5 =	vmul.f32 v7, v5;
	v7 =	vmul.f32 v12, v11  }
0x1b2: {  	v46 =	vmul.f32 v14, v13;
	v8 =	vmul.f32 v10, v8  }
0x1b3: {  	(xrf2) =	vadd.scan.msk.f32 $0xffff, v5;
	v5 =	vmul.f32 v15, v7  }
0x1b4: {  	(xrf2) =	vadd.scan.msk.f32 $0xffff, v8;
	v6 =	vmul.f32 v6, v46  }
0x1b5: {  	(xrf2) =	vadd.scan.msk.f32 $0xffff, v5  }
0x1b6: {  	(xrf2) =	vadd.scan.msk.f32 $0xffff, v6;
	_ =	sdelay $0x6  }
0x1b7: {  	v5, _, _ =	vpop (xrf2)  }
0x1b8: {  	v5 =	vbroadcast v5, $0xF;
	v6, _, _ =	vpop (xrf2)  }
0x1b9: {  	v6 =	vbroadcast v6, $0xF;
	v7, _, _ =	vpop (xrf2)  }
0x1ba: {  	v5 =	vnsel vm0, $0x0, v5;
	v7 =	vbroadcast v7, $0xF;
	v47, _, _ =	vpop (xrf2)  }
0x1bb: {  	v5 =	vsel vm1, v5, v6;
	v6 =	vbroadcast v47, $0xF  }
0x1bc: {  	v5 =	vsel vm2, v5, v7  }
0x1bd: {  	v5 =	vsel vm3, v5, v6  }
0x1be: {  	v6 =	vmax.f32 v5, $-6.000000000e+01  }
0x1bf: {  	v6 =	vmin.f32 v6, $6.000000000e+01  }
0x1c0: {  	v6 =	vmul.f32 $1.442695020e+00, v6;
	_ =	sdelay $0x1  }
0x1c1: {  	(erf) = vpow2.f32 v6;
	_ =	sdelay $0x8  }
0x1c2: {  	v6 =	vpop (erf)  }
0x1c3: {  	[tilespmem:s29+$0xFFFFFFF0] =	vst v5;
	v5 =	vnsel vm4, $0x0, v6  }
0x1c4: {  	[tilespmem:s26+$0xFFFFFFF0] =	vst v5  }
0x1c5: {  	v6 =	vld [tilespmem:s15+$0x280]  }
0x1c6: {  	v7 =	vld [tilespmem:s15+$0x7A80];
	_ =	sdelay $0x4  }
0x1c7: {  	v48 =	vperm.xlane v5, v1;
	v6 =	vmul.f32 v7, v6;
	_ =	sdelay $0x1  }
0x1c8: {  	v6 =	vmul.f32 v6, v48;
	_ =	sdelay $0x1  }
0x1c9: {  	[tilespmem:s26+$0xFFFFFFB0] =	vst v6  }
0x1ca: {  	v6 =	vld [tilespmem:s15+$0x290]  }
0x1cb: {  	v7 =	vld [tilespmem:s15+$0x7A90];
	_ =	sdelay $0x4  }
0x1cc: {  	v49 =	vperm.xlane v5, v2;
	v6 =	vmul.f32 v7, v6;
	_ =	sdelay $0x1  }
0x1cd: {  	v6 =	vmul.f32 v6, v49;
	_ =	sdelay $0x1  }
0x1ce: {  	[tilespmem:s26+$0xFFFFFFC0] =	vst v6  }
0x1cf: {  	v6 =	vld [tilespmem:s15+$0x2A0]  }
0x1d0: {  	v7 =	vld [tilespmem:s15+$0x7AA0];
	_ =	sdelay $0x4  }
0x1d1: {  	v50 =	vperm.xlane v5, v3;
	v6 =	vmul.f32 v7, v6;
	_ =	sdelay $0x1  }
0x1d2: {  	v6 =	vmul.f32 v6, v50;
	_ =	sdelay $0x1  }
0x1d3: {  	[tilespmem:s26+$0xFFFFFFD0] =	vst v6  }
0x1d4: {  	v6 =	vld [tilespmem:s15+$0x2B0]  }
0x1d5: {  	v7 =	vld [tilespmem:s15+$0x7AB0];
	_ =	sdelay $0x4  }
0x1d6: {  	v5 =	vperm.xlane v5, v4;
	v6 =	vmul.f32 v7, v6;
	_ =	sdelay $0x1  }
0x1d7: {  	v5 =	vmul.f32 v6, v5;
	_ =	sdelay $0x1  }
0x1d8: {  	[tilespmem:s26+$0xFFFFFFE0] =	vst v5  }
0x1d9: {  	v5 =	vld [tilespmem:s15+$0x340]  }
0x1da: {  	v6 =	vld [tilespmem:s15+$0x7B40]  }
0x1db: {  	v7 =	vld [tilespmem:s3+$0x0]  }
0x1dc: {  	v51 =	vld [tilespmem:s15+$0x350]  }
0x1dd: {  	v52 =	vld [tilespmem:s15+$0x7B50]  }
0x1de: {  	v53 =	vld [tilespmem:s3+$0x10]  }
0x1df: {  	v54 =	vld [tilespmem:s15+$0x360]  }
0x1e0: {  	v55 =	vld [tilespmem:s15+$0x7B60]  }
0x1e1: {  	v56 =	vld [tilespmem:s15+$0x370]  }
0x1e2: {  	v57 =	vld [tilespmem:s15+$0x7B70]  }
0x1e3: {  	v58 =	vld [tilespmem:s3+$0x20]  }
0x1e4: {  	v5 =	vmul.f32 v6, v5;
	v6 =	vld [tilespmem:s3+$0x30]  }
0x1e5: {  	v8 =	vmul.f32 v52, v51  }
0x1e6: {  	v5 =	vmul.f32 v7, v5;
	v7 =	vmul.f32 v55, v54  }
0x1e7: {  	v59 =	vmul.f32 v57, v56;
	v8 =	vmul.f32 v53, v8  }
0x1e8: {  	(xrf2) =	vadd.scan.msk.f32 $0xffff, v5;
	v5 =	vmul.f32 v58, v7  }
0x1e9: {  	(xrf2) =	vadd.scan.msk.f32 $0xffff, v8;
	v6 =	vmul.f32 v6, v59  }
0x1ea: {  	(xrf2) =	vadd.scan.msk.f32 $0xffff, v5  }
0x1eb: {  	(xrf2) =	vadd.scan.msk.f32 $0xffff, v6;
	_ =	sdelay $0x6  }
0x1ec: {  	v5, _, _ =	vpop (xrf2)  }
0x1ed: {  	v6, _, _ =	vpop (xrf2);
	v5 =	vbroadcast v5, $0xF  }
0x1ee: {  	v7, _, _ =	vpop (xrf2);
	v6 =	vbroadcast v6, $0xF  }
0x1ef: {  	v5 =	vnsel vm0, $0x0, v5;
	v7 =	vbroadcast v7, $0xF;
	v60, _, _ =	vpop (xrf2)  }
0x1f0: {  	v5 =	vsel vm1, v5, v6;
	v6 =	vbroadcast v60, $0xF  }
0x1f1: {  	v5 =	vsel vm2, v5, v7  }
0x1f2: {  	v5 =	vsel vm3, v5, v6  }
0x1f3: {  	v6 =	vmax.f32 v5, $-6.000000000e+01  }
0x1f4: {  	v6 =	vmin.f32 v6, $6.000000000e+01  }
0x1f5: {  	v6 =	vmul.f32 $1.442695020e+00, v6;
	_ =	sdelay $0x1  }
0x1f6: {  	(erf) = vpow2.f32 v6;
	_ =	sdelay $0x8  }
0x1f7: {  	v6 =	vpop (erf)  }
0x1f8: {  	[tilespmem:s29+$0x0] =	vst v5;
	v5 =	vnsel vm4, $0x0, v6  }
0x1f9: {  	[tilespmem:s26+$0x40] =	vst v5  }
0x1fa: {  	v6 =	vld [tilespmem:s15+$0x300]  }
0x1fb: {  	v7 =	vld [tilespmem:s15+$0x7B00];
	_ =	sdelay $0x4  }
0x1fc: {  	v61 =	vperm.xlane v5, v1;
	v6 =	vmul.f32 v7, v6;
	_ =	sdelay $0x1  }
0x1fd: {  	v6 =	vmul.f32 v6, v61;
	_ =	sdelay $0x1  }
0x1fe: {  	[tilespmem:s26+$0x0] =	vst v6  }
0x1ff: {  	v6 =	vld [tilespmem:s15+$0x310]  }
0x200: {  	v7 =	vld [tilespmem:s15+$0x7B10];
	_ =	sdelay $0x4  }
0x201: {  	v62 =	vperm.xlane v5, v2;
	v6 =	vmul.f32 v7, v6;
	_ =	sdelay $0x1  }
0x202: {  	v6 =	vmul.f32 v6, v62;
	_ =	sdelay $0x1  }
0x203: {  	[tilespmem:s26+$0x10] =	vst v6  }
0x204: {  	v6 =	vld [tilespmem:s15+$0x320]  }
0x205: {  	v7 =	vld [tilespmem:s15+$0x7B20];
	_ =	sdelay $0x4  }
0x206: {  	v63 =	vperm.xlane v5, v3;
	v6 =	vmul.f32 v7, v6;
	_ =	sdelay $0x1  }
0x207: {  	v6 =	vmul.f32 v6, v63;
	_ =	sdelay $0x1  }
0x208: {  	[tilespmem:s26+$0x20] =	vst v6  }
0x209: {  	v6 =	vld [tilespmem:s15+$0x330]  }
0x20a: {  	v7 =	vld [tilespmem:s15+$0x7B30];
	_ =	sdelay $0x3  }
0x20b: {  	p0 =	sne.s32 s20, $0x9C00  }
.Ltmp3:
0x20c: {  	v5 =	vperm.xlane v5, v4;
	v6 =	vmul.f32 v7, v6;
	(pc) =	sbr.rel @p0 .LBB2_9-.Ltmp3, $4  }
0x20d: {  	_ = 	snop  }
0x20e: {  	v5 =	vmul.f32 v6, v5  }
0x20f: {  	s20 =	sadd.s32 $0x400, s20  }
0x210: {  	s3 =	sadd.s32 $0x80, s3;
	s29 =	sadd.s32 $0x20, s29;
	[tilespmem:s26+$0x30] =	vst v5;
	s26 =	sadd.s32 $0xA0, s26  }
0x211: {  	s3 =	simm.s32 $0xD480;
	s11 =	sshll.u32 s19, $0x1  }
0x212: {  	[spmem:s4] =	stream.indirect.scatter.add.f32 [tilespmem:s3], [sflag:$0x9], $0x50, s31, s14, $0xb8;
	[tilespmem:$0x1C9D0] =	vst v63  }
0x213: {  	s19 =	simm.s32 $0x0;
	s3 =	sand.u32 $0x1FFFFFE0, s11  }
0x214: {  	s15 =	rddreg [dreg:$0x17];
	s11 =	simm.s32 $0xCA80;
	s3 =	sadd.s32 s2, s3  }
0x215: {  	[hbm4b:s3+s19] =	stream.linear.scatter [tilespmem:s11], [sflag:$0x7], $0x500, $0x38;
	[tilespmem:$0x1C9D0] =	vst v63  }
0x216: {  	s3 =	sadd.s32 s17, s15  }
0x217: {  	s15 =	sshrl.u32 s3, $0x3  }
0x218: {  	s20 =	sadd.s32 s6, s15  }
0x219: {  	[tilespmem:s19], [sflag:$0x1] =	stream.linear.gather [hbm4b:s20+s19], $0x50, $0x38;
	[tilespmem:$0x1C9D0] =	vst v63  }
0x21a: {  	s31 =	simm.s32 $0x140;
	s15 =	sadd.s32 s7, s15  }
0x21b: {  	[tilespmem:s31], [sflag:$0x1] =	stream.linear.gather [hbm4b:s15+s19], $0x50, $0x38;
	[tilespmem:$0x1C9D0] =	vst v63  }
0x21c: {  	_ =	swait.ge [sflag:s16], $0x50  }
0x21d: {  	[sflag:s16] =	ssyncset.done $0x0  }
0x21e: {  	[sflag:s16] =	ssyncadd.s32 $0xFFFFFFB0  }
0x21f: {  	s3 =	sshll.u32 s3, $0x4;
	_ =	swait.ge [sflag:s16], $0x50  }
0x220: {  	s3 =	sand.u32 $0x1FFFFF00, s3;
	[sflag:s16] =	ssyncset.done $0x0  }
0x221: {  	s3 =	sadd.s32 s9, s3;
	s20 =	simm.s32 $0x7A80;
	[sflag:s16] =	ssyncadd.s32 $0xFFFFFFB0  }
0x222: {  	[tilespmem:s20], [sflag:$0x5] =	stream.linear.gather [hbm4b:s3+s19], $0x2800, $0x38;
	[tilespmem:$0x1C9D0] =	vst v63  }
0x223: {  	s26 =	simm.s32 $0x280  }
0x224: {  	[tilespmem:s26], [sflag:$0x5] =	stream.indirect.gather [hbm4b:s1+s14], $0x80, s19, s14, $0xb8;
	[tilespmem:$0x1C9D0] =	vst v63  }
0x225: {  	s29 =	simm.s32 $0x5280  }
0x226: {  	[tilespmem:s29], [sflag:$0x5] =	stream.indirect.gather [hbm4b:s8+s14], $0x40, s31, s14, $0xb8;
	[tilespmem:$0x1C9D0] =	vst v63  }
0x227: {  	_ =	swait.ge [sflag:s30], $0x2800  }
0x228: {  	[sflag:s30] =	ssyncset.done $0x0  }
0x229: {  	[sflag:s30] =	ssyncadd.s32 $0xFFFFD800  }
0x22a: {  	_ =	swait.ge [sflag:s30], $0x2800  }
0x22b: {  	[sflag:s30] =	ssyncset.done $0x0  }
0x22c: {  	[sflag:s30] =	ssyncadd.s32 $0xFFFFD800  }
0x22d: {  	_ =	swait.ge [sflag:s30], $0x1400  }
0x22e: {  	[sflag:s30] =	ssyncset.done $0x0  }
0x22f: {  	[sflag:s30] =	ssyncadd.s32 $0xFFFFEC00  }
0x230: {  	_ =	swait.ge [sflag:s24], $0x1900  }
0x231: {  	[sflag:s24] =	ssyncset.done $0x0  }
0x232: {  	[sflag:s24] =	ssyncadd.s32 $0xFFFFE700  }
0x233: {  	_ =	swait.ge [sflag:s28], $0x500  }
0x234: {  	s20 =	simm.s32 $0xCF90;
	[sflag:s28] =	ssyncset.done $0x0  }
0x235: {  	s3 =	simm.s32 $0x66C0;
	s26 =	simm.s32 $0xEDD0;
	[sflag:s28] =	ssyncadd.s32 $0xFFFFFB00  }
.LBB2_11:
0x236: {  	v7 =	vld [tilespmem:s3+$0xFFFFFFC0]  }
0x237: {  	s15 =	sshra.s32 s19, $0x2;
	v10 =	vld [tilespmem:s3+$0xFFFFFFD0]  }
0x238: {  	v5 =	vld [tilespmem:s15+$0x2AC0]  }
0x239: {  	v6 =	vld [tilespmem:s15+$0xA2C0]  }
0x23a: {  	v8 =	vld [tilespmem:s15+$0x2AD0]  }
0x23b: {  	v9 =	vld [tilespmem:s15+$0xA2D0]  }
0x23c: {  	v11 =	vld [tilespmem:s15+$0x2AE0]  }
0x23d: {  	v12 =	vld [tilespmem:s15+$0xA2E0]  }
0x23e: {  	v13 =	vld [tilespmem:s15+$0x2AF0]  }
0x23f: {  	v14 =	vld [tilespmem:s15+$0xA2F0]  }
0x240: {  	v15 =	vld [tilespmem:s3+$0xFFFFFFE0]  }
0x241: {  	v5 =	vmul.f32 v6, v5;
	v6 =	vld [tilespmem:s3+$0xFFFFFFF0]  }
0x242: {  	v8 =	vmul.f32 v9, v8  }
0x243: {  	v5 =	vmul.f32 v7, v5;
	v7 =	vmul.f32 v12, v11  }
0x244: {  	v46 =	vmul.f32 v14, v13;
	v8 =	vmul.f32 v10, v8  }
0x245: {  	(xrf2) =	vadd.scan.msk.f32 $0xffff, v5;
	v5 =	vmul.f32 v15, v7  }
0x246: {  	(xrf2) =	vadd.scan.msk.f32 $0xffff, v8;
	v6 =	vmul.f32 v6, v46  }
0x247: {  	(xrf2) =	vadd.scan.msk.f32 $0xffff, v5  }
0x248: {  	(xrf2) =	vadd.scan.msk.f32 $0xffff, v6;
	_ =	sdelay $0x6  }
0x249: {  	v5, _, _ =	vpop (xrf2)  }
0x24a: {  	v5 =	vbroadcast v5, $0xF;
	v6, _, _ =	vpop (xrf2)  }
0x24b: {  	v6 =	vbroadcast v6, $0xF;
	v7, _, _ =	vpop (xrf2)  }
0x24c: {  	v5 =	vnsel vm0, $0x0, v5;
	v7 =	vbroadcast v7, $0xF;
	v47, _, _ =	vpop (xrf2)  }
0x24d: {  	v5 =	vsel vm1, v5, v6;
	v6 =	vbroadcast v47, $0xF  }
0x24e: {  	v5 =	vsel vm2, v5, v7  }
0x24f: {  	v5 =	vsel vm3, v5, v6  }
0x250: {  	v6 =	vmax.f32 v5, $-6.000000000e+01  }
0x251: {  	v6 =	vmin.f32 v6, $6.000000000e+01  }
0x252: {  	v6 =	vmul.f32 $1.442695020e+00, v6;
	_ =	sdelay $0x1  }
0x253: {  	(erf) = vpow2.f32 v6;
	_ =	sdelay $0x8  }
0x254: {  	v6 =	vpop (erf)  }
0x255: {  	[tilespmem:s20+$0xFFFFFFF0] =	vst v5;
	v5 =	vnsel vm4, $0x0, v6  }
0x256: {  	[tilespmem:s26+$0xFFFFFFF0] =	vst v5  }
0x257: {  	v6 =	vld [tilespmem:s15+$0x2A80]  }
0x258: {  	v7 =	vld [tilespmem:s15+$0xA280];
	_ =	sdelay $0x4  }
0x259: {  	v48 =	vperm.xlane v5, v1;
	v6 =	vmul.f32 v7, v6;
	_ =	sdelay $0x1  }
0x25a: {  	v6 =	vmul.f32 v6, v48;
	_ =	sdelay $0x1  }
0x25b: {  	[tilespmem:s26+$0xFFFFFFB0] =	vst v6  }
0x25c: {  	v6 =	vld [tilespmem:s15+$0x2A90]  }
0x25d: {  	v7 =	vld [tilespmem:s15+$0xA290];
	_ =	sdelay $0x4  }
0x25e: {  	v49 =	vperm.xlane v5, v2;
	v6 =	vmul.f32 v7, v6;
	_ =	sdelay $0x1  }
0x25f: {  	v6 =	vmul.f32 v6, v49;
	_ =	sdelay $0x1  }
0x260: {  	[tilespmem:s26+$0xFFFFFFC0] =	vst v6  }
0x261: {  	v6 =	vld [tilespmem:s15+$0x2AA0]  }
0x262: {  	v7 =	vld [tilespmem:s15+$0xA2A0];
	_ =	sdelay $0x4  }
0x263: {  	v50 =	vperm.xlane v5, v3;
	v6 =	vmul.f32 v7, v6;
	_ =	sdelay $0x1  }
0x264: {  	v6 =	vmul.f32 v6, v50;
	_ =	sdelay $0x1  }
0x265: {  	[tilespmem:s26+$0xFFFFFFD0] =	vst v6  }
0x266: {  	v6 =	vld [tilespmem:s15+$0x2AB0]  }
0x267: {  	v7 =	vld [tilespmem:s15+$0xA2B0];
	_ =	sdelay $0x4  }
0x268: {  	v5 =	vperm.xlane v5, v4;
	v6 =	vmul.f32 v7, v6;
	_ =	sdelay $0x1  }
0x269: {  	v5 =	vmul.f32 v6, v5;
	_ =	sdelay $0x1  }
0x26a: {  	[tilespmem:s26+$0xFFFFFFE0] =	vst v5  }
0x26b: {  	v5 =	vld [tilespmem:s15+$0x2B40]  }
0x26c: {  	v6 =	vld [tilespmem:s15+$0xA340]  }
0x26d: {  	v7 =	vld [tilespmem:s3+$0x0]  }
0x26e: {  	v51 =	vld [tilespmem:s15+$0x2B50]  }
0x26f: {  	v52 =	vld [tilespmem:s15+$0xA350]  }
0x270: {  	v53 =	vld [tilespmem:s3+$0x10]  }
0x271: {  	v54 =	vld [tilespmem:s15+$0x2B60]  }
0x272: {  	v55 =	vld [tilespmem:s15+$0xA360]  }
0x273: {  	v56 =	vld [tilespmem:s15+$0x2B70]  }
0x274: {  	v57 =	vld [tilespmem:s15+$0xA370]  }
0x275: {  	v58 =	vld [tilespmem:s3+$0x20]  }
0x276: {  	v5 =	vmul.f32 v6, v5;
	v6 =	vld [tilespmem:s3+$0x30]  }
0x277: {  	v8 =	vmul.f32 v52, v51  }
0x278: {  	v5 =	vmul.f32 v7, v5;
	v7 =	vmul.f32 v55, v54  }
0x279: {  	v59 =	vmul.f32 v57, v56;
	v8 =	vmul.f32 v53, v8  }
0x27a: {  	(xrf2) =	vadd.scan.msk.f32 $0xffff, v5;
	v5 =	vmul.f32 v58, v7  }
0x27b: {  	(xrf2) =	vadd.scan.msk.f32 $0xffff, v8;
	v6 =	vmul.f32 v6, v59  }
0x27c: {  	(xrf2) =	vadd.scan.msk.f32 $0xffff, v5  }
0x27d: {  	(xrf2) =	vadd.scan.msk.f32 $0xffff, v6;
	_ =	sdelay $0x6  }
0x27e: {  	v5, _, _ =	vpop (xrf2)  }
0x27f: {  	v6, _, _ =	vpop (xrf2);
	v5 =	vbroadcast v5, $0xF  }
0x280: {  	v7, _, _ =	vpop (xrf2);
	v6 =	vbroadcast v6, $0xF  }
0x281: {  	v5 =	vnsel vm0, $0x0, v5;
	v7 =	vbroadcast v7, $0xF;
	v60, _, _ =	vpop (xrf2)  }
0x282: {  	v5 =	vsel vm1, v5, v6;
	v6 =	vbroadcast v60, $0xF  }
0x283: {  	v5 =	vsel vm2, v5, v7  }
0x284: {  	v5 =	vsel vm3, v5, v6  }
0x285: {  	v6 =	vmax.f32 v5, $-6.000000000e+01  }
0x286: {  	v6 =	vmin.f32 v6, $6.000000000e+01  }
0x287: {  	v6 =	vmul.f32 $1.442695020e+00, v6;
	_ =	sdelay $0x1  }
0x288: {  	(erf) = vpow2.f32 v6;
	_ =	sdelay $0x8  }
0x289: {  	v6 =	vpop (erf)  }
0x28a: {  	[tilespmem:s20+$0x0] =	vst v5;
	v5 =	vnsel vm4, $0x0, v6  }
0x28b: {  	[tilespmem:s26+$0x40] =	vst v5  }
0x28c: {  	v6 =	vld [tilespmem:s15+$0x2B00]  }
0x28d: {  	v7 =	vld [tilespmem:s15+$0xA300];
	_ =	sdelay $0x4  }
0x28e: {  	v61 =	vperm.xlane v5, v1;
	v6 =	vmul.f32 v7, v6;
	_ =	sdelay $0x1  }
0x28f: {  	v6 =	vmul.f32 v6, v61;
	_ =	sdelay $0x1  }
0x290: {  	[tilespmem:s26+$0x0] =	vst v6  }
0x291: {  	v6 =	vld [tilespmem:s15+$0x2B10]  }
0x292: {  	v7 =	vld [tilespmem:s15+$0xA310];
	_ =	sdelay $0x4  }
0x293: {  	v62 =	vperm.xlane v5, v2;
	v6 =	vmul.f32 v7, v6;
	_ =	sdelay $0x1  }
0x294: {  	v6 =	vmul.f32 v6, v62;
	_ =	sdelay $0x1  }
0x295: {  	[tilespmem:s26+$0x10] =	vst v6  }
0x296: {  	v6 =	vld [tilespmem:s15+$0x2B20]  }
0x297: {  	v7 =	vld [tilespmem:s15+$0xA320];
	_ =	sdelay $0x4  }
0x298: {  	v63 =	vperm.xlane v5, v3;
	v6 =	vmul.f32 v7, v6;
	_ =	sdelay $0x1  }
0x299: {  	v6 =	vmul.f32 v6, v63;
	_ =	sdelay $0x1  }
0x29a: {  	[tilespmem:s26+$0x20] =	vst v6  }
0x29b: {  	v6 =	vld [tilespmem:s15+$0x2B30]  }
0x29c: {  	v7 =	vld [tilespmem:s15+$0xA330];
	_ =	sdelay $0x3  }
0x29d: {  	p0 =	sne.s32 s19, $0x9C00  }
.Ltmp4:
0x29e: {  	v5 =	vperm.xlane v5, v4;
	v6 =	vmul.f32 v7, v6;
	(pc) =	sbr.rel @p0 .LBB2_11-.Ltmp4, $4  }
0x29f: {  	_ = 	snop  }
0x2a0: {  	v5 =	vmul.f32 v6, v5  }
0x2a1: {  	s19 =	sadd.s32 $0x400, s19  }
0x2a2: {  	s3 =	sadd.s32 $0x80, s3;
	s20 =	sadd.s32 $0x20, s20;
	[tilespmem:s26+$0x30] =	vst v5;
	s26 =	sadd.s32 $0xA0, s26  }
0x2a3: {  	p0 =	seq.s32 s10, $0x1E  }
.Ltmp5:
0x2a4: {  	s3 =	simm.s32 $0xED80;
	s26 =	sshll.u32 s18, $0x1;
	(pc) =	sbr.rel @p0 .LBB2_14-.Ltmp5, $4  }
0x2a5: {  	[spmem:s4] =	stream.indirect.scatter.add.f32 [tilespmem:s3], [sflag:$0xA], $0x50, s13, s14, $0xb8;
	[tilespmem:$0x1C9D0] =	vst v63  }
0x2a6: {  	s3 =	sand.u32 $0x1FFFFFE0, s26  }
0x2a7: {  	s11 =	simm.s32 $0xCF80;
	s29 =	simm.s32 $0x190;
	s3 =	sadd.s32 s2, s3  }
0x2a8: {  	[hbm4b:s3+s5] =	stream.linear.scatter [tilespmem:s11], [sflag:$0x8], $0x500, $0x38;
	[tilespmem:$0x1C9D0] =	vst v63  }
0x2a9: {  	s3 =	rddreg [dreg:$0x18]  }
0x2aa: {  	s3 =	sadd.s32 s17, s3  }
.Ltmp6:
0x2ab: {  	s3 =	sshrl.u32 s3, $0x3;
	(pc) =	sbr.rel .LBB2_4-.Ltmp6, $4  }
0x2ac: {  	s15 =	sadd.s32 s6, s3  }
0x2ad: {  	[tilespmem:s14], [sflag:$0x2] =	stream.linear.gather [hbm4b:s15+s5], $0x50, $0x38;
	[tilespmem:$0x1C9D0] =	vst v63  }
0x2ae: {  	s10 =	sadd.s32 $0x1, s10;
	s3 =	sadd.s32 s7, s3  }
0x2af: {  	[tilespmem:s29], [sflag:$0x2] =	stream.linear.gather [hbm4b:s3+s5], $0x50, $0x38;
	[tilespmem:$0x1C9D0] =	vst v63  }
.LBB2_14:
0x2b0: {  	_ =	swait.ge [sflag:s25], $0x2800  }
0x2b1: {  	[sflag:s25] =	ssyncset.done $0x0  }
0x2b2: {  	[sflag:s25] =	ssyncadd.s32 $0xFFFFD800  }
0x2b3: {  	_ =	swait.ge [sflag:s25], $0x2800  }
0x2b4: {  	[sflag:s25] =	ssyncset.done $0x0  }
0x2b5: {  	[sflag:s25] =	ssyncadd.s32 $0xFFFFD800  }
0x2b6: {  	_ =	swait.ge [sflag:s25], $0x1400  }
0x2b7: {  	[sflag:s25] =	ssyncset.done $0x0  }
0x2b8: {  	[sflag:s25] =	ssyncadd.s32 $0xFFFFEC00  }
0x2b9: {  	_ =	swait.ge [sflag:s22], $0x1900  }
0x2ba: {  	[sflag:s22] =	ssyncset.done $0x0  }
0x2bb: {  	[sflag:s22] =	ssyncadd.s32 $0xFFFFE700  }
0x2bc: {  	_ =	swait.ge [sflag:s23], $0x500  }
0x2bd: {  	s10 =	simm.s32 $0x0;
	s17 =	simm.s32 $0xCA90;
	[sflag:s23] =	ssyncset.done $0x0  }
0x2be: {  	s18 =	simm.s32 $0xD4D0;
	s3 =	simm.s32 $0x52C0;
	[sflag:s23] =	ssyncadd.s32 $0xFFFFFB00  }
.LBB2_15:
0x2bf: {  	v7 =	vld [tilespmem:s3+$0xFFFFFFC0]  }
0x2c0: {  	s15 =	sshra.s32 s10, $0x2;
	v10 =	vld [tilespmem:s3+$0xFFFFFFD0]  }
0x2c1: {  	v5 =	vld [tilespmem:s15+$0x2C0]  }
0x2c2: {  	v6 =	vld [tilespmem:s15+$0x7AC0]  }
0x2c3: {  	v8 =	vld [tilespmem:s15+$0x2D0]  }
0x2c4: {  	v9 =	vld [tilespmem:s15+$0x7AD0]  }
0x2c5: {  	v11 =	vld [tilespmem:s15+$0x2E0]  }
0x2c6: {  	v12 =	vld [tilespmem:s15+$0x7AE0]  }
0x2c7: {  	v13 =	vld [tilespmem:s15+$0x2F0]  }
0x2c8: {  	v14 =	vld [tilespmem:s15+$0x7AF0]  }
0x2c9: {  	v15 =	vld [tilespmem:s3+$0xFFFFFFE0]  }
0x2ca: {  	v5 =	vmul.f32 v6, v5;
	v6 =	vld [tilespmem:s3+$0xFFFFFFF0]  }
0x2cb: {  	v8 =	vmul.f32 v9, v8  }
0x2cc: {  	v5 =	vmul.f32 v7, v5;
	v7 =	vmul.f32 v12, v11  }
0x2cd: {  	v46 =	vmul.f32 v14, v13;
	v8 =	vmul.f32 v10, v8  }
0x2ce: {  	(xrf2) =	vadd.scan.msk.f32 $0xffff, v5;
	v5 =	vmul.f32 v15, v7  }
0x2cf: {  	(xrf2) =	vadd.scan.msk.f32 $0xffff, v8;
	v6 =	vmul.f32 v6, v46  }
0x2d0: {  	(xrf2) =	vadd.scan.msk.f32 $0xffff, v5  }
0x2d1: {  	(xrf2) =	vadd.scan.msk.f32 $0xffff, v6;
	_ =	sdelay $0x6  }
0x2d2: {  	v5, _, _ =	vpop (xrf2)  }
0x2d3: {  	v5 =	vbroadcast v5, $0xF;
	v6, _, _ =	vpop (xrf2)  }
0x2d4: {  	v6 =	vbroadcast v6, $0xF;
	v7, _, _ =	vpop (xrf2)  }
0x2d5: {  	v5 =	vnsel vm0, $0x0, v5;
	v7 =	vbroadcast v7, $0xF;
	v47, _, _ =	vpop (xrf2)  }
0x2d6: {  	v5 =	vsel vm1, v5, v6;
	v6 =	vbroadcast v47, $0xF  }
0x2d7: {  	v5 =	vsel vm2, v5, v7  }
0x2d8: {  	v5 =	vsel vm3, v5, v6  }
0x2d9: {  	v6 =	vmax.f32 v5, $-6.000000000e+01  }
0x2da: {  	v6 =	vmin.f32 v6, $6.000000000e+01  }
0x2db: {  	v6 =	vmul.f32 $1.442695020e+00, v6;
	_ =	sdelay $0x1  }
0x2dc: {  	(erf) = vpow2.f32 v6;
	_ =	sdelay $0x8  }
0x2dd: {  	v6 =	vpop (erf)  }
0x2de: {  	[tilespmem:s17+$0xFFFFFFF0] =	vst v5;
	v5 =	vnsel vm4, $0x0, v6  }
0x2df: {  	[tilespmem:s18+$0xFFFFFFF0] =	vst v5  }
0x2e0: {  	v6 =	vld [tilespmem:s15+$0x280]  }
0x2e1: {  	v7 =	vld [tilespmem:s15+$0x7A80];
	_ =	sdelay $0x4  }
0x2e2: {  	v48 =	vperm.xlane v5, v1;
	v6 =	vmul.f32 v7, v6;
	_ =	sdelay $0x1  }
0x2e3: {  	v6 =	vmul.f32 v6, v48;
	_ =	sdelay $0x1  }
0x2e4: {  	[tilespmem:s18+$0xFFFFFFB0] =	vst v6  }
0x2e5: {  	v6 =	vld [tilespmem:s15+$0x290]  }
0x2e6: {  	v7 =	vld [tilespmem:s15+$0x7A90];
	_ =	sdelay $0x4  }
0x2e7: {  	v49 =	vperm.xlane v5, v2;
	v6 =	vmul.f32 v7, v6;
	_ =	sdelay $0x1  }
0x2e8: {  	v6 =	vmul.f32 v6, v49;
	_ =	sdelay $0x1  }
0x2e9: {  	[tilespmem:s18+$0xFFFFFFC0] =	vst v6  }
0x2ea: {  	v6 =	vld [tilespmem:s15+$0x2A0]  }
0x2eb: {  	v7 =	vld [tilespmem:s15+$0x7AA0];
	_ =	sdelay $0x4  }
0x2ec: {  	v50 =	vperm.xlane v5, v3;
	v6 =	vmul.f32 v7, v6;
	_ =	sdelay $0x1  }
0x2ed: {  	v6 =	vmul.f32 v6, v50;
	_ =	sdelay $0x1  }
0x2ee: {  	[tilespmem:s18+$0xFFFFFFD0] =	vst v6  }
0x2ef: {  	v6 =	vld [tilespmem:s15+$0x2B0]  }
0x2f0: {  	v7 =	vld [tilespmem:s15+$0x7AB0];
	_ =	sdelay $0x4  }
0x2f1: {  	v5 =	vperm.xlane v5, v4;
	v6 =	vmul.f32 v7, v6;
	_ =	sdelay $0x1  }
0x2f2: {  	v5 =	vmul.f32 v6, v5;
	_ =	sdelay $0x1  }
0x2f3: {  	[tilespmem:s18+$0xFFFFFFE0] =	vst v5  }
0x2f4: {  	v5 =	vld [tilespmem:s15+$0x340]  }
0x2f5: {  	v6 =	vld [tilespmem:s15+$0x7B40]  }
0x2f6: {  	v7 =	vld [tilespmem:s3+$0x0]  }
0x2f7: {  	v51 =	vld [tilespmem:s15+$0x350]  }
0x2f8: {  	v52 =	vld [tilespmem:s15+$0x7B50]  }
0x2f9: {  	v53 =	vld [tilespmem:s3+$0x10]  }
0x2fa: {  	v54 =	vld [tilespmem:s15+$0x360]  }
0x2fb: {  	v55 =	vld [tilespmem:s15+$0x7B60]  }
0x2fc: {  	v56 =	vld [tilespmem:s15+$0x370]  }
0x2fd: {  	v57 =	vld [tilespmem:s15+$0x7B70]  }
0x2fe: {  	v58 =	vld [tilespmem:s3+$0x20]  }
0x2ff: {  	v5 =	vmul.f32 v6, v5;
	v6 =	vld [tilespmem:s3+$0x30]  }
0x300: {  	v8 =	vmul.f32 v52, v51  }
0x301: {  	v5 =	vmul.f32 v7, v5;
	v7 =	vmul.f32 v55, v54  }
0x302: {  	v59 =	vmul.f32 v57, v56;
	v8 =	vmul.f32 v53, v8  }
0x303: {  	(xrf2) =	vadd.scan.msk.f32 $0xffff, v5;
	v5 =	vmul.f32 v58, v7  }
0x304: {  	(xrf2) =	vadd.scan.msk.f32 $0xffff, v8;
	v6 =	vmul.f32 v6, v59  }
0x305: {  	(xrf2) =	vadd.scan.msk.f32 $0xffff, v5  }
0x306: {  	(xrf2) =	vadd.scan.msk.f32 $0xffff, v6;
	_ =	sdelay $0x6  }
0x307: {  	v5, _, _ =	vpop (xrf2)  }
0x308: {  	v6, _, _ =	vpop (xrf2);
	v5 =	vbroadcast v5, $0xF  }
0x309: {  	v7, _, _ =	vpop (xrf2);
	v6 =	vbroadcast v6, $0xF  }
0x30a: {  	v5 =	vnsel vm0, $0x0, v5;
	v7 =	vbroadcast v7, $0xF;
	v60, _, _ =	vpop (xrf2)  }
0x30b: {  	v5 =	vsel vm1, v5, v6;
	v6 =	vbroadcast v60, $0xF  }
0x30c: {  	v5 =	vsel vm2, v5, v7  }
0x30d: {  	v5 =	vsel vm3, v5, v6  }
0x30e: {  	v6 =	vmax.f32 v5, $-6.000000000e+01  }
0x30f: {  	v6 =	vmin.f32 v6, $6.000000000e+01  }
0x310: {  	v6 =	vmul.f32 $1.442695020e+00, v6;
	_ =	sdelay $0x1  }
0x311: {  	(erf) = vpow2.f32 v6;
	_ =	sdelay $0x8  }
0x312: {  	v6 =	vpop (erf)  }
0x313: {  	[tilespmem:s17+$0x0] =	vst v5;
	v5 =	vnsel vm4, $0x0, v6  }
0x314: {  	[tilespmem:s18+$0x40] =	vst v5  }
0x315: {  	v6 =	vld [tilespmem:s15+$0x300]  }
0x316: {  	v7 =	vld [tilespmem:s15+$0x7B00];
	_ =	sdelay $0x4  }
0x317: {  	v61 =	vperm.xlane v5, v1;
	v6 =	vmul.f32 v7, v6;
	_ =	sdelay $0x1  }
0x318: {  	v6 =	vmul.f32 v6, v61;
	_ =	sdelay $0x1  }
0x319: {  	[tilespmem:s18+$0x0] =	vst v6  }
0x31a: {  	v6 =	vld [tilespmem:s15+$0x310]  }
0x31b: {  	v7 =	vld [tilespmem:s15+$0x7B10];
	_ =	sdelay $0x4  }
0x31c: {  	v62 =	vperm.xlane v5, v2;
	v6 =	vmul.f32 v7, v6;
	_ =	sdelay $0x1  }
0x31d: {  	v6 =	vmul.f32 v6, v62;
	_ =	sdelay $0x1  }
0x31e: {  	[tilespmem:s18+$0x10] =	vst v6  }
0x31f: {  	v6 =	vld [tilespmem:s15+$0x320]  }
0x320: {  	v7 =	vld [tilespmem:s15+$0x7B20];
	_ =	sdelay $0x4  }
0x321: {  	v63 =	vperm.xlane v5, v3;
	v6 =	vmul.f32 v7, v6;
	_ =	sdelay $0x1  }
0x322: {  	v6 =	vmul.f32 v6, v63;
	_ =	sdelay $0x1  }
0x323: {  	[tilespmem:s18+$0x20] =	vst v6  }
0x324: {  	v6 =	vld [tilespmem:s15+$0x330]  }
0x325: {  	v7 =	vld [tilespmem:s15+$0x7B30];
	_ =	sdelay $0x3  }
0x326: {  	p0 =	sne.s32 s10, $0x9C00  }
.Ltmp7:
0x327: {  	v5 =	vperm.xlane v5, v4;
	v6 =	vmul.f32 v7, v6;
	(pc) =	sbr.rel @p0 .LBB2_15-.Ltmp7, $4  }
0x328: {  	_ = 	snop  }
0x329: {  	v5 =	vmul.f32 v6, v5  }
0x32a: {  	s10 =	sadd.s32 $0x400, s10  }
0x32b: {  	s3 =	sadd.s32 $0x80, s3;
	s17 =	sadd.s32 $0x20, s17;
	[tilespmem:s18+$0x30] =	vst v5;
	s18 =	sadd.s32 $0xA0, s18  }
0x32c: {  	s3 =	simm.s32 $0xD480  }
0x32d: {  	[spmem:s4] =	stream.indirect.scatter.add.f32 [tilespmem:s3], [sflag:$0x9], $0x50, s31, s14, $0xb8;
	[tilespmem:$0x1C9D0] =	vst v63  }
0x32e: {  	s15 =	rddreg [dreg:$0x14];
	s10 =	simm.s32 $0xCA80  }
0x32f: {  	[hbm4b:s15+s5] =	stream.linear.scatter [tilespmem:s10], [sflag:$0x7], $0x500, $0x38;
	[tilespmem:$0x1C9D0] =	vst v63  }
0x330: {  	_ =	swait.ge [sflag:s24], $0x1900  }
0x331: {  	[sflag:s24] =	ssyncset.done $0x0  }
0x332: {  	[sflag:s24] =	ssyncadd.s32 $0xFFFFE700  }
0x333: {  	_ =	swait.ge [sflag:s22], $0x1900  }
0x334: {  	[sflag:s22] =	ssyncset.done $0x0  }
0x335: {  	[sflag:s22] =	ssyncadd.s32 $0xFFFFE700  }
0x336: {  	_ =	swait.ge [sflag:s28], $0x500  }
0x337: {  	[sflag:s28] =	ssyncset.done $0x0  }
0x338: {  	[sflag:s28] =	ssyncadd.s32 $0xFFFFFB00  }
0x339: {  	_ =	swait.ge [sflag:s23], $0x500  }
0x33a: {  	[sflag:s23] =	ssyncset.done $0x0  }
0x33b: {  	[sflag:s23] =	ssyncadd.s32 $0xFFFFFB00  }
0x33c: {  	s17 =	stileid.u32;
	[bflag:$0x0] =	sbarrier.arrive $0xFFFF  }
0x33d: {  	s19 =	simm.s32 $0xB;
	s3 =	sshll.u32 s17, $0x6;
	s26 =	rddreg [dreg:$0x6]  }
0x33e: {  	s3 =	sor.u32 $0x1C0B, s3;
	s15 =	rddreg [dreg:$0x15];
	s18 =	sshrl.u32 s26, $0x3  }
0x33f: {  	[hbm:s15], [sflag:s3] =	dma.local [spmem:s18], $0x186A  }
0x340: {  	_ =	swait.ge [sflag:s19], $0x186A  }
0x341: {  	s11 =	rddreg [dreg:$0x1b]  }
0x342: {  	s20 =	rddreg [dreg:$0x16];
	s11 =	sadd.s32 $0x1, s11  }
0x343: {  	p0 =	sne.s32 s11, s20  }
.Ltmp8:
0x344: {  	_ = 	snop;
	(pc) =	sbr.rel @p0 .LBB2_1-.Ltmp8, $3  }
0x345: {  	_ =	sdelay $0x1  }
0x346: {  	[sflag:s19] =	ssyncset.done $0x0  }
0x347: {  	[sflag:s19] =	ssyncadd.s32 $0xFFFFE796  }
0x348: {  	_ =	sfence.sel $0x180000  }
0x349: {  	[bflag:$0x0] =	sbarrier.arrive $0xFFFF  }
0x34a: {  	_ =	strace $0x90000047  }
0x34b: {  	s0 =	stileid.u32;
	[bflag:$0x2] =	sbarrier.arrive $0xFFFF  }
0x34c: {  	p0 =	sne.s32 s0, $0x0;
	s0 =	rddreg [dreg:$0x4]  }
0x34d: {  	s0 =	sadd.s32 @!p0 $0x100000, s0  }
0x34e: {  	[sflag:s0] =	ssyncadd.tile.s32 @!p0 $0x1;
	_ =	shalt  }
.Lfunc_end2:
_tile_overlayer_lowered:
.L_overlay_start_2:
0x34f: {  	(tag) =	ssettag $0x2  }
0x350: {  	s0 =	rddreg [dreg:$0x0];
	s2 =	stileid.u32  }
0x351: {  	s1 =	rddreg [dreg:$0x1];
	p0 =	sne.s32 s2, $0x0  }
0x352: {  	s3 =	rddreg [dreg:$0x2];
	[bflag:$0x3] =	sbarrier.arrive $0xFFFF;
	s2 =	simm.s32 @!p0 $0x1C0B  }
0x353: {  	[timem:s3], [sflag:s2] =	dma.local @!p0 [hbm:s0], s1  }
0x354: {  	s0 =	simm.s32 @!p0 $0xB  }
0x355: {  	_ =	swait.ge @!p0 [sflag:s0], s1  }
0x356: {  	s1 =	ssub.s32 @!p0 $0x0, s1;
	[sflag:s0] =	ssyncset.done @!p0 $0x0  }
0x357: {  	[sflag:s0] =	ssyncadd.s32 @!p0 s1  }
0x358: {  	[bflag:$0x3] =	sbarrier.arrive $0xFFFF  }
0x359: {  	_ =	shalt  }

</sc_bundles>
